<compile_context>
chip_gen: v7x
topology: tpu7x:2x2x1
jax: 0.10.2.dev20260603
libtpu: 0.0.44.dev20260713+nightly
codegen_flags: <defaults>
</compile_context>

<pallas_src>
import functools

import jax
import jax.numpy as jnp
from jax import lax
from jax.experimental import pallas as pl
from jax.experimental.pallas import tpu as pltpu
from jax.experimental.pallas import tpu_sc as plsc

N, C, S = 1, 1024, 16384
B = 8
L = 16
NC, NS = 2, 16
NW = NC * NS

C_SC = 384
C_TC = C - C_SC
RPW = C_SC // NW

NEG = float("-inf")
SP = S + 8 * L


def _sc_body(seqs_hbm, seqL_hbm, out_hbm, len_v, row_v, res_v, outT_v, sem):
    wid = lax.axis_index("c") * NS + lax.axis_index("s")
    row0 = wid * RPW

    pltpu.sync_copy(seqL_hbm, len_v.at[pl.ds(0, B)])

    lane = lax.broadcasted_iota(jnp.int32, (L,), 0)
    neg = jnp.full((L,), NEG, jnp.float32)

    lens = len_v[...]
    starts, ends = [], []
    acc = jnp.int32(0)
    for b in range(B):
        starts.append(acc)
        acc = acc + lens[b]
        ends.append(acc)

    def lane_max(a):
        for sh in (8, 4, 2, 1):
            a = jnp.maximum(a, a.at[lane ^ sh].get(mode="promise_in_bounds"))
        return a

    total = ends[B - 1]
    CH = 1024
    n_ch = (total + (CH - 1)) // CH

    def chunk_copy(i, slot, k):
        return pltpu.make_async_copy(
            seqs_hbm.at[row0 + i, pl.ds(k * CH, CH)],
            row_v.at[pl.ds(slot * SP + k * CH, CH)],
            sem.at[slot],
        )

    def start_row(i):
        slot = lax.rem(i, 2)

        def go(k, _):
            chunk_copy(i, slot, k).start()
            return 0

        lax.fori_loop(0, n_ch, go, 0)

    start_row(jnp.int32(0))

    def do_row(i, _):
        @pl.when(i + 1 < RPW)
        def _():
            start_row(i + 1)

        slot = lax.rem(i, 2)
        row = row_v.at[pl.ds(slot * SP, SP)]

        def drain(k, _):
            chunk_copy(i, slot, k).wait()
            return 0

        lax.fori_loop(0, n_ch, drain, 0)
        res = neg
        for b in range(B):
            st, en = starts[b], ends[b]
            j0 = lax.shift_right_logical(st, 4)
            j1 = lax.shift_right_logical(en - 1, 4)
            idx0 = j0 * L + lane
            a = jnp.where((idx0 >= st) & (idx0 < en), row[pl.ds(j0 * L, L)], neg)
            idx1 = j1 * L + lane
            a = jnp.maximum(
                a, jnp.where((idx1 >= st) & (idx1 < en), row[pl.ds(j1 * L, L)], neg)
            )

            U = 8
            lo = j0 + 1
            n = j1 - lo

            def tree(v):
                m = [jnp.maximum(v[2 * u], v[2 * u + 1]) for u in range(U // 2)]
                m = [jnp.maximum(m[2 * u], m[2 * u + 1]) for u in range(U // 4)]
                return jnp.maximum(m[0], m[1])

            def big(acc):
                def blk(k, acc):
                    base = (lo + k * U) * L
                    return jnp.maximum(
                        acc, tree([row[pl.ds(base + u * L, L)] for u in range(U)])
                    )

                acc = lax.fori_loop(0, n // U, blk, acc)
                base = (j1 - U) * L
                return jnp.maximum(
                    acc, tree([row[pl.ds(base + u * L, L)] for u in range(U)])
                )

            def small(acc):
                vals = [
                    jnp.where(lo + u < j1, row[pl.ds((lo + u) * L, L)], neg)
                    for u in range(U)
                ]
                return jnp.maximum(acc, tree(vals))

            a = lax.cond(n >= U, big, small, a)
            res = jnp.where(lane == b, lane_max(a), res)
        res_v[pl.ds(i * L, L)] = res
        return 0

    lax.fori_loop(0, RPW, do_row, 0)

    for b in range(B):
        idx = lane * L + b
        outT_v[b, :] = plsc.load_gather(res_v, [idx])
    pltpu.sync_copy(outT_v, out_hbm.at[wid])


def _tc_body(seqL_ref, x_ref, o_ref):
    BR = x_ref.shape[0]
    PC = 512
    NP = S // PC

    starts, ends = [], []
    acc = jnp.int32(0)
    for b in range(B):
        starts.append(acc)
        acc = acc + seqL_ref[0, b]
        ends.append(acc)

    x = x_ref[...]
    pm = jnp.max(x.reshape(BR, NP, PC), axis=2)

    piece = lax.broadcasted_iota(jnp.int32, (1, NP), 1)
    col = lax.broadcasted_iota(jnp.int32, (1, PC), 1)
    neg = jnp.float32(NEG)

    for b in range(B):
        st, en = starts[b], ends[b]
        full = (piece * PC >= st) & ((piece + 1) * PC <= en)
        seg = jnp.max(jnp.where(full, pm, neg), axis=1)
        for p in (st // PC, (en - 1) // PC):
            cols = p * PC + col
            xm = jnp.where(
                (cols >= st) & (cols < en), x_ref[:, pl.ds(pl.multiple_of(p * PC, PC), PC)], neg
            )
            seg = jnp.maximum(seg, jnp.max(xm, axis=1))
        o_ref[b, :] = seg


@jax.jit
def _segmax(seqs2, seqL2):
    seqL1 = seqL2.reshape(B)
    mesh = plsc.VectorSubcoreMesh(
        core_axis_name="c", subcore_axis_name="s", num_cores=NC, num_subcores=NS
    )
    out_sc3 = pl.kernel(
        _sc_body,
        out_type=jax.ShapeDtypeStruct((NW, B, L), jnp.float32),
        mesh=mesh,
        compiler_params=pltpu.CompilerParams(needs_layout_passes=False),
        scratch_types=[
            pltpu.VMEM((L,), jnp.int32),
            pltpu.VMEM((2 * SP,), jnp.float32),
            pltpu.VMEM((L * L,), jnp.float32),
            pltpu.VMEM((B, L), jnp.float32),
            pltpu.SemaphoreType.DMA((2,)),
        ],
    )(seqs2, seqL1)

    BR = 128
    out_tc = pl.pallas_call(
        _tc_body,
        grid=(C_TC // BR,),
        in_specs=[
            pl.BlockSpec(memory_space=pltpu.SMEM),
            pl.BlockSpec((BR, S), lambda i: (C_SC // BR + i, 0)),
        ],
        out_specs=pl.BlockSpec((B, BR), lambda i: (0, i)),
        out_shape=jax.ShapeDtypeStruct((B, C_TC), jnp.float32),
    )(seqL2, seqs2)

    out_sc = out_sc3[:, :, :RPW].transpose(1, 0, 2).reshape(B, C_SC)
    return jnp.concatenate([out_sc, out_tc], axis=1)


def kernel(seqs, seqL):
    seqs2 = seqs.reshape(C, S)
    seqL2 = seqL.astype(jnp.int32)
    return _segmax(seqs2, seqL2)

# --- scband reference (transcript-rebuilt; emitter-appended) ---
"""Pipeline reference for scband-pack-sequence-wrapper-2534030704974 (READ-ONLY COPY).

The authoritative reference and input builder live on the scoring server;
editing this copy changes nothing except your own understanding.
"""

import jax, jax.numpy as jnp
import numpy as np

N, C, S = 1, 1024, 16384
B = 8
MAX_LEN = 2048


def setup_inputs(seed: int = 0) -> dict:
    key = jax.random.key(seed)
    k1, k2 = jax.random.split(key)
    seqs = jax.random.normal(k1, (N, C, S), dtype=jnp.float32)
    # lengths in [1, MAX_LEN) so no empty segment; sum <= 8*2047 = 16376 <= S
    seqL = jax.random.randint(k2, (1, B), 1, MAX_LEN, dtype=jnp.int32)
    return {"seqs": seqs, "seqL": seqL}


def _pooling_func(x, dim):
    # pooling_func = torch.max over temporal dim, values only (OpenGait-style TP)
    return jnp.max(x, axis=dim)


def reference(seqs, seqL):
    # PackSequenceWrapper.forward with dim=2, options={}
    lengths = seqL[0]
    starts = jnp.concatenate(
        [jnp.zeros((1,), dtype=lengths.dtype), jnp.cumsum(lengths)[:-1]]
    )
    idx = jnp.arange(seqs.shape[2], dtype=lengths.dtype)
    seg_mask = (idx[None, :] >= starts[:, None]) & (
        idx[None, :] < (starts + lengths)[:, None]
    )  # [B, S]
    masked = jnp.where(seg_mask[:, None, :], seqs, -jnp.inf)  # [B, C, S]
    return _pooling_func(masked, 2)  # [B, C]

if __name__ == "__main__":
    import jax
    _d = setup_inputs()
    print(jax.jit(kernel)(*tuple(_d.values())))

</pallas_src>

<mosaic_0001>
#map = affine_map<(d0, d1) -> (0, 0)>
#map1 = affine_map<(d0, d1) -> (0)>
#map2 = affine_map<(d0, d1) -> (0, 0, 0)>
module attributes {stable_mosaic.version = 14 : i64} {
  func.func @_sc_body(%arg0: i32, %arg1: i32, %arg2: memref<1024x16384xf32, #tpu.memory_space<hbm>>, %arg3: memref<8xi32, #tpu.memory_space<hbm>>, %arg4: memref<32x8x16xf32, #tpu.memory_space<hbm>>, %arg5: memref<16xi32, #tpu.memory_space<vmem>>, %arg6: memref<33024xf32, #tpu.memory_space<vmem>>, %arg7: memref<256xf32, #tpu.memory_space<vmem>>, %arg8: memref<8x16xf32, #tpu.memory_space<vmem>>, %arg9: memref<2x!tpu.dma_semaphore, #tpu.memory_space<semaphore_mem>>) attributes {dimension_semantics = [#tpu.dimension_semantics<core_parallel>, #tpu.dimension_semantics<subcore_parallel>], iteration_bounds = array<i64: 2, 16>, scalar_prefetch = 0 : i64, scratch_operands = 5 : i64, tpu.core_type = #tpu.core_type<sc_vector_subcore>, window_params = [{transform_indices = #map}, {transform_indices = #map1}, {transform_indices = #map2}]} {
    %mul3A = arith.constant 16 : i32
    %mul3A_0 = arith.muli %arg0, %mul3A : i32
    %add3A = arith.addi %mul3A_0, %arg1 : i32
    %mul3A_1 = arith.constant 12 : i32
    %mul3A_2 = arith.muli %add3A, %mul3A_1 : i32
    "tpu.region"() ({
      %run_scoped3A = tpu.sem_alloc : memref<!tpu.dma_semaphore, #tpu.memory_space<semaphore_mem>>
      %dma_start3A = arith.constant 0 : i32
      %dma_start3A_154 = tpu.memref_slice %arg5[%dma_start3A] : memref<16xi32, #tpu.memory_space<vmem>> -> memref<8xi32, #tpu.memory_space<vmem>>
      %dma_start3A_155 = arith.constant 0 : i32
      %dma_start3A_156 = tpu.memref_slice %arg5[%dma_start3A_155] : memref<16xi32, #tpu.memory_space<vmem>> -> memref<8xi32, #tpu.memory_space<vmem>>
      tpu.enqueue_dma source(%arg3 : memref<8xi32, #tpu.memory_space<hbm>>) target(%dma_start3A_156 : memref<8xi32, #tpu.memory_space<vmem>>) target_semaphore(%run_scoped3A : memref<!tpu.dma_semaphore, #tpu.memory_space<semaphore_mem>>)
      %dma_wait3A = arith.constant 0 : i32
      %dma_wait3A_157 = tpu.memref_slice %arg5[%dma_wait3A] : memref<16xi32, #tpu.memory_space<vmem>> -> memref<8xi32, #tpu.memory_space<vmem>>
      %dma_wait3A_158 = arith.constant 0 : i32
      %dma_wait3A_159 = tpu.memref_slice %arg5[%dma_wait3A_158] : memref<16xi32, #tpu.memory_space<vmem>> -> memref<8xi32, #tpu.memory_space<vmem>>
      tpu.wait_dma2 semaphore(%run_scoped3A : memref<!tpu.dma_semaphore, #tpu.memory_space<semaphore_mem>>) src(%arg3 : memref<8xi32, #tpu.memory_space<hbm>>) dst(%dma_wait3A_159 : memref<8xi32, #tpu.memory_space<vmem>>)
      tpu.yield
    }) : () -> ()
    %iota3A = tpu.iota {dimensions = array<i32: 0>} : vector<16xi32>
    %broadcast_in_dim3A = arith.constant 0xFF800000 : f32
    %broadcast_in_dim3A_3 = vector.broadcast %broadcast_in_dim3A : f32 to vector<16xf32>
    %get3A = arith.constant 0 : index
    %get3A_4 = tpu.vector_load %arg5[%get3A] {strides = array<i32>} : memref<16xi32, #tpu.memory_space<vmem>>, vector<16xi32>,
    %slice3A = vector.extract_strided_slice %get3A_4 {offsets = [0], sizes = [1], strides = [1]} : vector<16xi32> to vector<1xi32>
    %squeeze3A = vector.extract %slice3A[0] : i32 from vector<1xi32>
    %add3A_5 = arith.constant 0 : i32
    %add3A_6 = arith.addi %add3A_5, %squeeze3A : i32
    %slice3A_7 = vector.extract_strided_slice %get3A_4 {offsets = [1], sizes = [1], strides = [1]} : vector<16xi32> to vector<1xi32>
    %squeeze3A_8 = vector.extract %slice3A_7[0] : i32 from vector<1xi32>
    %add3A_9 = arith.addi %add3A_6, %squeeze3A_8 : i32
    %slice3A_10 = vector.extract_strided_slice %get3A_4 {offsets = [2], sizes = [1], strides = [1]} : vector<16xi32> to vector<1xi32>
    %squeeze3A_11 = vector.extract %slice3A_10[0] : i32 from vector<1xi32>
    %add3A_12 = arith.addi %add3A_9, %squeeze3A_11 : i32
    %slice3A_13 = vector.extract_strided_slice %get3A_4 {offsets = [3], sizes = [1], strides = [1]} : vector<16xi32> to vector<1xi32>
    %squeeze3A_14 = vector.extract %slice3A_13[0] : i32 from vector<1xi32>
    %add3A_15 = arith.addi %add3A_12, %squeeze3A_14 : i32
    %slice3A_16 = vector.extract_strided_slice %get3A_4 {offsets = [4], sizes = [1], strides = [1]} : vector<16xi32> to vector<1xi32>
    %squeeze3A_17 = vector.extract %slice3A_16[0] : i32 from vector<1xi32>
    %add3A_18 = arith.addi %add3A_15, %squeeze3A_17 : i32
    %slice3A_19 = vector.extract_strided_slice %get3A_4 {offsets = [5], sizes = [1], strides = [1]} : vector<16xi32> to vector<1xi32>
    %squeeze3A_20 = vector.extract %slice3A_19[0] : i32 from vector<1xi32>
    %add3A_21 = arith.addi %add3A_18, %squeeze3A_20 : i32
    %slice3A_22 = vector.extract_strided_slice %get3A_4 {offsets = [6], sizes = [1], strides = [1]} : vector<16xi32> to vector<1xi32>
    %squeeze3A_23 = vector.extract %slice3A_22[0] : i32 from vector<1xi32>
    %add3A_24 = arith.addi %add3A_21, %squeeze3A_23 : i32
    %slice3A_25 = vector.extract_strided_slice %get3A_4 {offsets = [7], sizes = [1], strides = [1]} : vector<16xi32> to vector<1xi32>
    %squeeze3A_26 = vector.extract %slice3A_25[0] : i32 from vector<1xi32>
    %add3A_27 = arith.addi %add3A_24, %squeeze3A_26 : i32
    %add3A_28 = arith.constant 1023 : i32
    %add3A_29 = arith.addi %add3A_27, %add3A_28 : i32
    %jit3A = arith.constant 1024 : i32
    %div3A = arith.divsi %add3A_29, %jit3A : i32
    %sign3A = arith.constant 0 : i32
    %sign3A_30 = arith.cmpi sgt, %add3A_29, %sign3A : i32
    %sign3A_31 = arith.extui %sign3A_30 : i1 to i32
    %sign3A_32 = arith.constant 0 : i32
    %sign3A_33 = arith.cmpi slt, %add3A_29, %sign3A_32 : i32
    %sign3A_34 = arith.extui %sign3A_33 : i1 to i32
    %sign3A_35 = arith.subi %sign3A_31, %sign3A_34 : i32
    %sign3A_36 = arith.constant 0 : i32
    %sign3A_37 = arith.cmpi sgt, %jit3A, %sign3A_36 : i32
    %sign3A_38 = arith.extui %sign3A_37 : i1 to i32
    %sign3A_39 = arith.constant 0 : i32
    %sign3A_40 = arith.cmpi slt, %jit3A, %sign3A_39 : i32
    %sign3A_41 = arith.extui %sign3A_40 : i1 to i32
    %sign3A_42 = arith.subi %sign3A_38, %sign3A_41 : i32
    %ne3A = arith.cmpi ne, %sign3A_35, %sign3A_42 : i32
    %rem3A = arith.remsi %add3A_29, %jit3A : i32
    %ne3A_43 = arith.constant 0 : i32
    %ne3A_44 = arith.cmpi ne, %rem3A, %ne3A_43 : i32
    %and3A = arith.andi %ne3A, %ne3A_44 : i1
    %sub3A = arith.constant 1 : i32
    %sub3A_45 = arith.subi %div3A, %sub3A : i32
    %select_n3A = arith.select %and3A, %sub3A_45, %div3A : i32
    %rem3A_46 = arith.constant 0 : i32
    %rem3A_47 = arith.constant 2 : i32
    %rem3A_48 = arith.remsi %rem3A_46, %rem3A_47 : i32
    %while3A = arith.constant 0 : i32
    %while3A_49 = arith.constant 0 : i32
    %while3A_50 = arith.constant 0 : i32
    %while3A_51 = arith.subi %select_n3A, %while3A_49 : i32
    %while3A_52 = arith.addi %while3A_49, %while3A_51 : i32
    %while3A_53 = arith.constant 1 : i32
    %while3A_54 = arith.divsi %while3A_51, %while3A_53 : i32
    %while3A_55 = arith.muli %while3A_54, %while3A_53 : i32
    %while3A_56 = arith.addi %while3A_49, %while3A_55 : i32
    %while3A_57 = arith.constant 1 : i32
    %while3A_58 = scf.for %while3A_154 = %while3A_49 to %while3A_56 step %while3A_57 iter_args(%while3A_155 = %while3A_50) -> (i32)  : i32 {
      %add3A_156 = arith.addi %mul3A_2, %while3A : i32
      %mul3A_157 = arith.constant 1024 : i32
      %mul3A_158 = arith.muli %while3A_154, %mul3A_157 : i32
      %mul3A_159 = arith.constant 16512 : i32
      %mul3A_160 = arith.muli %rem3A_48, %mul3A_159 : i32
      %mul3A_161 = arith.constant 1024 : i32
      %mul3A_162 = arith.muli %while3A_154, %mul3A_161 : i32
      %add3A_163 = arith.addi %mul3A_160, %mul3A_162 : i32
      %dma_start3A = tpu.memref_slice %arg6[%add3A_163] : memref<33024xf32, #tpu.memory_space<vmem>> -> memref<1024xf32, #tpu.memory_space<vmem>>
      %dma_start3A_164 = tpu.memref_slice %arg2[%add3A_156, %mul3A_158] : memref<1024x16384xf32, #tpu.memory_space<hbm>> -> memref<1x1024xf32, #tpu.memory_space<hbm>>
      %dma_start3A_165 = tpu.memref_squeeze %dma_start3A_164 : memref<1x1024xf32, #tpu.memory_space<hbm>> -> memref<1024xf32, #tpu.memory_space<hbm>>
      %dma_start3A_166 = tpu.memref_slice %arg9[%rem3A_48] : memref<2x!tpu.dma_semaphore, #tpu.memory_space<semaphore_mem>> -> memref<1x!tpu.dma_semaphore, #tpu.memory_space<semaphore_mem>>
      %dma_start3A_167 = tpu.memref_squeeze %dma_start3A_166 : memref<1x!tpu.dma_semaphore, #tpu.memory_space<semaphore_mem>> -> memref<!tpu.dma_semaphore, #tpu.memory_space<semaphore_mem>>
      %dma_start3A_168 = tpu.memref_slice %arg6[%add3A_163] : memref<33024xf32, #tpu.memory_space<vmem>> -> memref<1024xf32, #tpu.memory_space<vmem>>
      %dma_start3A_169 = tpu.memref_slice %arg2[%add3A_156, %mul3A_158] : memref<1024x16384xf32, #tpu.memory_space<hbm>> -> memref<1x1024xf32, #tpu.memory_space<hbm>>
      %dma_start3A_170 = tpu.memref_squeeze %dma_start3A_169 : memref<1x1024xf32, #tpu.memory_space<hbm>> -> memref<1024xf32, #tpu.memory_space<hbm>>
      tpu.enqueue_dma source(%dma_start3A_170 : memref<1024xf32, #tpu.memory_space<hbm>>) target(%dma_start3A_168 : memref<1024xf32, #tpu.memory_space<vmem>>) target_semaphore(%dma_start3A_167 : memref<!tpu.dma_semaphore, #tpu.memory_space<semaphore_mem>>)
      %while3A_171 = arith.constant 0 : i32
      scf.yield %while3A_171 : i32
    }
    %while3A_59 = arith.constant 1 : i32
    %while3A_60 = scf.for %while3A_154 = %while3A_56 to %while3A_52 step %while3A_59 iter_args(%while3A_155 = %while3A_58) -> (i32)  : i32 {
      %add3A_156 = arith.addi %mul3A_2, %while3A : i32
      %mul3A_157 = arith.constant 1024 : i32
      %mul3A_158 = arith.muli %while3A_154, %mul3A_157 : i32
      %mul3A_159 = arith.constant 16512 : i32
      %mul3A_160 = arith.muli %rem3A_48, %mul3A_159 : i32
      %mul3A_161 = arith.constant 1024 : i32
      %mul3A_162 = arith.muli %while3A_154, %mul3A_161 : i32
      %add3A_163 = arith.addi %mul3A_160, %mul3A_162 : i32
      %dma_start3A = tpu.memref_slice %arg6[%add3A_163] : memref<33024xf32, #tpu.memory_space<vmem>> -> memref<1024xf32, #tpu.memory_space<vmem>>
      %dma_start3A_164 = tpu.memref_slice %arg2[%add3A_156, %mul3A_158] : memref<1024x16384xf32, #tpu.memory_space<hbm>> -> memref<1x1024xf32, #tpu.memory_space<hbm>>
      %dma_start3A_165 = tpu.memref_squeeze %dma_start3A_164 : memref<1x1024xf32, #tpu.memory_space<hbm>> -> memref<1024xf32, #tpu.memory_space<hbm>>
      %dma_start3A_166 = tpu.memref_slice %arg9[%rem3A_48] : memref<2x!tpu.dma_semaphore, #tpu.memory_space<semaphore_mem>> -> memref<1x!tpu.dma_semaphore, #tpu.memory_space<semaphore_mem>>
      %dma_start3A_167 = tpu.memref_squeeze %dma_start3A_166 : memref<1x!tpu.dma_semaphore, #tpu.memory_space<semaphore_mem>> -> memref<!tpu.dma_semaphore, #tpu.memory_space<semaphore_mem>>
      %dma_start3A_168 = tpu.memref_slice %arg6[%add3A_163] : memref<33024xf32, #tpu.memory_space<vmem>> -> memref<1024xf32, #tpu.memory_space<vmem>>
      %dma_start3A_169 = tpu.memref_slice %arg2[%add3A_156, %mul3A_158] : memref<1024x16384xf32, #tpu.memory_space<hbm>> -> memref<1x1024xf32, #tpu.memory_space<hbm>>
      %dma_start3A_170 = tpu.memref_squeeze %dma_start3A_169 : memref<1x1024xf32, #tpu.memory_space<hbm>> -> memref<1024xf32, #tpu.memory_space<hbm>>
      tpu.enqueue_dma source(%dma_start3A_170 : memref<1024xf32, #tpu.memory_space<hbm>>) target(%dma_start3A_168 : memref<1024xf32, #tpu.memory_space<vmem>>) target_semaphore(%dma_start3A_167 : memref<!tpu.dma_semaphore, #tpu.memory_space<semaphore_mem>>)
      %while3A_171 = arith.constant 0 : i32
      scf.yield %while3A_171 : i32
    }
    %scan3A = arith.constant 0 : i32
    %scan3A_61 = arith.constant 0 : i32
    %scan3A_62 = arith.constant 0 : i32
    %scan3A_63 = arith.constant 12 : i32
    %scan3A_64 = arith.addi %scan3A_62, %scan3A_63 : i32
    %scan3A_65 = arith.constant 1 : i32
    %scan3A_66 = scf.for %scan3A_154 = %scan3A_62 to %scan3A_64 step %scan3A_65 iter_args(%scan3A_155 = %scan3A_61) -> (i32)  : i32 {
      %add3A_156 = arith.constant 1 : i32
      %add3A_157 = arith.addi %scan3A_154, %add3A_156 : i32
      %lt3A = arith.constant 12 : i32
      %lt3A_158 = arith.cmpi slt, %add3A_157, %lt3A : i32
      %convert_element_type3A = arith.extui %lt3A_158 : i1 to i32
      %cond3A = arith.constant 0 : i32
      %cond3A_159 = arith.cmpi ne, %convert_element_type3A, %cond3A : i32
      scf.if %cond3A_159 {
        %add3A_1024 = arith.constant 1 : i32
        %add3A_1025 = arith.addi %scan3A_154, %add3A_1024 : i32
        %rem3A_1026 = arith.constant 2 : i32
        %rem3A_1027 = arith.remsi %add3A_1025, %rem3A_1026 : i32
        %while3A_1028 = arith.constant 0 : i32
        %while3A_1029 = arith.constant 0 : i32
        %while3A_1030 = arith.subi %select_n3A, %while3A_1028 : i32
        %while3A_1031 = arith.addi %while3A_1028, %while3A_1030 : i32
        %while3A_1032 = arith.constant 1 : i32
        %while3A_1033 = arith.divsi %while3A_1030, %while3A_1032 : i32
        %while3A_1034 = arith.muli %while3A_1033, %while3A_1032 : i32
        %while3A_1035 = arith.addi %while3A_1028, %while3A_1034 : i32
        %while3A_1036 = arith.constant 1 : i32
        %while3A_1037 = scf.for %while3A_1040 = %while3A_1028 to %while3A_1035 step %while3A_1036 iter_args(%while3A_1041 = %while3A_1029) -> (i32)  : i32 {
          %add3A_1042 = arith.addi %mul3A_2, %add3A_1025 : i32
          %mul3A_1043 = arith.constant 1024 : i32
          %mul3A_1044 = arith.muli %while3A_1040, %mul3A_1043 : i32
          %mul3A_1045 = arith.constant 16512 : i32
          %mul3A_1046 = arith.muli %rem3A_1027, %mul3A_1045 : i32
          %mul3A_1047 = arith.constant 1024 : i32
          %mul3A_1048 = arith.muli %while3A_1040, %mul3A_1047 : i32
          %add3A_1049 = arith.addi %mul3A_1046, %mul3A_1048 : i32
          %dma_start3A = tpu.memref_slice %arg6[%add3A_1049] : memref<33024xf32, #tpu.memory_space<vmem>> -> memref<1024xf32, #tpu.memory_space<vmem>>
          %dma_start3A_1050 = tpu.memref_slice %arg2[%add3A_1042, %mul3A_1044] : memref<1024x16384xf32, #tpu.memory_space<hbm>> -> memref<1x1024xf32, #tpu.memory_space<hbm>>
          %dma_start3A_1051 = tpu.memref_squeeze %dma_start3A_1050 : memref<1x1024xf32, #tpu.memory_space<hbm>> -> memref<1024xf32, #tpu.memory_space<hbm>>
          %dma_start3A_1052 = tpu.memref_slice %arg9[%rem3A_1027] : memref<2x!tpu.dma_semaphore, #tpu.memory_space<semaphore_mem>> -> memref<1x!tpu.dma_semaphore, #tpu.memory_space<semaphore_mem>>
          %dma_start3A_1053 = tpu.memref_squeeze %dma_start3A_1052 : memref<1x!tpu.dma_semaphore, #tpu.memory_space<semaphore_mem>> -> memref<!tpu.dma_semaphore, #tpu.memory_space<semaphore_mem>>
          %dma_start3A_1054 = tpu.memref_slice %arg6[%add3A_1049] : memref<33024xf32, #tpu.memory_space<vmem>> -> memref<1024xf32, #tpu.memory_space<vmem>>
          %dma_start3A_1055 = tpu.memref_slice %arg2[%add3A_1042, %mul3A_1044] : memref<1024x16384xf32, #tpu.memory_space<hbm>> -> memref<1x1024xf32, #tpu.memory_space<hbm>>
          %dma_start3A_1056 = tpu.memref_squeeze %dma_start3A_1055 : memref<1x1024xf32, #tpu.memory_space<hbm>> -> memref<1024xf32, #tpu.memory_space<hbm>>
          tpu.enqueue_dma source(%dma_start3A_1056 : memref<1024xf32, #tpu.memory_space<hbm>>) target(%dma_start3A_1054 : memref<1024xf32, #tpu.memory_space<vmem>>) target_semaphore(%dma_start3A_1053 : memref<!tpu.dma_semaphore, #tpu.memory_space<semaphore_mem>>)
          %while3A_1057 = arith.constant 0 : i32
          scf.yield %while3A_1057 : i32
        }
        %while3A_1038 = arith.constant 1 : i32
        %while3A_1039 = scf.for %while3A_1040 = %while3A_1035 to %while3A_1031 step %while3A_1038 iter_args(%while3A_1041 = %while3A_1037) -> (i32)  : i32 {
          %add3A_1042 = arith.addi %mul3A_2, %add3A_1025 : i32
          %mul3A_1043 = arith.constant 1024 : i32
          %mul3A_1044 = arith.muli %while3A_1040, %mul3A_1043 : i32
          %mul3A_1045 = arith.constant 16512 : i32
          %mul3A_1046 = arith.muli %rem3A_1027, %mul3A_1045 : i32
          %mul3A_1047 = arith.constant 1024 : i32
          %mul3A_1048 = arith.muli %while3A_1040, %mul3A_1047 : i32
          %add3A_1049 = arith.addi %mul3A_1046, %mul3A_1048 : i32
          %dma_start3A = tpu.memref_slice %arg6[%add3A_1049] : memref<33024xf32, #tpu.memory_space<vmem>> -> memref<1024xf32, #tpu.memory_space<vmem>>
          %dma_start3A_1050 = tpu.memref_slice %arg2[%add3A_1042, %mul3A_1044] : memref<1024x16384xf32, #tpu.memory_space<hbm>> -> memref<1x1024xf32, #tpu.memory_space<hbm>>
          %dma_start3A_1051 = tpu.memref_squeeze %dma_start3A_1050 : memref<1x1024xf32, #tpu.memory_space<hbm>> -> memref<1024xf32, #tpu.memory_space<hbm>>
          %dma_start3A_1052 = tpu.memref_slice %arg9[%rem3A_1027] : memref<2x!tpu.dma_semaphore, #tpu.memory_space<semaphore_mem>> -> memref<1x!tpu.dma_semaphore, #tpu.memory_space<semaphore_mem>>
          %dma_start3A_1053 = tpu.memref_squeeze %dma_start3A_1052 : memref<1x!tpu.dma_semaphore, #tpu.memory_space<semaphore_mem>> -> memref<!tpu.dma_semaphore, #tpu.memory_space<semaphore_mem>>
          %dma_start3A_1054 = tpu.memref_slice %arg6[%add3A_1049] : memref<33024xf32, #tpu.memory_space<vmem>> -> memref<1024xf32, #tpu.memory_space<vmem>>
          %dma_start3A_1055 = tpu.memref_slice %arg2[%add3A_1042, %mul3A_1044] : memref<1024x16384xf32, #tpu.memory_space<hbm>> -> memref<1x1024xf32, #tpu.memory_space<hbm>>
          %dma_start3A_1056 = tpu.memref_squeeze %dma_start3A_1055 : memref<1x1024xf32, #tpu.memory_space<hbm>> -> memref<1024xf32, #tpu.memory_space<hbm>>
          tpu.enqueue_dma source(%dma_start3A_1056 : memref<1024xf32, #tpu.memory_space<hbm>>) target(%dma_start3A_1054 : memref<1024xf32, #tpu.memory_space<vmem>>) target_semaphore(%dma_start3A_1053 : memref<!tpu.dma_semaphore, #tpu.memory_space<semaphore_mem>>)
          %while3A_1057 = arith.constant 0 : i32
          scf.yield %while3A_1057 : i32
        }
      } else {
      }
      %rem3A_160 = arith.constant 2 : i32
      %rem3A_161 = arith.remsi %scan3A_154, %rem3A_160 : i32
      %mul3A_162 = arith.constant 16512 : i32
      %mul3A_163 = arith.muli %rem3A_161, %mul3A_162 : i32
      %while3A_164 = arith.constant 0 : i32
      %while3A_165 = arith.constant 0 : i32
      %while3A_166 = arith.subi %select_n3A, %while3A_164 : i32
      %while3A_167 = arith.addi %while3A_164, %while3A_166 : i32
      %while3A_168 = arith.constant 1 : i32
      %while3A_169 = arith.divsi %while3A_166, %while3A_168 : i32
      %while3A_170 = arith.muli %while3A_169, %while3A_168 : i32
      %while3A_171 = arith.addi %while3A_164, %while3A_170 : i32
      %while3A_172 = arith.constant 1 : i32
      %while3A_173 = scf.for %while3A_1024 = %while3A_164 to %while3A_171 step %while3A_172 iter_args(%while3A_1025 = %while3A_165) -> (i32)  : i32 {
        %add3A_1026 = arith.addi %mul3A_2, %scan3A_154 : i32
        %mul3A_1027 = arith.constant 1024 : i32
        %mul3A_1028 = arith.muli %while3A_1024, %mul3A_1027 : i32
        %mul3A_1029 = arith.constant 16512 : i32
        %mul3A_1030 = arith.muli %rem3A_161, %mul3A_1029 : i32
        %mul3A_1031 = arith.constant 1024 : i32
        %mul3A_1032 = arith.muli %while3A_1024, %mul3A_1031 : i32
        %add3A_1033 = arith.addi %mul3A_1030, %mul3A_1032 : i32
        %dma_wait3A = tpu.memref_slice %arg6[%add3A_1033] : memref<33024xf32, #tpu.memory_space<vmem>> -> memref<1024xf32, #tpu.memory_space<vmem>>
        %dma_wait3A_1034 = tpu.memref_slice %arg2[%add3A_1026, %mul3A_1028] : memref<1024x16384xf32, #tpu.memory_space<hbm>> -> memref<1x1024xf32, #tpu.memory_space<hbm>>
        %dma_wait3A_1035 = tpu.memref_squeeze %dma_wait3A_1034 : memref<1x1024xf32, #tpu.memory_space<hbm>> -> memref<1024xf32, #tpu.memory_space<hbm>>
        %dma_wait3A_1036 = tpu.memref_slice %arg9[%rem3A_161] : memref<2x!tpu.dma_semaphore, #tpu.memory_space<semaphore_mem>> -> memref<1x!tpu.dma_semaphore, #tpu.memory_space<semaphore_mem>>
        %dma_wait3A_1037 = tpu.memref_squeeze %dma_wait3A_1036 : memref<1x!tpu.dma_semaphore, #tpu.memory_space<semaphore_mem>> -> memref<!tpu.dma_semaphore, #tpu.memory_space<semaphore_mem>>
        %dma_wait3A_1038 = tpu.memref_slice %arg6[%add3A_1033] : memref<33024xf32, #tpu.memory_space<vmem>> -> memref<1024xf32, #tpu.memory_space<vmem>>
        %dma_wait3A_1039 = tpu.memref_slice %arg2[%add3A_1026, %mul3A_1028] : memref<1024x16384xf32, #tpu.memory_space<hbm>> -> memref<1x1024xf32, #tpu.memory_space<hbm>>
        %dma_wait3A_1040 = tpu.memref_squeeze %dma_wait3A_1039 : memref<1x1024xf32, #tpu.memory_space<hbm>> -> memref<1024xf32, #tpu.memory_space<hbm>>
        tpu.wait_dma2 semaphore(%dma_wait3A_1037 : memref<!tpu.dma_semaphore, #tpu.memory_space<semaphore_mem>>) src(%dma_wait3A_1040 : memref<1024xf32, #tpu.memory_space<hbm>>) dst(%dma_wait3A_1038 : memref<1024xf32, #tpu.memory_space<vmem>>)
        %while3A_1041 = arith.constant 0 : i32
        scf.yield %while3A_1041 : i32
      }
      %while3A_174 = arith.constant 1 : i32
      %while3A_175 = scf.for %while3A_1024 = %while3A_171 to %while3A_167 step %while3A_174 iter_args(%while3A_1025 = %while3A_173) -> (i32)  : i32 {
        %add3A_1026 = arith.addi %mul3A_2, %scan3A_154 : i32
        %mul3A_1027 = arith.constant 1024 : i32
        %mul3A_1028 = arith.muli %while3A_1024, %mul3A_1027 : i32
        %mul3A_1029 = arith.constant 16512 : i32
        %mul3A_1030 = arith.muli %rem3A_161, %mul3A_1029 : i32
        %mul3A_1031 = arith.constant 1024 : i32
        %mul3A_1032 = arith.muli %while3A_1024, %mul3A_1031 : i32
        %add3A_1033 = arith.addi %mul3A_1030, %mul3A_1032 : i32
        %dma_wait3A = tpu.memref_slice %arg6[%add3A_1033] : memref<33024xf32, #tpu.memory_space<vmem>> -> memref<1024xf32, #tpu.memory_space<vmem>>
        %dma_wait3A_1034 = tpu.memref_slice %arg2[%add3A_1026, %mul3A_1028] : memref<1024x16384xf32, #tpu.memory_space<hbm>> -> memref<1x1024xf32, #tpu.memory_space<hbm>>
        %dma_wait3A_1035 = tpu.memref_squeeze %dma_wait3A_1034 : memref<1x1024xf32, #tpu.memory_space<hbm>> -> memref<1024xf32, #tpu.memory_space<hbm>>
        %dma_wait3A_1036 = tpu.memref_slice %arg9[%rem3A_161] : memref<2x!tpu.dma_semaphore, #tpu.memory_space<semaphore_mem>> -> memref<1x!tpu.dma_semaphore, #tpu.memory_space<semaphore_mem>>
        %dma_wait3A_1037 = tpu.memref_squeeze %dma_wait3A_1036 : memref<1x!tpu.dma_semaphore, #tpu.memory_space<semaphore_mem>> -> memref<!tpu.dma_semaphore, #tpu.memory_space<semaphore_mem>>
        %dma_wait3A_1038 = tpu.memref_slice %arg6[%add3A_1033] : memref<33024xf32, #tpu.memory_space<vmem>> -> memref<1024xf32, #tpu.memory_space<vmem>>
        %dma_wait3A_1039 = tpu.memref_slice %arg2[%add3A_1026, %mul3A_1028] : memref<1024x16384xf32, #tpu.memory_space<hbm>> -> memref<1x1024xf32, #tpu.memory_space<hbm>>
        %dma_wait3A_1040 = tpu.memref_squeeze %dma_wait3A_1039 : memref<1x1024xf32, #tpu.memory_space<hbm>> -> memref<1024xf32, #tpu.memory_space<hbm>>
        tpu.wait_dma2 semaphore(%dma_wait3A_1037 : memref<!tpu.dma_semaphore, #tpu.memory_space<semaphore_mem>>) src(%dma_wait3A_1040 : memref<1024xf32, #tpu.memory_space<hbm>>) dst(%dma_wait3A_1038 : memref<1024xf32, #tpu.memory_space<vmem>>)
        %while3A_1041 = arith.constant 0 : i32
        scf.yield %while3A_1041 : i32
      }
      %shift_right_logical3A = arith.constant 4 : i32
      %shift_right_logical3A_176 = arith.shrui %scan3A, %shift_right_logical3A : i32
      %sub3A_177 = arith.constant 1 : i32
      %sub3A_178 = arith.subi %add3A_6, %sub3A_177 : i32
      %shift_right_logical3A_179 = arith.constant 4 : i32
      %shift_right_logical3A_180 = arith.shrui %sub3A_178, %shift_right_logical3A_179 : i32
      %mul3A_181 = arith.constant 16 : i32
      %mul3A_182 = arith.muli %shift_right_logical3A_176, %mul3A_181 : i32
      %add3A_183 = vector.broadcast %mul3A_182 : i32 to vector<16xi32>
      %add3A_184 = arith.addi %add3A_183, %iota3A : vector<16xi32>
      %ge3A = vector.broadcast %scan3A : i32 to vector<16xi32>
      %ge3A_185 = arith.cmpi sge, %add3A_184, %ge3A : vector<16xi32>
      %lt3A_186 = vector.broadcast %add3A_6 : i32 to vector<16xi32>
      %lt3A_187 = arith.cmpi slt, %add3A_184, %lt3A_186 : vector<16xi32>
      %and3A_188 = arith.andi %ge3A_185, %lt3A_187 : vector<16xi1>
      %mul3A_189 = arith.constant 16 : i32
      %mul3A_190 = arith.muli %shift_right_logical3A_176, %mul3A_189 : i32
      %get3A_191 = tpu.memref_slice %arg6[%mul3A_163] : memref<33024xf32, #tpu.memory_space<vmem>> -> memref<16512xf32, #tpu.memory_space<vmem>>
      %get3A_192 = arith.index_cast %mul3A_190 : i32 to index
      %get3A_193 = tpu.vector_load %get3A_191[%get3A_192] {strides = array<i32>} : memref<16512xf32, #tpu.memory_space<vmem>>, vector<16xf32>,
      %select_n3A_194 = arith.select %and3A_188, %get3A_193, %broadcast_in_dim3A_3 : vector<16xi1>, vector<16xf32>
      %mul3A_195 = arith.constant 16 : i32
      %mul3A_196 = arith.muli %shift_right_logical3A_180, %mul3A_195 : i32
      %add3A_197 = vector.broadcast %mul3A_196 : i32 to vector<16xi32>
      %add3A_198 = arith.addi %add3A_197, %iota3A : vector<16xi32>
      %ge3A_199 = vector.broadcast %scan3A : i32 to vector<16xi32>
      %ge3A_200 = arith.cmpi sge, %add3A_198, %ge3A_199 : vector<16xi32>
      %lt3A_201 = vector.broadcast %add3A_6 : i32 to vector<16xi32>
      %lt3A_202 = arith.cmpi slt, %add3A_198, %lt3A_201 : vector<16xi32>
      %and3A_203 = arith.andi %ge3A_200, %lt3A_202 : vector<16xi1>
      %mul3A_204 = arith.constant 16 : i32
      %mul3A_205 = arith.muli %shift_right_logical3A_180, %mul3A_204 : i32
      %get3A_206 = tpu.memref_slice %arg6[%mul3A_163] : memref<33024xf32, #tpu.memory_space<vmem>> -> memref<16512xf32, #tpu.memory_space<vmem>>
      %get3A_207 = arith.index_cast %mul3A_205 : i32 to index
      %get3A_208 = tpu.vector_load %get3A_206[%get3A_207] {strides = array<i32>} : memref<16512xf32, #tpu.memory_space<vmem>>, vector<16xf32>,
      %select_n3A_209 = arith.select %and3A_203, %get3A_208, %broadcast_in_dim3A_3 : vector<16xi1>, vector<16xf32>
      %max3A = arith.maximumf %select_n3A_194, %select_n3A_209 : vector<16xf32>
      %add3A_210 = arith.constant 1 : i32
      %add3A_211 = arith.addi %shift_right_logical3A_176, %add3A_210 : i32
      %sub3A_212 = arith.subi %shift_right_logical3A_180, %add3A_211 : i32
      %ge3A_213 = arith.constant 8 : i32
      %ge3A_214 = arith.cmpi sge, %sub3A_212, %ge3A_213 : i32
      %convert_element_type3A_215 = arith.extui %ge3A_214 : i1 to i32
      %cond3A_216 = arith.constant 0 : i32
      %cond3A_217 = arith.cmpi ne, %convert_element_type3A_215, %cond3A_216 : i32
      %cond3A_218 = scf.if %cond3A_217 -> (vector<16xf32>) {
        %jit3A_1024 = arith.constant 8 : i32
        %div3A_1025 = arith.divsi %sub3A_212, %jit3A_1024 : i32
        %sign3A_1026 = arith.constant 0 : i32
        %sign3A_1027 = arith.cmpi sgt, %sub3A_212, %sign3A_1026 : i32
        %sign3A_1028 = arith.extui %sign3A_1027 : i1 to i32
        %sign3A_1029 = arith.constant 0 : i32
        %sign3A_1030 = arith.cmpi slt, %sub3A_212, %sign3A_1029 : i32
        %sign3A_1031 = arith.extui %sign3A_1030 : i1 to i32
        %sign3A_1032 = arith.subi %sign3A_1028, %sign3A_1031 : i32
        %sign3A_1033 = arith.constant 0 : i32
        %sign3A_1034 = arith.cmpi sgt, %jit3A_1024, %sign3A_1033 : i32
        %sign3A_1035 = arith.extui %sign3A_1034 : i1 to i32
        %sign3A_1036 = arith.constant 0 : i32
        %sign3A_1037 = arith.cmpi slt, %jit3A_1024, %sign3A_1036 : i32
        %sign3A_1038 = arith.extui %sign3A_1037 : i1 to i32
        %sign3A_1039 = arith.subi %sign3A_1035, %sign3A_1038 : i32
        %ne3A_1040 = arith.cmpi ne, %sign3A_1032, %sign3A_1039 : i32
        %rem3A_1041 = arith.remsi %sub3A_212, %jit3A_1024 : i32
        %ne3A_1042 = arith.constant 0 : i32
        %ne3A_1043 = arith.cmpi ne, %rem3A_1041, %ne3A_1042 : i32
        %and3A_1044 = arith.andi %ne3A_1040, %ne3A_1043 : i1
        %sub3A_1045 = arith.constant 1 : i32
        %sub3A_1046 = arith.subi %div3A_1025, %sub3A_1045 : i32
        %select_n3A_1047 = arith.select %and3A_1044, %sub3A_1046, %div3A_1025 : i32
        %while3A_1048 = arith.constant 0 : i32
        %while3A_1049 = arith.subi %select_n3A_1047, %while3A_1048 : i32
        %while3A_1050 = arith.addi %while3A_1048, %while3A_1049 : i32
        %while3A_1051 = arith.constant 1 : i32
        %while3A_1052 = arith.divsi %while3A_1049, %while3A_1051 : i32
        %while3A_1053 = arith.muli %while3A_1052, %while3A_1051 : i32
        %while3A_1054 = arith.addi %while3A_1048, %while3A_1053 : i32
        %while3A_1055 = arith.constant 1 : i32
        %while3A_1056 = scf.for %while3A_1111 = %while3A_1048 to %while3A_1054 step %while3A_1055 iter_args(%while3A_1112 = %max3A) -> (vector<16xf32>)  : i32 {
          %mul3A_1113 = arith.constant 8 : i32
          %mul3A_1114 = arith.muli %while3A_1111, %mul3A_1113 : i32
          %add3A_1115 = arith.addi %add3A_211, %mul3A_1114 : i32
          %mul3A_1116 = arith.constant 16 : i32
          %mul3A_1117 = arith.muli %add3A_1115, %mul3A_1116 : i32
          %add3A_1118 = arith.constant 0 : i32
          %add3A_1119 = arith.addi %mul3A_1117, %add3A_1118 : i32
          %get3A_1120 = tpu.memref_slice %arg6[%mul3A_163] : memref<33024xf32, #tpu.memory_space<vmem>> -> memref<16512xf32, #tpu.memory_space<vmem>>
          %get3A_1121 = arith.index_cast %add3A_1119 : i32 to index
          %get3A_1122 = tpu.vector_load %get3A_1120[%get3A_1121] {strides = array<i32>} : memref<16512xf32, #tpu.memory_space<vmem>>, vector<16xf32>,
          %add3A_1123 = arith.constant 16 : i32
          %add3A_1124 = arith.addi %mul3A_1117, %add3A_1123 : i32
          %get3A_1125 = tpu.memref_slice %arg6[%mul3A_163] : memref<33024xf32, #tpu.memory_space<vmem>> -> memref<16512xf32, #tpu.memory_space<vmem>>
          %get3A_1126 = arith.index_cast %add3A_1124 : i32 to index
          %get3A_1127 = tpu.vector_load %get3A_1125[%get3A_1126] {strides = array<i32>} : memref<16512xf32, #tpu.memory_space<vmem>>, vector<16xf32>,
          %add3A_1128 = arith.constant 32 : i32
          %add3A_1129 = arith.addi %mul3A_1117, %add3A_1128 : i32
          %get3A_1130 = tpu.memref_slice %arg6[%mul3A_163] : memref<33024xf32, #tpu.memory_space<vmem>> -> memref<16512xf32, #tpu.memory_space<vmem>>
          %get3A_1131 = arith.index_cast %add3A_1129 : i32 to index
          %get3A_1132 = tpu.vector_load %get3A_1130[%get3A_1131] {strides = array<i32>} : memref<16512xf32, #tpu.memory_space<vmem>>, vector<16xf32>,
          %add3A_1133 = arith.constant 48 : i32
          %add3A_1134 = arith.addi %mul3A_1117, %add3A_1133 : i32
          %get3A_1135 = tpu.memref_slice %arg6[%mul3A_163] : memref<33024xf32, #tpu.memory_space<vmem>> -> memref<16512xf32, #tpu.memory_space<vmem>>
          %get3A_1136 = arith.index_cast %add3A_1134 : i32 to index
          %get3A_1137 = tpu.vector_load %get3A_1135[%get3A_1136] {strides = array<i32>} : memref<16512xf32, #tpu.memory_space<vmem>>, vector<16xf32>,
          %add3A_1138 = arith.constant 64 : i32
          %add3A_1139 = arith.addi %mul3A_1117, %add3A_1138 : i32
          %get3A_1140 = tpu.memref_slice %arg6[%mul3A_163] : memref<33024xf32, #tpu.memory_space<vmem>> -> memref<16512xf32, #tpu.memory_space<vmem>>
          %get3A_1141 = arith.index_cast %add3A_1139 : i32 to index
          %get3A_1142 = tpu.vector_load %get3A_1140[%get3A_1141] {strides = array<i32>} : memref<16512xf32, #tpu.memory_space<vmem>>, vector<16xf32>,
          %add3A_1143 = arith.constant 80 : i32
          %add3A_1144 = arith.addi %mul3A_1117, %add3A_1143 : i32
          %get3A_1145 = tpu.memref_slice %arg6[%mul3A_163] : memref<33024xf32, #tpu.memory_space<vmem>> -> memref<16512xf32, #tpu.memory_space<vmem>>
          %get3A_1146 = arith.index_cast %add3A_1144 : i32 to index
          %get3A_1147 = tpu.vector_load %get3A_1145[%get3A_1146] {strides = array<i32>} : memref<16512xf32, #tpu.memory_space<vmem>>, vector<16xf32>,
          %add3A_1148 = arith.constant 96 : i32
          %add3A_1149 = arith.addi %mul3A_1117, %add3A_1148 : i32
          %get3A_1150 = tpu.memref_slice %arg6[%mul3A_163] : memref<33024xf32, #tpu.memory_space<vmem>> -> memref<16512xf32, #tpu.memory_space<vmem>>
          %get3A_1151 = arith.index_cast %add3A_1149 : i32 to index
          %get3A_1152 = tpu.vector_load %get3A_1150[%get3A_1151] {strides = array<i32>} : memref<16512xf32, #tpu.memory_space<vmem>>, vector<16xf32>,
          %add3A_1153 = arith.constant 112 : i32
          %add3A_1154 = arith.addi %mul3A_1117, %add3A_1153 : i32
          %get3A_1155 = tpu.memref_slice %arg6[%mul3A_163] : memref<33024xf32, #tpu.memory_space<vmem>> -> memref<16512xf32, #tpu.memory_space<vmem>>
          %get3A_1156 = arith.index_cast %add3A_1154 : i32 to index
          %get3A_1157 = tpu.vector_load %get3A_1155[%get3A_1156] {strides = array<i32>} : memref<16512xf32, #tpu.memory_space<vmem>>, vector<16xf32>,
          %max3A_1158 = arith.maximumf %get3A_1122, %get3A_1127 : vector<16xf32>
          %max3A_1159 = arith.maximumf %get3A_1132, %get3A_1137 : vector<16xf32>
          %max3A_1160 = arith.maximumf %get3A_1142, %get3A_1147 : vector<16xf32>
          %max3A_1161 = arith.maximumf %get3A_1152, %get3A_1157 : vector<16xf32>
          %max3A_1162 = arith.maximumf %max3A_1158, %max3A_1159 : vector<16xf32>
          %max3A_1163 = arith.maximumf %max3A_1160, %max3A_1161 : vector<16xf32>
          %max3A_1164 = arith.maximumf %max3A_1162, %max3A_1163 : vector<16xf32>
          %max3A_1165 = arith.maximumf %while3A_1112, %max3A_1164 : vector<16xf32>
          scf.yield %max3A_1165 : vector<16xf32>
        }
        %while3A_1057 = arith.constant 1 : i32
        %while3A_1058 = scf.for %while3A_1111 = %while3A_1054 to %while3A_1050 step %while3A_1057 iter_args(%while3A_1112 = %while3A_1056) -> (vector<16xf32>)  : i32 {
          %mul3A_1113 = arith.constant 8 : i32
          %mul3A_1114 = arith.muli %while3A_1111, %mul3A_1113 : i32
          %add3A_1115 = arith.addi %add3A_211, %mul3A_1114 : i32
          %mul3A_1116 = arith.constant 16 : i32
          %mul3A_1117 = arith.muli %add3A_1115, %mul3A_1116 : i32
          %add3A_1118 = arith.constant 0 : i32
          %add3A_1119 = arith.addi %mul3A_1117, %add3A_1118 : i32
          %get3A_1120 = tpu.memref_slice %arg6[%mul3A_163] : memref<33024xf32, #tpu.memory_space<vmem>> -> memref<16512xf32, #tpu.memory_space<vmem>>
          %get3A_1121 = arith.index_cast %add3A_1119 : i32 to index
          %get3A_1122 = tpu.vector_load %get3A_1120[%get3A_1121] {strides = array<i32>} : memref<16512xf32, #tpu.memory_space<vmem>>, vector<16xf32>,
          %add3A_1123 = arith.constant 16 : i32
          %add3A_1124 = arith.addi %mul3A_1117, %add3A_1123 : i32
          %get3A_1125 = tpu.memref_slice %arg6[%mul3A_163] : memref<33024xf32, #tpu.memory_space<vmem>> -> memref<16512xf32, #tpu.memory_space<vmem>>
          %get3A_1126 = arith.index_cast %add3A_1124 : i32 to index
          %get3A_1127 = tpu.vector_load %get3A_1125[%get3A_1126] {strides = array<i32>} : memref<16512xf32, #tpu.memory_space<vmem>>, vector<16xf32>,
          %add3A_1128 = arith.constant 32 : i32
          %add3A_1129 = arith.addi %mul3A_1117, %add3A_1128 : i32
          %get3A_1130 = tpu.memref_slice %arg6[%mul3A_163] : memref<33024xf32, #tpu.memory_space<vmem>> -> memref<16512xf32, #tpu.memory_space<vmem>>
          %get3A_1131 = arith.index_cast %add3A_1129 : i32 to index
          %get3A_1132 = tpu.vector_load %get3A_1130[%get3A_1131] {strides = array<i32>} : memref<16512xf32, #tpu.memory_space<vmem>>, vector<16xf32>,
          %add3A_1133 = arith.constant 48 : i32
          %add3A_1134 = arith.addi %mul3A_1117, %add3A_1133 : i32
          %get3A_1135 = tpu.memref_slice %arg6[%mul3A_163] : memref<33024xf32, #tpu.memory_space<vmem>> -> memref<16512xf32, #tpu.memory_space<vmem>>
          %get3A_1136 = arith.index_cast %add3A_1134 : i32 to index
          %get3A_1137 = tpu.vector_load %get3A_1135[%get3A_1136] {strides = array<i32>} : memref<16512xf32, #tpu.memory_space<vmem>>, vector<16xf32>,
          %add3A_1138 = arith.constant 64 : i32
          %add3A_1139 = arith.addi %mul3A_1117, %add3A_1138 : i32
          %get3A_1140 = tpu.memref_slice %arg6[%mul3A_163] : memref<33024xf32, #tpu.memory_space<vmem>> -> memref<16512xf32, #tpu.memory_space<vmem>>
          %get3A_1141 = arith.index_cast %add3A_1139 : i32 to index
          %get3A_1142 = tpu.vector_load %get3A_1140[%get3A_1141] {strides = array<i32>} : memref<16512xf32, #tpu.memory_space<vmem>>, vector<16xf32>,
          %add3A_1143 = arith.constant 80 : i32
          %add3A_1144 = arith.addi %mul3A_1117, %add3A_1143 : i32
          %get3A_1145 = tpu.memref_slice %arg6[%mul3A_163] : memref<33024xf32, #tpu.memory_space<vmem>> -> memref<16512xf32, #tpu.memory_space<vmem>>
          %get3A_1146 = arith.index_cast %add3A_1144 : i32 to index
          %get3A_1147 = tpu.vector_load %get3A_1145[%get3A_1146] {strides = array<i32>} : memref<16512xf32, #tpu.memory_space<vmem>>, vector<16xf32>,
          %add3A_1148 = arith.constant 96 : i32
          %add3A_1149 = arith.addi %mul3A_1117, %add3A_1148 : i32
          %get3A_1150 = tpu.memref_slice %arg6[%mul3A_163] : memref<33024xf32, #tpu.memory_space<vmem>> -> memref<16512xf32, #tpu.memory_space<vmem>>
          %get3A_1151 = arith.index_cast %add3A_1149 : i32 to index
          %get3A_1152 = tpu.vector_load %get3A_1150[%get3A_1151] {strides = array<i32>} : memref<16512xf32, #tpu.memory_space<vmem>>, vector<16xf32>,
          %add3A_1153 = arith.constant 112 : i32
          %add3A_1154 = arith.addi %mul3A_1117, %add3A_1153 : i32
          %get3A_1155 = tpu.memref_slice %arg6[%mul3A_163] : memref<33024xf32, #tpu.memory_space<vmem>> -> memref<16512xf32, #tpu.memory_space<vmem>>
          %get3A_1156 = arith.index_cast %add3A_1154 : i32 to index
          %get3A_1157 = tpu.vector_load %get3A_1155[%get3A_1156] {strides = array<i32>} : memref<16512xf32, #tpu.memory_space<vmem>>, vector<16xf32>,
          %max3A_1158 = arith.maximumf %get3A_1122, %get3A_1127 : vector<16xf32>
          %max3A_1159 = arith.maximumf %get3A_1132, %get3A_1137 : vector<16xf32>
          %max3A_1160 = arith.maximumf %get3A_1142, %get3A_1147 : vector<16xf32>
          %max3A_1161 = arith.maximumf %get3A_1152, %get3A_1157 : vector<16xf32>
          %max3A_1162 = arith.maximumf %max3A_1158, %max3A_1159 : vector<16xf32>
          %max3A_1163 = arith.maximumf %max3A_1160, %max3A_1161 : vector<16xf32>
          %max3A_1164 = arith.maximumf %max3A_1162, %max3A_1163 : vector<16xf32>
          %max3A_1165 = arith.maximumf %while3A_1112, %max3A_1164 : vector<16xf32>
          scf.yield %max3A_1165 : vector<16xf32>
        }
        %sub3A_1059 = arith.constant 8 : i32
        %sub3A_1060 = arith.subi %shift_right_logical3A_180, %sub3A_1059 : i32
        %mul3A_1061 = arith.constant 16 : i32
        %mul3A_1062 = arith.muli %sub3A_1060, %mul3A_1061 : i32
        %add3A_1063 = arith.constant 0 : i32
        %add3A_1064 = arith.addi %mul3A_1062, %add3A_1063 : i32
        %get3A_1065 = tpu.memref_slice %arg6[%mul3A_163] : memref<33024xf32, #tpu.memory_space<vmem>> -> memref<16512xf32, #tpu.memory_space<vmem>>
        %get3A_1066 = arith.index_cast %add3A_1064 : i32 to index
        %get3A_1067 = tpu.vector_load %get3A_1065[%get3A_1066] {strides = array<i32>} : memref<16512xf32, #tpu.memory_space<vmem>>, vector<16xf32>,
        %add3A_1068 = arith.constant 16 : i32
        %add3A_1069 = arith.addi %mul3A_1062, %add3A_1068 : i32
        %get3A_1070 = tpu.memref_slice %arg6[%mul3A_163] : memref<33024xf32, #tpu.memory_space<vmem>> -> memref<16512xf32, #tpu.memory_space<vmem>>
        %get3A_1071 = arith.index_cast %add3A_1069 : i32 to index
        %get3A_1072 = tpu.vector_load %get3A_1070[%get3A_1071] {strides = array<i32>} : memref<16512xf32, #tpu.memory_space<vmem>>, vector<16xf32>,
        %add3A_1073 = arith.constant 32 : i32
        %add3A_1074 = arith.addi %mul3A_1062, %add3A_1073 : i32
        %get3A_1075 = tpu.memref_slice %arg6[%mul3A_163] : memref<33024xf32, #tpu.memory_space<vmem>> -> memref<16512xf32, #tpu.memory_space<vmem>>
        %get3A_1076 = arith.index_cast %add3A_1074 : i32 to index
        %get3A_1077 = tpu.vector_load %get3A_1075[%get3A_1076] {strides = array<i32>} : memref<16512xf32, #tpu.memory_space<vmem>>, vector<16xf32>,
        %add3A_1078 = arith.constant 48 : i32
        %add3A_1079 = arith.addi %mul3A_1062, %add3A_1078 : i32
        %get3A_1080 = tpu.memref_slice %arg6[%mul3A_163] : memref<33024xf32, #tpu.memory_space<vmem>> -> memref<16512xf32, #tpu.memory_space<vmem>>
        %get3A_1081 = arith.index_cast %add3A_1079 : i32 to index
        %get3A_1082 = tpu.vector_load %get3A_1080[%get3A_1081] {strides = array<i32>} : memref<16512xf32, #tpu.memory_space<vmem>>, vector<16xf32>,
        %add3A_1083 = arith.constant 64 : i32
        %add3A_1084 = arith.addi %mul3A_1062, %add3A_1083 : i32
        %get3A_1085 = tpu.memref_slice %arg6[%mul3A_163] : memref<33024xf32, #tpu.memory_space<vmem>> -> memref<16512xf32, #tpu.memory_space<vmem>>
        %get3A_1086 = arith.index_cast %add3A_1084 : i32 to index
        %get3A_1087 = tpu.vector_load %get3A_1085[%get3A_1086] {strides = array<i32>} : memref<16512xf32, #tpu.memory_space<vmem>>, vector<16xf32>,
        %add3A_1088 = arith.constant 80 : i32
        %add3A_1089 = arith.addi %mul3A_1062, %add3A_1088 : i32
        %get3A_1090 = tpu.memref_slice %arg6[%mul3A_163] : memref<33024xf32, #tpu.memory_space<vmem>> -> memref<16512xf32, #tpu.memory_space<vmem>>
        %get3A_1091 = arith.index_cast %add3A_1089 : i32 to index
        %get3A_1092 = tpu.vector_load %get3A_1090[%get3A_1091] {strides = array<i32>} : memref<16512xf32, #tpu.memory_space<vmem>>, vector<16xf32>,
        %add3A_1093 = arith.constant 96 : i32
        %add3A_1094 = arith.addi %mul3A_1062, %add3A_1093 : i32
        %get3A_1095 = tpu.memref_slice %arg6[%mul3A_163] : memref<33024xf32, #tpu.memory_space<vmem>> -> memref<16512xf32, #tpu.memory_space<vmem>>
        %get3A_1096 = arith.index_cast %add3A_1094 : i32 to index
        %get3A_1097 = tpu.vector_load %get3A_1095[%get3A_1096] {strides = array<i32>} : memref<16512xf32, #tpu.memory_space<vmem>>, vector<16xf32>,
        %add3A_1098 = arith.constant 112 : i32
        %add3A_1099 = arith.addi %mul3A_1062, %add3A_1098 : i32
        %get3A_1100 = tpu.memref_slice %arg6[%mul3A_163] : memref<33024xf32, #tpu.memory_space<vmem>> -> memref<16512xf32, #tpu.memory_space<vmem>>
        %get3A_1101 = arith.index_cast %add3A_1099 : i32 to index
        %get3A_1102 = tpu.vector_load %get3A_1100[%get3A_1101] {strides = array<i32>} : memref<16512xf32, #tpu.memory_space<vmem>>, vector<16xf32>,
        %max3A_1103 = arith.maximumf %get3A_1067, %get3A_1072 : vector<16xf32>
        %max3A_1104 = arith.maximumf %get3A_1077, %get3A_1082 : vector<16xf32>
        %max3A_1105 = arith.maximumf %get3A_1087, %get3A_1092 : vector<16xf32>
        %max3A_1106 = arith.maximumf %get3A_1097, %get3A_1102 : vector<16xf32>
        %max3A_1107 = arith.maximumf %max3A_1103, %max3A_1104 : vector<16xf32>
        %max3A_1108 = arith.maximumf %max3A_1105, %max3A_1106 : vector<16xf32>
        %max3A_1109 = arith.maximumf %max3A_1107, %max3A_1108 : vector<16xf32>
        %max3A_1110 = arith.maximumf %while3A_1058, %max3A_1109 : vector<16xf32>
        scf.yield %max3A_1110 : vector<16xf32>
      } else {
        %add3A_1024 = arith.constant 0 : i32
        %add3A_1025 = arith.addi %add3A_211, %add3A_1024 : i32
        %lt3A_1026 = arith.cmpi slt, %add3A_1025, %shift_right_logical3A_180 : i32
        %add3A_1027 = arith.constant 0 : i32
        %add3A_1028 = arith.addi %add3A_211, %add3A_1027 : i32
        %mul3A_1029 = arith.constant 16 : i32
        %mul3A_1030 = arith.muli %add3A_1028, %mul3A_1029 : i32
        %get3A_1031 = tpu.memref_slice %arg6[%mul3A_163] : memref<33024xf32, #tpu.memory_space<vmem>> -> memref<16512xf32, #tpu.memory_space<vmem>>
        %get3A_1032 = arith.index_cast %mul3A_1030 : i32 to index
        %get3A_1033 = tpu.vector_load %get3A_1031[%get3A_1032] {strides = array<i32>} : memref<16512xf32, #tpu.memory_space<vmem>>, vector<16xf32>,
        %select_n3A_1034 = arith.select %lt3A_1026, %get3A_1033, %broadcast_in_dim3A_3 : vector<16xf32>
        %add3A_1035 = arith.constant 1 : i32
        %add3A_1036 = arith.addi %add3A_211, %add3A_1035 : i32
        %lt3A_1037 = arith.cmpi slt, %add3A_1036, %shift_right_logical3A_180 : i32
        %add3A_1038 = arith.constant 1 : i32
        %add3A_1039 = arith.addi %add3A_211, %add3A_1038 : i32
        %mul3A_1040 = arith.constant 16 : i32
        %mul3A_1041 = arith.muli %add3A_1039, %mul3A_1040 : i32
        %get3A_1042 = tpu.memref_slice %arg6[%mul3A_163] : memref<33024xf32, #tpu.memory_space<vmem>> -> memref<16512xf32, #tpu.memory_space<vmem>>
        %get3A_1043 = arith.index_cast %mul3A_1041 : i32 to index
        %get3A_1044 = tpu.vector_load %get3A_1042[%get3A_1043] {strides = array<i32>} : memref<16512xf32, #tpu.memory_space<vmem>>, vector<16xf32>,
        %select_n3A_1045 = arith.select %lt3A_1037, %get3A_1044, %broadcast_in_dim3A_3 : vector<16xf32>
        %add3A_1046 = arith.constant 2 : i32
        %add3A_1047 = arith.addi %add3A_211, %add3A_1046 : i32
        %lt3A_1048 = arith.cmpi slt, %add3A_1047, %shift_right_logical3A_180 : i32
        %add3A_1049 = arith.constant 2 : i32
        %add3A_1050 = arith.addi %add3A_211, %add3A_1049 : i32
        %mul3A_1051 = arith.constant 16 : i32
        %mul3A_1052 = arith.muli %add3A_1050, %mul3A_1051 : i32
        %get3A_1053 = tpu.memref_slice %arg6[%mul3A_163] : memref<33024xf32, #tpu.memory_space<vmem>> -> memref<16512xf32, #tpu.memory_space<vmem>>
        %get3A_1054 = arith.index_cast %mul3A_1052 : i32 to index
        %get3A_1055 = tpu.vector_load %get3A_1053[%get3A_1054] {strides = array<i32>} : memref<16512xf32, #tpu.memory_space<vmem>>, vector<16xf32>,
        %select_n3A_1056 = arith.select %lt3A_1048, %get3A_1055, %broadcast_in_dim3A_3 : vector<16xf32>
        %add3A_1057 = arith.constant 3 : i32
        %add3A_1058 = arith.addi %add3A_211, %add3A_1057 : i32
        %lt3A_1059 = arith.cmpi slt, %add3A_1058, %shift_right_logical3A_180 : i32
        %add3A_1060 = arith.constant 3 : i32
        %add3A_1061 = arith.addi %add3A_211, %add3A_1060 : i32
        %mul3A_1062 = arith.constant 16 : i32
        %mul3A_1063 = arith.muli %add3A_1061, %mul3A_1062 : i32
        %get3A_1064 = tpu.memref_slice %arg6[%mul3A_163] : memref<33024xf32, #tpu.memory_space<vmem>> -> memref<16512xf32, #tpu.memory_space<vmem>>
        %get3A_1065 = arith.index_cast %mul3A_1063 : i32 to index
        %get3A_1066 = tpu.vector_load %get3A_1064[%get3A_1065] {strides = array<i32>} : memref<16512xf32, #tpu.memory_space<vmem>>, vector<16xf32>,
        %select_n3A_1067 = arith.select %lt3A_1059, %get3A_1066, %broadcast_in_dim3A_3 : vector<16xf32>
        %add3A_1068 = arith.constant 4 : i32
        %add3A_1069 = arith.addi %add3A_211, %add3A_1068 : i32
        %lt3A_1070 = arith.cmpi slt, %add3A_1069, %shift_right_logical3A_180 : i32
        %add3A_1071 = arith.constant 4 : i32
        %add3A_1072 = arith.addi %add3A_211, %add3A_1071 : i32
        %mul3A_1073 = arith.constant 16 : i32
        %mul3A_1074 = arith.muli %add3A_1072, %mul3A_1073 : i32
        %get3A_1075 = tpu.memref_slice %arg6[%mul3A_163] : memref<33024xf32, #tpu.memory_space<vmem>> -> memref<16512xf32, #tpu.memory_space<vmem>>
        %get3A_1076 = arith.index_cast %mul3A_1074 : i32 to index
        %get3A_1077 = tpu.vector_load %get3A_1075[%get3A_1076] {strides = array<i32>} : memref<16512xf32, #tpu.memory_space<vmem>>, vector<16xf32>,
        %select_n3A_1078 = arith.select %lt3A_1070, %get3A_1077, %broadcast_in_dim3A_3 : vector<16xf32>
        %add3A_1079 = arith.constant 5 : i32
        %add3A_1080 = arith.addi %add3A_211, %add3A_1079 : i32
        %lt3A_1081 = arith.cmpi slt, %add3A_1080, %shift_right_logical3A_180 : i32
        %add3A_1082 = arith.constant 5 : i32
        %add3A_1083 = arith.addi %add3A_211, %add3A_1082 : i32
        %mul3A_1084 = arith.constant 16 : i32
        %mul3A_1085 = arith.muli %add3A_1083, %mul3A_1084 : i32
        %get3A_1086 = tpu.memref_slice %arg6[%mul3A_163] : memref<33024xf32, #tpu.memory_space<vmem>> -> memref<16512xf32, #tpu.memory_space<vmem>>
        %get3A_1087 = arith.index_cast %mul3A_1085 : i32 to index
        %get3A_1088 = tpu.vector_load %get3A_1086[%get3A_1087] {strides = array<i32>} : memref<16512xf32, #tpu.memory_space<vmem>>, vector<16xf32>,
        %select_n3A_1089 = arith.select %lt3A_1081, %get3A_1088, %broadcast_in_dim3A_3 : vector<16xf32>
        %add3A_1090 = arith.constant 6 : i32
        %add3A_1091 = arith.addi %add3A_211, %add3A_1090 : i32
        %lt3A_1092 = arith.cmpi slt, %add3A_1091, %shift_right_logical3A_180 : i32
        %add3A_1093 = arith.constant 6 : i32
        %add3A_1094 = arith.addi %add3A_211, %add3A_1093 : i32
        %mul3A_1095 = arith.constant 16 : i32
        %mul3A_1096 = arith.muli %add3A_1094, %mul3A_1095 : i32
        %get3A_1097 = tpu.memref_slice %arg6[%mul3A_163] : memref<33024xf32, #tpu.memory_space<vmem>> -> memref<16512xf32, #tpu.memory_space<vmem>>
        %get3A_1098 = arith.index_cast %mul3A_1096 : i32 to index
        %get3A_1099 = tpu.vector_load %get3A_1097[%get3A_1098] {strides = array<i32>} : memref<16512xf32, #tpu.memory_space<vmem>>, vector<16xf32>,
        %select_n3A_1100 = arith.select %lt3A_1092, %get3A_1099, %broadcast_in_dim3A_3 : vector<16xf32>
        %add3A_1101 = arith.constant 7 : i32
        %add3A_1102 = arith.addi %add3A_211, %add3A_1101 : i32
        %lt3A_1103 = arith.cmpi slt, %add3A_1102, %shift_right_logical3A_180 : i32
        %add3A_1104 = arith.constant 7 : i32
        %add3A_1105 = arith.addi %add3A_211, %add3A_1104 : i32
        %mul3A_1106 = arith.constant 16 : i32
        %mul3A_1107 = arith.muli %add3A_1105, %mul3A_1106 : i32
        %get3A_1108 = tpu.memref_slice %arg6[%mul3A_163] : memref<33024xf32, #tpu.memory_space<vmem>> -> memref<16512xf32, #tpu.memory_space<vmem>>
        %get3A_1109 = arith.index_cast %mul3A_1107 : i32 to index
        %get3A_1110 = tpu.vector_load %get3A_1108[%get3A_1109] {strides = array<i32>} : memref<16512xf32, #tpu.memory_space<vmem>>, vector<16xf32>,
        %select_n3A_1111 = arith.select %lt3A_1103, %get3A_1110, %broadcast_in_dim3A_3 : vector<16xf32>
        %max3A_1112 = arith.maximumf %select_n3A_1034, %select_n3A_1045 : vector<16xf32>
        %max3A_1113 = arith.maximumf %select_n3A_1056, %select_n3A_1067 : vector<16xf32>
        %max3A_1114 = arith.maximumf %select_n3A_1078, %select_n3A_1089 : vector<16xf32>
        %max3A_1115 = arith.maximumf %select_n3A_1100, %select_n3A_1111 : vector<16xf32>
        %max3A_1116 = arith.maximumf %max3A_1112, %max3A_1113 : vector<16xf32>
        %max3A_1117 = arith.maximumf %max3A_1114, %max3A_1115 : vector<16xf32>
        %max3A_1118 = arith.maximumf %max3A_1116, %max3A_1117 : vector<16xf32>
        %max3A_1119 = arith.maximumf %max3A, %max3A_1118 : vector<16xf32>
        scf.yield %max3A_1119 : vector<16xf32>
      }
      %eq3A = arith.constant 0 : i32
      %eq3A_219 = vector.broadcast %eq3A : i32 to vector<16xi32>
      %eq3A_220 = arith.cmpi eq, %iota3A, %eq3A_219 : vector<16xi32>
      %xor3A = arith.constant 8 : i32
      %xor3A_221 = vector.broadcast %xor3A : i32 to vector<16xi32>
      %xor3A_222 = arith.xori %iota3A, %xor3A_221 : vector<16xi32>
      %lt3A_223 = arith.constant 0 : i32
      %lt3A_224 = vector.broadcast %lt3A_223 : i32 to vector<16xi32>
      %lt3A_225 = arith.cmpi slt, %xor3A_222, %lt3A_224 : vector<16xi32>
      %add3A_226 = arith.constant 16 : i32
      %add3A_227 = vector.broadcast %add3A_226 : i32 to vector<16xi32>
      %add3A_228 = arith.addi %xor3A_222, %add3A_227 : vector<16xi32>
      %select_n3A_229 = arith.select %lt3A_225, %add3A_228, %xor3A_222 : vector<16xi1>, vector<16xi32>
      %broadcast_in_dim3A_230 = vector.shape_cast %select_n3A_229 : vector<16xi32> to vector<16x1xi32>
      %gather3A_231 = vector.shape_cast %broadcast_in_dim3A_230 : vector<16x1xi32> to vector<16xi32>
      %gather3A_232 = tpu.dynamic_gather %cond3A_218[%gather3A_231] in [0] : vector<16xf32>, vector<16xi32> -> vector<16xf32>
      %max3A_233 = arith.maximumf %cond3A_218, %gather3A_232 : vector<16xf32>
      %xor3A_234 = arith.constant 4 : i32
      %xor3A_235 = vector.broadcast %xor3A_234 : i32 to vector<16xi32>
      %xor3A_236 = arith.xori %iota3A, %xor3A_235 : vector<16xi32>
      %lt3A_237 = arith.constant 0 : i32
      %lt3A_238 = vector.broadcast %lt3A_237 : i32 to vector<16xi32>
      %lt3A_239 = arith.cmpi slt, %xor3A_236, %lt3A_238 : vector<16xi32>
      %add3A_240 = arith.constant 16 : i32
      %add3A_241 = vector.broadcast %add3A_240 : i32 to vector<16xi32>
      %add3A_242 = arith.addi %xor3A_236, %add3A_241 : vector<16xi32>
      %select_n3A_243 = arith.select %lt3A_239, %add3A_242, %xor3A_236 : vector<16xi1>, vector<16xi32>
      %broadcast_in_dim3A_244 = vector.shape_cast %select_n3A_243 : vector<16xi32> to vector<16x1xi32>
      %gather3A_245 = vector.shape_cast %broadcast_in_dim3A_244 : vector<16x1xi32> to vector<16xi32>
      %gather3A_246 = tpu.dynamic_gather %max3A_233[%gather3A_245] in [0] : vector<16xf32>, vector<16xi32> -> vector<16xf32>
      %max3A_247 = arith.maximumf %max3A_233, %gather3A_246 : vector<16xf32>
      %xor3A_248 = arith.constant 2 : i32
      %xor3A_249 = vector.broadcast %xor3A_248 : i32 to vector<16xi32>
      %xor3A_250 = arith.xori %iota3A, %xor3A_249 : vector<16xi32>
      %lt3A_251 = arith.constant 0 : i32
      %lt3A_252 = vector.broadcast %lt3A_251 : i32 to vector<16xi32>
      %lt3A_253 = arith.cmpi slt, %xor3A_250, %lt3A_252 : vector<16xi32>
      %add3A_254 = arith.constant 16 : i32
      %add3A_255 = vector.broadcast %add3A_254 : i32 to vector<16xi32>
      %add3A_256 = arith.addi %xor3A_250, %add3A_255 : vector<16xi32>
      %select_n3A_257 = arith.select %lt3A_253, %add3A_256, %xor3A_250 : vector<16xi1>, vector<16xi32>
      %broadcast_in_dim3A_258 = vector.shape_cast %select_n3A_257 : vector<16xi32> to vector<16x1xi32>
      %gather3A_259 = vector.shape_cast %broadcast_in_dim3A_258 : vector<16x1xi32> to vector<16xi32>
      %gather3A_260 = tpu.dynamic_gather %max3A_247[%gather3A_259] in [0] : vector<16xf32>, vector<16xi32> -> vector<16xf32>
      %max3A_261 = arith.maximumf %max3A_247, %gather3A_260 : vector<16xf32>
      %xor3A_262 = arith.constant 1 : i32
      %xor3A_263 = vector.broadcast %xor3A_262 : i32 to vector<16xi32>
      %xor3A_264 = arith.xori %iota3A, %xor3A_263 : vector<16xi32>
      %lt3A_265 = arith.constant 0 : i32
      %lt3A_266 = vector.broadcast %lt3A_265 : i32 to vector<16xi32>
      %lt3A_267 = arith.cmpi slt, %xor3A_264, %lt3A_266 : vector<16xi32>
      %add3A_268 = arith.constant 16 : i32
      %add3A_269 = vector.broadcast %add3A_268 : i32 to vector<16xi32>
      %add3A_270 = arith.addi %xor3A_264, %add3A_269 : vector<16xi32>
      %select_n3A_271 = arith.select %lt3A_267, %add3A_270, %xor3A_264 : vector<16xi1>, vector<16xi32>
      %broadcast_in_dim3A_272 = vector.shape_cast %select_n3A_271 : vector<16xi32> to vector<16x1xi32>
      %gather3A_273 = vector.shape_cast %broadcast_in_dim3A_272 : vector<16x1xi32> to vector<16xi32>
      %gather3A_274 = tpu.dynamic_gather %max3A_261[%gather3A_273] in [0] : vector<16xf32>, vector<16xi32> -> vector<16xf32>
      %max3A_275 = arith.maximumf %max3A_261, %gather3A_274 : vector<16xf32>
      %select_n3A_276 = arith.select %eq3A_220, %max3A_275, %broadcast_in_dim3A_3 : vector<16xi1>, vector<16xf32>
      %shift_right_logical3A_277 = arith.constant 4 : i32
      %shift_right_logical3A_278 = arith.shrui %add3A_6, %shift_right_logical3A_277 : i32
      %sub3A_279 = arith.constant 1 : i32
      %sub3A_280 = arith.subi %add3A_9, %sub3A_279 : i32
      %shift_right_logical3A_281 = arith.constant 4 : i32
      %shift_right_logical3A_282 = arith.shrui %sub3A_280, %shift_right_logical3A_281 : i32
      %mul3A_283 = arith.constant 16 : i32
      %mul3A_284 = arith.muli %shift_right_logical3A_278, %mul3A_283 : i32
      %add3A_285 = vector.broadcast %mul3A_284 : i32 to vector<16xi32>
      %add3A_286 = arith.addi %add3A_285, %iota3A : vector<16xi32>
      %ge3A_287 = vector.broadcast %add3A_6 : i32 to vector<16xi32>
      %ge3A_288 = arith.cmpi sge, %add3A_286, %ge3A_287 : vector<16xi32>
      %lt3A_289 = vector.broadcast %add3A_9 : i32 to vector<16xi32>
      %lt3A_290 = arith.cmpi slt, %add3A_286, %lt3A_289 : vector<16xi32>
      %and3A_291 = arith.andi %ge3A_288, %lt3A_290 : vector<16xi1>
      %mul3A_292 = arith.constant 16 : i32
      %mul3A_293 = arith.muli %shift_right_logical3A_278, %mul3A_292 : i32
      %get3A_294 = tpu.memref_slice %arg6[%mul3A_163] : memref<33024xf32, #tpu.memory_space<vmem>> -> memref<16512xf32, #tpu.memory_space<vmem>>
      %get3A_295 = arith.index_cast %mul3A_293 : i32 to index
      %get3A_296 = tpu.vector_load %get3A_294[%get3A_295] {strides = array<i32>} : memref<16512xf32, #tpu.memory_space<vmem>>, vector<16xf32>,
      %select_n3A_297 = arith.select %and3A_291, %get3A_296, %broadcast_in_dim3A_3 : vector<16xi1>, vector<16xf32>
      %mul3A_298 = arith.constant 16 : i32
      %mul3A_299 = arith.muli %shift_right_logical3A_282, %mul3A_298 : i32
      %add3A_300 = vector.broadcast %mul3A_299 : i32 to vector<16xi32>
      %add3A_301 = arith.addi %add3A_300, %iota3A : vector<16xi32>
      %ge3A_302 = vector.broadcast %add3A_6 : i32 to vector<16xi32>
      %ge3A_303 = arith.cmpi sge, %add3A_301, %ge3A_302 : vector<16xi32>
      %lt3A_304 = vector.broadcast %add3A_9 : i32 to vector<16xi32>
      %lt3A_305 = arith.cmpi slt, %add3A_301, %lt3A_304 : vector<16xi32>
      %and3A_306 = arith.andi %ge3A_303, %lt3A_305 : vector<16xi1>
      %mul3A_307 = arith.constant 16 : i32
      %mul3A_308 = arith.muli %shift_right_logical3A_282, %mul3A_307 : i32
      %get3A_309 = tpu.memref_slice %arg6[%mul3A_163] : memref<33024xf32, #tpu.memory_space<vmem>> -> memref<16512xf32, #tpu.memory_space<vmem>>
      %get3A_310 = arith.index_cast %mul3A_308 : i32 to index
      %get3A_311 = tpu.vector_load %get3A_309[%get3A_310] {strides = array<i32>} : memref<16512xf32, #tpu.memory_space<vmem>>, vector<16xf32>,
      %select_n3A_312 = arith.select %and3A_306, %get3A_311, %broadcast_in_dim3A_3 : vector<16xi1>, vector<16xf32>
      %max3A_313 = arith.maximumf %select_n3A_297, %select_n3A_312 : vector<16xf32>
      %add3A_314 = arith.constant 1 : i32
      %add3A_315 = arith.addi %shift_right_logical3A_278, %add3A_314 : i32
      %sub3A_316 = arith.subi %shift_right_logical3A_282, %add3A_315 : i32
      %ge3A_317 = arith.constant 8 : i32
      %ge3A_318 = arith.cmpi sge, %sub3A_316, %ge3A_317 : i32
      %convert_element_type3A_319 = arith.extui %ge3A_318 : i1 to i32
      %cond3A_320 = arith.constant 0 : i32
      %cond3A_321 = arith.cmpi ne, %convert_element_type3A_319, %cond3A_320 : i32
      %cond3A_322 = scf.if %cond3A_321 -> (vector<16xf32>) {
        %jit3A_1024 = arith.constant 8 : i32
        %div3A_1025 = arith.divsi %sub3A_316, %jit3A_1024 : i32
        %sign3A_1026 = arith.constant 0 : i32
        %sign3A_1027 = arith.cmpi sgt, %sub3A_316, %sign3A_1026 : i32
        %sign3A_1028 = arith.extui %sign3A_1027 : i1 to i32
        %sign3A_1029 = arith.constant 0 : i32
        %sign3A_1030 = arith.cmpi slt, %sub3A_316, %sign3A_1029 : i32
        %sign3A_1031 = arith.extui %sign3A_1030 : i1 to i32
        %sign3A_1032 = arith.subi %sign3A_1028, %sign3A_1031 : i32
        %sign3A_1033 = arith.constant 0 : i32
        %sign3A_1034 = arith.cmpi sgt, %jit3A_1024, %sign3A_1033 : i32
        %sign3A_1035 = arith.extui %sign3A_1034 : i1 to i32
        %sign3A_1036 = arith.constant 0 : i32
        %sign3A_1037 = arith.cmpi slt, %jit3A_1024, %sign3A_1036 : i32
        %sign3A_1038 = arith.extui %sign3A_1037 : i1 to i32
        %sign3A_1039 = arith.subi %sign3A_1035, %sign3A_1038 : i32
        %ne3A_1040 = arith.cmpi ne, %sign3A_1032, %sign3A_1039 : i32
        %rem3A_1041 = arith.remsi %sub3A_316, %jit3A_1024 : i32
        %ne3A_1042 = arith.constant 0 : i32
        %ne3A_1043 = arith.cmpi ne, %rem3A_1041, %ne3A_1042 : i32
        %and3A_1044 = arith.andi %ne3A_1040, %ne3A_1043 : i1
        %sub3A_1045 = arith.constant 1 : i32
        %sub3A_1046 = arith.subi %div3A_1025, %sub3A_1045 : i32
        %select_n3A_1047 = arith.select %and3A_1044, %sub3A_1046, %div3A_1025 : i32
        %while3A_1048 = arith.constant 0 : i32
        %while3A_1049 = arith.subi %select_n3A_1047, %while3A_1048 : i32
        %while3A_1050 = arith.addi %while3A_1048, %while3A_1049 : i32
        %while3A_1051 = arith.constant 1 : i32
        %while3A_1052 = arith.divsi %while3A_1049, %while3A_1051 : i32
        %while3A_1053 = arith.muli %while3A_1052, %while3A_1051 : i32
        %while3A_1054 = arith.addi %while3A_1048, %while3A_1053 : i32
        %while3A_1055 = arith.constant 1 : i32
        %while3A_1056 = scf.for %while3A_1111 = %while3A_1048 to %while3A_1054 step %while3A_1055 iter_args(%while3A_1112 = %max3A_313) -> (vector<16xf32>)  : i32 {
          %mul3A_1113 = arith.constant 8 : i32
          %mul3A_1114 = arith.muli %while3A_1111, %mul3A_1113 : i32
          %add3A_1115 = arith.addi %add3A_315, %mul3A_1114 : i32
          %mul3A_1116 = arith.constant 16 : i32
          %mul3A_1117 = arith.muli %add3A_1115, %mul3A_1116 : i32
          %add3A_1118 = arith.constant 0 : i32
          %add3A_1119 = arith.addi %mul3A_1117, %add3A_1118 : i32
          %get3A_1120 = tpu.memref_slice %arg6[%mul3A_163] : memref<33024xf32, #tpu.memory_space<vmem>> -> memref<16512xf32, #tpu.memory_space<vmem>>
          %get3A_1121 = arith.index_cast %add3A_1119 : i32 to index
          %get3A_1122 = tpu.vector_load %get3A_1120[%get3A_1121] {strides = array<i32>} : memref<16512xf32, #tpu.memory_space<vmem>>, vector<16xf32>,
          %add3A_1123 = arith.constant 16 : i32
          %add3A_1124 = arith.addi %mul3A_1117, %add3A_1123 : i32
          %get3A_1125 = tpu.memref_slice %arg6[%mul3A_163] : memref<33024xf32, #tpu.memory_space<vmem>> -> memref<16512xf32, #tpu.memory_space<vmem>>
          %get3A_1126 = arith.index_cast %add3A_1124 : i32 to index
          %get3A_1127 = tpu.vector_load %get3A_1125[%get3A_1126] {strides = array<i32>} : memref<16512xf32, #tpu.memory_space<vmem>>, vector<16xf32>,
          %add3A_1128 = arith.constant 32 : i32
          %add3A_1129 = arith.addi %mul3A_1117, %add3A_1128 : i32
          %get3A_1130 = tpu.memref_slice %arg6[%mul3A_163] : memref<33024xf32, #tpu.memory_space<vmem>> -> memref<16512xf32, #tpu.memory_space<vmem>>
          %get3A_1131 = arith.index_cast %add3A_1129 : i32 to index
          %get3A_1132 = tpu.vector_load %get3A_1130[%get3A_1131] {strides = array<i32>} : memref<16512xf32, #tpu.memory_space<vmem>>, vector<16xf32>,
          %add3A_1133 = arith.constant 48 : i32
          %add3A_1134 = arith.addi %mul3A_1117, %add3A_1133 : i32
          %get3A_1135 = tpu.memref_slice %arg6[%mul3A_163] : memref<33024xf32, #tpu.memory_space<vmem>> -> memref<16512xf32, #tpu.memory_space<vmem>>
          %get3A_1136 = arith.index_cast %add3A_1134 : i32 to index
          %get3A_1137 = tpu.vector_load %get3A_1135[%get3A_1136] {strides = array<i32>} : memref<16512xf32, #tpu.memory_space<vmem>>, vector<16xf32>,
          %add3A_1138 = arith.constant 64 : i32
          %add3A_1139 = arith.addi %mul3A_1117, %add3A_1138 : i32
          %get3A_1140 = tpu.memref_slice %arg6[%mul3A_163] : memref<33024xf32, #tpu.memory_space<vmem>> -> memref<16512xf32, #tpu.memory_space<vmem>>
          %get3A_1141 = arith.index_cast %add3A_1139 : i32 to index
          %get3A_1142 = tpu.vector_load %get3A_1140[%get3A_1141] {strides = array<i32>} : memref<16512xf32, #tpu.memory_space<vmem>>, vector<16xf32>,
          %add3A_1143 = arith.constant 80 : i32
          %add3A_1144 = arith.addi %mul3A_1117, %add3A_1143 : i32
          %get3A_1145 = tpu.memref_slice %arg6[%mul3A_163] : memref<33024xf32, #tpu.memory_space<vmem>> -> memref<16512xf32, #tpu.memory_space<vmem>>
          %get3A_1146 = arith.index_cast %add3A_1144 : i32 to index
          %get3A_1147 = tpu.vector_load %get3A_1145[%get3A_1146] {strides = array<i32>} : memref<16512xf32, #tpu.memory_space<vmem>>, vector<16xf32>,
          %add3A_1148 = arith.constant 96 : i32
          %add3A_1149 = arith.addi %mul3A_1117, %add3A_1148 : i32
          %get3A_1150 = tpu.memref_slice %arg6[%mul3A_163] : memref<33024xf32, #tpu.memory_space<vmem>> -> memref<16512xf32, #tpu.memory_space<vmem>>
          %get3A_1151 = arith.index_cast %add3A_1149 : i32 to index
          %get3A_1152 = tpu.vector_load %get3A_1150[%get3A_1151] {strides = array<i32>} : memref<16512xf32, #tpu.memory_space<vmem>>, vector<16xf32>,
          %add3A_1153 = arith.constant 112 : i32
          %add3A_1154 = arith.addi %mul3A_1117, %add3A_1153 : i32
          %get3A_1155 = tpu.memref_slice %arg6[%mul3A_163] : memref<33024xf32, #tpu.memory_space<vmem>> -> memref<16512xf32, #tpu.memory_space<vmem>>
          %get3A_1156 = arith.index_cast %add3A_1154 : i32 to index
          %get3A_1157 = tpu.vector_load %get3A_1155[%get3A_1156] {strides = array<i32>} : memref<16512xf32, #tpu.memory_space<vmem>>, vector<16xf32>,
          %max3A_1158 = arith.maximumf %get3A_1122, %get3A_1127 : vector<16xf32>
          %max3A_1159 = arith.maximumf %get3A_1132, %get3A_1137 : vector<16xf32>
          %max3A_1160 = arith.maximumf %get3A_1142, %get3A_1147 : vector<16xf32>
          %max3A_1161 = arith.maximumf %get3A_1152, %get3A_1157 : vector<16xf32>
          %max3A_1162 = arith.maximumf %max3A_1158, %max3A_1159 : vector<16xf32>
          %max3A_1163 = arith.maximumf %max3A_1160, %max3A_1161 : vector<16xf32>
          %max3A_1164 = arith.maximumf %max3A_1162, %max3A_1163 : vector<16xf32>
          %max3A_1165 = arith.maximumf %while3A_1112, %max3A_1164 : vector<16xf32>
          scf.yield %max3A_1165 : vector<16xf32>
        }
        %while3A_1057 = arith.constant 1 : i32
        %while3A_1058 = scf.for %while3A_1111 = %while3A_1054 to %while3A_1050 step %while3A_1057 iter_args(%while3A_1112 = %while3A_1056) -> (vector<16xf32>)  : i32 {
          %mul3A_1113 = arith.constant 8 : i32
          %mul3A_1114 = arith.muli %while3A_1111, %mul3A_1113 : i32
          %add3A_1115 = arith.addi %add3A_315, %mul3A_1114 : i32
          %mul3A_1116 = arith.constant 16 : i32
          %mul3A_1117 = arith.muli %add3A_1115, %mul3A_1116 : i32
          %add3A_1118 = arith.constant 0 : i32
          %add3A_1119 = arith.addi %mul3A_1117, %add3A_1118 : i32
          %get3A_1120 = tpu.memref_slice %arg6[%mul3A_163] : memref<33024xf32, #tpu.memory_space<vmem>> -> memref<16512xf32, #tpu.memory_space<vmem>>
          %get3A_1121 = arith.index_cast %add3A_1119 : i32 to index
          %get3A_1122 = tpu.vector_load %get3A_1120[%get3A_1121] {strides = array<i32>} : memref<16512xf32, #tpu.memory_space<vmem>>, vector<16xf32>,
          %add3A_1123 = arith.constant 16 : i32
          %add3A_1124 = arith.addi %mul3A_1117, %add3A_1123 : i32
          %get3A_1125 = tpu.memref_slice %arg6[%mul3A_163] : memref<33024xf32, #tpu.memory_space<vmem>> -> memref<16512xf32, #tpu.memory_space<vmem>>
          %get3A_1126 = arith.index_cast %add3A_1124 : i32 to index
          %get3A_1127 = tpu.vector_load %get3A_1125[%get3A_1126] {strides = array<i32>} : memref<16512xf32, #tpu.memory_space<vmem>>, vector<16xf32>,
          %add3A_1128 = arith.constant 32 : i32
          %add3A_1129 = arith.addi %mul3A_1117, %add3A_1128 : i32
          %get3A_1130 = tpu.memref_slice %arg6[%mul3A_163] : memref<33024xf32, #tpu.memory_space<vmem>> -> memref<16512xf32, #tpu.memory_space<vmem>>
          %get3A_1131 = arith.index_cast %add3A_1129 : i32 to index
          %get3A_1132 = tpu.vector_load %get3A_1130[%get3A_1131] {strides = array<i32>} : memref<16512xf32, #tpu.memory_space<vmem>>, vector<16xf32>,
          %add3A_1133 = arith.constant 48 : i32
          %add3A_1134 = arith.addi %mul3A_1117, %add3A_1133 : i32
          %get3A_1135 = tpu.memref_slice %arg6[%mul3A_163] : memref<33024xf32, #tpu.memory_space<vmem>> -> memref<16512xf32, #tpu.memory_space<vmem>>
          %get3A_1136 = arith.index_cast %add3A_1134 : i32 to index
          %get3A_1137 = tpu.vector_load %get3A_1135[%get3A_1136] {strides = array<i32>} : memref<16512xf32, #tpu.memory_space<vmem>>, vector<16xf32>,
          %add3A_1138 = arith.constant 64 : i32
          %add3A_1139 = arith.addi %mul3A_1117, %add3A_1138 : i32
          %get3A_1140 = tpu.memref_slice %arg6[%mul3A_163] : memref<33024xf32, #tpu.memory_space<vmem>> -> memref<16512xf32, #tpu.memory_space<vmem>>
          %get3A_1141 = arith.index_cast %add3A_1139 : i32 to index
          %get3A_1142 = tpu.vector_load %get3A_1140[%get3A_1141] {strides = array<i32>} : memref<16512xf32, #tpu.memory_space<vmem>>, vector<16xf32>,
          %add3A_1143 = arith.constant 80 : i32
          %add3A_1144 = arith.addi %mul3A_1117, %add3A_1143 : i32
          %get3A_1145 = tpu.memref_slice %arg6[%mul3A_163] : memref<33024xf32, #tpu.memory_space<vmem>> -> memref<16512xf32, #tpu.memory_space<vmem>>
          %get3A_1146 = arith.index_cast %add3A_1144 : i32 to index
          %get3A_1147 = tpu.vector_load %get3A_1145[%get3A_1146] {strides = array<i32>} : memref<16512xf32, #tpu.memory_space<vmem>>, vector<16xf32>,
          %add3A_1148 = arith.constant 96 : i32
          %add3A_1149 = arith.addi %mul3A_1117, %add3A_1148 : i32
          %get3A_1150 = tpu.memref_slice %arg6[%mul3A_163] : memref<33024xf32, #tpu.memory_space<vmem>> -> memref<16512xf32, #tpu.memory_space<vmem>>
          %get3A_1151 = arith.index_cast %add3A_1149 : i32 to index
          %get3A_1152 = tpu.vector_load %get3A_1150[%get3A_1151] {strides = array<i32>} : memref<16512xf32, #tpu.memory_space<vmem>>, vector<16xf32>,
          %add3A_1153 = arith.constant 112 : i32
          %add3A_1154 = arith.addi %mul3A_1117, %add3A_1153 : i32
          %get3A_1155 = tpu.memref_slice %arg6[%mul3A_163] : memref<33024xf32, #tpu.memory_space<vmem>> -> memref<16512xf32, #tpu.memory_space<vmem>>
          %get3A_1156 = arith.index_cast %add3A_1154 : i32 to index
          %get3A_1157 = tpu.vector_load %get3A_1155[%get3A_1156] {strides = array<i32>} : memref<16512xf32, #tpu.memory_space<vmem>>, vector<16xf32>,
          %max3A_1158 = arith.maximumf %get3A_1122, %get3A_1127 : vector<16xf32>
          %max3A_1159 = arith.maximumf %get3A_1132, %get3A_1137 : vector<16xf32>
          %max3A_1160 = arith.maximumf %get3A_1142, %get3A_1147 : vector<16xf32>
          %max3A_1161 = arith.maximumf %get3A_1152, %get3A_1157 : vector<16xf32>
          %max3A_1162 = arith.maximumf %max3A_1158, %max3A_1159 : vector<16xf32>
          %max3A_1163 = arith.maximumf %max3A_1160, %max3A_1161 : vector<16xf32>
          %max3A_1164 = arith.maximumf %max3A_1162, %max3A_1163 : vector<16xf32>
          %max3A_1165 = arith.maximumf %while3A_1112, %max3A_1164 : vector<16xf32>
          scf.yield %max3A_1165 : vector<16xf32>
        }
        %sub3A_1059 = arith.constant 8 : i32
        %sub3A_1060 = arith.subi %shift_right_logical3A_282, %sub3A_1059 : i32
        %mul3A_1061 = arith.constant 16 : i32
        %mul3A_1062 = arith.muli %sub3A_1060, %mul3A_1061 : i32
        %add3A_1063 = arith.constant 0 : i32
        %add3A_1064 = arith.addi %mul3A_1062, %add3A_1063 : i32
        %get3A_1065 = tpu.memref_slice %arg6[%mul3A_163] : memref<33024xf32, #tpu.memory_space<vmem>> -> memref<16512xf32, #tpu.memory_space<vmem>>
        %get3A_1066 = arith.index_cast %add3A_1064 : i32 to index
        %get3A_1067 = tpu.vector_load %get3A_1065[%get3A_1066] {strides = array<i32>} : memref<16512xf32, #tpu.memory_space<vmem>>, vector<16xf32>,
        %add3A_1068 = arith.constant 16 : i32
        %add3A_1069 = arith.addi %mul3A_1062, %add3A_1068 : i32
        %get3A_1070 = tpu.memref_slice %arg6[%mul3A_163] : memref<33024xf32, #tpu.memory_space<vmem>> -> memref<16512xf32, #tpu.memory_space<vmem>>
        %get3A_1071 = arith.index_cast %add3A_1069 : i32 to index
        %get3A_1072 = tpu.vector_load %get3A_1070[%get3A_1071] {strides = array<i32>} : memref<16512xf32, #tpu.memory_space<vmem>>, vector<16xf32>,
        %add3A_1073 = arith.constant 32 : i32
        %add3A_1074 = arith.addi %mul3A_1062, %add3A_1073 : i32
        %get3A_1075 = tpu.memref_slice %arg6[%mul3A_163] : memref<33024xf32, #tpu.memory_space<vmem>> -> memref<16512xf32, #tpu.memory_space<vmem>>
        %get3A_1076 = arith.index_cast %add3A_1074 : i32 to index
        %get3A_1077 = tpu.vector_load %get3A_1075[%get3A_1076] {strides = array<i32>} : memref<16512xf32, #tpu.memory_space<vmem>>, vector<16xf32>,
        %add3A_1078 = arith.constant 48 : i32
        %add3A_1079 = arith.addi %mul3A_1062, %add3A_1078 : i32
        %get3A_1080 = tpu.memref_slice %arg6[%mul3A_163] : memref<33024xf32, #tpu.memory_space<vmem>> -> memref<16512xf32, #tpu.memory_space<vmem>>
        %get3A_1081 = arith.index_cast %add3A_1079 : i32 to index
        %get3A_1082 = tpu.vector_load %get3A_1080[%get3A_1081] {strides = array<i32>} : memref<16512xf32, #tpu.memory_space<vmem>>, vector<16xf32>,
        %add3A_1083 = arith.constant 64 : i32
        %add3A_1084 = arith.addi %mul3A_1062, %add3A_1083 : i32
        %get3A_1085 = tpu.memref_slice %arg6[%mul3A_163] : memref<33024xf32, #tpu.memory_space<vmem>> -> memref<16512xf32, #tpu.memory_space<vmem>>
        %get3A_1086 = arith.index_cast %add3A_1084 : i32 to index
        %get3A_1087 = tpu.vector_load %get3A_1085[%get3A_1086] {strides = array<i32>} : memref<16512xf32, #tpu.memory_space<vmem>>, vector<16xf32>,
        %add3A_1088 = arith.constant 80 : i32
        %add3A_1089 = arith.addi %mul3A_1062, %add3A_1088 : i32
        %get3A_1090 = tpu.memref_slice %arg6[%mul3A_163] : memref<33024xf32, #tpu.memory_space<vmem>> -> memref<16512xf32, #tpu.memory_space<vmem>>
        %get3A_1091 = arith.index_cast %add3A_1089 : i32 to index
        %get3A_1092 = tpu.vector_load %get3A_1090[%get3A_1091] {strides = array<i32>} : memref<16512xf32, #tpu.memory_space<vmem>>, vector<16xf32>,
        %add3A_1093 = arith.constant 96 : i32
        %add3A_1094 = arith.addi %mul3A_1062, %add3A_1093 : i32
        %get3A_1095 = tpu.memref_slice %arg6[%mul3A_163] : memref<33024xf32, #tpu.memory_space<vmem>> -> memref<16512xf32, #tpu.memory_space<vmem>>
        %get3A_1096 = arith.index_cast %add3A_1094 : i32 to index
        %get3A_1097 = tpu.vector_load %get3A_1095[%get3A_1096] {strides = array<i32>} : memref<16512xf32, #tpu.memory_space<vmem>>, vector<16xf32>,
        %add3A_1098 = arith.constant 112 : i32
        %add3A_1099 = arith.addi %mul3A_1062, %add3A_1098 : i32
        %get3A_1100 = tpu.memref_slice %arg6[%mul3A_163] : memref<33024xf32, #tpu.memory_space<vmem>> -> memref<16512xf32, #tpu.memory_space<vmem>>
        %get3A_1101 = arith.index_cast %add3A_1099 : i32 to index
        %get3A_1102 = tpu.vector_load %get3A_1100[%get3A_1101] {strides = array<i32>} : memref<16512xf32, #tpu.memory_space<vmem>>, vector<16xf32>,
        %max3A_1103 = arith.maximumf %get3A_1067, %get3A_1072 : vector<16xf32>
        %max3A_1104 = arith.maximumf %get3A_1077, %get3A_1082 : vector<16xf32>
        %max3A_1105 = arith.maximumf %get3A_1087, %get3A_1092 : vector<16xf32>
        %max3A_1106 = arith.maximumf %get3A_1097, %get3A_1102 : vector<16xf32>
        %max3A_1107 = arith.maximumf %max3A_1103, %max3A_1104 : vector<16xf32>
        %max3A_1108 = arith.maximumf %max3A_1105, %max3A_1106 : vector<16xf32>
        %max3A_1109 = arith.maximumf %max3A_1107, %max3A_1108 : vector<16xf32>
        %max3A_1110 = arith.maximumf %while3A_1058, %max3A_1109 : vector<16xf32>
        scf.yield %max3A_1110 : vector<16xf32>
      } else {
        %add3A_1024 = arith.constant 0 : i32
        %add3A_1025 = arith.addi %add3A_315, %add3A_1024 : i32
        %lt3A_1026 = arith.cmpi slt, %add3A_1025, %shift_right_logical3A_282 : i32
        %add3A_1027 = arith.constant 0 : i32
        %add3A_1028 = arith.addi %add3A_315, %add3A_1027 : i32
        %mul3A_1029 = arith.constant 16 : i32
        %mul3A_1030 = arith.muli %add3A_1028, %mul3A_1029 : i32
        %get3A_1031 = tpu.memref_slice %arg6[%mul3A_163] : memref<33024xf32, #tpu.memory_space<vmem>> -> memref<16512xf32, #tpu.memory_space<vmem>>
        %get3A_1032 = arith.index_cast %mul3A_1030 : i32 to index
        %get3A_1033 = tpu.vector_load %get3A_1031[%get3A_1032] {strides = array<i32>} : memref<16512xf32, #tpu.memory_space<vmem>>, vector<16xf32>,
        %select_n3A_1034 = arith.select %lt3A_1026, %get3A_1033, %broadcast_in_dim3A_3 : vector<16xf32>
        %add3A_1035 = arith.constant 1 : i32
        %add3A_1036 = arith.addi %add3A_315, %add3A_1035 : i32
        %lt3A_1037 = arith.cmpi slt, %add3A_1036, %shift_right_logical3A_282 : i32
        %add3A_1038 = arith.constant 1 : i32
        %add3A_1039 = arith.addi %add3A_315, %add3A_1038 : i32
        %mul3A_1040 = arith.constant 16 : i32
        %mul3A_1041 = arith.muli %add3A_1039, %mul3A_1040 : i32
        %get3A_1042 = tpu.memref_slice %arg6[%mul3A_163] : memref<33024xf32, #tpu.memory_space<vmem>> -> memref<16512xf32, #tpu.memory_space<vmem>>
        %get3A_1043 = arith.index_cast %mul3A_1041 : i32 to index
        %get3A_1044 = tpu.vector_load %get3A_1042[%get3A_1043] {strides = array<i32>} : memref<16512xf32, #tpu.memory_space<vmem>>, vector<16xf32>,
        %select_n3A_1045 = arith.select %lt3A_1037, %get3A_1044, %broadcast_in_dim3A_3 : vector<16xf32>
        %add3A_1046 = arith.constant 2 : i32
        %add3A_1047 = arith.addi %add3A_315, %add3A_1046 : i32
        %lt3A_1048 = arith.cmpi slt, %add3A_1047, %shift_right_logical3A_282 : i32
        %add3A_1049 = arith.constant 2 : i32
        %add3A_1050 = arith.addi %add3A_315, %add3A_1049 : i32
        %mul3A_1051 = arith.constant 16 : i32
        %mul3A_1052 = arith.muli %add3A_1050, %mul3A_1051 : i32
        %get3A_1053 = tpu.memref_slice %arg6[%mul3A_163] : memref<33024xf32, #tpu.memory_space<vmem>> -> memref<16512xf32, #tpu.memory_space<vmem>>
        %get3A_1054 = arith.index_cast %mul3A_1052 : i32 to index
        %get3A_1055 = tpu.vector_load %get3A_1053[%get3A_1054] {strides = array<i32>} : memref<16512xf32, #tpu.memory_space<vmem>>, vector<16xf32>,
        %select_n3A_1056 = arith.select %lt3A_1048, %get3A_1055, %broadcast_in_dim3A_3 : vector<16xf32>
        %add3A_1057 = arith.constant 3 : i32
        %add3A_1058 = arith.addi %add3A_315, %add3A_1057 : i32
        %lt3A_1059 = arith.cmpi slt, %add3A_1058, %shift_right_logical3A_282 : i32
        %add3A_1060 = arith.constant 3 : i32
        %add3A_1061 = arith.addi %add3A_315, %add3A_1060 : i32
        %mul3A_1062 = arith.constant 16 : i32
        %mul3A_1063 = arith.muli %add3A_1061, %mul3A_1062 : i32
        %get3A_1064 = tpu.memref_slice %arg6[%mul3A_163] : memref<33024xf32, #tpu.memory_space<vmem>> -> memref<16512xf32, #tpu.memory_space<vmem>>
        %get3A_1065 = arith.index_cast %mul3A_1063 : i32 to index
        %get3A_1066 = tpu.vector_load %get3A_1064[%get3A_1065] {strides = array<i32>} : memref<16512xf32, #tpu.memory_space<vmem>>, vector<16xf32>,
        %select_n3A_1067 = arith.select %lt3A_1059, %get3A_1066, %broadcast_in_dim3A_3 : vector<16xf32>
        %add3A_1068 = arith.constant 4 : i32
        %add3A_1069 = arith.addi %add3A_315, %add3A_1068 : i32
        %lt3A_1070 = arith.cmpi slt, %add3A_1069, %shift_right_logical3A_282 : i32
        %add3A_1071 = arith.constant 4 : i32
        %add3A_1072 = arith.addi %add3A_315, %add3A_1071 : i32
        %mul3A_1073 = arith.constant 16 : i32
        %mul3A_1074 = arith.muli %add3A_1072, %mul3A_1073 : i32
        %get3A_1075 = tpu.memref_slice %arg6[%mul3A_163] : memref<33024xf32, #tpu.memory_space<vmem>> -> memref<16512xf32, #tpu.memory_space<vmem>>
        %get3A_1076 = arith.index_cast %mul3A_1074 : i32 to index
        %get3A_1077 = tpu.vector_load %get3A_1075[%get3A_1076] {strides = array<i32>} : memref<16512xf32, #tpu.memory_space<vmem>>, vector<16xf32>,
        %select_n3A_1078 = arith.select %lt3A_1070, %get3A_1077, %broadcast_in_dim3A_3 : vector<16xf32>
        %add3A_1079 = arith.constant 5 : i32
        %add3A_1080 = arith.addi %add3A_315, %add3A_1079 : i32
        %lt3A_1081 = arith.cmpi slt, %add3A_1080, %shift_right_logical3A_282 : i32
        %add3A_1082 = arith.constant 5 : i32
        %add3A_1083 = arith.addi %add3A_315, %add3A_1082 : i32
        %mul3A_1084 = arith.constant 16 : i32
        %mul3A_1085 = arith.muli %add3A_1083, %mul3A_1084 : i32
        %get3A_1086 = tpu.memref_slice %arg6[%mul3A_163] : memref<33024xf32, #tpu.memory_space<vmem>> -> memref<16512xf32, #tpu.memory_space<vmem>>
        %get3A_1087 = arith.index_cast %mul3A_1085 : i32 to index
        %get3A_1088 = tpu.vector_load %get3A_1086[%get3A_1087] {strides = array<i32>} : memref<16512xf32, #tpu.memory_space<vmem>>, vector<16xf32>,
        %select_n3A_1089 = arith.select %lt3A_1081, %get3A_1088, %broadcast_in_dim3A_3 : vector<16xf32>
        %add3A_1090 = arith.constant 6 : i32
        %add3A_1091 = arith.addi %add3A_315, %add3A_1090 : i32
        %lt3A_1092 = arith.cmpi slt, %add3A_1091, %shift_right_logical3A_282 : i32
        %add3A_1093 = arith.constant 6 : i32
        %add3A_1094 = arith.addi %add3A_315, %add3A_1093 : i32
        %mul3A_1095 = arith.constant 16 : i32
        %mul3A_1096 = arith.muli %add3A_1094, %mul3A_1095 : i32
        %get3A_1097 = tpu.memref_slice %arg6[%mul3A_163] : memref<33024xf32, #tpu.memory_space<vmem>> -> memref<16512xf32, #tpu.memory_space<vmem>>
        %get3A_1098 = arith.index_cast %mul3A_1096 : i32 to index
        %get3A_1099 = tpu.vector_load %get3A_1097[%get3A_1098] {strides = array<i32>} : memref<16512xf32, #tpu.memory_space<vmem>>, vector<16xf32>,
        %select_n3A_1100 = arith.select %lt3A_1092, %get3A_1099, %broadcast_in_dim3A_3 : vector<16xf32>
        %add3A_1101 = arith.constant 7 : i32
        %add3A_1102 = arith.addi %add3A_315, %add3A_1101 : i32
        %lt3A_1103 = arith.cmpi slt, %add3A_1102, %shift_right_logical3A_282 : i32
        %add3A_1104 = arith.constant 7 : i32
        %add3A_1105 = arith.addi %add3A_315, %add3A_1104 : i32
        %mul3A_1106 = arith.constant 16 : i32
        %mul3A_1107 = arith.muli %add3A_1105, %mul3A_1106 : i32
        %get3A_1108 = tpu.memref_slice %arg6[%mul3A_163] : memref<33024xf32, #tpu.memory_space<vmem>> -> memref<16512xf32, #tpu.memory_space<vmem>>
        %get3A_1109 = arith.index_cast %mul3A_1107 : i32 to index
        %get3A_1110 = tpu.vector_load %get3A_1108[%get3A_1109] {strides = array<i32>} : memref<16512xf32, #tpu.memory_space<vmem>>, vector<16xf32>,
        %select_n3A_1111 = arith.select %lt3A_1103, %get3A_1110, %broadcast_in_dim3A_3 : vector<16xf32>
        %max3A_1112 = arith.maximumf %select_n3A_1034, %select_n3A_1045 : vector<16xf32>
        %max3A_1113 = arith.maximumf %select_n3A_1056, %select_n3A_1067 : vector<16xf32>
        %max3A_1114 = arith.maximumf %select_n3A_1078, %select_n3A_1089 : vector<16xf32>
        %max3A_1115 = arith.maximumf %select_n3A_1100, %select_n3A_1111 : vector<16xf32>
        %max3A_1116 = arith.maximumf %max3A_1112, %max3A_1113 : vector<16xf32>
        %max3A_1117 = arith.maximumf %max3A_1114, %max3A_1115 : vector<16xf32>
        %max3A_1118 = arith.maximumf %max3A_1116, %max3A_1117 : vector<16xf32>
        %max3A_1119 = arith.maximumf %max3A_313, %max3A_1118 : vector<16xf32>
        scf.yield %max3A_1119 : vector<16xf32>
      }
      %eq3A_323 = arith.constant 1 : i32
      %eq3A_324 = vector.broadcast %eq3A_323 : i32 to vector<16xi32>
      %eq3A_325 = arith.cmpi eq, %iota3A, %eq3A_324 : vector<16xi32>
      %xor3A_326 = arith.constant 8 : i32
      %xor3A_327 = vector.broadcast %xor3A_326 : i32 to vector<16xi32>
      %xor3A_328 = arith.xori %iota3A, %xor3A_327 : vector<16xi32>
      %lt3A_329 = arith.constant 0 : i32
      %lt3A_330 = vector.broadcast %lt3A_329 : i32 to vector<16xi32>
      %lt3A_331 = arith.cmpi slt, %xor3A_328, %lt3A_330 : vector<16xi32>
      %add3A_332 = arith.constant 16 : i32
      %add3A_333 = vector.broadcast %add3A_332 : i32 to vector<16xi32>
      %add3A_334 = arith.addi %xor3A_328, %add3A_333 : vector<16xi32>
      %select_n3A_335 = arith.select %lt3A_331, %add3A_334, %xor3A_328 : vector<16xi1>, vector<16xi32>
      %broadcast_in_dim3A_336 = vector.shape_cast %select_n3A_335 : vector<16xi32> to vector<16x1xi32>
      %gather3A_337 = vector.shape_cast %broadcast_in_dim3A_336 : vector<16x1xi32> to vector<16xi32>
      %gather3A_338 = tpu.dynamic_gather %cond3A_322[%gather3A_337] in [0] : vector<16xf32>, vector<16xi32> -> vector<16xf32>
      %max3A_339 = arith.maximumf %cond3A_322, %gather3A_338 : vector<16xf32>
      %xor3A_340 = arith.constant 4 : i32
      %xor3A_341 = vector.broadcast %xor3A_340 : i32 to vector<16xi32>
      %xor3A_342 = arith.xori %iota3A, %xor3A_341 : vector<16xi32>
      %lt3A_343 = arith.constant 0 : i32
      %lt3A_344 = vector.broadcast %lt3A_343 : i32 to vector<16xi32>
      %lt3A_345 = arith.cmpi slt, %xor3A_342, %lt3A_344 : vector<16xi32>
      %add3A_346 = arith.constant 16 : i32
      %add3A_347 = vector.broadcast %add3A_346 : i32 to vector<16xi32>
      %add3A_348 = arith.addi %xor3A_342, %add3A_347 : vector<16xi32>
      %select_n3A_349 = arith.select %lt3A_345, %add3A_348, %xor3A_342 : vector<16xi1>, vector<16xi32>
      %broadcast_in_dim3A_350 = vector.shape_cast %select_n3A_349 : vector<16xi32> to vector<16x1xi32>
      %gather3A_351 = vector.shape_cast %broadcast_in_dim3A_350 : vector<16x1xi32> to vector<16xi32>
      %gather3A_352 = tpu.dynamic_gather %max3A_339[%gather3A_351] in [0] : vector<16xf32>, vector<16xi32> -> vector<16xf32>
      %max3A_353 = arith.maximumf %max3A_339, %gather3A_352 : vector<16xf32>
      %xor3A_354 = arith.constant 2 : i32
      %xor3A_355 = vector.broadcast %xor3A_354 : i32 to vector<16xi32>
      %xor3A_356 = arith.xori %iota3A, %xor3A_355 : vector<16xi32>
      %lt3A_357 = arith.constant 0 : i32
      %lt3A_358 = vector.broadcast %lt3A_357 : i32 to vector<16xi32>
      %lt3A_359 = arith.cmpi slt, %xor3A_356, %lt3A_358 : vector<16xi32>
      %add3A_360 = arith.constant 16 : i32
      %add3A_361 = vector.broadcast %add3A_360 : i32 to vector<16xi32>
      %add3A_362 = arith.addi %xor3A_356, %add3A_361 : vector<16xi32>
      %select_n3A_363 = arith.select %lt3A_359, %add3A_362, %xor3A_356 : vector<16xi1>, vector<16xi32>
      %broadcast_in_dim3A_364 = vector.shape_cast %select_n3A_363 : vector<16xi32> to vector<16x1xi32>
      %gather3A_365 = vector.shape_cast %broadcast_in_dim3A_364 : vector<16x1xi32> to vector<16xi32>
      %gather3A_366 = tpu.dynamic_gather %max3A_353[%gather3A_365] in [0] : vector<16xf32>, vector<16xi32> -> vector<16xf32>
      %max3A_367 = arith.maximumf %max3A_353, %gather3A_366 : vector<16xf32>
      %xor3A_368 = arith.constant 1 : i32
      %xor3A_369 = vector.broadcast %xor3A_368 : i32 to vector<16xi32>
      %xor3A_370 = arith.xori %iota3A, %xor3A_369 : vector<16xi32>
      %lt3A_371 = arith.constant 0 : i32
      %lt3A_372 = vector.broadcast %lt3A_371 : i32 to vector<16xi32>
      %lt3A_373 = arith.cmpi slt, %xor3A_370, %lt3A_372 : vector<16xi32>
      %add3A_374 = arith.constant 16 : i32
      %add3A_375 = vector.broadcast %add3A_374 : i32 to vector<16xi32>
      %add3A_376 = arith.addi %xor3A_370, %add3A_375 : vector<16xi32>
      %select_n3A_377 = arith.select %lt3A_373, %add3A_376, %xor3A_370 : vector<16xi1>, vector<16xi32>
      %broadcast_in_dim3A_378 = vector.shape_cast %select_n3A_377 : vector<16xi32> to vector<16x1xi32>
      %gather3A_379 = vector.shape_cast %broadcast_in_dim3A_378 : vector<16x1xi32> to vector<16xi32>
      %gather3A_380 = tpu.dynamic_gather %max3A_367[%gather3A_379] in [0] : vector<16xf32>, vector<16xi32> -> vector<16xf32>
      %max3A_381 = arith.maximumf %max3A_367, %gather3A_380 : vector<16xf32>
      %select_n3A_382 = arith.select %eq3A_325, %max3A_381, %select_n3A_276 : vector<16xi1>, vector<16xf32>
      %shift_right_logical3A_383 = arith.constant 4 : i32
      %shift_right_logical3A_384 = arith.shrui %add3A_9, %shift_right_logical3A_383 : i32
      %sub3A_385 = arith.constant 1 : i32
      %sub3A_386 = arith.subi %add3A_12, %sub3A_385 : i32
      %shift_right_logical3A_387 = arith.constant 4 : i32
      %shift_right_logical3A_388 = arith.shrui %sub3A_386, %shift_right_logical3A_387 : i32
      %mul3A_389 = arith.constant 16 : i32
      %mul3A_390 = arith.muli %shift_right_logical3A_384, %mul3A_389 : i32
      %add3A_391 = vector.broadcast %mul3A_390 : i32 to vector<16xi32>
      %add3A_392 = arith.addi %add3A_391, %iota3A : vector<16xi32>
      %ge3A_393 = vector.broadcast %add3A_9 : i32 to vector<16xi32>
      %ge3A_394 = arith.cmpi sge, %add3A_392, %ge3A_393 : vector<16xi32>
      %lt3A_395 = vector.broadcast %add3A_12 : i32 to vector<16xi32>
      %lt3A_396 = arith.cmpi slt, %add3A_392, %lt3A_395 : vector<16xi32>
      %and3A_397 = arith.andi %ge3A_394, %lt3A_396 : vector<16xi1>
      %mul3A_398 = arith.constant 16 : i32
      %mul3A_399 = arith.muli %shift_right_logical3A_384, %mul3A_398 : i32
      %get3A_400 = tpu.memref_slice %arg6[%mul3A_163] : memref<33024xf32, #tpu.memory_space<vmem>> -> memref<16512xf32, #tpu.memory_space<vmem>>
      %get3A_401 = arith.index_cast %mul3A_399 : i32 to index
      %get3A_402 = tpu.vector_load %get3A_400[%get3A_401] {strides = array<i32>} : memref<16512xf32, #tpu.memory_space<vmem>>, vector<16xf32>,
      %select_n3A_403 = arith.select %and3A_397, %get3A_402, %broadcast_in_dim3A_3 : vector<16xi1>, vector<16xf32>
      %mul3A_404 = arith.constant 16 : i32
      %mul3A_405 = arith.muli %shift_right_logical3A_388, %mul3A_404 : i32
      %add3A_406 = vector.broadcast %mul3A_405 : i32 to vector<16xi32>
      %add3A_407 = arith.addi %add3A_406, %iota3A : vector<16xi32>
      %ge3A_408 = vector.broadcast %add3A_9 : i32 to vector<16xi32>
      %ge3A_409 = arith.cmpi sge, %add3A_407, %ge3A_408 : vector<16xi32>
      %lt3A_410 = vector.broadcast %add3A_12 : i32 to vector<16xi32>
      %lt3A_411 = arith.cmpi slt, %add3A_407, %lt3A_410 : vector<16xi32>
      %and3A_412 = arith.andi %ge3A_409, %lt3A_411 : vector<16xi1>
      %mul3A_413 = arith.constant 16 : i32
      %mul3A_414 = arith.muli %shift_right_logical3A_388, %mul3A_413 : i32
      %get3A_415 = tpu.memref_slice %arg6[%mul3A_163] : memref<33024xf32, #tpu.memory_space<vmem>> -> memref<16512xf32, #tpu.memory_space<vmem>>
      %get3A_416 = arith.index_cast %mul3A_414 : i32 to index
      %get3A_417 = tpu.vector_load %get3A_415[%get3A_416] {strides = array<i32>} : memref<16512xf32, #tpu.memory_space<vmem>>, vector<16xf32>,
      %select_n3A_418 = arith.select %and3A_412, %get3A_417, %broadcast_in_dim3A_3 : vector<16xi1>, vector<16xf32>
      %max3A_419 = arith.maximumf %select_n3A_403, %select_n3A_418 : vector<16xf32>
      %add3A_420 = arith.constant 1 : i32
      %add3A_421 = arith.addi %shift_right_logical3A_384, %add3A_420 : i32
      %sub3A_422 = arith.subi %shift_right_logical3A_388, %add3A_421 : i32
      %ge3A_423 = arith.constant 8 : i32
      %ge3A_424 = arith.cmpi sge, %sub3A_422, %ge3A_423 : i32
      %convert_element_type3A_425 = arith.extui %ge3A_424 : i1 to i32
      %cond3A_426 = arith.constant 0 : i32
      %cond3A_427 = arith.cmpi ne, %convert_element_type3A_425, %cond3A_426 : i32
      %cond3A_428 = scf.if %cond3A_427 -> (vector<16xf32>) {
        %jit3A_1024 = arith.constant 8 : i32
        %div3A_1025 = arith.divsi %sub3A_422, %jit3A_1024 : i32
        %sign3A_1026 = arith.constant 0 : i32
        %sign3A_1027 = arith.cmpi sgt, %sub3A_422, %sign3A_1026 : i32
        %sign3A_1028 = arith.extui %sign3A_1027 : i1 to i32
        %sign3A_1029 = arith.constant 0 : i32
        %sign3A_1030 = arith.cmpi slt, %sub3A_422, %sign3A_1029 : i32
        %sign3A_1031 = arith.extui %sign3A_1030 : i1 to i32
        %sign3A_1032 = arith.subi %sign3A_1028, %sign3A_1031 : i32
        %sign3A_1033 = arith.constant 0 : i32
        %sign3A_1034 = arith.cmpi sgt, %jit3A_1024, %sign3A_1033 : i32
        %sign3A_1035 = arith.extui %sign3A_1034 : i1 to i32
        %sign3A_1036 = arith.constant 0 : i32
        %sign3A_1037 = arith.cmpi slt, %jit3A_1024, %sign3A_1036 : i32
        %sign3A_1038 = arith.extui %sign3A_1037 : i1 to i32
        %sign3A_1039 = arith.subi %sign3A_1035, %sign3A_1038 : i32
        %ne3A_1040 = arith.cmpi ne, %sign3A_1032, %sign3A_1039 : i32
        %rem3A_1041 = arith.remsi %sub3A_422, %jit3A_1024 : i32
        %ne3A_1042 = arith.constant 0 : i32
        %ne3A_1043 = arith.cmpi ne, %rem3A_1041, %ne3A_1042 : i32
        %and3A_1044 = arith.andi %ne3A_1040, %ne3A_1043 : i1
        %sub3A_1045 = arith.constant 1 : i32
        %sub3A_1046 = arith.subi %div3A_1025, %sub3A_1045 : i32
        %select_n3A_1047 = arith.select %and3A_1044, %sub3A_1046, %div3A_1025 : i32
        %while3A_1048 = arith.constant 0 : i32
        %while3A_1049 = arith.subi %select_n3A_1047, %while3A_1048 : i32
        %while3A_1050 = arith.addi %while3A_1048, %while3A_1049 : i32
        %while3A_1051 = arith.constant 1 : i32
        %while3A_1052 = arith.divsi %while3A_1049, %while3A_1051 : i32
        %while3A_1053 = arith.muli %while3A_1052, %while3A_1051 : i32
        %while3A_1054 = arith.addi %while3A_1048, %while3A_1053 : i32
        %while3A_1055 = arith.constant 1 : i32
        %while3A_1056 = scf.for %while3A_1111 = %while3A_1048 to %while3A_1054 step %while3A_1055 iter_args(%while3A_1112 = %max3A_419) -> (vector<16xf32>)  : i32 {
          %mul3A_1113 = arith.constant 8 : i32
          %mul3A_1114 = arith.muli %while3A_1111, %mul3A_1113 : i32
          %add3A_1115 = arith.addi %add3A_421, %mul3A_1114 : i32
          %mul3A_1116 = arith.constant 16 : i32
          %mul3A_1117 = arith.muli %add3A_1115, %mul3A_1116 : i32
          %add3A_1118 = arith.constant 0 : i32
          %add3A_1119 = arith.addi %mul3A_1117, %add3A_1118 : i32
          %get3A_1120 = tpu.memref_slice %arg6[%mul3A_163] : memref<33024xf32, #tpu.memory_space<vmem>> -> memref<16512xf32, #tpu.memory_space<vmem>>
          %get3A_1121 = arith.index_cast %add3A_1119 : i32 to index
          %get3A_1122 = tpu.vector_load %get3A_1120[%get3A_1121] {strides = array<i32>} : memref<16512xf32, #tpu.memory_space<vmem>>, vector<16xf32>,
          %add3A_1123 = arith.constant 16 : i32
          %add3A_1124 = arith.addi %mul3A_1117, %add3A_1123 : i32
          %get3A_1125 = tpu.memref_slice %arg6[%mul3A_163] : memref<33024xf32, #tpu.memory_space<vmem>> -> memref<16512xf32, #tpu.memory_space<vmem>>
          %get3A_1126 = arith.index_cast %add3A_1124 : i32 to index
          %get3A_1127 = tpu.vector_load %get3A_1125[%get3A_1126] {strides = array<i32>} : memref<16512xf32, #tpu.memory_space<vmem>>, vector<16xf32>,
          %add3A_1128 = arith.constant 32 : i32
          %add3A_1129 = arith.addi %mul3A_1117, %add3A_1128 : i32
          %get3A_1130 = tpu.memref_slice %arg6[%mul3A_163] : memref<33024xf32, #tpu.memory_space<vmem>> -> memref<16512xf32, #tpu.memory_space<vmem>>
          %get3A_1131 = arith.index_cast %add3A_1129 : i32 to index
          %get3A_1132 = tpu.vector_load %get3A_1130[%get3A_1131] {strides = array<i32>} : memref<16512xf32, #tpu.memory_space<vmem>>, vector<16xf32>,
          %add3A_1133 = arith.constant 48 : i32
          %add3A_1134 = arith.addi %mul3A_1117, %add3A_1133 : i32
          %get3A_1135 = tpu.memref_slice %arg6[%mul3A_163] : memref<33024xf32, #tpu.memory_space<vmem>> -> memref<16512xf32, #tpu.memory_space<vmem>>
          %get3A_1136 = arith.index_cast %add3A_1134 : i32 to index
          %get3A_1137 = tpu.vector_load %get3A_1135[%get3A_1136] {strides = array<i32>} : memref<16512xf32, #tpu.memory_space<vmem>>, vector<16xf32>,
          %add3A_1138 = arith.constant 64 : i32
          %add3A_1139 = arith.addi %mul3A_1117, %add3A_1138 : i32
          %get3A_1140 = tpu.memref_slice %arg6[%mul3A_163] : memref<33024xf32, #tpu.memory_space<vmem>> -> memref<16512xf32, #tpu.memory_space<vmem>>
          %get3A_1141 = arith.index_cast %add3A_1139 : i32 to index
          %get3A_1142 = tpu.vector_load %get3A_1140[%get3A_1141] {strides = array<i32>} : memref<16512xf32, #tpu.memory_space<vmem>>, vector<16xf32>,
          %add3A_1143 = arith.constant 80 : i32
          %add3A_1144 = arith.addi %mul3A_1117, %add3A_1143 : i32
          %get3A_1145 = tpu.memref_slice %arg6[%mul3A_163] : memref<33024xf32, #tpu.memory_space<vmem>> -> memref<16512xf32, #tpu.memory_space<vmem>>
          %get3A_1146 = arith.index_cast %add3A_1144 : i32 to index
          %get3A_1147 = tpu.vector_load %get3A_1145[%get3A_1146] {strides = array<i32>} : memref<16512xf32, #tpu.memory_space<vmem>>, vector<16xf32>,
          %add3A_1148 = arith.constant 96 : i32
          %add3A_1149 = arith.addi %mul3A_1117, %add3A_1148 : i32
          %get3A_1150 = tpu.memref_slice %arg6[%mul3A_163] : memref<33024xf32, #tpu.memory_space<vmem>> -> memref<16512xf32, #tpu.memory_space<vmem>>
          %get3A_1151 = arith.index_cast %add3A_1149 : i32 to index
          %get3A_1152 = tpu.vector_load %get3A_1150[%get3A_1151] {strides = array<i32>} : memref<16512xf32, #tpu.memory_space<vmem>>, vector<16xf32>,
          %add3A_1153 = arith.constant 112 : i32
          %add3A_1154 = arith.addi %mul3A_1117, %add3A_1153 : i32
          %get3A_1155 = tpu.memref_slice %arg6[%mul3A_163] : memref<33024xf32, #tpu.memory_space<vmem>> -> memref<16512xf32, #tpu.memory_space<vmem>>
          %get3A_1156 = arith.index_cast %add3A_1154 : i32 to index
          %get3A_1157 = tpu.vector_load %get3A_1155[%get3A_1156] {strides = array<i32>} : memref<16512xf32, #tpu.memory_space<vmem>>, vector<16xf32>,
          %max3A_1158 = arith.maximumf %get3A_1122, %get3A_1127 : vector<16xf32>
          %max3A_1159 = arith.maximumf %get3A_1132, %get3A_1137 : vector<16xf32>
          %max3A_1160 = arith.maximumf %get3A_1142, %get3A_1147 : vector<16xf32>
          %max3A_1161 = arith.maximumf %get3A_1152, %get3A_1157 : vector<16xf32>
          %max3A_1162 = arith.maximumf %max3A_1158, %max3A_1159 : vector<16xf32>
          %max3A_1163 = arith.maximumf %max3A_1160, %max3A_1161 : vector<16xf32>
          %max3A_1164 = arith.maximumf %max3A_1162, %max3A_1163 : vector<16xf32>
          %max3A_1165 = arith.maximumf %while3A_1112, %max3A_1164 : vector<16xf32>
          scf.yield %max3A_1165 : vector<16xf32>
        }
        %while3A_1057 = arith.constant 1 : i32
        %while3A_1058 = scf.for %while3A_1111 = %while3A_1054 to %while3A_1050 step %while3A_1057 iter_args(%while3A_1112 = %while3A_1056) -> (vector<16xf32>)  : i32 {
          %mul3A_1113 = arith.constant 8 : i32
          %mul3A_1114 = arith.muli %while3A_1111, %mul3A_1113 : i32
          %add3A_1115 = arith.addi %add3A_421, %mul3A_1114 : i32
          %mul3A_1116 = arith.constant 16 : i32
          %mul3A_1117 = arith.muli %add3A_1115, %mul3A_1116 : i32
          %add3A_1118 = arith.constant 0 : i32
          %add3A_1119 = arith.addi %mul3A_1117, %add3A_1118 : i32
          %get3A_1120 = tpu.memref_slice %arg6[%mul3A_163] : memref<33024xf32, #tpu.memory_space<vmem>> -> memref<16512xf32, #tpu.memory_space<vmem>>
          %get3A_1121 = arith.index_cast %add3A_1119 : i32 to index
          %get3A_1122 = tpu.vector_load %get3A_1120[%get3A_1121] {strides = array<i32>} : memref<16512xf32, #tpu.memory_space<vmem>>, vector<16xf32>,
          %add3A_1123 = arith.constant 16 : i32
          %add3A_1124 = arith.addi %mul3A_1117, %add3A_1123 : i32
          %get3A_1125 = tpu.memref_slice %arg6[%mul3A_163] : memref<33024xf32, #tpu.memory_space<vmem>> -> memref<16512xf32, #tpu.memory_space<vmem>>
          %get3A_1126 = arith.index_cast %add3A_1124 : i32 to index
          %get3A_1127 = tpu.vector_load %get3A_1125[%get3A_1126] {strides = array<i32>} : memref<16512xf32, #tpu.memory_space<vmem>>, vector<16xf32>,
          %add3A_1128 = arith.constant 32 : i32
          %add3A_1129 = arith.addi %mul3A_1117, %add3A_1128 : i32
          %get3A_1130 = tpu.memref_slice %arg6[%mul3A_163] : memref<33024xf32, #tpu.memory_space<vmem>> -> memref<16512xf32, #tpu.memory_space<vmem>>
          %get3A_1131 = arith.index_cast %add3A_1129 : i32 to index
          %get3A_1132 = tpu.vector_load %get3A_1130[%get3A_1131] {strides = array<i32>} : memref<16512xf32, #tpu.memory_space<vmem>>, vector<16xf32>,
          %add3A_1133 = arith.constant 48 : i32
          %add3A_1134 = arith.addi %mul3A_1117, %add3A_1133 : i32
          %get3A_1135 = tpu.memref_slice %arg6[%mul3A_163] : memref<33024xf32, #tpu.memory_space<vmem>> -> memref<16512xf32, #tpu.memory_space<vmem>>
          %get3A_1136 = arith.index_cast %add3A_1134 : i32 to index
          %get3A_1137 = tpu.vector_load %get3A_1135[%get3A_1136] {strides = array<i32>} : memref<16512xf32, #tpu.memory_space<vmem>>, vector<16xf32>,
          %add3A_1138 = arith.constant 64 : i32
          %add3A_1139 = arith.addi %mul3A_1117, %add3A_1138 : i32
          %get3A_1140 = tpu.memref_slice %arg6[%mul3A_163] : memref<33024xf32, #tpu.memory_space<vmem>> -> memref<16512xf32, #tpu.memory_space<vmem>>
          %get3A_1141 = arith.index_cast %add3A_1139 : i32 to index
          %get3A_1142 = tpu.vector_load %get3A_1140[%get3A_1141] {strides = array<i32>} : memref<16512xf32, #tpu.memory_space<vmem>>, vector<16xf32>,
          %add3A_1143 = arith.constant 80 : i32
          %add3A_1144 = arith.addi %mul3A_1117, %add3A_1143 : i32
          %get3A_1145 = tpu.memref_slice %arg6[%mul3A_163] : memref<33024xf32, #tpu.memory_space<vmem>> -> memref<16512xf32, #tpu.memory_space<vmem>>
          %get3A_1146 = arith.index_cast %add3A_1144 : i32 to index
          %get3A_1147 = tpu.vector_load %get3A_1145[%get3A_1146] {strides = array<i32>} : memref<16512xf32, #tpu.memory_space<vmem>>, vector<16xf32>,
          %add3A_1148 = arith.constant 96 : i32
          %add3A_1149 = arith.addi %mul3A_1117, %add3A_1148 : i32
          %get3A_1150 = tpu.memref_slice %arg6[%mul3A_163] : memref<33024xf32, #tpu.memory_space<vmem>> -> memref<16512xf32, #tpu.memory_space<vmem>>
          %get3A_1151 = arith.index_cast %add3A_1149 : i32 to index
          %get3A_1152 = tpu.vector_load %get3A_1150[%get3A_1151] {strides = array<i32>} : memref<16512xf32, #tpu.memory_space<vmem>>, vector<16xf32>,
          %add3A_1153 = arith.constant 112 : i32
          %add3A_1154 = arith.addi %mul3A_1117, %add3A_1153 : i32
          %get3A_1155 = tpu.memref_slice %arg6[%mul3A_163] : memref<33024xf32, #tpu.memory_space<vmem>> -> memref<16512xf32, #tpu.memory_space<vmem>>
          %get3A_1156 = arith.index_cast %add3A_1154 : i32 to index
          %get3A_1157 = tpu.vector_load %get3A_1155[%get3A_1156] {strides = array<i32>} : memref<16512xf32, #tpu.memory_space<vmem>>, vector<16xf32>,
          %max3A_1158 = arith.maximumf %get3A_1122, %get3A_1127 : vector<16xf32>
          %max3A_1159 = arith.maximumf %get3A_1132, %get3A_1137 : vector<16xf32>
          %max3A_1160 = arith.maximumf %get3A_1142, %get3A_1147 : vector<16xf32>
          %max3A_1161 = arith.maximumf %get3A_1152, %get3A_1157 : vector<16xf32>
          %max3A_1162 = arith.maximumf %max3A_1158, %max3A_1159 : vector<16xf32>
          %max3A_1163 = arith.maximumf %max3A_1160, %max3A_1161 : vector<16xf32>
          %max3A_1164 = arith.maximumf %max3A_1162, %max3A_1163 : vector<16xf32>
          %max3A_1165 = arith.maximumf %while3A_1112, %max3A_1164 : vector<16xf32>
          scf.yield %max3A_1165 : vector<16xf32>
        }
        %sub3A_1059 = arith.constant 8 : i32
        %sub3A_1060 = arith.subi %shift_right_logical3A_388, %sub3A_1059 : i32
        %mul3A_1061 = arith.constant 16 : i32
        %mul3A_1062 = arith.muli %sub3A_1060, %mul3A_1061 : i32
        %add3A_1063 = arith.constant 0 : i32
        %add3A_1064 = arith.addi %mul3A_1062, %add3A_1063 : i32
        %get3A_1065 = tpu.memref_slice %arg6[%mul3A_163] : memref<33024xf32, #tpu.memory_space<vmem>> -> memref<16512xf32, #tpu.memory_space<vmem>>
        %get3A_1066 = arith.index_cast %add3A_1064 : i32 to index
        %get3A_1067 = tpu.vector_load %get3A_1065[%get3A_1066] {strides = array<i32>} : memref<16512xf32, #tpu.memory_space<vmem>>, vector<16xf32>,
        %add3A_1068 = arith.constant 16 : i32
        %add3A_1069 = arith.addi %mul3A_1062, %add3A_1068 : i32
        %get3A_1070 = tpu.memref_slice %arg6[%mul3A_163] : memref<33024xf32, #tpu.memory_space<vmem>> -> memref<16512xf32, #tpu.memory_space<vmem>>
        %get3A_1071 = arith.index_cast %add3A_1069 : i32 to index
        %get3A_1072 = tpu.vector_load %get3A_1070[%get3A_1071] {strides = array<i32>} : memref<16512xf32, #tpu.memory_space<vmem>>, vector<16xf32>,
        %add3A_1073 = arith.constant 32 : i32
        %add3A_1074 = arith.addi %mul3A_1062, %add3A_1073 : i32
        %get3A_1075 = tpu.memref_slice %arg6[%mul3A_163] : memref<33024xf32, #tpu.memory_space<vmem>> -> memref<16512xf32, #tpu.memory_space<vmem>>
        %get3A_1076 = arith.index_cast %add3A_1074 : i32 to index
        %get3A_1077 = tpu.vector_load %get3A_1075[%get3A_1076] {strides = array<i32>} : memref<16512xf32, #tpu.memory_space<vmem>>, vector<16xf32>,
        %add3A_1078 = arith.constant 48 : i32
        %add3A_1079 = arith.addi %mul3A_1062, %add3A_1078 : i32
        %get3A_1080 = tpu.memref_slice %arg6[%mul3A_163] : memref<33024xf32, #tpu.memory_space<vmem>> -> memref<16512xf32, #tpu.memory_space<vmem>>
        %get3A_1081 = arith.index_cast %add3A_1079 : i32 to index
        %get3A_1082 = tpu.vector_load %get3A_1080[%get3A_1081] {strides = array<i32>} : memref<16512xf32, #tpu.memory_space<vmem>>, vector<16xf32>,
        %add3A_1083 = arith.constant 64 : i32
        %add3A_1084 = arith.addi %mul3A_1062, %add3A_1083 : i32
        %get3A_1085 = tpu.memref_slice %arg6[%mul3A_163] : memref<33024xf32, #tpu.memory_space<vmem>> -> memref<16512xf32, #tpu.memory_space<vmem>>
        %get3A_1086 = arith.index_cast %add3A_1084 : i32 to index
        %get3A_1087 = tpu.vector_load %get3A_1085[%get3A_1086] {strides = array<i32>} : memref<16512xf32, #tpu.memory_space<vmem>>, vector<16xf32>,
        %add3A_1088 = arith.constant 80 : i32
        %add3A_1089 = arith.addi %mul3A_1062, %add3A_1088 : i32
        %get3A_1090 = tpu.memref_slice %arg6[%mul3A_163] : memref<33024xf32, #tpu.memory_space<vmem>> -> memref<16512xf32, #tpu.memory_space<vmem>>
        %get3A_1091 = arith.index_cast %add3A_1089 : i32 to index
        %get3A_1092 = tpu.vector_load %get3A_1090[%get3A_1091] {strides = array<i32>} : memref<16512xf32, #tpu.memory_space<vmem>>, vector<16xf32>,
        %add3A_1093 = arith.constant 96 : i32
        %add3A_1094 = arith.addi %mul3A_1062, %add3A_1093 : i32
        %get3A_1095 = tpu.memref_slice %arg6[%mul3A_163] : memref<33024xf32, #tpu.memory_space<vmem>> -> memref<16512xf32, #tpu.memory_space<vmem>>
        %get3A_1096 = arith.index_cast %add3A_1094 : i32 to index
        %get3A_1097 = tpu.vector_load %get3A_1095[%get3A_1096] {strides = array<i32>} : memref<16512xf32, #tpu.memory_space<vmem>>, vector<16xf32>,
        %add3A_1098 = arith.constant 112 : i32
        %add3A_1099 = arith.addi %mul3A_1062, %add3A_1098 : i32
        %get3A_1100 = tpu.memref_slice %arg6[%mul3A_163] : memref<33024xf32, #tpu.memory_space<vmem>> -> memref<16512xf32, #tpu.memory_space<vmem>>
        %get3A_1101 = arith.index_cast %add3A_1099 : i32 to index
        %get3A_1102 = tpu.vector_load %get3A_1100[%get3A_1101] {strides = array<i32>} : memref<16512xf32, #tpu.memory_space<vmem>>, vector<16xf32>,
        %max3A_1103 = arith.maximumf %get3A_1067, %get3A_1072 : vector<16xf32>
        %max3A_1104 = arith.maximumf %get3A_1077, %get3A_1082 : vector<16xf32>
        %max3A_1105 = arith.maximumf %get3A_1087, %get3A_1092 : vector<16xf32>
        %max3A_1106 = arith.maximumf %get3A_1097, %get3A_1102 : vector<16xf32>
        %max3A_1107 = arith.maximumf %max3A_1103, %max3A_1104 : vector<16xf32>
        %max3A_1108 = arith.maximumf %max3A_1105, %max3A_1106 : vector<16xf32>
        %max3A_1109 = arith.maximumf %max3A_1107, %max3A_1108 : vector<16xf32>
        %max3A_1110 = arith.maximumf %while3A_1058, %max3A_1109 : vector<16xf32>
        scf.yield %max3A_1110 : vector<16xf32>
      } else {
        %add3A_1024 = arith.constant 0 : i32
        %add3A_1025 = arith.addi %add3A_421, %add3A_1024 : i32
        %lt3A_1026 = arith.cmpi slt, %add3A_1025, %shift_right_logical3A_388 : i32
        %add3A_1027 = arith.constant 0 : i32
        %add3A_1028 = arith.addi %add3A_421, %add3A_1027 : i32
        %mul3A_1029 = arith.constant 16 : i32
        %mul3A_1030 = arith.muli %add3A_1028, %mul3A_1029 : i32
        %get3A_1031 = tpu.memref_slice %arg6[%mul3A_163] : memref<33024xf32, #tpu.memory_space<vmem>> -> memref<16512xf32, #tpu.memory_space<vmem>>
        %get3A_1032 = arith.index_cast %mul3A_1030 : i32 to index
        %get3A_1033 = tpu.vector_load %get3A_1031[%get3A_1032] {strides = array<i32>} : memref<16512xf32, #tpu.memory_space<vmem>>, vector<16xf32>,
        %select_n3A_1034 = arith.select %lt3A_1026, %get3A_1033, %broadcast_in_dim3A_3 : vector<16xf32>
        %add3A_1035 = arith.constant 1 : i32
        %add3A_1036 = arith.addi %add3A_421, %add3A_1035 : i32
        %lt3A_1037 = arith.cmpi slt, %add3A_1036, %shift_right_logical3A_388 : i32
        %add3A_1038 = arith.constant 1 : i32
        %add3A_1039 = arith.addi %add3A_421, %add3A_1038 : i32
        %mul3A_1040 = arith.constant 16 : i32
        %mul3A_1041 = arith.muli %add3A_1039, %mul3A_1040 : i32
        %get3A_1042 = tpu.memref_slice %arg6[%mul3A_163] : memref<33024xf32, #tpu.memory_space<vmem>> -> memref<16512xf32, #tpu.memory_space<vmem>>
        %get3A_1043 = arith.index_cast %mul3A_1041 : i32 to index
        %get3A_1044 = tpu.vector_load %get3A_1042[%get3A_1043] {strides = array<i32>} : memref<16512xf32, #tpu.memory_space<vmem>>, vector<16xf32>,
        %select_n3A_1045 = arith.select %lt3A_1037, %get3A_1044, %broadcast_in_dim3A_3 : vector<16xf32>
        %add3A_1046 = arith.constant 2 : i32
        %add3A_1047 = arith.addi %add3A_421, %add3A_1046 : i32
        %lt3A_1048 = arith.cmpi slt, %add3A_1047, %shift_right_logical3A_388 : i32
        %add3A_1049 = arith.constant 2 : i32
        %add3A_1050 = arith.addi %add3A_421, %add3A_1049 : i32
        %mul3A_1051 = arith.constant 16 : i32
        %mul3A_1052 = arith.muli %add3A_1050, %mul3A_1051 : i32
        %get3A_1053 = tpu.memref_slice %arg6[%mul3A_163] : memref<33024xf32, #tpu.memory_space<vmem>> -> memref<16512xf32, #tpu.memory_space<vmem>>
        %get3A_1054 = arith.index_cast %mul3A_1052 : i32 to index
        %get3A_1055 = tpu.vector_load %get3A_1053[%get3A_1054] {strides = array<i32>} : memref<16512xf32, #tpu.memory_space<vmem>>, vector<16xf32>,
        %select_n3A_1056 = arith.select %lt3A_1048, %get3A_1055, %broadcast_in_dim3A_3 : vector<16xf32>
        %add3A_1057 = arith.constant 3 : i32
        %add3A_1058 = arith.addi %add3A_421, %add3A_1057 : i32
        %lt3A_1059 = arith.cmpi slt, %add3A_1058, %shift_right_logical3A_388 : i32
        %add3A_1060 = arith.constant 3 : i32
        %add3A_1061 = arith.addi %add3A_421, %add3A_1060 : i32
        %mul3A_1062 = arith.constant 16 : i32
        %mul3A_1063 = arith.muli %add3A_1061, %mul3A_1062 : i32
        %get3A_1064 = tpu.memref_slice %arg6[%mul3A_163] : memref<33024xf32, #tpu.memory_space<vmem>> -> memref<16512xf32, #tpu.memory_space<vmem>>
        %get3A_1065 = arith.index_cast %mul3A_1063 : i32 to index
        %get3A_1066 = tpu.vector_load %get3A_1064[%get3A_1065] {strides = array<i32>} : memref<16512xf32, #tpu.memory_space<vmem>>, vector<16xf32>,
        %select_n3A_1067 = arith.select %lt3A_1059, %get3A_1066, %broadcast_in_dim3A_3 : vector<16xf32>
        %add3A_1068 = arith.constant 4 : i32
        %add3A_1069 = arith.addi %add3A_421, %add3A_1068 : i32
        %lt3A_1070 = arith.cmpi slt, %add3A_1069, %shift_right_logical3A_388 : i32
        %add3A_1071 = arith.constant 4 : i32
        %add3A_1072 = arith.addi %add3A_421, %add3A_1071 : i32
        %mul3A_1073 = arith.constant 16 : i32
        %mul3A_1074 = arith.muli %add3A_1072, %mul3A_1073 : i32
        %get3A_1075 = tpu.memref_slice %arg6[%mul3A_163] : memref<33024xf32, #tpu.memory_space<vmem>> -> memref<16512xf32, #tpu.memory_space<vmem>>
        %get3A_1076 = arith.index_cast %mul3A_1074 : i32 to index
        %get3A_1077 = tpu.vector_load %get3A_1075[%get3A_1076] {strides = array<i32>} : memref<16512xf32, #tpu.memory_space<vmem>>, vector<16xf32>,
        %select_n3A_1078 = arith.select %lt3A_1070, %get3A_1077, %broadcast_in_dim3A_3 : vector<16xf32>
        %add3A_1079 = arith.constant 5 : i32
        %add3A_1080 = arith.addi %add3A_421, %add3A_1079 : i32
        %lt3A_1081 = arith.cmpi slt, %add3A_1080, %shift_right_logical3A_388 : i32
        %add3A_1082 = arith.constant 5 : i32
        %add3A_1083 = arith.addi %add3A_421, %add3A_1082 : i32
        %mul3A_1084 = arith.constant 16 : i32
        %mul3A_1085 = arith.muli %add3A_1083, %mul3A_1084 : i32
        %get3A_1086 = tpu.memref_slice %arg6[%mul3A_163] : memref<33024xf32, #tpu.memory_space<vmem>> -> memref<16512xf32, #tpu.memory_space<vmem>>
        %get3A_1087 = arith.index_cast %mul3A_1085 : i32 to index
        %get3A_1088 = tpu.vector_load %get3A_1086[%get3A_1087] {strides = array<i32>} : memref<16512xf32, #tpu.memory_space<vmem>>, vector<16xf32>,
        %select_n3A_1089 = arith.select %lt3A_1081, %get3A_1088, %broadcast_in_dim3A_3 : vector<16xf32>
        %add3A_1090 = arith.constant 6 : i32
        %add3A_1091 = arith.addi %add3A_421, %add3A_1090 : i32
        %lt3A_1092 = arith.cmpi slt, %add3A_1091, %shift_right_logical3A_388 : i32
        %add3A_1093 = arith.constant 6 : i32
        %add3A_1094 = arith.addi %add3A_421, %add3A_1093 : i32
        %mul3A_1095 = arith.constant 16 : i32
        %mul3A_1096 = arith.muli %add3A_1094, %mul3A_1095 : i32
        %get3A_1097 = tpu.memref_slice %arg6[%mul3A_163] : memref<33024xf32, #tpu.memory_space<vmem>> -> memref<16512xf32, #tpu.memory_space<vmem>>
        %get3A_1098 = arith.index_cast %mul3A_1096 : i32 to index
        %get3A_1099 = tpu.vector_load %get3A_1097[%get3A_1098] {strides = array<i32>} : memref<16512xf32, #tpu.memory_space<vmem>>, vector<16xf32>,
        %select_n3A_1100 = arith.select %lt3A_1092, %get3A_1099, %broadcast_in_dim3A_3 : vector<16xf32>
        %add3A_1101 = arith.constant 7 : i32
        %add3A_1102 = arith.addi %add3A_421, %add3A_1101 : i32
        %lt3A_1103 = arith.cmpi slt, %add3A_1102, %shift_right_logical3A_388 : i32
        %add3A_1104 = arith.constant 7 : i32
        %add3A_1105 = arith.addi %add3A_421, %add3A_1104 : i32
        %mul3A_1106 = arith.constant 16 : i32
        %mul3A_1107 = arith.muli %add3A_1105, %mul3A_1106 : i32
        %get3A_1108 = tpu.memref_slice %arg6[%mul3A_163] : memref<33024xf32, #tpu.memory_space<vmem>> -> memref<16512xf32, #tpu.memory_space<vmem>>
        %get3A_1109 = arith.index_cast %mul3A_1107 : i32 to index
        %get3A_1110 = tpu.vector_load %get3A_1108[%get3A_1109] {strides = array<i32>} : memref<16512xf32, #tpu.memory_space<vmem>>, vector<16xf32>,
        %select_n3A_1111 = arith.select %lt3A_1103, %get3A_1110, %broadcast_in_dim3A_3 : vector<16xf32>
        %max3A_1112 = arith.maximumf %select_n3A_1034, %select_n3A_1045 : vector<16xf32>
        %max3A_1113 = arith.maximumf %select_n3A_1056, %select_n3A_1067 : vector<16xf32>
        %max3A_1114 = arith.maximumf %select_n3A_1078, %select_n3A_1089 : vector<16xf32>
        %max3A_1115 = arith.maximumf %select_n3A_1100, %select_n3A_1111 : vector<16xf32>
        %max3A_1116 = arith.maximumf %max3A_1112, %max3A_1113 : vector<16xf32>
        %max3A_1117 = arith.maximumf %max3A_1114, %max3A_1115 : vector<16xf32>
        %max3A_1118 = arith.maximumf %max3A_1116, %max3A_1117 : vector<16xf32>
        %max3A_1119 = arith.maximumf %max3A_419, %max3A_1118 : vector<16xf32>
        scf.yield %max3A_1119 : vector<16xf32>
      }
      %eq3A_429 = arith.constant 2 : i32
      %eq3A_430 = vector.broadcast %eq3A_429 : i32 to vector<16xi32>
      %eq3A_431 = arith.cmpi eq, %iota3A, %eq3A_430 : vector<16xi32>
      %xor3A_432 = arith.constant 8 : i32
      %xor3A_433 = vector.broadcast %xor3A_432 : i32 to vector<16xi32>
      %xor3A_434 = arith.xori %iota3A, %xor3A_433 : vector<16xi32>
      %lt3A_435 = arith.constant 0 : i32
      %lt3A_436 = vector.broadcast %lt3A_435 : i32 to vector<16xi32>
      %lt3A_437 = arith.cmpi slt, %xor3A_434, %lt3A_436 : vector<16xi32>
      %add3A_438 = arith.constant 16 : i32
      %add3A_439 = vector.broadcast %add3A_438 : i32 to vector<16xi32>
      %add3A_440 = arith.addi %xor3A_434, %add3A_439 : vector<16xi32>
      %select_n3A_441 = arith.select %lt3A_437, %add3A_440, %xor3A_434 : vector<16xi1>, vector<16xi32>
      %broadcast_in_dim3A_442 = vector.shape_cast %select_n3A_441 : vector<16xi32> to vector<16x1xi32>
      %gather3A_443 = vector.shape_cast %broadcast_in_dim3A_442 : vector<16x1xi32> to vector<16xi32>
      %gather3A_444 = tpu.dynamic_gather %cond3A_428[%gather3A_443] in [0] : vector<16xf32>, vector<16xi32> -> vector<16xf32>
      %max3A_445 = arith.maximumf %cond3A_428, %gather3A_444 : vector<16xf32>
      %xor3A_446 = arith.constant 4 : i32
      %xor3A_447 = vector.broadcast %xor3A_446 : i32 to vector<16xi32>
      %xor3A_448 = arith.xori %iota3A, %xor3A_447 : vector<16xi32>
      %lt3A_449 = arith.constant 0 : i32
      %lt3A_450 = vector.broadcast %lt3A_449 : i32 to vector<16xi32>
      %lt3A_451 = arith.cmpi slt, %xor3A_448, %lt3A_450 : vector<16xi32>
      %add3A_452 = arith.constant 16 : i32
      %add3A_453 = vector.broadcast %add3A_452 : i32 to vector<16xi32>
      %add3A_454 = arith.addi %xor3A_448, %add3A_453 : vector<16xi32>
      %select_n3A_455 = arith.select %lt3A_451, %add3A_454, %xor3A_448 : vector<16xi1>, vector<16xi32>
      %broadcast_in_dim3A_456 = vector.shape_cast %select_n3A_455 : vector<16xi32> to vector<16x1xi32>
      %gather3A_457 = vector.shape_cast %broadcast_in_dim3A_456 : vector<16x1xi32> to vector<16xi32>
      %gather3A_458 = tpu.dynamic_gather %max3A_445[%gather3A_457] in [0] : vector<16xf32>, vector<16xi32> -> vector<16xf32>
      %max3A_459 = arith.maximumf %max3A_445, %gather3A_458 : vector<16xf32>
      %xor3A_460 = arith.constant 2 : i32
      %xor3A_461 = vector.broadcast %xor3A_460 : i32 to vector<16xi32>
      %xor3A_462 = arith.xori %iota3A, %xor3A_461 : vector<16xi32>
      %lt3A_463 = arith.constant 0 : i32
      %lt3A_464 = vector.broadcast %lt3A_463 : i32 to vector<16xi32>
      %lt3A_465 = arith.cmpi slt, %xor3A_462, %lt3A_464 : vector<16xi32>
      %add3A_466 = arith.constant 16 : i32
      %add3A_467 = vector.broadcast %add3A_466 : i32 to vector<16xi32>
      %add3A_468 = arith.addi %xor3A_462, %add3A_467 : vector<16xi32>
      %select_n3A_469 = arith.select %lt3A_465, %add3A_468, %xor3A_462 : vector<16xi1>, vector<16xi32>
      %broadcast_in_dim3A_470 = vector.shape_cast %select_n3A_469 : vector<16xi32> to vector<16x1xi32>
      %gather3A_471 = vector.shape_cast %broadcast_in_dim3A_470 : vector<16x1xi32> to vector<16xi32>
      %gather3A_472 = tpu.dynamic_gather %max3A_459[%gather3A_471] in [0] : vector<16xf32>, vector<16xi32> -> vector<16xf32>
      %max3A_473 = arith.maximumf %max3A_459, %gather3A_472 : vector<16xf32>
      %xor3A_474 = arith.constant 1 : i32
      %xor3A_475 = vector.broadcast %xor3A_474 : i32 to vector<16xi32>
      %xor3A_476 = arith.xori %iota3A, %xor3A_475 : vector<16xi32>
      %lt3A_477 = arith.constant 0 : i32
      %lt3A_478 = vector.broadcast %lt3A_477 : i32 to vector<16xi32>
      %lt3A_479 = arith.cmpi slt, %xor3A_476, %lt3A_478 : vector<16xi32>
      %add3A_480 = arith.constant 16 : i32
      %add3A_481 = vector.broadcast %add3A_480 : i32 to vector<16xi32>
      %add3A_482 = arith.addi %xor3A_476, %add3A_481 : vector<16xi32>
      %select_n3A_483 = arith.select %lt3A_479, %add3A_482, %xor3A_476 : vector<16xi1>, vector<16xi32>
      %broadcast_in_dim3A_484 = vector.shape_cast %select_n3A_483 : vector<16xi32> to vector<16x1xi32>
      %gather3A_485 = vector.shape_cast %broadcast_in_dim3A_484 : vector<16x1xi32> to vector<16xi32>
      %gather3A_486 = tpu.dynamic_gather %max3A_473[%gather3A_485] in [0] : vector<16xf32>, vector<16xi32> -> vector<16xf32>
      %max3A_487 = arith.maximumf %max3A_473, %gather3A_486 : vector<16xf32>
      %select_n3A_488 = arith.select %eq3A_431, %max3A_487, %select_n3A_382 : vector<16xi1>, vector<16xf32>
      %shift_right_logical3A_489 = arith.constant 4 : i32
      %shift_right_logical3A_490 = arith.shrui %add3A_12, %shift_right_logical3A_489 : i32
      %sub3A_491 = arith.constant 1 : i32
      %sub3A_492 = arith.subi %add3A_15, %sub3A_491 : i32
      %shift_right_logical3A_493 = arith.constant 4 : i32
      %shift_right_logical3A_494 = arith.shrui %sub3A_492, %shift_right_logical3A_493 : i32
      %mul3A_495 = arith.constant 16 : i32
      %mul3A_496 = arith.muli %shift_right_logical3A_490, %mul3A_495 : i32
      %add3A_497 = vector.broadcast %mul3A_496 : i32 to vector<16xi32>
      %add3A_498 = arith.addi %add3A_497, %iota3A : vector<16xi32>
      %ge3A_499 = vector.broadcast %add3A_12 : i32 to vector<16xi32>
      %ge3A_500 = arith.cmpi sge, %add3A_498, %ge3A_499 : vector<16xi32>
      %lt3A_501 = vector.broadcast %add3A_15 : i32 to vector<16xi32>
      %lt3A_502 = arith.cmpi slt, %add3A_498, %lt3A_501 : vector<16xi32>
      %and3A_503 = arith.andi %ge3A_500, %lt3A_502 : vector<16xi1>
      %mul3A_504 = arith.constant 16 : i32
      %mul3A_505 = arith.muli %shift_right_logical3A_490, %mul3A_504 : i32
      %get3A_506 = tpu.memref_slice %arg6[%mul3A_163] : memref<33024xf32, #tpu.memory_space<vmem>> -> memref<16512xf32, #tpu.memory_space<vmem>>
      %get3A_507 = arith.index_cast %mul3A_505 : i32 to index
      %get3A_508 = tpu.vector_load %get3A_506[%get3A_507] {strides = array<i32>} : memref<16512xf32, #tpu.memory_space<vmem>>, vector<16xf32>,
      %select_n3A_509 = arith.select %and3A_503, %get3A_508, %broadcast_in_dim3A_3 : vector<16xi1>, vector<16xf32>
      %mul3A_510 = arith.constant 16 : i32
      %mul3A_511 = arith.muli %shift_right_logical3A_494, %mul3A_510 : i32
      %add3A_512 = vector.broadcast %mul3A_511 : i32 to vector<16xi32>
      %add3A_513 = arith.addi %add3A_512, %iota3A : vector<16xi32>
      %ge3A_514 = vector.broadcast %add3A_12 : i32 to vector<16xi32>
      %ge3A_515 = arith.cmpi sge, %add3A_513, %ge3A_514 : vector<16xi32>
      %lt3A_516 = vector.broadcast %add3A_15 : i32 to vector<16xi32>
      %lt3A_517 = arith.cmpi slt, %add3A_513, %lt3A_516 : vector<16xi32>
      %and3A_518 = arith.andi %ge3A_515, %lt3A_517 : vector<16xi1>
      %mul3A_519 = arith.constant 16 : i32
      %mul3A_520 = arith.muli %shift_right_logical3A_494, %mul3A_519 : i32
      %get3A_521 = tpu.memref_slice %arg6[%mul3A_163] : memref<33024xf32, #tpu.memory_space<vmem>> -> memref<16512xf32, #tpu.memory_space<vmem>>
      %get3A_522 = arith.index_cast %mul3A_520 : i32 to index
      %get3A_523 = tpu.vector_load %get3A_521[%get3A_522] {strides = array<i32>} : memref<16512xf32, #tpu.memory_space<vmem>>, vector<16xf32>,
      %select_n3A_524 = arith.select %and3A_518, %get3A_523, %broadcast_in_dim3A_3 : vector<16xi1>, vector<16xf32>
      %max3A_525 = arith.maximumf %select_n3A_509, %select_n3A_524 : vector<16xf32>
      %add3A_526 = arith.constant 1 : i32
      %add3A_527 = arith.addi %shift_right_logical3A_490, %add3A_526 : i32
      %sub3A_528 = arith.subi %shift_right_logical3A_494, %add3A_527 : i32
      %ge3A_529 = arith.constant 8 : i32
      %ge3A_530 = arith.cmpi sge, %sub3A_528, %ge3A_529 : i32
      %convert_element_type3A_531 = arith.extui %ge3A_530 : i1 to i32
      %cond3A_532 = arith.constant 0 : i32
      %cond3A_533 = arith.cmpi ne, %convert_element_type3A_531, %cond3A_532 : i32
      %cond3A_534 = scf.if %cond3A_533 -> (vector<16xf32>) {
        %jit3A_1024 = arith.constant 8 : i32
        %div3A_1025 = arith.divsi %sub3A_528, %jit3A_1024 : i32
        %sign3A_1026 = arith.constant 0 : i32
        %sign3A_1027 = arith.cmpi sgt, %sub3A_528, %sign3A_1026 : i32
        %sign3A_1028 = arith.extui %sign3A_1027 : i1 to i32
        %sign3A_1029 = arith.constant 0 : i32
        %sign3A_1030 = arith.cmpi slt, %sub3A_528, %sign3A_1029 : i32
        %sign3A_1031 = arith.extui %sign3A_1030 : i1 to i32
        %sign3A_1032 = arith.subi %sign3A_1028, %sign3A_1031 : i32
        %sign3A_1033 = arith.constant 0 : i32
        %sign3A_1034 = arith.cmpi sgt, %jit3A_1024, %sign3A_1033 : i32
        %sign3A_1035 = arith.extui %sign3A_1034 : i1 to i32
        %sign3A_1036 = arith.constant 0 : i32
        %sign3A_1037 = arith.cmpi slt, %jit3A_1024, %sign3A_1036 : i32
        %sign3A_1038 = arith.extui %sign3A_1037 : i1 to i32
        %sign3A_1039 = arith.subi %sign3A_1035, %sign3A_1038 : i32
        %ne3A_1040 = arith.cmpi ne, %sign3A_1032, %sign3A_1039 : i32
        %rem3A_1041 = arith.remsi %sub3A_528, %jit3A_1024 : i32
        %ne3A_1042 = arith.constant 0 : i32
        %ne3A_1043 = arith.cmpi ne, %rem3A_1041, %ne3A_1042 : i32
        %and3A_1044 = arith.andi %ne3A_1040, %ne3A_1043 : i1
        %sub3A_1045 = arith.constant 1 : i32
        %sub3A_1046 = arith.subi %div3A_1025, %sub3A_1045 : i32
        %select_n3A_1047 = arith.select %and3A_1044, %sub3A_1046, %div3A_1025 : i32
        %while3A_1048 = arith.constant 0 : i32
        %while3A_1049 = arith.subi %select_n3A_1047, %while3A_1048 : i32
        %while3A_1050 = arith.addi %while3A_1048, %while3A_1049 : i32
        %while3A_1051 = arith.constant 1 : i32
        %while3A_1052 = arith.divsi %while3A_1049, %while3A_1051 : i32
        %while3A_1053 = arith.muli %while3A_1052, %while3A_1051 : i32
        %while3A_1054 = arith.addi %while3A_1048, %while3A_1053 : i32
        %while3A_1055 = arith.constant 1 : i32
        %while3A_1056 = scf.for %while3A_1111 = %while3A_1048 to %while3A_1054 step %while3A_1055 iter_args(%while3A_1112 = %max3A_525) -> (vector<16xf32>)  : i32 {
          %mul3A_1113 = arith.constant 8 : i32
          %mul3A_1114 = arith.muli %while3A_1111, %mul3A_1113 : i32
          %add3A_1115 = arith.addi %add3A_527, %mul3A_1114 : i32
          %mul3A_1116 = arith.constant 16 : i32
          %mul3A_1117 = arith.muli %add3A_1115, %mul3A_1116 : i32
          %add3A_1118 = arith.constant 0 : i32
          %add3A_1119 = arith.addi %mul3A_1117, %add3A_1118 : i32
          %get3A_1120 = tpu.memref_slice %arg6[%mul3A_163] : memref<33024xf32, #tpu.memory_space<vmem>> -> memref<16512xf32, #tpu.memory_space<vmem>>
          %get3A_1121 = arith.index_cast %add3A_1119 : i32 to index
          %get3A_1122 = tpu.vector_load %get3A_1120[%get3A_1121] {strides = array<i32>} : memref<16512xf32, #tpu.memory_space<vmem>>, vector<16xf32>,
          %add3A_1123 = arith.constant 16 : i32
          %add3A_1124 = arith.addi %mul3A_1117, %add3A_1123 : i32
          %get3A_1125 = tpu.memref_slice %arg6[%mul3A_163] : memref<33024xf32, #tpu.memory_space<vmem>> -> memref<16512xf32, #tpu.memory_space<vmem>>
          %get3A_1126 = arith.index_cast %add3A_1124 : i32 to index
          %get3A_1127 = tpu.vector_load %get3A_1125[%get3A_1126] {strides = array<i32>} : memref<16512xf32, #tpu.memory_space<vmem>>, vector<16xf32>,
          %add3A_1128 = arith.constant 32 : i32
          %add3A_1129 = arith.addi %mul3A_1117, %add3A_1128 : i32
          %get3A_1130 = tpu.memref_slice %arg6[%mul3A_163] : memref<33024xf32, #tpu.memory_space<vmem>> -> memref<16512xf32, #tpu.memory_space<vmem>>
          %get3A_1131 = arith.index_cast %add3A_1129 : i32 to index
          %get3A_1132 = tpu.vector_load %get3A_1130[%get3A_1131] {strides = array<i32>} : memref<16512xf32, #tpu.memory_space<vmem>>, vector<16xf32>,
          %add3A_1133 = arith.constant 48 : i32
          %add3A_1134 = arith.addi %mul3A_1117, %add3A_1133 : i32
          %get3A_1135 = tpu.memref_slice %arg6[%mul3A_163] : memref<33024xf32, #tpu.memory_space<vmem>> -> memref<16512xf32, #tpu.memory_space<vmem>>
          %get3A_1136 = arith.index_cast %add3A_1134 : i32 to index
          %get3A_1137 = tpu.vector_load %get3A_1135[%get3A_1136] {strides = array<i32>} : memref<16512xf32, #tpu.memory_space<vmem>>, vector<16xf32>,
          %add3A_1138 = arith.constant 64 : i32
          %add3A_1139 = arith.addi %mul3A_1117, %add3A_1138 : i32
          %get3A_1140 = tpu.memref_slice %arg6[%mul3A_163] : memref<33024xf32, #tpu.memory_space<vmem>> -> memref<16512xf32, #tpu.memory_space<vmem>>
          %get3A_1141 = arith.index_cast %add3A_1139 : i32 to index
          %get3A_1142 = tpu.vector_load %get3A_1140[%get3A_1141] {strides = array<i32>} : memref<16512xf32, #tpu.memory_space<vmem>>, vector<16xf32>,
          %add3A_1143 = arith.constant 80 : i32
          %add3A_1144 = arith.addi %mul3A_1117, %add3A_1143 : i32
          %get3A_1145 = tpu.memref_slice %arg6[%mul3A_163] : memref<33024xf32, #tpu.memory_space<vmem>> -> memref<16512xf32, #tpu.memory_space<vmem>>
          %get3A_1146 = arith.index_cast %add3A_1144 : i32 to index
          %get3A_1147 = tpu.vector_load %get3A_1145[%get3A_1146] {strides = array<i32>} : memref<16512xf32, #tpu.memory_space<vmem>>, vector<16xf32>,
          %add3A_1148 = arith.constant 96 : i32
          %add3A_1149 = arith.addi %mul3A_1117, %add3A_1148 : i32
          %get3A_1150 = tpu.memref_slice %arg6[%mul3A_163] : memref<33024xf32, #tpu.memory_space<vmem>> -> memref<16512xf32, #tpu.memory_space<vmem>>
          %get3A_1151 = arith.index_cast %add3A_1149 : i32 to index
          %get3A_1152 = tpu.vector_load %get3A_1150[%get3A_1151] {strides = array<i32>} : memref<16512xf32, #tpu.memory_space<vmem>>, vector<16xf32>,
          %add3A_1153 = arith.constant 112 : i32
          %add3A_1154 = arith.addi %mul3A_1117, %add3A_1153 : i32
          %get3A_1155 = tpu.memref_slice %arg6[%mul3A_163] : memref<33024xf32, #tpu.memory_space<vmem>> -> memref<16512xf32, #tpu.memory_space<vmem>>
          %get3A_1156 = arith.index_cast %add3A_1154 : i32 to index
          %get3A_1157 = tpu.vector_load %get3A_1155[%get3A_1156] {strides = array<i32>} : memref<16512xf32, #tpu.memory_space<vmem>>, vector<16xf32>,
          %max3A_1158 = arith.maximumf %get3A_1122, %get3A_1127 : vector<16xf32>
          %max3A_1159 = arith.maximumf %get3A_1132, %get3A_1137 : vector<16xf32>
          %max3A_1160 = arith.maximumf %get3A_1142, %get3A_1147 : vector<16xf32>
          %max3A_1161 = arith.maximumf %get3A_1152, %get3A_1157 : vector<16xf32>
          %max3A_1162 = arith.maximumf %max3A_1158, %max3A_1159 : vector<16xf32>
          %max3A_1163 = arith.maximumf %max3A_1160, %max3A_1161 : vector<16xf32>
          %max3A_1164 = arith.maximumf %max3A_1162, %max3A_1163 : vector<16xf32>
          %max3A_1165 = arith.maximumf %while3A_1112, %max3A_1164 : vector<16xf32>
          scf.yield %max3A_1165 : vector<16xf32>
        }
        %while3A_1057 = arith.constant 1 : i32
        %while3A_1058 = scf.for %while3A_1111 = %while3A_1054 to %while3A_1050 step %while3A_1057 iter_args(%while3A_1112 = %while3A_1056) -> (vector<16xf32>)  : i32 {
          %mul3A_1113 = arith.constant 8 : i32
          %mul3A_1114 = arith.muli %while3A_1111, %mul3A_1113 : i32
          %add3A_1115 = arith.addi %add3A_527, %mul3A_1114 : i32
          %mul3A_1116 = arith.constant 16 : i32
          %mul3A_1117 = arith.muli %add3A_1115, %mul3A_1116 : i32
          %add3A_1118 = arith.constant 0 : i32
          %add3A_1119 = arith.addi %mul3A_1117, %add3A_1118 : i32
          %get3A_1120 = tpu.memref_slice %arg6[%mul3A_163] : memref<33024xf32, #tpu.memory_space<vmem>> -> memref<16512xf32, #tpu.memory_space<vmem>>
          %get3A_1121 = arith.index_cast %add3A_1119 : i32 to index
          %get3A_1122 = tpu.vector_load %get3A_1120[%get3A_1121] {strides = array<i32>} : memref<16512xf32, #tpu.memory_space<vmem>>, vector<16xf32>,
          %add3A_1123 = arith.constant 16 : i32
          %add3A_1124 = arith.addi %mul3A_1117, %add3A_1123 : i32
          %get3A_1125 = tpu.memref_slice %arg6[%mul3A_163] : memref<33024xf32, #tpu.memory_space<vmem>> -> memref<16512xf32, #tpu.memory_space<vmem>>
          %get3A_1126 = arith.index_cast %add3A_1124 : i32 to index
          %get3A_1127 = tpu.vector_load %get3A_1125[%get3A_1126] {strides = array<i32>} : memref<16512xf32, #tpu.memory_space<vmem>>, vector<16xf32>,
          %add3A_1128 = arith.constant 32 : i32
          %add3A_1129 = arith.addi %mul3A_1117, %add3A_1128 : i32
          %get3A_1130 = tpu.memref_slice %arg6[%mul3A_163] : memref<33024xf32, #tpu.memory_space<vmem>> -> memref<16512xf32, #tpu.memory_space<vmem>>
          %get3A_1131 = arith.index_cast %add3A_1129 : i32 to index
          %get3A_1132 = tpu.vector_load %get3A_1130[%get3A_1131] {strides = array<i32>} : memref<16512xf32, #tpu.memory_space<vmem>>, vector<16xf32>,
          %add3A_1133 = arith.constant 48 : i32
          %add3A_1134 = arith.addi %mul3A_1117, %add3A_1133 : i32
          %get3A_1135 = tpu.memref_slice %arg6[%mul3A_163] : memref<33024xf32, #tpu.memory_space<vmem>> -> memref<16512xf32, #tpu.memory_space<vmem>>
          %get3A_1136 = arith.index_cast %add3A_1134 : i32 to index
          %get3A_1137 = tpu.vector_load %get3A_1135[%get3A_1136] {strides = array<i32>} : memref<16512xf32, #tpu.memory_space<vmem>>, vector<16xf32>,
          %add3A_1138 = arith.constant 64 : i32
          %add3A_1139 = arith.addi %mul3A_1117, %add3A_1138 : i32
          %get3A_1140 = tpu.memref_slice %arg6[%mul3A_163] : memref<33024xf32, #tpu.memory_space<vmem>> -> memref<16512xf32, #tpu.memory_space<vmem>>
          %get3A_1141 = arith.index_cast %add3A_1139 : i32 to index
          %get3A_1142 = tpu.vector_load %get3A_1140[%get3A_1141] {strides = array<i32>} : memref<16512xf32, #tpu.memory_space<vmem>>, vector<16xf32>,
          %add3A_1143 = arith.constant 80 : i32
          %add3A_1144 = arith.addi %mul3A_1117, %add3A_1143 : i32
          %get3A_1145 = tpu.memref_slice %arg6[%mul3A_163] : memref<33024xf32, #tpu.memory_space<vmem>> -> memref<16512xf32, #tpu.memory_space<vmem>>
          %get3A_1146 = arith.index_cast %add3A_1144 : i32 to index
          %get3A_1147 = tpu.vector_load %get3A_1145[%get3A_1146] {strides = array<i32>} : memref<16512xf32, #tpu.memory_space<vmem>>, vector<16xf32>,
          %add3A_1148 = arith.constant 96 : i32
          %add3A_1149 = arith.addi %mul3A_1117, %add3A_1148 : i32
          %get3A_1150 = tpu.memref_slice %arg6[%mul3A_163] : memref<33024xf32, #tpu.memory_space<vmem>> -> memref<16512xf32, #tpu.memory_space<vmem>>
          %get3A_1151 = arith.index_cast %add3A_1149 : i32 to index
          %get3A_1152 = tpu.vector_load %get3A_1150[%get3A_1151] {strides = array<i32>} : memref<16512xf32, #tpu.memory_space<vmem>>, vector<16xf32>,
          %add3A_1153 = arith.constant 112 : i32
          %add3A_1154 = arith.addi %mul3A_1117, %add3A_1153 : i32
          %get3A_1155 = tpu.memref_slice %arg6[%mul3A_163] : memref<33024xf32, #tpu.memory_space<vmem>> -> memref<16512xf32, #tpu.memory_space<vmem>>
          %get3A_1156 = arith.index_cast %add3A_1154 : i32 to index
          %get3A_1157 = tpu.vector_load %get3A_1155[%get3A_1156] {strides = array<i32>} : memref<16512xf32, #tpu.memory_space<vmem>>, vector<16xf32>,
          %max3A_1158 = arith.maximumf %get3A_1122, %get3A_1127 : vector<16xf32>
          %max3A_1159 = arith.maximumf %get3A_1132, %get3A_1137 : vector<16xf32>
          %max3A_1160 = arith.maximumf %get3A_1142, %get3A_1147 : vector<16xf32>
          %max3A_1161 = arith.maximumf %get3A_1152, %get3A_1157 : vector<16xf32>
          %max3A_1162 = arith.maximumf %max3A_1158, %max3A_1159 : vector<16xf32>
          %max3A_1163 = arith.maximumf %max3A_1160, %max3A_1161 : vector<16xf32>
          %max3A_1164 = arith.maximumf %max3A_1162, %max3A_1163 : vector<16xf32>
          %max3A_1165 = arith.maximumf %while3A_1112, %max3A_1164 : vector<16xf32>
          scf.yield %max3A_1165 : vector<16xf32>
        }
        %sub3A_1059 = arith.constant 8 : i32
        %sub3A_1060 = arith.subi %shift_right_logical3A_494, %sub3A_1059 : i32
        %mul3A_1061 = arith.constant 16 : i32
        %mul3A_1062 = arith.muli %sub3A_1060, %mul3A_1061 : i32
        %add3A_1063 = arith.constant 0 : i32
        %add3A_1064 = arith.addi %mul3A_1062, %add3A_1063 : i32
        %get3A_1065 = tpu.memref_slice %arg6[%mul3A_163] : memref<33024xf32, #tpu.memory_space<vmem>> -> memref<16512xf32, #tpu.memory_space<vmem>>
        %get3A_1066 = arith.index_cast %add3A_1064 : i32 to index
        %get3A_1067 = tpu.vector_load %get3A_1065[%get3A_1066] {strides = array<i32>} : memref<16512xf32, #tpu.memory_space<vmem>>, vector<16xf32>,
        %add3A_1068 = arith.constant 16 : i32
        %add3A_1069 = arith.addi %mul3A_1062, %add3A_1068 : i32
        %get3A_1070 = tpu.memref_slice %arg6[%mul3A_163] : memref<33024xf32, #tpu.memory_space<vmem>> -> memref<16512xf32, #tpu.memory_space<vmem>>
        %get3A_1071 = arith.index_cast %add3A_1069 : i32 to index
        %get3A_1072 = tpu.vector_load %get3A_1070[%get3A_1071] {strides = array<i32>} : memref<16512xf32, #tpu.memory_space<vmem>>, vector<16xf32>,
        %add3A_1073 = arith.constant 32 : i32
        %add3A_1074 = arith.addi %mul3A_1062, %add3A_1073 : i32
        %get3A_1075 = tpu.memref_slice %arg6[%mul3A_163] : memref<33024xf32, #tpu.memory_space<vmem>> -> memref<16512xf32, #tpu.memory_space<vmem>>
        %get3A_1076 = arith.index_cast %add3A_1074 : i32 to index
        %get3A_1077 = tpu.vector_load %get3A_1075[%get3A_1076] {strides = array<i32>} : memref<16512xf32, #tpu.memory_space<vmem>>, vector<16xf32>,
        %add3A_1078 = arith.constant 48 : i32
        %add3A_1079 = arith.addi %mul3A_1062, %add3A_1078 : i32
        %get3A_1080 = tpu.memref_slice %arg6[%mul3A_163] : memref<33024xf32, #tpu.memory_space<vmem>> -> memref<16512xf32, #tpu.memory_space<vmem>>
        %get3A_1081 = arith.index_cast %add3A_1079 : i32 to index
        %get3A_1082 = tpu.vector_load %get3A_1080[%get3A_1081] {strides = array<i32>} : memref<16512xf32, #tpu.memory_space<vmem>>, vector<16xf32>,
        %add3A_1083 = arith.constant 64 : i32
        %add3A_1084 = arith.addi %mul3A_1062, %add3A_1083 : i32
        %get3A_1085 = tpu.memref_slice %arg6[%mul3A_163] : memref<33024xf32, #tpu.memory_space<vmem>> -> memref<16512xf32, #tpu.memory_space<vmem>>
        %get3A_1086 = arith.index_cast %add3A_1084 : i32 to index
        %get3A_1087 = tpu.vector_load %get3A_1085[%get3A_1086] {strides = array<i32>} : memref<16512xf32, #tpu.memory_space<vmem>>, vector<16xf32>,
        %add3A_1088 = arith.constant 80 : i32
        %add3A_1089 = arith.addi %mul3A_1062, %add3A_1088 : i32
        %get3A_1090 = tpu.memref_slice %arg6[%mul3A_163] : memref<33024xf32, #tpu.memory_space<vmem>> -> memref<16512xf32, #tpu.memory_space<vmem>>
        %get3A_1091 = arith.index_cast %add3A_1089 : i32 to index
        %get3A_1092 = tpu.vector_load %get3A_1090[%get3A_1091] {strides = array<i32>} : memref<16512xf32, #tpu.memory_space<vmem>>, vector<16xf32>,
        %add3A_1093 = arith.constant 96 : i32
        %add3A_1094 = arith.addi %mul3A_1062, %add3A_1093 : i32
        %get3A_1095 = tpu.memref_slice %arg6[%mul3A_163] : memref<33024xf32, #tpu.memory_space<vmem>> -> memref<16512xf32, #tpu.memory_space<vmem>>
        %get3A_1096 = arith.index_cast %add3A_1094 : i32 to index
        %get3A_1097 = tpu.vector_load %get3A_1095[%get3A_1096] {strides = array<i32>} : memref<16512xf32, #tpu.memory_space<vmem>>, vector<16xf32>,
        %add3A_1098 = arith.constant 112 : i32
        %add3A_1099 = arith.addi %mul3A_1062, %add3A_1098 : i32
        %get3A_1100 = tpu.memref_slice %arg6[%mul3A_163] : memref<33024xf32, #tpu.memory_space<vmem>> -> memref<16512xf32, #tpu.memory_space<vmem>>
        %get3A_1101 = arith.index_cast %add3A_1099 : i32 to index
        %get3A_1102 = tpu.vector_load %get3A_1100[%get3A_1101] {strides = array<i32>} : memref<16512xf32, #tpu.memory_space<vmem>>, vector<16xf32>,
        %max3A_1103 = arith.maximumf %get3A_1067, %get3A_1072 : vector<16xf32>
        %max3A_1104 = arith.maximumf %get3A_1077, %get3A_1082 : vector<16xf32>
        %max3A_1105 = arith.maximumf %get3A_1087, %get3A_1092 : vector<16xf32>
        %max3A_1106 = arith.maximumf %get3A_1097, %get3A_1102 : vector<16xf32>
        %max3A_1107 = arith.maximumf %max3A_1103, %max3A_1104 : vector<16xf32>
        %max3A_1108 = arith.maximumf %max3A_1105, %max3A_1106 : vector<16xf32>
        %max3A_1109 = arith.maximumf %max3A_1107, %max3A_1108 : vector<16xf32>
        %max3A_1110 = arith.maximumf %while3A_1058, %max3A_1109 : vector<16xf32>
        scf.yield %max3A_1110 : vector<16xf32>
      } else {
        %add3A_1024 = arith.constant 0 : i32
        %add3A_1025 = arith.addi %add3A_527, %add3A_1024 : i32
        %lt3A_1026 = arith.cmpi slt, %add3A_1025, %shift_right_logical3A_494 : i32
        %add3A_1027 = arith.constant 0 : i32
        %add3A_1028 = arith.addi %add3A_527, %add3A_1027 : i32
        %mul3A_1029 = arith.constant 16 : i32
        %mul3A_1030 = arith.muli %add3A_1028, %mul3A_1029 : i32
        %get3A_1031 = tpu.memref_slice %arg6[%mul3A_163] : memref<33024xf32, #tpu.memory_space<vmem>> -> memref<16512xf32, #tpu.memory_space<vmem>>
        %get3A_1032 = arith.index_cast %mul3A_1030 : i32 to index
        %get3A_1033 = tpu.vector_load %get3A_1031[%get3A_1032] {strides = array<i32>} : memref<16512xf32, #tpu.memory_space<vmem>>, vector<16xf32>,
        %select_n3A_1034 = arith.select %lt3A_1026, %get3A_1033, %broadcast_in_dim3A_3 : vector<16xf32>
        %add3A_1035 = arith.constant 1 : i32
        %add3A_1036 = arith.addi %add3A_527, %add3A_1035 : i32
        %lt3A_1037 = arith.cmpi slt, %add3A_1036, %shift_right_logical3A_494 : i32
        %add3A_1038 = arith.constant 1 : i32
        %add3A_1039 = arith.addi %add3A_527, %add3A_1038 : i32
        %mul3A_1040 = arith.constant 16 : i32
        %mul3A_1041 = arith.muli %add3A_1039, %mul3A_1040 : i32
        %get3A_1042 = tpu.memref_slice %arg6[%mul3A_163] : memref<33024xf32, #tpu.memory_space<vmem>> -> memref<16512xf32, #tpu.memory_space<vmem>>
        %get3A_1043 = arith.index_cast %mul3A_1041 : i32 to index
        %get3A_1044 = tpu.vector_load %get3A_1042[%get3A_1043] {strides = array<i32>} : memref<16512xf32, #tpu.memory_space<vmem>>, vector<16xf32>,
        %select_n3A_1045 = arith.select %lt3A_1037, %get3A_1044, %broadcast_in_dim3A_3 : vector<16xf32>
        %add3A_1046 = arith.constant 2 : i32
        %add3A_1047 = arith.addi %add3A_527, %add3A_1046 : i32
        %lt3A_1048 = arith.cmpi slt, %add3A_1047, %shift_right_logical3A_494 : i32
        %add3A_1049 = arith.constant 2 : i32
        %add3A_1050 = arith.addi %add3A_527, %add3A_1049 : i32
        %mul3A_1051 = arith.constant 16 : i32
        %mul3A_1052 = arith.muli %add3A_1050, %mul3A_1051 : i32
        %get3A_1053 = tpu.memref_slice %arg6[%mul3A_163] : memref<33024xf32, #tpu.memory_space<vmem>> -> memref<16512xf32, #tpu.memory_space<vmem>>
        %get3A_1054 = arith.index_cast %mul3A_1052 : i32 to index
        %get3A_1055 = tpu.vector_load %get3A_1053[%get3A_1054] {strides = array<i32>} : memref<16512xf32, #tpu.memory_space<vmem>>, vector<16xf32>,
        %select_n3A_1056 = arith.select %lt3A_1048, %get3A_1055, %broadcast_in_dim3A_3 : vector<16xf32>
        %add3A_1057 = arith.constant 3 : i32
        %add3A_1058 = arith.addi %add3A_527, %add3A_1057 : i32
        %lt3A_1059 = arith.cmpi slt, %add3A_1058, %shift_right_logical3A_494 : i32
        %add3A_1060 = arith.constant 3 : i32
        %add3A_1061 = arith.addi %add3A_527, %add3A_1060 : i32
        %mul3A_1062 = arith.constant 16 : i32
        %mul3A_1063 = arith.muli %add3A_1061, %mul3A_1062 : i32
        %get3A_1064 = tpu.memref_slice %arg6[%mul3A_163] : memref<33024xf32, #tpu.memory_space<vmem>> -> memref<16512xf32, #tpu.memory_space<vmem>>
        %get3A_1065 = arith.index_cast %mul3A_1063 : i32 to index
        %get3A_1066 = tpu.vector_load %get3A_1064[%get3A_1065] {strides = array<i32>} : memref<16512xf32, #tpu.memory_space<vmem>>, vector<16xf32>,
        %select_n3A_1067 = arith.select %lt3A_1059, %get3A_1066, %broadcast_in_dim3A_3 : vector<16xf32>
        %add3A_1068 = arith.constant 4 : i32
        %add3A_1069 = arith.addi %add3A_527, %add3A_1068 : i32
        %lt3A_1070 = arith.cmpi slt, %add3A_1069, %shift_right_logical3A_494 : i32
        %add3A_1071 = arith.constant 4 : i32
        %add3A_1072 = arith.addi %add3A_527, %add3A_1071 : i32
        %mul3A_1073 = arith.constant 16 : i32
        %mul3A_1074 = arith.muli %add3A_1072, %mul3A_1073 : i32
        %get3A_1075 = tpu.memref_slice %arg6[%mul3A_163] : memref<33024xf32, #tpu.memory_space<vmem>> -> memref<16512xf32, #tpu.memory_space<vmem>>
        %get3A_1076 = arith.index_cast %mul3A_1074 : i32 to index
        %get3A_1077 = tpu.vector_load %get3A_1075[%get3A_1076] {strides = array<i32>} : memref<16512xf32, #tpu.memory_space<vmem>>, vector<16xf32>,
        %select_n3A_1078 = arith.select %lt3A_1070, %get3A_1077, %broadcast_in_dim3A_3 : vector<16xf32>
        %add3A_1079 = arith.constant 5 : i32
        %add3A_1080 = arith.addi %add3A_527, %add3A_1079 : i32
        %lt3A_1081 = arith.cmpi slt, %add3A_1080, %shift_right_logical3A_494 : i32
        %add3A_1082 = arith.constant 5 : i32
        %add3A_1083 = arith.addi %add3A_527, %add3A_1082 : i32
        %mul3A_1084 = arith.constant 16 : i32
        %mul3A_1085 = arith.muli %add3A_1083, %mul3A_1084 : i32
        %get3A_1086 = tpu.memref_slice %arg6[%mul3A_163] : memref<33024xf32, #tpu.memory_space<vmem>> -> memref<16512xf32, #tpu.memory_space<vmem>>
        %get3A_1087 = arith.index_cast %mul3A_1085 : i32 to index
        %get3A_1088 = tpu.vector_load %get3A_1086[%get3A_1087] {strides = array<i32>} : memref<16512xf32, #tpu.memory_space<vmem>>, vector<16xf32>,
        %select_n3A_1089 = arith.select %lt3A_1081, %get3A_1088, %broadcast_in_dim3A_3 : vector<16xf32>
        %add3A_1090 = arith.constant 6 : i32
        %add3A_1091 = arith.addi %add3A_527, %add3A_1090 : i32
        %lt3A_1092 = arith.cmpi slt, %add3A_1091, %shift_right_logical3A_494 : i32
        %add3A_1093 = arith.constant 6 : i32
        %add3A_1094 = arith.addi %add3A_527, %add3A_1093 : i32
        %mul3A_1095 = arith.constant 16 : i32
        %mul3A_1096 = arith.muli %add3A_1094, %mul3A_1095 : i32
        %get3A_1097 = tpu.memref_slice %arg6[%mul3A_163] : memref<33024xf32, #tpu.memory_space<vmem>> -> memref<16512xf32, #tpu.memory_space<vmem>>
        %get3A_1098 = arith.index_cast %mul3A_1096 : i32 to index
        %get3A_1099 = tpu.vector_load %get3A_1097[%get3A_1098] {strides = array<i32>} : memref<16512xf32, #tpu.memory_space<vmem>>, vector<16xf32>,
        %select_n3A_1100 = arith.select %lt3A_1092, %get3A_1099, %broadcast_in_dim3A_3 : vector<16xf32>
        %add3A_1101 = arith.constant 7 : i32
        %add3A_1102 = arith.addi %add3A_527, %add3A_1101 : i32
        %lt3A_1103 = arith.cmpi slt, %add3A_1102, %shift_right_logical3A_494 : i32
        %add3A_1104 = arith.constant 7 : i32
        %add3A_1105 = arith.addi %add3A_527, %add3A_1104 : i32
        %mul3A_1106 = arith.constant 16 : i32
        %mul3A_1107 = arith.muli %add3A_1105, %mul3A_1106 : i32
        %get3A_1108 = tpu.memref_slice %arg6[%mul3A_163] : memref<33024xf32, #tpu.memory_space<vmem>> -> memref<16512xf32, #tpu.memory_space<vmem>>
        %get3A_1109 = arith.index_cast %mul3A_1107 : i32 to index
        %get3A_1110 = tpu.vector_load %get3A_1108[%get3A_1109] {strides = array<i32>} : memref<16512xf32, #tpu.memory_space<vmem>>, vector<16xf32>,
        %select_n3A_1111 = arith.select %lt3A_1103, %get3A_1110, %broadcast_in_dim3A_3 : vector<16xf32>
        %max3A_1112 = arith.maximumf %select_n3A_1034, %select_n3A_1045 : vector<16xf32>
        %max3A_1113 = arith.maximumf %select_n3A_1056, %select_n3A_1067 : vector<16xf32>
        %max3A_1114 = arith.maximumf %select_n3A_1078, %select_n3A_1089 : vector<16xf32>
        %max3A_1115 = arith.maximumf %select_n3A_1100, %select_n3A_1111 : vector<16xf32>
        %max3A_1116 = arith.maximumf %max3A_1112, %max3A_1113 : vector<16xf32>
        %max3A_1117 = arith.maximumf %max3A_1114, %max3A_1115 : vector<16xf32>
        %max3A_1118 = arith.maximumf %max3A_1116, %max3A_1117 : vector<16xf32>
        %max3A_1119 = arith.maximumf %max3A_525, %max3A_1118 : vector<16xf32>
        scf.yield %max3A_1119 : vector<16xf32>
      }
      %eq3A_535 = arith.constant 3 : i32
      %eq3A_536 = vector.broadcast %eq3A_535 : i32 to vector<16xi32>
      %eq3A_537 = arith.cmpi eq, %iota3A, %eq3A_536 : vector<16xi32>
      %xor3A_538 = arith.constant 8 : i32
      %xor3A_539 = vector.broadcast %xor3A_538 : i32 to vector<16xi32>
      %xor3A_540 = arith.xori %iota3A, %xor3A_539 : vector<16xi32>
      %lt3A_541 = arith.constant 0 : i32
      %lt3A_542 = vector.broadcast %lt3A_541 : i32 to vector<16xi32>
      %lt3A_543 = arith.cmpi slt, %xor3A_540, %lt3A_542 : vector<16xi32>
      %add3A_544 = arith.constant 16 : i32
      %add3A_545 = vector.broadcast %add3A_544 : i32 to vector<16xi32>
      %add3A_546 = arith.addi %xor3A_540, %add3A_545 : vector<16xi32>
      %select_n3A_547 = arith.select %lt3A_543, %add3A_546, %xor3A_540 : vector<16xi1>, vector<16xi32>
      %broadcast_in_dim3A_548 = vector.shape_cast %select_n3A_547 : vector<16xi32> to vector<16x1xi32>
      %gather3A_549 = vector.shape_cast %broadcast_in_dim3A_548 : vector<16x1xi32> to vector<16xi32>
      %gather3A_550 = tpu.dynamic_gather %cond3A_534[%gather3A_549] in [0] : vector<16xf32>, vector<16xi32> -> vector<16xf32>
      %max3A_551 = arith.maximumf %cond3A_534, %gather3A_550 : vector<16xf32>
      %xor3A_552 = arith.constant 4 : i32
      %xor3A_553 = vector.broadcast %xor3A_552 : i32 to vector<16xi32>
      %xor3A_554 = arith.xori %iota3A, %xor3A_553 : vector<16xi32>
      %lt3A_555 = arith.constant 0 : i32
      %lt3A_556 = vector.broadcast %lt3A_555 : i32 to vector<16xi32>
      %lt3A_557 = arith.cmpi slt, %xor3A_554, %lt3A_556 : vector<16xi32>
      %add3A_558 = arith.constant 16 : i32
      %add3A_559 = vector.broadcast %add3A_558 : i32 to vector<16xi32>
      %add3A_560 = arith.addi %xor3A_554, %add3A_559 : vector<16xi32>
      %select_n3A_561 = arith.select %lt3A_557, %add3A_560, %xor3A_554 : vector<16xi1>, vector<16xi32>
      %broadcast_in_dim3A_562 = vector.shape_cast %select_n3A_561 : vector<16xi32> to vector<16x1xi32>
      %gather3A_563 = vector.shape_cast %broadcast_in_dim3A_562 : vector<16x1xi32> to vector<16xi32>
      %gather3A_564 = tpu.dynamic_gather %max3A_551[%gather3A_563] in [0] : vector<16xf32>, vector<16xi32> -> vector<16xf32>
      %max3A_565 = arith.maximumf %max3A_551, %gather3A_564 : vector<16xf32>
      %xor3A_566 = arith.constant 2 : i32
      %xor3A_567 = vector.broadcast %xor3A_566 : i32 to vector<16xi32>
      %xor3A_568 = arith.xori %iota3A, %xor3A_567 : vector<16xi32>
      %lt3A_569 = arith.constant 0 : i32
      %lt3A_570 = vector.broadcast %lt3A_569 : i32 to vector<16xi32>
      %lt3A_571 = arith.cmpi slt, %xor3A_568, %lt3A_570 : vector<16xi32>
      %add3A_572 = arith.constant 16 : i32
      %add3A_573 = vector.broadcast %add3A_572 : i32 to vector<16xi32>
      %add3A_574 = arith.addi %xor3A_568, %add3A_573 : vector<16xi32>
      %select_n3A_575 = arith.select %lt3A_571, %add3A_574, %xor3A_568 : vector<16xi1>, vector<16xi32>
      %broadcast_in_dim3A_576 = vector.shape_cast %select_n3A_575 : vector<16xi32> to vector<16x1xi32>
      %gather3A_577 = vector.shape_cast %broadcast_in_dim3A_576 : vector<16x1xi32> to vector<16xi32>
      %gather3A_578 = tpu.dynamic_gather %max3A_565[%gather3A_577] in [0] : vector<16xf32>, vector<16xi32> -> vector<16xf32>
      %max3A_579 = arith.maximumf %max3A_565, %gather3A_578 : vector<16xf32>
      %xor3A_580 = arith.constant 1 : i32
      %xor3A_581 = vector.broadcast %xor3A_580 : i32 to vector<16xi32>
      %xor3A_582 = arith.xori %iota3A, %xor3A_581 : vector<16xi32>
      %lt3A_583 = arith.constant 0 : i32
      %lt3A_584 = vector.broadcast %lt3A_583 : i32 to vector<16xi32>
      %lt3A_585 = arith.cmpi slt, %xor3A_582, %lt3A_584 : vector<16xi32>
      %add3A_586 = arith.constant 16 : i32
      %add3A_587 = vector.broadcast %add3A_586 : i32 to vector<16xi32>
      %add3A_588 = arith.addi %xor3A_582, %add3A_587 : vector<16xi32>
      %select_n3A_589 = arith.select %lt3A_585, %add3A_588, %xor3A_582 : vector<16xi1>, vector<16xi32>
      %broadcast_in_dim3A_590 = vector.shape_cast %select_n3A_589 : vector<16xi32> to vector<16x1xi32>
      %gather3A_591 = vector.shape_cast %broadcast_in_dim3A_590 : vector<16x1xi32> to vector<16xi32>
      %gather3A_592 = tpu.dynamic_gather %max3A_579[%gather3A_591] in [0] : vector<16xf32>, vector<16xi32> -> vector<16xf32>
      %max3A_593 = arith.maximumf %max3A_579, %gather3A_592 : vector<16xf32>
      %select_n3A_594 = arith.select %eq3A_537, %max3A_593, %select_n3A_488 : vector<16xi1>, vector<16xf32>
      %shift_right_logical3A_595 = arith.constant 4 : i32
      %shift_right_logical3A_596 = arith.shrui %add3A_15, %shift_right_logical3A_595 : i32
      %sub3A_597 = arith.constant 1 : i32
      %sub3A_598 = arith.subi %add3A_18, %sub3A_597 : i32
      %shift_right_logical3A_599 = arith.constant 4 : i32
      %shift_right_logical3A_600 = arith.shrui %sub3A_598, %shift_right_logical3A_599 : i32
      %mul3A_601 = arith.constant 16 : i32
      %mul3A_602 = arith.muli %shift_right_logical3A_596, %mul3A_601 : i32
      %add3A_603 = vector.broadcast %mul3A_602 : i32 to vector<16xi32>
      %add3A_604 = arith.addi %add3A_603, %iota3A : vector<16xi32>
      %ge3A_605 = vector.broadcast %add3A_15 : i32 to vector<16xi32>
      %ge3A_606 = arith.cmpi sge, %add3A_604, %ge3A_605 : vector<16xi32>
      %lt3A_607 = vector.broadcast %add3A_18 : i32 to vector<16xi32>
      %lt3A_608 = arith.cmpi slt, %add3A_604, %lt3A_607 : vector<16xi32>
      %and3A_609 = arith.andi %ge3A_606, %lt3A_608 : vector<16xi1>
      %mul3A_610 = arith.constant 16 : i32
      %mul3A_611 = arith.muli %shift_right_logical3A_596, %mul3A_610 : i32
      %get3A_612 = tpu.memref_slice %arg6[%mul3A_163] : memref<33024xf32, #tpu.memory_space<vmem>> -> memref<16512xf32, #tpu.memory_space<vmem>>
      %get3A_613 = arith.index_cast %mul3A_611 : i32 to index
      %get3A_614 = tpu.vector_load %get3A_612[%get3A_613] {strides = array<i32>} : memref<16512xf32, #tpu.memory_space<vmem>>, vector<16xf32>,
      %select_n3A_615 = arith.select %and3A_609, %get3A_614, %broadcast_in_dim3A_3 : vector<16xi1>, vector<16xf32>
      %mul3A_616 = arith.constant 16 : i32
      %mul3A_617 = arith.muli %shift_right_logical3A_600, %mul3A_616 : i32
      %add3A_618 = vector.broadcast %mul3A_617 : i32 to vector<16xi32>
      %add3A_619 = arith.addi %add3A_618, %iota3A : vector<16xi32>
      %ge3A_620 = vector.broadcast %add3A_15 : i32 to vector<16xi32>
      %ge3A_621 = arith.cmpi sge, %add3A_619, %ge3A_620 : vector<16xi32>
      %lt3A_622 = vector.broadcast %add3A_18 : i32 to vector<16xi32>
      %lt3A_623 = arith.cmpi slt, %add3A_619, %lt3A_622 : vector<16xi32>
      %and3A_624 = arith.andi %ge3A_621, %lt3A_623 : vector<16xi1>
      %mul3A_625 = arith.constant 16 : i32
      %mul3A_626 = arith.muli %shift_right_logical3A_600, %mul3A_625 : i32
      %get3A_627 = tpu.memref_slice %arg6[%mul3A_163] : memref<33024xf32, #tpu.memory_space<vmem>> -> memref<16512xf32, #tpu.memory_space<vmem>>
      %get3A_628 = arith.index_cast %mul3A_626 : i32 to index
      %get3A_629 = tpu.vector_load %get3A_627[%get3A_628] {strides = array<i32>} : memref<16512xf32, #tpu.memory_space<vmem>>, vector<16xf32>,
      %select_n3A_630 = arith.select %and3A_624, %get3A_629, %broadcast_in_dim3A_3 : vector<16xi1>, vector<16xf32>
      %max3A_631 = arith.maximumf %select_n3A_615, %select_n3A_630 : vector<16xf32>
      %add3A_632 = arith.constant 1 : i32
      %add3A_633 = arith.addi %shift_right_logical3A_596, %add3A_632 : i32
      %sub3A_634 = arith.subi %shift_right_logical3A_600, %add3A_633 : i32
      %ge3A_635 = arith.constant 8 : i32
      %ge3A_636 = arith.cmpi sge, %sub3A_634, %ge3A_635 : i32
      %convert_element_type3A_637 = arith.extui %ge3A_636 : i1 to i32
      %cond3A_638 = arith.constant 0 : i32
      %cond3A_639 = arith.cmpi ne, %convert_element_type3A_637, %cond3A_638 : i32
      %cond3A_640 = scf.if %cond3A_639 -> (vector<16xf32>) {
        %jit3A_1024 = arith.constant 8 : i32
        %div3A_1025 = arith.divsi %sub3A_634, %jit3A_1024 : i32
        %sign3A_1026 = arith.constant 0 : i32
        %sign3A_1027 = arith.cmpi sgt, %sub3A_634, %sign3A_1026 : i32
        %sign3A_1028 = arith.extui %sign3A_1027 : i1 to i32
        %sign3A_1029 = arith.constant 0 : i32
        %sign3A_1030 = arith.cmpi slt, %sub3A_634, %sign3A_1029 : i32
        %sign3A_1031 = arith.extui %sign3A_1030 : i1 to i32
        %sign3A_1032 = arith.subi %sign3A_1028, %sign3A_1031 : i32
        %sign3A_1033 = arith.constant 0 : i32
        %sign3A_1034 = arith.cmpi sgt, %jit3A_1024, %sign3A_1033 : i32
        %sign3A_1035 = arith.extui %sign3A_1034 : i1 to i32
        %sign3A_1036 = arith.constant 0 : i32
        %sign3A_1037 = arith.cmpi slt, %jit3A_1024, %sign3A_1036 : i32
        %sign3A_1038 = arith.extui %sign3A_1037 : i1 to i32
        %sign3A_1039 = arith.subi %sign3A_1035, %sign3A_1038 : i32
        %ne3A_1040 = arith.cmpi ne, %sign3A_1032, %sign3A_1039 : i32
        %rem3A_1041 = arith.remsi %sub3A_634, %jit3A_1024 : i32
        %ne3A_1042 = arith.constant 0 : i32
        %ne3A_1043 = arith.cmpi ne, %rem3A_1041, %ne3A_1042 : i32
        %and3A_1044 = arith.andi %ne3A_1040, %ne3A_1043 : i1
        %sub3A_1045 = arith.constant 1 : i32
        %sub3A_1046 = arith.subi %div3A_1025, %sub3A_1045 : i32
        %select_n3A_1047 = arith.select %and3A_1044, %sub3A_1046, %div3A_1025 : i32
        %while3A_1048 = arith.constant 0 : i32
        %while3A_1049 = arith.subi %select_n3A_1047, %while3A_1048 : i32
        %while3A_1050 = arith.addi %while3A_1048, %while3A_1049 : i32
        %while3A_1051 = arith.constant 1 : i32
        %while3A_1052 = arith.divsi %while3A_1049, %while3A_1051 : i32
        %while3A_1053 = arith.muli %while3A_1052, %while3A_1051 : i32
        %while3A_1054 = arith.addi %while3A_1048, %while3A_1053 : i32
        %while3A_1055 = arith.constant 1 : i32
        %while3A_1056 = scf.for %while3A_1111 = %while3A_1048 to %while3A_1054 step %while3A_1055 iter_args(%while3A_1112 = %max3A_631) -> (vector<16xf32>)  : i32 {
          %mul3A_1113 = arith.constant 8 : i32
          %mul3A_1114 = arith.muli %while3A_1111, %mul3A_1113 : i32
          %add3A_1115 = arith.addi %add3A_633, %mul3A_1114 : i32
          %mul3A_1116 = arith.constant 16 : i32
          %mul3A_1117 = arith.muli %add3A_1115, %mul3A_1116 : i32
          %add3A_1118 = arith.constant 0 : i32
          %add3A_1119 = arith.addi %mul3A_1117, %add3A_1118 : i32
          %get3A_1120 = tpu.memref_slice %arg6[%mul3A_163] : memref<33024xf32, #tpu.memory_space<vmem>> -> memref<16512xf32, #tpu.memory_space<vmem>>
          %get3A_1121 = arith.index_cast %add3A_1119 : i32 to index
          %get3A_1122 = tpu.vector_load %get3A_1120[%get3A_1121] {strides = array<i32>} : memref<16512xf32, #tpu.memory_space<vmem>>, vector<16xf32>,
          %add3A_1123 = arith.constant 16 : i32
          %add3A_1124 = arith.addi %mul3A_1117, %add3A_1123 : i32
          %get3A_1125 = tpu.memref_slice %arg6[%mul3A_163] : memref<33024xf32, #tpu.memory_space<vmem>> -> memref<16512xf32, #tpu.memory_space<vmem>>
          %get3A_1126 = arith.index_cast %add3A_1124 : i32 to index
          %get3A_1127 = tpu.vector_load %get3A_1125[%get3A_1126] {strides = array<i32>} : memref<16512xf32, #tpu.memory_space<vmem>>, vector<16xf32>,
          %add3A_1128 = arith.constant 32 : i32
          %add3A_1129 = arith.addi %mul3A_1117, %add3A_1128 : i32
          %get3A_1130 = tpu.memref_slice %arg6[%mul3A_163] : memref<33024xf32, #tpu.memory_space<vmem>> -> memref<16512xf32, #tpu.memory_space<vmem>>
          %get3A_1131 = arith.index_cast %add3A_1129 : i32 to index
          %get3A_1132 = tpu.vector_load %get3A_1130[%get3A_1131] {strides = array<i32>} : memref<16512xf32, #tpu.memory_space<vmem>>, vector<16xf32>,
          %add3A_1133 = arith.constant 48 : i32
          %add3A_1134 = arith.addi %mul3A_1117, %add3A_1133 : i32
          %get3A_1135 = tpu.memref_slice %arg6[%mul3A_163] : memref<33024xf32, #tpu.memory_space<vmem>> -> memref<16512xf32, #tpu.memory_space<vmem>>
          %get3A_1136 = arith.index_cast %add3A_1134 : i32 to index
          %get3A_1137 = tpu.vector_load %get3A_1135[%get3A_1136] {strides = array<i32>} : memref<16512xf32, #tpu.memory_space<vmem>>, vector<16xf32>,
          %add3A_1138 = arith.constant 64 : i32
          %add3A_1139 = arith.addi %mul3A_1117, %add3A_1138 : i32
          %get3A_1140 = tpu.memref_slice %arg6[%mul3A_163] : memref<33024xf32, #tpu.memory_space<vmem>> -> memref<16512xf32, #tpu.memory_space<vmem>>
          %get3A_1141 = arith.index_cast %add3A_1139 : i32 to index
          %get3A_1142 = tpu.vector_load %get3A_1140[%get3A_1141] {strides = array<i32>} : memref<16512xf32, #tpu.memory_space<vmem>>, vector<16xf32>,
          %add3A_1143 = arith.constant 80 : i32
          %add3A_1144 = arith.addi %mul3A_1117, %add3A_1143 : i32
          %get3A_1145 = tpu.memref_slice %arg6[%mul3A_163] : memref<33024xf32, #tpu.memory_space<vmem>> -> memref<16512xf32, #tpu.memory_space<vmem>>
          %get3A_1146 = arith.index_cast %add3A_1144 : i32 to index
          %get3A_1147 = tpu.vector_load %get3A_1145[%get3A_1146] {strides = array<i32>} : memref<16512xf32, #tpu.memory_space<vmem>>, vector<16xf32>,
          %add3A_1148 = arith.constant 96 : i32
          %add3A_1149 = arith.addi %mul3A_1117, %add3A_1148 : i32
          %get3A_1150 = tpu.memref_slice %arg6[%mul3A_163] : memref<33024xf32, #tpu.memory_space<vmem>> -> memref<16512xf32, #tpu.memory_space<vmem>>
          %get3A_1151 = arith.index_cast %add3A_1149 : i32 to index
          %get3A_1152 = tpu.vector_load %get3A_1150[%get3A_1151] {strides = array<i32>} : memref<16512xf32, #tpu.memory_space<vmem>>, vector<16xf32>,
          %add3A_1153 = arith.constant 112 : i32
          %add3A_1154 = arith.addi %mul3A_1117, %add3A_1153 : i32
          %get3A_1155 = tpu.memref_slice %arg6[%mul3A_163] : memref<33024xf32, #tpu.memory_space<vmem>> -> memref<16512xf32, #tpu.memory_space<vmem>>
          %get3A_1156 = arith.index_cast %add3A_1154 : i32 to index
          %get3A_1157 = tpu.vector_load %get3A_1155[%get3A_1156] {strides = array<i32>} : memref<16512xf32, #tpu.memory_space<vmem>>, vector<16xf32>,
          %max3A_1158 = arith.maximumf %get3A_1122, %get3A_1127 : vector<16xf32>
          %max3A_1159 = arith.maximumf %get3A_1132, %get3A_1137 : vector<16xf32>
          %max3A_1160 = arith.maximumf %get3A_1142, %get3A_1147 : vector<16xf32>
          %max3A_1161 = arith.maximumf %get3A_1152, %get3A_1157 : vector<16xf32>
          %max3A_1162 = arith.maximumf %max3A_1158, %max3A_1159 : vector<16xf32>
          %max3A_1163 = arith.maximumf %max3A_1160, %max3A_1161 : vector<16xf32>
          %max3A_1164 = arith.maximumf %max3A_1162, %max3A_1163 : vector<16xf32>
          %max3A_1165 = arith.maximumf %while3A_1112, %max3A_1164 : vector<16xf32>
          scf.yield %max3A_1165 : vector<16xf32>
        }
        %while3A_1057 = arith.constant 1 : i32
        %while3A_1058 = scf.for %while3A_1111 = %while3A_1054 to %while3A_1050 step %while3A_1057 iter_args(%while3A_1112 = %while3A_1056) -> (vector<16xf32>)  : i32 {
          %mul3A_1113 = arith.constant 8 : i32
          %mul3A_1114 = arith.muli %while3A_1111, %mul3A_1113 : i32
          %add3A_1115 = arith.addi %add3A_633, %mul3A_1114 : i32
          %mul3A_1116 = arith.constant 16 : i32
          %mul3A_1117 = arith.muli %add3A_1115, %mul3A_1116 : i32
          %add3A_1118 = arith.constant 0 : i32
          %add3A_1119 = arith.addi %mul3A_1117, %add3A_1118 : i32
          %get3A_1120 = tpu.memref_slice %arg6[%mul3A_163] : memref<33024xf32, #tpu.memory_space<vmem>> -> memref<16512xf32, #tpu.memory_space<vmem>>
          %get3A_1121 = arith.index_cast %add3A_1119 : i32 to index
          %get3A_1122 = tpu.vector_load %get3A_1120[%get3A_1121] {strides = array<i32>} : memref<16512xf32, #tpu.memory_space<vmem>>, vector<16xf32>,
          %add3A_1123 = arith.constant 16 : i32
          %add3A_1124 = arith.addi %mul3A_1117, %add3A_1123 : i32
          %get3A_1125 = tpu.memref_slice %arg6[%mul3A_163] : memref<33024xf32, #tpu.memory_space<vmem>> -> memref<16512xf32, #tpu.memory_space<vmem>>
          %get3A_1126 = arith.index_cast %add3A_1124 : i32 to index
          %get3A_1127 = tpu.vector_load %get3A_1125[%get3A_1126] {strides = array<i32>} : memref<16512xf32, #tpu.memory_space<vmem>>, vector<16xf32>,
          %add3A_1128 = arith.constant 32 : i32
          %add3A_1129 = arith.addi %mul3A_1117, %add3A_1128 : i32
          %get3A_1130 = tpu.memref_slice %arg6[%mul3A_163] : memref<33024xf32, #tpu.memory_space<vmem>> -> memref<16512xf32, #tpu.memory_space<vmem>>
          %get3A_1131 = arith.index_cast %add3A_1129 : i32 to index
          %get3A_1132 = tpu.vector_load %get3A_1130[%get3A_1131] {strides = array<i32>} : memref<16512xf32, #tpu.memory_space<vmem>>, vector<16xf32>,
          %add3A_1133 = arith.constant 48 : i32
          %add3A_1134 = arith.addi %mul3A_1117, %add3A_1133 : i32
          %get3A_1135 = tpu.memref_slice %arg6[%mul3A_163] : memref<33024xf32, #tpu.memory_space<vmem>> -> memref<16512xf32, #tpu.memory_space<vmem>>
          %get3A_1136 = arith.index_cast %add3A_1134 : i32 to index
          %get3A_1137 = tpu.vector_load %get3A_1135[%get3A_1136] {strides = array<i32>} : memref<16512xf32, #tpu.memory_space<vmem>>, vector<16xf32>,
          %add3A_1138 = arith.constant 64 : i32
          %add3A_1139 = arith.addi %mul3A_1117, %add3A_1138 : i32
          %get3A_1140 = tpu.memref_slice %arg6[%mul3A_163] : memref<33024xf32, #tpu.memory_space<vmem>> -> memref<16512xf32, #tpu.memory_space<vmem>>
          %get3A_1141 = arith.index_cast %add3A_1139 : i32 to index
          %get3A_1142 = tpu.vector_load %get3A_1140[%get3A_1141] {strides = array<i32>} : memref<16512xf32, #tpu.memory_space<vmem>>, vector<16xf32>,
          %add3A_1143 = arith.constant 80 : i32
          %add3A_1144 = arith.addi %mul3A_1117, %add3A_1143 : i32
          %get3A_1145 = tpu.memref_slice %arg6[%mul3A_163] : memref<33024xf32, #tpu.memory_space<vmem>> -> memref<16512xf32, #tpu.memory_space<vmem>>
          %get3A_1146 = arith.index_cast %add3A_1144 : i32 to index
          %get3A_1147 = tpu.vector_load %get3A_1145[%get3A_1146] {strides = array<i32>} : memref<16512xf32, #tpu.memory_space<vmem>>, vector<16xf32>,
          %add3A_1148 = arith.constant 96 : i32
          %add3A_1149 = arith.addi %mul3A_1117, %add3A_1148 : i32
          %get3A_1150 = tpu.memref_slice %arg6[%mul3A_163] : memref<33024xf32, #tpu.memory_space<vmem>> -> memref<16512xf32, #tpu.memory_space<vmem>>
          %get3A_1151 = arith.index_cast %add3A_1149 : i32 to index
          %get3A_1152 = tpu.vector_load %get3A_1150[%get3A_1151] {strides = array<i32>} : memref<16512xf32, #tpu.memory_space<vmem>>, vector<16xf32>,
          %add3A_1153 = arith.constant 112 : i32
          %add3A_1154 = arith.addi %mul3A_1117, %add3A_1153 : i32
          %get3A_1155 = tpu.memref_slice %arg6[%mul3A_163] : memref<33024xf32, #tpu.memory_space<vmem>> -> memref<16512xf32, #tpu.memory_space<vmem>>
          %get3A_1156 = arith.index_cast %add3A_1154 : i32 to index
          %get3A_1157 = tpu.vector_load %get3A_1155[%get3A_1156] {strides = array<i32>} : memref<16512xf32, #tpu.memory_space<vmem>>, vector<16xf32>,
          %max3A_1158 = arith.maximumf %get3A_1122, %get3A_1127 : vector<16xf32>
          %max3A_1159 = arith.maximumf %get3A_1132, %get3A_1137 : vector<16xf32>
          %max3A_1160 = arith.maximumf %get3A_1142, %get3A_1147 : vector<16xf32>
          %max3A_1161 = arith.maximumf %get3A_1152, %get3A_1157 : vector<16xf32>
          %max3A_1162 = arith.maximumf %max3A_1158, %max3A_1159 : vector<16xf32>
          %max3A_1163 = arith.maximumf %max3A_1160, %max3A_1161 : vector<16xf32>
          %max3A_1164 = arith.maximumf %max3A_1162, %max3A_1163 : vector<16xf32>
          %max3A_1165 = arith.maximumf %while3A_1112, %max3A_1164 : vector<16xf32>
          scf.yield %max3A_1165 : vector<16xf32>
        }
        %sub3A_1059 = arith.constant 8 : i32
        %sub3A_1060 = arith.subi %shift_right_logical3A_600, %sub3A_1059 : i32
        %mul3A_1061 = arith.constant 16 : i32
        %mul3A_1062 = arith.muli %sub3A_1060, %mul3A_1061 : i32
        %add3A_1063 = arith.constant 0 : i32
        %add3A_1064 = arith.addi %mul3A_1062, %add3A_1063 : i32
        %get3A_1065 = tpu.memref_slice %arg6[%mul3A_163] : memref<33024xf32, #tpu.memory_space<vmem>> -> memref<16512xf32, #tpu.memory_space<vmem>>
        %get3A_1066 = arith.index_cast %add3A_1064 : i32 to index
        %get3A_1067 = tpu.vector_load %get3A_1065[%get3A_1066] {strides = array<i32>} : memref<16512xf32, #tpu.memory_space<vmem>>, vector<16xf32>,
        %add3A_1068 = arith.constant 16 : i32
        %add3A_1069 = arith.addi %mul3A_1062, %add3A_1068 : i32
        %get3A_1070 = tpu.memref_slice %arg6[%mul3A_163] : memref<33024xf32, #tpu.memory_space<vmem>> -> memref<16512xf32, #tpu.memory_space<vmem>>
        %get3A_1071 = arith.index_cast %add3A_1069 : i32 to index
        %get3A_1072 = tpu.vector_load %get3A_1070[%get3A_1071] {strides = array<i32>} : memref<16512xf32, #tpu.memory_space<vmem>>, vector<16xf32>,
        %add3A_1073 = arith.constant 32 : i32
        %add3A_1074 = arith.addi %mul3A_1062, %add3A_1073 : i32
        %get3A_1075 = tpu.memref_slice %arg6[%mul3A_163] : memref<33024xf32, #tpu.memory_space<vmem>> -> memref<16512xf32, #tpu.memory_space<vmem>>
        %get3A_1076 = arith.index_cast %add3A_1074 : i32 to index
        %get3A_1077 = tpu.vector_load %get3A_1075[%get3A_1076] {strides = array<i32>} : memref<16512xf32, #tpu.memory_space<vmem>>, vector<16xf32>,
        %add3A_1078 = arith.constant 48 : i32
        %add3A_1079 = arith.addi %mul3A_1062, %add3A_1078 : i32
        %get3A_1080 = tpu.memref_slice %arg6[%mul3A_163] : memref<33024xf32, #tpu.memory_space<vmem>> -> memref<16512xf32, #tpu.memory_space<vmem>>
        %get3A_1081 = arith.index_cast %add3A_1079 : i32 to index
        %get3A_1082 = tpu.vector_load %get3A_1080[%get3A_1081] {strides = array<i32>} : memref<16512xf32, #tpu.memory_space<vmem>>, vector<16xf32>,
        %add3A_1083 = arith.constant 64 : i32
        %add3A_1084 = arith.addi %mul3A_1062, %add3A_1083 : i32
        %get3A_1085 = tpu.memref_slice %arg6[%mul3A_163] : memref<33024xf32, #tpu.memory_space<vmem>> -> memref<16512xf32, #tpu.memory_space<vmem>>
        %get3A_1086 = arith.index_cast %add3A_1084 : i32 to index
        %get3A_1087 = tpu.vector_load %get3A_1085[%get3A_1086] {strides = array<i32>} : memref<16512xf32, #tpu.memory_space<vmem>>, vector<16xf32>,
        %add3A_1088 = arith.constant 80 : i32
        %add3A_1089 = arith.addi %mul3A_1062, %add3A_1088 : i32
        %get3A_1090 = tpu.memref_slice %arg6[%mul3A_163] : memref<33024xf32, #tpu.memory_space<vmem>> -> memref<16512xf32, #tpu.memory_space<vmem>>
        %get3A_1091 = arith.index_cast %add3A_1089 : i32 to index
        %get3A_1092 = tpu.vector_load %get3A_1090[%get3A_1091] {strides = array<i32>} : memref<16512xf32, #tpu.memory_space<vmem>>, vector<16xf32>,
        %add3A_1093 = arith.constant 96 : i32
        %add3A_1094 = arith.addi %mul3A_1062, %add3A_1093 : i32
        %get3A_1095 = tpu.memref_slice %arg6[%mul3A_163] : memref<33024xf32, #tpu.memory_space<vmem>> -> memref<16512xf32, #tpu.memory_space<vmem>>
        %get3A_1096 = arith.index_cast %add3A_1094 : i32 to index
        %get3A_1097 = tpu.vector_load %get3A_1095[%get3A_1096] {strides = array<i32>} : memref<16512xf32, #tpu.memory_space<vmem>>, vector<16xf32>,
        %add3A_1098 = arith.constant 112 : i32
        %add3A_1099 = arith.addi %mul3A_1062, %add3A_1098 : i32
        %get3A_1100 = tpu.memref_slice %arg6[%mul3A_163] : memref<33024xf32, #tpu.memory_space<vmem>> -> memref<16512xf32, #tpu.memory_space<vmem>>
        %get3A_1101 = arith.index_cast %add3A_1099 : i32 to index
        %get3A_1102 = tpu.vector_load %get3A_1100[%get3A_1101] {strides = array<i32>} : memref<16512xf32, #tpu.memory_space<vmem>>, vector<16xf32>,
        %max3A_1103 = arith.maximumf %get3A_1067, %get3A_1072 : vector<16xf32>
        %max3A_1104 = arith.maximumf %get3A_1077, %get3A_1082 : vector<16xf32>
        %max3A_1105 = arith.maximumf %get3A_1087, %get3A_1092 : vector<16xf32>
        %max3A_1106 = arith.maximumf %get3A_1097, %get3A_1102 : vector<16xf32>
        %max3A_1107 = arith.maximumf %max3A_1103, %max3A_1104 : vector<16xf32>
        %max3A_1108 = arith.maximumf %max3A_1105, %max3A_1106 : vector<16xf32>
        %max3A_1109 = arith.maximumf %max3A_1107, %max3A_1108 : vector<16xf32>
        %max3A_1110 = arith.maximumf %while3A_1058, %max3A_1109 : vector<16xf32>
        scf.yield %max3A_1110 : vector<16xf32>
      } else {
        %add3A_1024 = arith.constant 0 : i32
        %add3A_1025 = arith.addi %add3A_633, %add3A_1024 : i32
        %lt3A_1026 = arith.cmpi slt, %add3A_1025, %shift_right_logical3A_600 : i32
        %add3A_1027 = arith.constant 0 : i32
        %add3A_1028 = arith.addi %add3A_633, %add3A_1027 : i32
        %mul3A_1029 = arith.constant 16 : i32
        %mul3A_1030 = arith.muli %add3A_1028, %mul3A_1029 : i32
        %get3A_1031 = tpu.memref_slice %arg6[%mul3A_163] : memref<33024xf32, #tpu.memory_space<vmem>> -> memref<16512xf32, #tpu.memory_space<vmem>>
        %get3A_1032 = arith.index_cast %mul3A_1030 : i32 to index
        %get3A_1033 = tpu.vector_load %get3A_1031[%get3A_1032] {strides = array<i32>} : memref<16512xf32, #tpu.memory_space<vmem>>, vector<16xf32>,
        %select_n3A_1034 = arith.select %lt3A_1026, %get3A_1033, %broadcast_in_dim3A_3 : vector<16xf32>
        %add3A_1035 = arith.constant 1 : i32
        %add3A_1036 = arith.addi %add3A_633, %add3A_1035 : i32
        %lt3A_1037 = arith.cmpi slt, %add3A_1036, %shift_right_logical3A_600 : i32
        %add3A_1038 = arith.constant 1 : i32
        %add3A_1039 = arith.addi %add3A_633, %add3A_1038 : i32
        %mul3A_1040 = arith.constant 16 : i32
        %mul3A_1041 = arith.muli %add3A_1039, %mul3A_1040 : i32
        %get3A_1042 = tpu.memref_slice %arg6[%mul3A_163] : memref<33024xf32, #tpu.memory_space<vmem>> -> memref<16512xf32, #tpu.memory_space<vmem>>
        %get3A_1043 = arith.index_cast %mul3A_1041 : i32 to index
        %get3A_1044 = tpu.vector_load %get3A_1042[%get3A_1043] {strides = array<i32>} : memref<16512xf32, #tpu.memory_space<vmem>>, vector<16xf32>,
        %select_n3A_1045 = arith.select %lt3A_1037, %get3A_1044, %broadcast_in_dim3A_3 : vector<16xf32>
        %add3A_1046 = arith.constant 2 : i32
        %add3A_1047 = arith.addi %add3A_633, %add3A_1046 : i32
        %lt3A_1048 = arith.cmpi slt, %add3A_1047, %shift_right_logical3A_600 : i32
        %add3A_1049 = arith.constant 2 : i32
        %add3A_1050 = arith.addi %add3A_633, %add3A_1049 : i32
        %mul3A_1051 = arith.constant 16 : i32
        %mul3A_1052 = arith.muli %add3A_1050, %mul3A_1051 : i32
        %get3A_1053 = tpu.memref_slice %arg6[%mul3A_163] : memref<33024xf32, #tpu.memory_space<vmem>> -> memref<16512xf32, #tpu.memory_space<vmem>>
        %get3A_1054 = arith.index_cast %mul3A_1052 : i32 to index
        %get3A_1055 = tpu.vector_load %get3A_1053[%get3A_1054] {strides = array<i32>} : memref<16512xf32, #tpu.memory_space<vmem>>, vector<16xf32>,
        %select_n3A_1056 = arith.select %lt3A_1048, %get3A_1055, %broadcast_in_dim3A_3 : vector<16xf32>
        %add3A_1057 = arith.constant 3 : i32
        %add3A_1058 = arith.addi %add3A_633, %add3A_1057 : i32
        %lt3A_1059 = arith.cmpi slt, %add3A_1058, %shift_right_logical3A_600 : i32
        %add3A_1060 = arith.constant 3 : i32
        %add3A_1061 = arith.addi %add3A_633, %add3A_1060 : i32
        %mul3A_1062 = arith.constant 16 : i32
        %mul3A_1063 = arith.muli %add3A_1061, %mul3A_1062 : i32
        %get3A_1064 = tpu.memref_slice %arg6[%mul3A_163] : memref<33024xf32, #tpu.memory_space<vmem>> -> memref<16512xf32, #tpu.memory_space<vmem>>
        %get3A_1065 = arith.index_cast %mul3A_1063 : i32 to index
        %get3A_1066 = tpu.vector_load %get3A_1064[%get3A_1065] {strides = array<i32>} : memref<16512xf32, #tpu.memory_space<vmem>>, vector<16xf32>,
        %select_n3A_1067 = arith.select %lt3A_1059, %get3A_1066, %broadcast_in_dim3A_3 : vector<16xf32>
        %add3A_1068 = arith.constant 4 : i32
        %add3A_1069 = arith.addi %add3A_633, %add3A_1068 : i32
        %lt3A_1070 = arith.cmpi slt, %add3A_1069, %shift_right_logical3A_600 : i32
        %add3A_1071 = arith.constant 4 : i32
        %add3A_1072 = arith.addi %add3A_633, %add3A_1071 : i32
        %mul3A_1073 = arith.constant 16 : i32
        %mul3A_1074 = arith.muli %add3A_1072, %mul3A_1073 : i32
        %get3A_1075 = tpu.memref_slice %arg6[%mul3A_163] : memref<33024xf32, #tpu.memory_space<vmem>> -> memref<16512xf32, #tpu.memory_space<vmem>>
        %get3A_1076 = arith.index_cast %mul3A_1074 : i32 to index
        %get3A_1077 = tpu.vector_load %get3A_1075[%get3A_1076] {strides = array<i32>} : memref<16512xf32, #tpu.memory_space<vmem>>, vector<16xf32>,
        %select_n3A_1078 = arith.select %lt3A_1070, %get3A_1077, %broadcast_in_dim3A_3 : vector<16xf32>
        %add3A_1079 = arith.constant 5 : i32
        %add3A_1080 = arith.addi %add3A_633, %add3A_1079 : i32
        %lt3A_1081 = arith.cmpi slt, %add3A_1080, %shift_right_logical3A_600 : i32
        %add3A_1082 = arith.constant 5 : i32
        %add3A_1083 = arith.addi %add3A_633, %add3A_1082 : i32
        %mul3A_1084 = arith.constant 16 : i32
        %mul3A_1085 = arith.muli %add3A_1083, %mul3A_1084 : i32
        %get3A_1086 = tpu.memref_slice %arg6[%mul3A_163] : memref<33024xf32, #tpu.memory_space<vmem>> -> memref<16512xf32, #tpu.memory_space<vmem>>
        %get3A_1087 = arith.index_cast %mul3A_1085 : i32 to index
        %get3A_1088 = tpu.vector_load %get3A_1086[%get3A_1087] {strides = array<i32>} : memref<16512xf32, #tpu.memory_space<vmem>>, vector<16xf32>,
        %select_n3A_1089 = arith.select %lt3A_1081, %get3A_1088, %broadcast_in_dim3A_3 : vector<16xf32>
        %add3A_1090 = arith.constant 6 : i32
        %add3A_1091 = arith.addi %add3A_633, %add3A_1090 : i32
        %lt3A_1092 = arith.cmpi slt, %add3A_1091, %shift_right_logical3A_600 : i32
        %add3A_1093 = arith.constant 6 : i32
        %add3A_1094 = arith.addi %add3A_633, %add3A_1093 : i32
        %mul3A_1095 = arith.constant 16 : i32
        %mul3A_1096 = arith.muli %add3A_1094, %mul3A_1095 : i32
        %get3A_1097 = tpu.memref_slice %arg6[%mul3A_163] : memref<33024xf32, #tpu.memory_space<vmem>> -> memref<16512xf32, #tpu.memory_space<vmem>>
        %get3A_1098 = arith.index_cast %mul3A_1096 : i32 to index
        %get3A_1099 = tpu.vector_load %get3A_1097[%get3A_1098] {strides = array<i32>} : memref<16512xf32, #tpu.memory_space<vmem>>, vector<16xf32>,
        %select_n3A_1100 = arith.select %lt3A_1092, %get3A_1099, %broadcast_in_dim3A_3 : vector<16xf32>
        %add3A_1101 = arith.constant 7 : i32
        %add3A_1102 = arith.addi %add3A_633, %add3A_1101 : i32
        %lt3A_1103 = arith.cmpi slt, %add3A_1102, %shift_right_logical3A_600 : i32
        %add3A_1104 = arith.constant 7 : i32
        %add3A_1105 = arith.addi %add3A_633, %add3A_1104 : i32
        %mul3A_1106 = arith.constant 16 : i32
        %mul3A_1107 = arith.muli %add3A_1105, %mul3A_1106 : i32
        %get3A_1108 = tpu.memref_slice %arg6[%mul3A_163] : memref<33024xf32, #tpu.memory_space<vmem>> -> memref<16512xf32, #tpu.memory_space<vmem>>
        %get3A_1109 = arith.index_cast %mul3A_1107 : i32 to index
        %get3A_1110 = tpu.vector_load %get3A_1108[%get3A_1109] {strides = array<i32>} : memref<16512xf32, #tpu.memory_space<vmem>>, vector<16xf32>,
        %select_n3A_1111 = arith.select %lt3A_1103, %get3A_1110, %broadcast_in_dim3A_3 : vector<16xf32>
        %max3A_1112 = arith.maximumf %select_n3A_1034, %select_n3A_1045 : vector<16xf32>
        %max3A_1113 = arith.maximumf %select_n3A_1056, %select_n3A_1067 : vector<16xf32>
        %max3A_1114 = arith.maximumf %select_n3A_1078, %select_n3A_1089 : vector<16xf32>
        %max3A_1115 = arith.maximumf %select_n3A_1100, %select_n3A_1111 : vector<16xf32>
        %max3A_1116 = arith.maximumf %max3A_1112, %max3A_1113 : vector<16xf32>
        %max3A_1117 = arith.maximumf %max3A_1114, %max3A_1115 : vector<16xf32>
        %max3A_1118 = arith.maximumf %max3A_1116, %max3A_1117 : vector<16xf32>
        %max3A_1119 = arith.maximumf %max3A_631, %max3A_1118 : vector<16xf32>
        scf.yield %max3A_1119 : vector<16xf32>
      }
      %eq3A_641 = arith.constant 4 : i32
      %eq3A_642 = vector.broadcast %eq3A_641 : i32 to vector<16xi32>
      %eq3A_643 = arith.cmpi eq, %iota3A, %eq3A_642 : vector<16xi32>
      %xor3A_644 = arith.constant 8 : i32
      %xor3A_645 = vector.broadcast %xor3A_644 : i32 to vector<16xi32>
      %xor3A_646 = arith.xori %iota3A, %xor3A_645 : vector<16xi32>
      %lt3A_647 = arith.constant 0 : i32
      %lt3A_648 = vector.broadcast %lt3A_647 : i32 to vector<16xi32>
      %lt3A_649 = arith.cmpi slt, %xor3A_646, %lt3A_648 : vector<16xi32>
      %add3A_650 = arith.constant 16 : i32
      %add3A_651 = vector.broadcast %add3A_650 : i32 to vector<16xi32>
      %add3A_652 = arith.addi %xor3A_646, %add3A_651 : vector<16xi32>
      %select_n3A_653 = arith.select %lt3A_649, %add3A_652, %xor3A_646 : vector<16xi1>, vector<16xi32>
      %broadcast_in_dim3A_654 = vector.shape_cast %select_n3A_653 : vector<16xi32> to vector<16x1xi32>
      %gather3A_655 = vector.shape_cast %broadcast_in_dim3A_654 : vector<16x1xi32> to vector<16xi32>
      %gather3A_656 = tpu.dynamic_gather %cond3A_640[%gather3A_655] in [0] : vector<16xf32>, vector<16xi32> -> vector<16xf32>
      %max3A_657 = arith.maximumf %cond3A_640, %gather3A_656 : vector<16xf32>
      %xor3A_658 = arith.constant 4 : i32
      %xor3A_659 = vector.broadcast %xor3A_658 : i32 to vector<16xi32>
      %xor3A_660 = arith.xori %iota3A, %xor3A_659 : vector<16xi32>
      %lt3A_661 = arith.constant 0 : i32
      %lt3A_662 = vector.broadcast %lt3A_661 : i32 to vector<16xi32>
      %lt3A_663 = arith.cmpi slt, %xor3A_660, %lt3A_662 : vector<16xi32>
      %add3A_664 = arith.constant 16 : i32
      %add3A_665 = vector.broadcast %add3A_664 : i32 to vector<16xi32>
      %add3A_666 = arith.addi %xor3A_660, %add3A_665 : vector<16xi32>
      %select_n3A_667 = arith.select %lt3A_663, %add3A_666, %xor3A_660 : vector<16xi1>, vector<16xi32>
      %broadcast_in_dim3A_668 = vector.shape_cast %select_n3A_667 : vector<16xi32> to vector<16x1xi32>
      %gather3A_669 = vector.shape_cast %broadcast_in_dim3A_668 : vector<16x1xi32> to vector<16xi32>
      %gather3A_670 = tpu.dynamic_gather %max3A_657[%gather3A_669] in [0] : vector<16xf32>, vector<16xi32> -> vector<16xf32>
      %max3A_671 = arith.maximumf %max3A_657, %gather3A_670 : vector<16xf32>
      %xor3A_672 = arith.constant 2 : i32
      %xor3A_673 = vector.broadcast %xor3A_672 : i32 to vector<16xi32>
      %xor3A_674 = arith.xori %iota3A, %xor3A_673 : vector<16xi32>
      %lt3A_675 = arith.constant 0 : i32
      %lt3A_676 = vector.broadcast %lt3A_675 : i32 to vector<16xi32>
      %lt3A_677 = arith.cmpi slt, %xor3A_674, %lt3A_676 : vector<16xi32>
      %add3A_678 = arith.constant 16 : i32
      %add3A_679 = vector.broadcast %add3A_678 : i32 to vector<16xi32>
      %add3A_680 = arith.addi %xor3A_674, %add3A_679 : vector<16xi32>
      %select_n3A_681 = arith.select %lt3A_677, %add3A_680, %xor3A_674 : vector<16xi1>, vector<16xi32>
      %broadcast_in_dim3A_682 = vector.shape_cast %select_n3A_681 : vector<16xi32> to vector<16x1xi32>
      %gather3A_683 = vector.shape_cast %broadcast_in_dim3A_682 : vector<16x1xi32> to vector<16xi32>
      %gather3A_684 = tpu.dynamic_gather %max3A_671[%gather3A_683] in [0] : vector<16xf32>, vector<16xi32> -> vector<16xf32>
      %max3A_685 = arith.maximumf %max3A_671, %gather3A_684 : vector<16xf32>
      %xor3A_686 = arith.constant 1 : i32
      %xor3A_687 = vector.broadcast %xor3A_686 : i32 to vector<16xi32>
      %xor3A_688 = arith.xori %iota3A, %xor3A_687 : vector<16xi32>
      %lt3A_689 = arith.constant 0 : i32
      %lt3A_690 = vector.broadcast %lt3A_689 : i32 to vector<16xi32>
      %lt3A_691 = arith.cmpi slt, %xor3A_688, %lt3A_690 : vector<16xi32>
      %add3A_692 = arith.constant 16 : i32
      %add3A_693 = vector.broadcast %add3A_692 : i32 to vector<16xi32>
      %add3A_694 = arith.addi %xor3A_688, %add3A_693 : vector<16xi32>
      %select_n3A_695 = arith.select %lt3A_691, %add3A_694, %xor3A_688 : vector<16xi1>, vector<16xi32>
      %broadcast_in_dim3A_696 = vector.shape_cast %select_n3A_695 : vector<16xi32> to vector<16x1xi32>
      %gather3A_697 = vector.shape_cast %broadcast_in_dim3A_696 : vector<16x1xi32> to vector<16xi32>
      %gather3A_698 = tpu.dynamic_gather %max3A_685[%gather3A_697] in [0] : vector<16xf32>, vector<16xi32> -> vector<16xf32>
      %max3A_699 = arith.maximumf %max3A_685, %gather3A_698 : vector<16xf32>
      %select_n3A_700 = arith.select %eq3A_643, %max3A_699, %select_n3A_594 : vector<16xi1>, vector<16xf32>
      %shift_right_logical3A_701 = arith.constant 4 : i32
      %shift_right_logical3A_702 = arith.shrui %add3A_18, %shift_right_logical3A_701 : i32
      %sub3A_703 = arith.constant 1 : i32
      %sub3A_704 = arith.subi %add3A_21, %sub3A_703 : i32
      %shift_right_logical3A_705 = arith.constant 4 : i32
      %shift_right_logical3A_706 = arith.shrui %sub3A_704, %shift_right_logical3A_705 : i32
      %mul3A_707 = arith.constant 16 : i32
      %mul3A_708 = arith.muli %shift_right_logical3A_702, %mul3A_707 : i32
      %add3A_709 = vector.broadcast %mul3A_708 : i32 to vector<16xi32>
      %add3A_710 = arith.addi %add3A_709, %iota3A : vector<16xi32>
      %ge3A_711 = vector.broadcast %add3A_18 : i32 to vector<16xi32>
      %ge3A_712 = arith.cmpi sge, %add3A_710, %ge3A_711 : vector<16xi32>
      %lt3A_713 = vector.broadcast %add3A_21 : i32 to vector<16xi32>
      %lt3A_714 = arith.cmpi slt, %add3A_710, %lt3A_713 : vector<16xi32>
      %and3A_715 = arith.andi %ge3A_712, %lt3A_714 : vector<16xi1>
      %mul3A_716 = arith.constant 16 : i32
      %mul3A_717 = arith.muli %shift_right_logical3A_702, %mul3A_716 : i32
      %get3A_718 = tpu.memref_slice %arg6[%mul3A_163] : memref<33024xf32, #tpu.memory_space<vmem>> -> memref<16512xf32, #tpu.memory_space<vmem>>
      %get3A_719 = arith.index_cast %mul3A_717 : i32 to index
      %get3A_720 = tpu.vector_load %get3A_718[%get3A_719] {strides = array<i32>} : memref<16512xf32, #tpu.memory_space<vmem>>, vector<16xf32>,
      %select_n3A_721 = arith.select %and3A_715, %get3A_720, %broadcast_in_dim3A_3 : vector<16xi1>, vector<16xf32>
      %mul3A_722 = arith.constant 16 : i32
      %mul3A_723 = arith.muli %shift_right_logical3A_706, %mul3A_722 : i32
      %add3A_724 = vector.broadcast %mul3A_723 : i32 to vector<16xi32>
      %add3A_725 = arith.addi %add3A_724, %iota3A : vector<16xi32>
      %ge3A_726 = vector.broadcast %add3A_18 : i32 to vector<16xi32>
      %ge3A_727 = arith.cmpi sge, %add3A_725, %ge3A_726 : vector<16xi32>
      %lt3A_728 = vector.broadcast %add3A_21 : i32 to vector<16xi32>
      %lt3A_729 = arith.cmpi slt, %add3A_725, %lt3A_728 : vector<16xi32>
      %and3A_730 = arith.andi %ge3A_727, %lt3A_729 : vector<16xi1>
      %mul3A_731 = arith.constant 16 : i32
      %mul3A_732 = arith.muli %shift_right_logical3A_706, %mul3A_731 : i32
      %get3A_733 = tpu.memref_slice %arg6[%mul3A_163] : memref<33024xf32, #tpu.memory_space<vmem>> -> memref<16512xf32, #tpu.memory_space<vmem>>
      %get3A_734 = arith.index_cast %mul3A_732 : i32 to index
      %get3A_735 = tpu.vector_load %get3A_733[%get3A_734] {strides = array<i32>} : memref<16512xf32, #tpu.memory_space<vmem>>, vector<16xf32>,
      %select_n3A_736 = arith.select %and3A_730, %get3A_735, %broadcast_in_dim3A_3 : vector<16xi1>, vector<16xf32>
      %max3A_737 = arith.maximumf %select_n3A_721, %select_n3A_736 : vector<16xf32>
      %add3A_738 = arith.constant 1 : i32
      %add3A_739 = arith.addi %shift_right_logical3A_702, %add3A_738 : i32
      %sub3A_740 = arith.subi %shift_right_logical3A_706, %add3A_739 : i32
      %ge3A_741 = arith.constant 8 : i32
      %ge3A_742 = arith.cmpi sge, %sub3A_740, %ge3A_741 : i32
      %convert_element_type3A_743 = arith.extui %ge3A_742 : i1 to i32
      %cond3A_744 = arith.constant 0 : i32
      %cond3A_745 = arith.cmpi ne, %convert_element_type3A_743, %cond3A_744 : i32
      %cond3A_746 = scf.if %cond3A_745 -> (vector<16xf32>) {
        %jit3A_1024 = arith.constant 8 : i32
        %div3A_1025 = arith.divsi %sub3A_740, %jit3A_1024 : i32
        %sign3A_1026 = arith.constant 0 : i32
        %sign3A_1027 = arith.cmpi sgt, %sub3A_740, %sign3A_1026 : i32
        %sign3A_1028 = arith.extui %sign3A_1027 : i1 to i32
        %sign3A_1029 = arith.constant 0 : i32
        %sign3A_1030 = arith.cmpi slt, %sub3A_740, %sign3A_1029 : i32
        %sign3A_1031 = arith.extui %sign3A_1030 : i1 to i32
        %sign3A_1032 = arith.subi %sign3A_1028, %sign3A_1031 : i32
        %sign3A_1033 = arith.constant 0 : i32
        %sign3A_1034 = arith.cmpi sgt, %jit3A_1024, %sign3A_1033 : i32
        %sign3A_1035 = arith.extui %sign3A_1034 : i1 to i32
        %sign3A_1036 = arith.constant 0 : i32
        %sign3A_1037 = arith.cmpi slt, %jit3A_1024, %sign3A_1036 : i32
        %sign3A_1038 = arith.extui %sign3A_1037 : i1 to i32
        %sign3A_1039 = arith.subi %sign3A_1035, %sign3A_1038 : i32
        %ne3A_1040 = arith.cmpi ne, %sign3A_1032, %sign3A_1039 : i32
        %rem3A_1041 = arith.remsi %sub3A_740, %jit3A_1024 : i32
        %ne3A_1042 = arith.constant 0 : i32
        %ne3A_1043 = arith.cmpi ne, %rem3A_1041, %ne3A_1042 : i32
        %and3A_1044 = arith.andi %ne3A_1040, %ne3A_1043 : i1
        %sub3A_1045 = arith.constant 1 : i32
        %sub3A_1046 = arith.subi %div3A_1025, %sub3A_1045 : i32
        %select_n3A_1047 = arith.select %and3A_1044, %sub3A_1046, %div3A_1025 : i32
        %while3A_1048 = arith.constant 0 : i32
        %while3A_1049 = arith.subi %select_n3A_1047, %while3A_1048 : i32
        %while3A_1050 = arith.addi %while3A_1048, %while3A_1049 : i32
        %while3A_1051 = arith.constant 1 : i32
        %while3A_1052 = arith.divsi %while3A_1049, %while3A_1051 : i32
        %while3A_1053 = arith.muli %while3A_1052, %while3A_1051 : i32
        %while3A_1054 = arith.addi %while3A_1048, %while3A_1053 : i32
        %while3A_1055 = arith.constant 1 : i32
        %while3A_1056 = scf.for %while3A_1111 = %while3A_1048 to %while3A_1054 step %while3A_1055 iter_args(%while3A_1112 = %max3A_737) -> (vector<16xf32>)  : i32 {
          %mul3A_1113 = arith.constant 8 : i32
          %mul3A_1114 = arith.muli %while3A_1111, %mul3A_1113 : i32
          %add3A_1115 = arith.addi %add3A_739, %mul3A_1114 : i32
          %mul3A_1116 = arith.constant 16 : i32
          %mul3A_1117 = arith.muli %add3A_1115, %mul3A_1116 : i32
          %add3A_1118 = arith.constant 0 : i32
          %add3A_1119 = arith.addi %mul3A_1117, %add3A_1118 : i32
          %get3A_1120 = tpu.memref_slice %arg6[%mul3A_163] : memref<33024xf32, #tpu.memory_space<vmem>> -> memref<16512xf32, #tpu.memory_space<vmem>>
          %get3A_1121 = arith.index_cast %add3A_1119 : i32 to index
          %get3A_1122 = tpu.vector_load %get3A_1120[%get3A_1121] {strides = array<i32>} : memref<16512xf32, #tpu.memory_space<vmem>>, vector<16xf32>,
          %add3A_1123 = arith.constant 16 : i32
          %add3A_1124 = arith.addi %mul3A_1117, %add3A_1123 : i32
          %get3A_1125 = tpu.memref_slice %arg6[%mul3A_163] : memref<33024xf32, #tpu.memory_space<vmem>> -> memref<16512xf32, #tpu.memory_space<vmem>>
          %get3A_1126 = arith.index_cast %add3A_1124 : i32 to index
          %get3A_1127 = tpu.vector_load %get3A_1125[%get3A_1126] {strides = array<i32>} : memref<16512xf32, #tpu.memory_space<vmem>>, vector<16xf32>,
          %add3A_1128 = arith.constant 32 : i32
          %add3A_1129 = arith.addi %mul3A_1117, %add3A_1128 : i32
          %get3A_1130 = tpu.memref_slice %arg6[%mul3A_163] : memref<33024xf32, #tpu.memory_space<vmem>> -> memref<16512xf32, #tpu.memory_space<vmem>>
          %get3A_1131 = arith.index_cast %add3A_1129 : i32 to index
          %get3A_1132 = tpu.vector_load %get3A_1130[%get3A_1131] {strides = array<i32>} : memref<16512xf32, #tpu.memory_space<vmem>>, vector<16xf32>,
          %add3A_1133 = arith.constant 48 : i32
          %add3A_1134 = arith.addi %mul3A_1117, %add3A_1133 : i32
          %get3A_1135 = tpu.memref_slice %arg6[%mul3A_163] : memref<33024xf32, #tpu.memory_space<vmem>> -> memref<16512xf32, #tpu.memory_space<vmem>>
          %get3A_1136 = arith.index_cast %add3A_1134 : i32 to index
          %get3A_1137 = tpu.vector_load %get3A_1135[%get3A_1136] {strides = array<i32>} : memref<16512xf32, #tpu.memory_space<vmem>>, vector<16xf32>,
          %add3A_1138 = arith.constant 64 : i32
          %add3A_1139 = arith.addi %mul3A_1117, %add3A_1138 : i32
          %get3A_1140 = tpu.memref_slice %arg6[%mul3A_163] : memref<33024xf32, #tpu.memory_space<vmem>> -> memref<16512xf32, #tpu.memory_space<vmem>>
          %get3A_1141 = arith.index_cast %add3A_1139 : i32 to index
          %get3A_1142 = tpu.vector_load %get3A_1140[%get3A_1141] {strides = array<i32>} : memref<16512xf32, #tpu.memory_space<vmem>>, vector<16xf32>,
          %add3A_1143 = arith.constant 80 : i32
          %add3A_1144 = arith.addi %mul3A_1117, %add3A_1143 : i32
          %get3A_1145 = tpu.memref_slice %arg6[%mul3A_163] : memref<33024xf32, #tpu.memory_space<vmem>> -> memref<16512xf32, #tpu.memory_space<vmem>>
          %get3A_1146 = arith.index_cast %add3A_1144 : i32 to index
          %get3A_1147 = tpu.vector_load %get3A_1145[%get3A_1146] {strides = array<i32>} : memref<16512xf32, #tpu.memory_space<vmem>>, vector<16xf32>,
          %add3A_1148 = arith.constant 96 : i32
          %add3A_1149 = arith.addi %mul3A_1117, %add3A_1148 : i32
          %get3A_1150 = tpu.memref_slice %arg6[%mul3A_163] : memref<33024xf32, #tpu.memory_space<vmem>> -> memref<16512xf32, #tpu.memory_space<vmem>>
          %get3A_1151 = arith.index_cast %add3A_1149 : i32 to index
          %get3A_1152 = tpu.vector_load %get3A_1150[%get3A_1151] {strides = array<i32>} : memref<16512xf32, #tpu.memory_space<vmem>>, vector<16xf32>,
          %add3A_1153 = arith.constant 112 : i32
          %add3A_1154 = arith.addi %mul3A_1117, %add3A_1153 : i32
          %get3A_1155 = tpu.memref_slice %arg6[%mul3A_163] : memref<33024xf32, #tpu.memory_space<vmem>> -> memref<16512xf32, #tpu.memory_space<vmem>>
          %get3A_1156 = arith.index_cast %add3A_1154 : i32 to index
          %get3A_1157 = tpu.vector_load %get3A_1155[%get3A_1156] {strides = array<i32>} : memref<16512xf32, #tpu.memory_space<vmem>>, vector<16xf32>,
          %max3A_1158 = arith.maximumf %get3A_1122, %get3A_1127 : vector<16xf32>
          %max3A_1159 = arith.maximumf %get3A_1132, %get3A_1137 : vector<16xf32>
          %max3A_1160 = arith.maximumf %get3A_1142, %get3A_1147 : vector<16xf32>
          %max3A_1161 = arith.maximumf %get3A_1152, %get3A_1157 : vector<16xf32>
          %max3A_1162 = arith.maximumf %max3A_1158, %max3A_1159 : vector<16xf32>
          %max3A_1163 = arith.maximumf %max3A_1160, %max3A_1161 : vector<16xf32>
          %max3A_1164 = arith.maximumf %max3A_1162, %max3A_1163 : vector<16xf32>
          %max3A_1165 = arith.maximumf %while3A_1112, %max3A_1164 : vector<16xf32>
          scf.yield %max3A_1165 : vector<16xf32>
        }
        %while3A_1057 = arith.constant 1 : i32
        %while3A_1058 = scf.for %while3A_1111 = %while3A_1054 to %while3A_1050 step %while3A_1057 iter_args(%while3A_1112 = %while3A_1056) -> (vector<16xf32>)  : i32 {
          %mul3A_1113 = arith.constant 8 : i32
          %mul3A_1114 = arith.muli %while3A_1111, %mul3A_1113 : i32
          %add3A_1115 = arith.addi %add3A_739, %mul3A_1114 : i32
          %mul3A_1116 = arith.constant 16 : i32
          %mul3A_1117 = arith.muli %add3A_1115, %mul3A_1116 : i32
          %add3A_1118 = arith.constant 0 : i32
          %add3A_1119 = arith.addi %mul3A_1117, %add3A_1118 : i32
          %get3A_1120 = tpu.memref_slice %arg6[%mul3A_163] : memref<33024xf32, #tpu.memory_space<vmem>> -> memref<16512xf32, #tpu.memory_space<vmem>>
          %get3A_1121 = arith.index_cast %add3A_1119 : i32 to index
          %get3A_1122 = tpu.vector_load %get3A_1120[%get3A_1121] {strides = array<i32>} : memref<16512xf32, #tpu.memory_space<vmem>>, vector<16xf32>,
          %add3A_1123 = arith.constant 16 : i32
          %add3A_1124 = arith.addi %mul3A_1117, %add3A_1123 : i32
          %get3A_1125 = tpu.memref_slice %arg6[%mul3A_163] : memref<33024xf32, #tpu.memory_space<vmem>> -> memref<16512xf32, #tpu.memory_space<vmem>>
          %get3A_1126 = arith.index_cast %add3A_1124 : i32 to index
          %get3A_1127 = tpu.vector_load %get3A_1125[%get3A_1126] {strides = array<i32>} : memref<16512xf32, #tpu.memory_space<vmem>>, vector<16xf32>,
          %add3A_1128 = arith.constant 32 : i32
          %add3A_1129 = arith.addi %mul3A_1117, %add3A_1128 : i32
          %get3A_1130 = tpu.memref_slice %arg6[%mul3A_163] : memref<33024xf32, #tpu.memory_space<vmem>> -> memref<16512xf32, #tpu.memory_space<vmem>>
          %get3A_1131 = arith.index_cast %add3A_1129 : i32 to index
          %get3A_1132 = tpu.vector_load %get3A_1130[%get3A_1131] {strides = array<i32>} : memref<16512xf32, #tpu.memory_space<vmem>>, vector<16xf32>,
          %add3A_1133 = arith.constant 48 : i32
          %add3A_1134 = arith.addi %mul3A_1117, %add3A_1133 : i32
          %get3A_1135 = tpu.memref_slice %arg6[%mul3A_163] : memref<33024xf32, #tpu.memory_space<vmem>> -> memref<16512xf32, #tpu.memory_space<vmem>>
          %get3A_1136 = arith.index_cast %add3A_1134 : i32 to index
          %get3A_1137 = tpu.vector_load %get3A_1135[%get3A_1136] {strides = array<i32>} : memref<16512xf32, #tpu.memory_space<vmem>>, vector<16xf32>,
          %add3A_1138 = arith.constant 64 : i32
          %add3A_1139 = arith.addi %mul3A_1117, %add3A_1138 : i32
          %get3A_1140 = tpu.memref_slice %arg6[%mul3A_163] : memref<33024xf32, #tpu.memory_space<vmem>> -> memref<16512xf32, #tpu.memory_space<vmem>>
          %get3A_1141 = arith.index_cast %add3A_1139 : i32 to index
          %get3A_1142 = tpu.vector_load %get3A_1140[%get3A_1141] {strides = array<i32>} : memref<16512xf32, #tpu.memory_space<vmem>>, vector<16xf32>,
          %add3A_1143 = arith.constant 80 : i32
          %add3A_1144 = arith.addi %mul3A_1117, %add3A_1143 : i32
          %get3A_1145 = tpu.memref_slice %arg6[%mul3A_163] : memref<33024xf32, #tpu.memory_space<vmem>> -> memref<16512xf32, #tpu.memory_space<vmem>>
          %get3A_1146 = arith.index_cast %add3A_1144 : i32 to index
          %get3A_1147 = tpu.vector_load %get3A_1145[%get3A_1146] {strides = array<i32>} : memref<16512xf32, #tpu.memory_space<vmem>>, vector<16xf32>,
          %add3A_1148 = arith.constant 96 : i32
          %add3A_1149 = arith.addi %mul3A_1117, %add3A_1148 : i32
          %get3A_1150 = tpu.memref_slice %arg6[%mul3A_163] : memref<33024xf32, #tpu.memory_space<vmem>> -> memref<16512xf32, #tpu.memory_space<vmem>>
          %get3A_1151 = arith.index_cast %add3A_1149 : i32 to index
          %get3A_1152 = tpu.vector_load %get3A_1150[%get3A_1151] {strides = array<i32>} : memref<16512xf32, #tpu.memory_space<vmem>>, vector<16xf32>,
          %add3A_1153 = arith.constant 112 : i32
          %add3A_1154 = arith.addi %mul3A_1117, %add3A_1153 : i32
          %get3A_1155 = tpu.memref_slice %arg6[%mul3A_163] : memref<33024xf32, #tpu.memory_space<vmem>> -> memref<16512xf32, #tpu.memory_space<vmem>>
          %get3A_1156 = arith.index_cast %add3A_1154 : i32 to index
          %get3A_1157 = tpu.vector_load %get3A_1155[%get3A_1156] {strides = array<i32>} : memref<16512xf32, #tpu.memory_space<vmem>>, vector<16xf32>,
          %max3A_1158 = arith.maximumf %get3A_1122, %get3A_1127 : vector<16xf32>
          %max3A_1159 = arith.maximumf %get3A_1132, %get3A_1137 : vector<16xf32>
          %max3A_1160 = arith.maximumf %get3A_1142, %get3A_1147 : vector<16xf32>
          %max3A_1161 = arith.maximumf %get3A_1152, %get3A_1157 : vector<16xf32>
          %max3A_1162 = arith.maximumf %max3A_1158, %max3A_1159 : vector<16xf32>
          %max3A_1163 = arith.maximumf %max3A_1160, %max3A_1161 : vector<16xf32>
          %max3A_1164 = arith.maximumf %max3A_1162, %max3A_1163 : vector<16xf32>
          %max3A_1165 = arith.maximumf %while3A_1112, %max3A_1164 : vector<16xf32>
          scf.yield %max3A_1165 : vector<16xf32>
        }
        %sub3A_1059 = arith.constant 8 : i32
        %sub3A_1060 = arith.subi %shift_right_logical3A_706, %sub3A_1059 : i32
        %mul3A_1061 = arith.constant 16 : i32
        %mul3A_1062 = arith.muli %sub3A_1060, %mul3A_1061 : i32
        %add3A_1063 = arith.constant 0 : i32
        %add3A_1064 = arith.addi %mul3A_1062, %add3A_1063 : i32
        %get3A_1065 = tpu.memref_slice %arg6[%mul3A_163] : memref<33024xf32, #tpu.memory_space<vmem>> -> memref<16512xf32, #tpu.memory_space<vmem>>
        %get3A_1066 = arith.index_cast %add3A_1064 : i32 to index
        %get3A_1067 = tpu.vector_load %get3A_1065[%get3A_1066] {strides = array<i32>} : memref<16512xf32, #tpu.memory_space<vmem>>, vector<16xf32>,
        %add3A_1068 = arith.constant 16 : i32
        %add3A_1069 = arith.addi %mul3A_1062, %add3A_1068 : i32
        %get3A_1070 = tpu.memref_slice %arg6[%mul3A_163] : memref<33024xf32, #tpu.memory_space<vmem>> -> memref<16512xf32, #tpu.memory_space<vmem>>
        %get3A_1071 = arith.index_cast %add3A_1069 : i32 to index
        %get3A_1072 = tpu.vector_load %get3A_1070[%get3A_1071] {strides = array<i32>} : memref<16512xf32, #tpu.memory_space<vmem>>, vector<16xf32>,
        %add3A_1073 = arith.constant 32 : i32
        %add3A_1074 = arith.addi %mul3A_1062, %add3A_1073 : i32
        %get3A_1075 = tpu.memref_slice %arg6[%mul3A_163] : memref<33024xf32, #tpu.memory_space<vmem>> -> memref<16512xf32, #tpu.memory_space<vmem>>
        %get3A_1076 = arith.index_cast %add3A_1074 : i32 to index
        %get3A_1077 = tpu.vector_load %get3A_1075[%get3A_1076] {strides = array<i32>} : memref<16512xf32, #tpu.memory_space<vmem>>, vector<16xf32>,
        %add3A_1078 = arith.constant 48 : i32
        %add3A_1079 = arith.addi %mul3A_1062, %add3A_1078 : i32
        %get3A_1080 = tpu.memref_slice %arg6[%mul3A_163] : memref<33024xf32, #tpu.memory_space<vmem>> -> memref<16512xf32, #tpu.memory_space<vmem>>
        %get3A_1081 = arith.index_cast %add3A_1079 : i32 to index
        %get3A_1082 = tpu.vector_load %get3A_1080[%get3A_1081] {strides = array<i32>} : memref<16512xf32, #tpu.memory_space<vmem>>, vector<16xf32>,
        %add3A_1083 = arith.constant 64 : i32
        %add3A_1084 = arith.addi %mul3A_1062, %add3A_1083 : i32
        %get3A_1085 = tpu.memref_slice %arg6[%mul3A_163] : memref<33024xf32, #tpu.memory_space<vmem>> -> memref<16512xf32, #tpu.memory_space<vmem>>
        %get3A_1086 = arith.index_cast %add3A_1084 : i32 to index
        %get3A_1087 = tpu.vector_load %get3A_1085[%get3A_1086] {strides = array<i32>} : memref<16512xf32, #tpu.memory_space<vmem>>, vector<16xf32>,
        %add3A_1088 = arith.constant 80 : i32
        %add3A_1089 = arith.addi %mul3A_1062, %add3A_1088 : i32
        %get3A_1090 = tpu.memref_slice %arg6[%mul3A_163] : memref<33024xf32, #tpu.memory_space<vmem>> -> memref<16512xf32, #tpu.memory_space<vmem>>
        %get3A_1091 = arith.index_cast %add3A_1089 : i32 to index
        %get3A_1092 = tpu.vector_load %get3A_1090[%get3A_1091] {strides = array<i32>} : memref<16512xf32, #tpu.memory_space<vmem>>, vector<16xf32>,
        %add3A_1093 = arith.constant 96 : i32
        %add3A_1094 = arith.addi %mul3A_1062, %add3A_1093 : i32
        %get3A_1095 = tpu.memref_slice %arg6[%mul3A_163] : memref<33024xf32, #tpu.memory_space<vmem>> -> memref<16512xf32, #tpu.memory_space<vmem>>
        %get3A_1096 = arith.index_cast %add3A_1094 : i32 to index
        %get3A_1097 = tpu.vector_load %get3A_1095[%get3A_1096] {strides = array<i32>} : memref<16512xf32, #tpu.memory_space<vmem>>, vector<16xf32>,
        %add3A_1098 = arith.constant 112 : i32
        %add3A_1099 = arith.addi %mul3A_1062, %add3A_1098 : i32
        %get3A_1100 = tpu.memref_slice %arg6[%mul3A_163] : memref<33024xf32, #tpu.memory_space<vmem>> -> memref<16512xf32, #tpu.memory_space<vmem>>
        %get3A_1101 = arith.index_cast %add3A_1099 : i32 to index
        %get3A_1102 = tpu.vector_load %get3A_1100[%get3A_1101] {strides = array<i32>} : memref<16512xf32, #tpu.memory_space<vmem>>, vector<16xf32>,
        %max3A_1103 = arith.maximumf %get3A_1067, %get3A_1072 : vector<16xf32>
        %max3A_1104 = arith.maximumf %get3A_1077, %get3A_1082 : vector<16xf32>
        %max3A_1105 = arith.maximumf %get3A_1087, %get3A_1092 : vector<16xf32>
        %max3A_1106 = arith.maximumf %get3A_1097, %get3A_1102 : vector<16xf32>
        %max3A_1107 = arith.maximumf %max3A_1103, %max3A_1104 : vector<16xf32>
        %max3A_1108 = arith.maximumf %max3A_1105, %max3A_1106 : vector<16xf32>
        %max3A_1109 = arith.maximumf %max3A_1107, %max3A_1108 : vector<16xf32>
        %max3A_1110 = arith.maximumf %while3A_1058, %max3A_1109 : vector<16xf32>
        scf.yield %max3A_1110 : vector<16xf32>
      } else {
        %add3A_1024 = arith.constant 0 : i32
        %add3A_1025 = arith.addi %add3A_739, %add3A_1024 : i32
        %lt3A_1026 = arith.cmpi slt, %add3A_1025, %shift_right_logical3A_706 : i32
        %add3A_1027 = arith.constant 0 : i32
        %add3A_1028 = arith.addi %add3A_739, %add3A_1027 : i32
        %mul3A_1029 = arith.constant 16 : i32
        %mul3A_1030 = arith.muli %add3A_1028, %mul3A_1029 : i32
        %get3A_1031 = tpu.memref_slice %arg6[%mul3A_163] : memref<33024xf32, #tpu.memory_space<vmem>> -> memref<16512xf32, #tpu.memory_space<vmem>>
        %get3A_1032 = arith.index_cast %mul3A_1030 : i32 to index
        %get3A_1033 = tpu.vector_load %get3A_1031[%get3A_1032] {strides = array<i32>} : memref<16512xf32, #tpu.memory_space<vmem>>, vector<16xf32>,
        %select_n3A_1034 = arith.select %lt3A_1026, %get3A_1033, %broadcast_in_dim3A_3 : vector<16xf32>
        %add3A_1035 = arith.constant 1 : i32
        %add3A_1036 = arith.addi %add3A_739, %add3A_1035 : i32
        %lt3A_1037 = arith.cmpi slt, %add3A_1036, %shift_right_logical3A_706 : i32
        %add3A_1038 = arith.constant 1 : i32
        %add3A_1039 = arith.addi %add3A_739, %add3A_1038 : i32
        %mul3A_1040 = arith.constant 16 : i32
        %mul3A_1041 = arith.muli %add3A_1039, %mul3A_1040 : i32
        %get3A_1042 = tpu.memref_slice %arg6[%mul3A_163] : memref<33024xf32, #tpu.memory_space<vmem>> -> memref<16512xf32, #tpu.memory_space<vmem>>
        %get3A_1043 = arith.index_cast %mul3A_1041 : i32 to index
        %get3A_1044 = tpu.vector_load %get3A_1042[%get3A_1043] {strides = array<i32>} : memref<16512xf32, #tpu.memory_space<vmem>>, vector<16xf32>,
        %select_n3A_1045 = arith.select %lt3A_1037, %get3A_1044, %broadcast_in_dim3A_3 : vector<16xf32>
        %add3A_1046 = arith.constant 2 : i32
        %add3A_1047 = arith.addi %add3A_739, %add3A_1046 : i32
        %lt3A_1048 = arith.cmpi slt, %add3A_1047, %shift_right_logical3A_706 : i32
        %add3A_1049 = arith.constant 2 : i32
        %add3A_1050 = arith.addi %add3A_739, %add3A_1049 : i32
        %mul3A_1051 = arith.constant 16 : i32
        %mul3A_1052 = arith.muli %add3A_1050, %mul3A_1051 : i32
        %get3A_1053 = tpu.memref_slice %arg6[%mul3A_163] : memref<33024xf32, #tpu.memory_space<vmem>> -> memref<16512xf32, #tpu.memory_space<vmem>>
        %get3A_1054 = arith.index_cast %mul3A_1052 : i32 to index
        %get3A_1055 = tpu.vector_load %get3A_1053[%get3A_1054] {strides = array<i32>} : memref<16512xf32, #tpu.memory_space<vmem>>, vector<16xf32>,
        %select_n3A_1056 = arith.select %lt3A_1048, %get3A_1055, %broadcast_in_dim3A_3 : vector<16xf32>
        %add3A_1057 = arith.constant 3 : i32
        %add3A_1058 = arith.addi %add3A_739, %add3A_1057 : i32
        %lt3A_1059 = arith.cmpi slt, %add3A_1058, %shift_right_logical3A_706 : i32
        %add3A_1060 = arith.constant 3 : i32
        %add3A_1061 = arith.addi %add3A_739, %add3A_1060 : i32
        %mul3A_1062 = arith.constant 16 : i32
        %mul3A_1063 = arith.muli %add3A_1061, %mul3A_1062 : i32
        %get3A_1064 = tpu.memref_slice %arg6[%mul3A_163] : memref<33024xf32, #tpu.memory_space<vmem>> -> memref<16512xf32, #tpu.memory_space<vmem>>
        %get3A_1065 = arith.index_cast %mul3A_1063 : i32 to index
        %get3A_1066 = tpu.vector_load %get3A_1064[%get3A_1065] {strides = array<i32>} : memref<16512xf32, #tpu.memory_space<vmem>>, vector<16xf32>,
        %select_n3A_1067 = arith.select %lt3A_1059, %get3A_1066, %broadcast_in_dim3A_3 : vector<16xf32>
        %add3A_1068 = arith.constant 4 : i32
        %add3A_1069 = arith.addi %add3A_739, %add3A_1068 : i32
        %lt3A_1070 = arith.cmpi slt, %add3A_1069, %shift_right_logical3A_706 : i32
        %add3A_1071 = arith.constant 4 : i32
        %add3A_1072 = arith.addi %add3A_739, %add3A_1071 : i32
        %mul3A_1073 = arith.constant 16 : i32
        %mul3A_1074 = arith.muli %add3A_1072, %mul3A_1073 : i32
        %get3A_1075 = tpu.memref_slice %arg6[%mul3A_163] : memref<33024xf32, #tpu.memory_space<vmem>> -> memref<16512xf32, #tpu.memory_space<vmem>>
        %get3A_1076 = arith.index_cast %mul3A_1074 : i32 to index
        %get3A_1077 = tpu.vector_load %get3A_1075[%get3A_1076] {strides = array<i32>} : memref<16512xf32, #tpu.memory_space<vmem>>, vector<16xf32>,
        %select_n3A_1078 = arith.select %lt3A_1070, %get3A_1077, %broadcast_in_dim3A_3 : vector<16xf32>
        %add3A_1079 = arith.constant 5 : i32
        %add3A_1080 = arith.addi %add3A_739, %add3A_1079 : i32
        %lt3A_1081 = arith.cmpi slt, %add3A_1080, %shift_right_logical3A_706 : i32
        %add3A_1082 = arith.constant 5 : i32
        %add3A_1083 = arith.addi %add3A_739, %add3A_1082 : i32
        %mul3A_1084 = arith.constant 16 : i32
        %mul3A_1085 = arith.muli %add3A_1083, %mul3A_1084 : i32
        %get3A_1086 = tpu.memref_slice %arg6[%mul3A_163] : memref<33024xf32, #tpu.memory_space<vmem>> -> memref<16512xf32, #tpu.memory_space<vmem>>
        %get3A_1087 = arith.index_cast %mul3A_1085 : i32 to index
        %get3A_1088 = tpu.vector_load %get3A_1086[%get3A_1087] {strides = array<i32>} : memref<16512xf32, #tpu.memory_space<vmem>>, vector<16xf32>,
        %select_n3A_1089 = arith.select %lt3A_1081, %get3A_1088, %broadcast_in_dim3A_3 : vector<16xf32>
        %add3A_1090 = arith.constant 6 : i32
        %add3A_1091 = arith.addi %add3A_739, %add3A_1090 : i32
        %lt3A_1092 = arith.cmpi slt, %add3A_1091, %shift_right_logical3A_706 : i32
        %add3A_1093 = arith.constant 6 : i32
        %add3A_1094 = arith.addi %add3A_739, %add3A_1093 : i32
        %mul3A_1095 = arith.constant 16 : i32
        %mul3A_1096 = arith.muli %add3A_1094, %mul3A_1095 : i32
        %get3A_1097 = tpu.memref_slice %arg6[%mul3A_163] : memref<33024xf32, #tpu.memory_space<vmem>> -> memref<16512xf32, #tpu.memory_space<vmem>>
        %get3A_1098 = arith.index_cast %mul3A_1096 : i32 to index
        %get3A_1099 = tpu.vector_load %get3A_1097[%get3A_1098] {strides = array<i32>} : memref<16512xf32, #tpu.memory_space<vmem>>, vector<16xf32>,
        %select_n3A_1100 = arith.select %lt3A_1092, %get3A_1099, %broadcast_in_dim3A_3 : vector<16xf32>
        %add3A_1101 = arith.constant 7 : i32
        %add3A_1102 = arith.addi %add3A_739, %add3A_1101 : i32
        %lt3A_1103 = arith.cmpi slt, %add3A_1102, %shift_right_logical3A_706 : i32
        %add3A_1104 = arith.constant 7 : i32
        %add3A_1105 = arith.addi %add3A_739, %add3A_1104 : i32
        %mul3A_1106 = arith.constant 16 : i32
        %mul3A_1107 = arith.muli %add3A_1105, %mul3A_1106 : i32
        %get3A_1108 = tpu.memref_slice %arg6[%mul3A_163] : memref<33024xf32, #tpu.memory_space<vmem>> -> memref<16512xf32, #tpu.memory_space<vmem>>
        %get3A_1109 = arith.index_cast %mul3A_1107 : i32 to index
        %get3A_1110 = tpu.vector_load %get3A_1108[%get3A_1109] {strides = array<i32>} : memref<16512xf32, #tpu.memory_space<vmem>>, vector<16xf32>,
        %select_n3A_1111 = arith.select %lt3A_1103, %get3A_1110, %broadcast_in_dim3A_3 : vector<16xf32>
        %max3A_1112 = arith.maximumf %select_n3A_1034, %select_n3A_1045 : vector<16xf32>
        %max3A_1113 = arith.maximumf %select_n3A_1056, %select_n3A_1067 : vector<16xf32>
        %max3A_1114 = arith.maximumf %select_n3A_1078, %select_n3A_1089 : vector<16xf32>
        %max3A_1115 = arith.maximumf %select_n3A_1100, %select_n3A_1111 : vector<16xf32>
        %max3A_1116 = arith.maximumf %max3A_1112, %max3A_1113 : vector<16xf32>
        %max3A_1117 = arith.maximumf %max3A_1114, %max3A_1115 : vector<16xf32>
        %max3A_1118 = arith.maximumf %max3A_1116, %max3A_1117 : vector<16xf32>
        %max3A_1119 = arith.maximumf %max3A_737, %max3A_1118 : vector<16xf32>
        scf.yield %max3A_1119 : vector<16xf32>
      }
      %eq3A_747 = arith.constant 5 : i32
      %eq3A_748 = vector.broadcast %eq3A_747 : i32 to vector<16xi32>
      %eq3A_749 = arith.cmpi eq, %iota3A, %eq3A_748 : vector<16xi32>
      %xor3A_750 = arith.constant 8 : i32
      %xor3A_751 = vector.broadcast %xor3A_750 : i32 to vector<16xi32>
      %xor3A_752 = arith.xori %iota3A, %xor3A_751 : vector<16xi32>
      %lt3A_753 = arith.constant 0 : i32
      %lt3A_754 = vector.broadcast %lt3A_753 : i32 to vector<16xi32>
      %lt3A_755 = arith.cmpi slt, %xor3A_752, %lt3A_754 : vector<16xi32>
      %add3A_756 = arith.constant 16 : i32
      %add3A_757 = vector.broadcast %add3A_756 : i32 to vector<16xi32>
      %add3A_758 = arith.addi %xor3A_752, %add3A_757 : vector<16xi32>
      %select_n3A_759 = arith.select %lt3A_755, %add3A_758, %xor3A_752 : vector<16xi1>, vector<16xi32>
      %broadcast_in_dim3A_760 = vector.shape_cast %select_n3A_759 : vector<16xi32> to vector<16x1xi32>
      %gather3A_761 = vector.shape_cast %broadcast_in_dim3A_760 : vector<16x1xi32> to vector<16xi32>
      %gather3A_762 = tpu.dynamic_gather %cond3A_746[%gather3A_761] in [0] : vector<16xf32>, vector<16xi32> -> vector<16xf32>
      %max3A_763 = arith.maximumf %cond3A_746, %gather3A_762 : vector<16xf32>
      %xor3A_764 = arith.constant 4 : i32
      %xor3A_765 = vector.broadcast %xor3A_764 : i32 to vector<16xi32>
      %xor3A_766 = arith.xori %iota3A, %xor3A_765 : vector<16xi32>
      %lt3A_767 = arith.constant 0 : i32
      %lt3A_768 = vector.broadcast %lt3A_767 : i32 to vector<16xi32>
      %lt3A_769 = arith.cmpi slt, %xor3A_766, %lt3A_768 : vector<16xi32>
      %add3A_770 = arith.constant 16 : i32
      %add3A_771 = vector.broadcast %add3A_770 : i32 to vector<16xi32>
      %add3A_772 = arith.addi %xor3A_766, %add3A_771 : vector<16xi32>
      %select_n3A_773 = arith.select %lt3A_769, %add3A_772, %xor3A_766 : vector<16xi1>, vector<16xi32>
      %broadcast_in_dim3A_774 = vector.shape_cast %select_n3A_773 : vector<16xi32> to vector<16x1xi32>
      %gather3A_775 = vector.shape_cast %broadcast_in_dim3A_774 : vector<16x1xi32> to vector<16xi32>
      %gather3A_776 = tpu.dynamic_gather %max3A_763[%gather3A_775] in [0] : vector<16xf32>, vector<16xi32> -> vector<16xf32>
      %max3A_777 = arith.maximumf %max3A_763, %gather3A_776 : vector<16xf32>
      %xor3A_778 = arith.constant 2 : i32
      %xor3A_779 = vector.broadcast %xor3A_778 : i32 to vector<16xi32>
      %xor3A_780 = arith.xori %iota3A, %xor3A_779 : vector<16xi32>
      %lt3A_781 = arith.constant 0 : i32
      %lt3A_782 = vector.broadcast %lt3A_781 : i32 to vector<16xi32>
      %lt3A_783 = arith.cmpi slt, %xor3A_780, %lt3A_782 : vector<16xi32>
      %add3A_784 = arith.constant 16 : i32
      %add3A_785 = vector.broadcast %add3A_784 : i32 to vector<16xi32>
      %add3A_786 = arith.addi %xor3A_780, %add3A_785 : vector<16xi32>
      %select_n3A_787 = arith.select %lt3A_783, %add3A_786, %xor3A_780 : vector<16xi1>, vector<16xi32>
      %broadcast_in_dim3A_788 = vector.shape_cast %select_n3A_787 : vector<16xi32> to vector<16x1xi32>
      %gather3A_789 = vector.shape_cast %broadcast_in_dim3A_788 : vector<16x1xi32> to vector<16xi32>
      %gather3A_790 = tpu.dynamic_gather %max3A_777[%gather3A_789] in [0] : vector<16xf32>, vector<16xi32> -> vector<16xf32>
      %max3A_791 = arith.maximumf %max3A_777, %gather3A_790 : vector<16xf32>
      %xor3A_792 = arith.constant 1 : i32
      %xor3A_793 = vector.broadcast %xor3A_792 : i32 to vector<16xi32>
      %xor3A_794 = arith.xori %iota3A, %xor3A_793 : vector<16xi32>
      %lt3A_795 = arith.constant 0 : i32
      %lt3A_796 = vector.broadcast %lt3A_795 : i32 to vector<16xi32>
      %lt3A_797 = arith.cmpi slt, %xor3A_794, %lt3A_796 : vector<16xi32>
      %add3A_798 = arith.constant 16 : i32
      %add3A_799 = vector.broadcast %add3A_798 : i32 to vector<16xi32>
      %add3A_800 = arith.addi %xor3A_794, %add3A_799 : vector<16xi32>
      %select_n3A_801 = arith.select %lt3A_797, %add3A_800, %xor3A_794 : vector<16xi1>, vector<16xi32>
      %broadcast_in_dim3A_802 = vector.shape_cast %select_n3A_801 : vector<16xi32> to vector<16x1xi32>
      %gather3A_803 = vector.shape_cast %broadcast_in_dim3A_802 : vector<16x1xi32> to vector<16xi32>
      %gather3A_804 = tpu.dynamic_gather %max3A_791[%gather3A_803] in [0] : vector<16xf32>, vector<16xi32> -> vector<16xf32>
      %max3A_805 = arith.maximumf %max3A_791, %gather3A_804 : vector<16xf32>
      %select_n3A_806 = arith.select %eq3A_749, %max3A_805, %select_n3A_700 : vector<16xi1>, vector<16xf32>
      %shift_right_logical3A_807 = arith.constant 4 : i32
      %shift_right_logical3A_808 = arith.shrui %add3A_21, %shift_right_logical3A_807 : i32
      %sub3A_809 = arith.constant 1 : i32
      %sub3A_810 = arith.subi %add3A_24, %sub3A_809 : i32
      %shift_right_logical3A_811 = arith.constant 4 : i32
      %shift_right_logical3A_812 = arith.shrui %sub3A_810, %shift_right_logical3A_811 : i32
      %mul3A_813 = arith.constant 16 : i32
      %mul3A_814 = arith.muli %shift_right_logical3A_808, %mul3A_813 : i32
      %add3A_815 = vector.broadcast %mul3A_814 : i32 to vector<16xi32>
      %add3A_816 = arith.addi %add3A_815, %iota3A : vector<16xi32>
      %ge3A_817 = vector.broadcast %add3A_21 : i32 to vector<16xi32>
      %ge3A_818 = arith.cmpi sge, %add3A_816, %ge3A_817 : vector<16xi32>
      %lt3A_819 = vector.broadcast %add3A_24 : i32 to vector<16xi32>
      %lt3A_820 = arith.cmpi slt, %add3A_816, %lt3A_819 : vector<16xi32>
      %and3A_821 = arith.andi %ge3A_818, %lt3A_820 : vector<16xi1>
      %mul3A_822 = arith.constant 16 : i32
      %mul3A_823 = arith.muli %shift_right_logical3A_808, %mul3A_822 : i32
      %get3A_824 = tpu.memref_slice %arg6[%mul3A_163] : memref<33024xf32, #tpu.memory_space<vmem>> -> memref<16512xf32, #tpu.memory_space<vmem>>
      %get3A_825 = arith.index_cast %mul3A_823 : i32 to index
      %get3A_826 = tpu.vector_load %get3A_824[%get3A_825] {strides = array<i32>} : memref<16512xf32, #tpu.memory_space<vmem>>, vector<16xf32>,
      %select_n3A_827 = arith.select %and3A_821, %get3A_826, %broadcast_in_dim3A_3 : vector<16xi1>, vector<16xf32>
      %mul3A_828 = arith.constant 16 : i32
      %mul3A_829 = arith.muli %shift_right_logical3A_812, %mul3A_828 : i32
      %add3A_830 = vector.broadcast %mul3A_829 : i32 to vector<16xi32>
      %add3A_831 = arith.addi %add3A_830, %iota3A : vector<16xi32>
      %ge3A_832 = vector.broadcast %add3A_21 : i32 to vector<16xi32>
      %ge3A_833 = arith.cmpi sge, %add3A_831, %ge3A_832 : vector<16xi32>
      %lt3A_834 = vector.broadcast %add3A_24 : i32 to vector<16xi32>
      %lt3A_835 = arith.cmpi slt, %add3A_831, %lt3A_834 : vector<16xi32>
      %and3A_836 = arith.andi %ge3A_833, %lt3A_835 : vector<16xi1>
      %mul3A_837 = arith.constant 16 : i32
      %mul3A_838 = arith.muli %shift_right_logical3A_812, %mul3A_837 : i32
      %get3A_839 = tpu.memref_slice %arg6[%mul3A_163] : memref<33024xf32, #tpu.memory_space<vmem>> -> memref<16512xf32, #tpu.memory_space<vmem>>
      %get3A_840 = arith.index_cast %mul3A_838 : i32 to index
      %get3A_841 = tpu.vector_load %get3A_839[%get3A_840] {strides = array<i32>} : memref<16512xf32, #tpu.memory_space<vmem>>, vector<16xf32>,
      %select_n3A_842 = arith.select %and3A_836, %get3A_841, %broadcast_in_dim3A_3 : vector<16xi1>, vector<16xf32>
      %max3A_843 = arith.maximumf %select_n3A_827, %select_n3A_842 : vector<16xf32>
      %add3A_844 = arith.constant 1 : i32
      %add3A_845 = arith.addi %shift_right_logical3A_808, %add3A_844 : i32
      %sub3A_846 = arith.subi %shift_right_logical3A_812, %add3A_845 : i32
      %ge3A_847 = arith.constant 8 : i32
      %ge3A_848 = arith.cmpi sge, %sub3A_846, %ge3A_847 : i32
      %convert_element_type3A_849 = arith.extui %ge3A_848 : i1 to i32
      %cond3A_850 = arith.constant 0 : i32
      %cond3A_851 = arith.cmpi ne, %convert_element_type3A_849, %cond3A_850 : i32
      %cond3A_852 = scf.if %cond3A_851 -> (vector<16xf32>) {
        %jit3A_1024 = arith.constant 8 : i32
        %div3A_1025 = arith.divsi %sub3A_846, %jit3A_1024 : i32
        %sign3A_1026 = arith.constant 0 : i32
        %sign3A_1027 = arith.cmpi sgt, %sub3A_846, %sign3A_1026 : i32
        %sign3A_1028 = arith.extui %sign3A_1027 : i1 to i32
        %sign3A_1029 = arith.constant 0 : i32
        %sign3A_1030 = arith.cmpi slt, %sub3A_846, %sign3A_1029 : i32
        %sign3A_1031 = arith.extui %sign3A_1030 : i1 to i32
        %sign3A_1032 = arith.subi %sign3A_1028, %sign3A_1031 : i32
        %sign3A_1033 = arith.constant 0 : i32
        %sign3A_1034 = arith.cmpi sgt, %jit3A_1024, %sign3A_1033 : i32
        %sign3A_1035 = arith.extui %sign3A_1034 : i1 to i32
        %sign3A_1036 = arith.constant 0 : i32
        %sign3A_1037 = arith.cmpi slt, %jit3A_1024, %sign3A_1036 : i32
        %sign3A_1038 = arith.extui %sign3A_1037 : i1 to i32
        %sign3A_1039 = arith.subi %sign3A_1035, %sign3A_1038 : i32
        %ne3A_1040 = arith.cmpi ne, %sign3A_1032, %sign3A_1039 : i32
        %rem3A_1041 = arith.remsi %sub3A_846, %jit3A_1024 : i32
        %ne3A_1042 = arith.constant 0 : i32
        %ne3A_1043 = arith.cmpi ne, %rem3A_1041, %ne3A_1042 : i32
        %and3A_1044 = arith.andi %ne3A_1040, %ne3A_1043 : i1
        %sub3A_1045 = arith.constant 1 : i32
        %sub3A_1046 = arith.subi %div3A_1025, %sub3A_1045 : i32
        %select_n3A_1047 = arith.select %and3A_1044, %sub3A_1046, %div3A_1025 : i32
        %while3A_1048 = arith.constant 0 : i32
        %while3A_1049 = arith.subi %select_n3A_1047, %while3A_1048 : i32
        %while3A_1050 = arith.addi %while3A_1048, %while3A_1049 : i32
        %while3A_1051 = arith.constant 1 : i32
        %while3A_1052 = arith.divsi %while3A_1049, %while3A_1051 : i32
        %while3A_1053 = arith.muli %while3A_1052, %while3A_1051 : i32
        %while3A_1054 = arith.addi %while3A_1048, %while3A_1053 : i32
        %while3A_1055 = arith.constant 1 : i32
        %while3A_1056 = scf.for %while3A_1111 = %while3A_1048 to %while3A_1054 step %while3A_1055 iter_args(%while3A_1112 = %max3A_843) -> (vector<16xf32>)  : i32 {
          %mul3A_1113 = arith.constant 8 : i32
          %mul3A_1114 = arith.muli %while3A_1111, %mul3A_1113 : i32
          %add3A_1115 = arith.addi %add3A_845, %mul3A_1114 : i32
          %mul3A_1116 = arith.constant 16 : i32
          %mul3A_1117 = arith.muli %add3A_1115, %mul3A_1116 : i32
          %add3A_1118 = arith.constant 0 : i32
          %add3A_1119 = arith.addi %mul3A_1117, %add3A_1118 : i32
          %get3A_1120 = tpu.memref_slice %arg6[%mul3A_163] : memref<33024xf32, #tpu.memory_space<vmem>> -> memref<16512xf32, #tpu.memory_space<vmem>>
          %get3A_1121 = arith.index_cast %add3A_1119 : i32 to index
          %get3A_1122 = tpu.vector_load %get3A_1120[%get3A_1121] {strides = array<i32>} : memref<16512xf32, #tpu.memory_space<vmem>>, vector<16xf32>,
          %add3A_1123 = arith.constant 16 : i32
          %add3A_1124 = arith.addi %mul3A_1117, %add3A_1123 : i32
          %get3A_1125 = tpu.memref_slice %arg6[%mul3A_163] : memref<33024xf32, #tpu.memory_space<vmem>> -> memref<16512xf32, #tpu.memory_space<vmem>>
          %get3A_1126 = arith.index_cast %add3A_1124 : i32 to index
          %get3A_1127 = tpu.vector_load %get3A_1125[%get3A_1126] {strides = array<i32>} : memref<16512xf32, #tpu.memory_space<vmem>>, vector<16xf32>,
          %add3A_1128 = arith.constant 32 : i32
          %add3A_1129 = arith.addi %mul3A_1117, %add3A_1128 : i32
          %get3A_1130 = tpu.memref_slice %arg6[%mul3A_163] : memref<33024xf32, #tpu.memory_space<vmem>> -> memref<16512xf32, #tpu.memory_space<vmem>>
          %get3A_1131 = arith.index_cast %add3A_1129 : i32 to index
          %get3A_1132 = tpu.vector_load %get3A_1130[%get3A_1131] {strides = array<i32>} : memref<16512xf32, #tpu.memory_space<vmem>>, vector<16xf32>,
          %add3A_1133 = arith.constant 48 : i32
          %add3A_1134 = arith.addi %mul3A_1117, %add3A_1133 : i32
          %get3A_1135 = tpu.memref_slice %arg6[%mul3A_163] : memref<33024xf32, #tpu.memory_space<vmem>> -> memref<16512xf32, #tpu.memory_space<vmem>>
          %get3A_1136 = arith.index_cast %add3A_1134 : i32 to index
          %get3A_1137 = tpu.vector_load %get3A_1135[%get3A_1136] {strides = array<i32>} : memref<16512xf32, #tpu.memory_space<vmem>>, vector<16xf32>,
          %add3A_1138 = arith.constant 64 : i32
          %add3A_1139 = arith.addi %mul3A_1117, %add3A_1138 : i32
          %get3A_1140 = tpu.memref_slice %arg6[%mul3A_163] : memref<33024xf32, #tpu.memory_space<vmem>> -> memref<16512xf32, #tpu.memory_space<vmem>>
          %get3A_1141 = arith.index_cast %add3A_1139 : i32 to index
          %get3A_1142 = tpu.vector_load %get3A_1140[%get3A_1141] {strides = array<i32>} : memref<16512xf32, #tpu.memory_space<vmem>>, vector<16xf32>,
          %add3A_1143 = arith.constant 80 : i32
          %add3A_1144 = arith.addi %mul3A_1117, %add3A_1143 : i32
          %get3A_1145 = tpu.memref_slice %arg6[%mul3A_163] : memref<33024xf32, #tpu.memory_space<vmem>> -> memref<16512xf32, #tpu.memory_space<vmem>>
          %get3A_1146 = arith.index_cast %add3A_1144 : i32 to index
          %get3A_1147 = tpu.vector_load %get3A_1145[%get3A_1146] {strides = array<i32>} : memref<16512xf32, #tpu.memory_space<vmem>>, vector<16xf32>,
          %add3A_1148 = arith.constant 96 : i32
          %add3A_1149 = arith.addi %mul3A_1117, %add3A_1148 : i32
          %get3A_1150 = tpu.memref_slice %arg6[%mul3A_163] : memref<33024xf32, #tpu.memory_space<vmem>> -> memref<16512xf32, #tpu.memory_space<vmem>>
          %get3A_1151 = arith.index_cast %add3A_1149 : i32 to index
          %get3A_1152 = tpu.vector_load %get3A_1150[%get3A_1151] {strides = array<i32>} : memref<16512xf32, #tpu.memory_space<vmem>>, vector<16xf32>,
          %add3A_1153 = arith.constant 112 : i32
          %add3A_1154 = arith.addi %mul3A_1117, %add3A_1153 : i32
          %get3A_1155 = tpu.memref_slice %arg6[%mul3A_163] : memref<33024xf32, #tpu.memory_space<vmem>> -> memref<16512xf32, #tpu.memory_space<vmem>>
          %get3A_1156 = arith.index_cast %add3A_1154 : i32 to index
          %get3A_1157 = tpu.vector_load %get3A_1155[%get3A_1156] {strides = array<i32>} : memref<16512xf32, #tpu.memory_space<vmem>>, vector<16xf32>,
          %max3A_1158 = arith.maximumf %get3A_1122, %get3A_1127 : vector<16xf32>
          %max3A_1159 = arith.maximumf %get3A_1132, %get3A_1137 : vector<16xf32>
          %max3A_1160 = arith.maximumf %get3A_1142, %get3A_1147 : vector<16xf32>
          %max3A_1161 = arith.maximumf %get3A_1152, %get3A_1157 : vector<16xf32>
          %max3A_1162 = arith.maximumf %max3A_1158, %max3A_1159 : vector<16xf32>
          %max3A_1163 = arith.maximumf %max3A_1160, %max3A_1161 : vector<16xf32>
          %max3A_1164 = arith.maximumf %max3A_1162, %max3A_1163 : vector<16xf32>
          %max3A_1165 = arith.maximumf %while3A_1112, %max3A_1164 : vector<16xf32>
          scf.yield %max3A_1165 : vector<16xf32>
        }
        %while3A_1057 = arith.constant 1 : i32
        %while3A_1058 = scf.for %while3A_1111 = %while3A_1054 to %while3A_1050 step %while3A_1057 iter_args(%while3A_1112 = %while3A_1056) -> (vector<16xf32>)  : i32 {
          %mul3A_1113 = arith.constant 8 : i32
          %mul3A_1114 = arith.muli %while3A_1111, %mul3A_1113 : i32
          %add3A_1115 = arith.addi %add3A_845, %mul3A_1114 : i32
          %mul3A_1116 = arith.constant 16 : i32
          %mul3A_1117 = arith.muli %add3A_1115, %mul3A_1116 : i32
          %add3A_1118 = arith.constant 0 : i32
          %add3A_1119 = arith.addi %mul3A_1117, %add3A_1118 : i32
          %get3A_1120 = tpu.memref_slice %arg6[%mul3A_163] : memref<33024xf32, #tpu.memory_space<vmem>> -> memref<16512xf32, #tpu.memory_space<vmem>>
          %get3A_1121 = arith.index_cast %add3A_1119 : i32 to index
          %get3A_1122 = tpu.vector_load %get3A_1120[%get3A_1121] {strides = array<i32>} : memref<16512xf32, #tpu.memory_space<vmem>>, vector<16xf32>,
          %add3A_1123 = arith.constant 16 : i32
          %add3A_1124 = arith.addi %mul3A_1117, %add3A_1123 : i32
          %get3A_1125 = tpu.memref_slice %arg6[%mul3A_163] : memref<33024xf32, #tpu.memory_space<vmem>> -> memref<16512xf32, #tpu.memory_space<vmem>>
          %get3A_1126 = arith.index_cast %add3A_1124 : i32 to index
          %get3A_1127 = tpu.vector_load %get3A_1125[%get3A_1126] {strides = array<i32>} : memref<16512xf32, #tpu.memory_space<vmem>>, vector<16xf32>,
          %add3A_1128 = arith.constant 32 : i32
          %add3A_1129 = arith.addi %mul3A_1117, %add3A_1128 : i32
          %get3A_1130 = tpu.memref_slice %arg6[%mul3A_163] : memref<33024xf32, #tpu.memory_space<vmem>> -> memref<16512xf32, #tpu.memory_space<vmem>>
          %get3A_1131 = arith.index_cast %add3A_1129 : i32 to index
          %get3A_1132 = tpu.vector_load %get3A_1130[%get3A_1131] {strides = array<i32>} : memref<16512xf32, #tpu.memory_space<vmem>>, vector<16xf32>,
          %add3A_1133 = arith.constant 48 : i32
          %add3A_1134 = arith.addi %mul3A_1117, %add3A_1133 : i32
          %get3A_1135 = tpu.memref_slice %arg6[%mul3A_163] : memref<33024xf32, #tpu.memory_space<vmem>> -> memref<16512xf32, #tpu.memory_space<vmem>>
          %get3A_1136 = arith.index_cast %add3A_1134 : i32 to index
          %get3A_1137 = tpu.vector_load %get3A_1135[%get3A_1136] {strides = array<i32>} : memref<16512xf32, #tpu.memory_space<vmem>>, vector<16xf32>,
          %add3A_1138 = arith.constant 64 : i32
          %add3A_1139 = arith.addi %mul3A_1117, %add3A_1138 : i32
          %get3A_1140 = tpu.memref_slice %arg6[%mul3A_163] : memref<33024xf32, #tpu.memory_space<vmem>> -> memref<16512xf32, #tpu.memory_space<vmem>>
          %get3A_1141 = arith.index_cast %add3A_1139 : i32 to index
          %get3A_1142 = tpu.vector_load %get3A_1140[%get3A_1141] {strides = array<i32>} : memref<16512xf32, #tpu.memory_space<vmem>>, vector<16xf32>,
          %add3A_1143 = arith.constant 80 : i32
          %add3A_1144 = arith.addi %mul3A_1117, %add3A_1143 : i32
          %get3A_1145 = tpu.memref_slice %arg6[%mul3A_163] : memref<33024xf32, #tpu.memory_space<vmem>> -> memref<16512xf32, #tpu.memory_space<vmem>>
          %get3A_1146 = arith.index_cast %add3A_1144 : i32 to index
          %get3A_1147 = tpu.vector_load %get3A_1145[%get3A_1146] {strides = array<i32>} : memref<16512xf32, #tpu.memory_space<vmem>>, vector<16xf32>,
          %add3A_1148 = arith.constant 96 : i32
          %add3A_1149 = arith.addi %mul3A_1117, %add3A_1148 : i32
          %get3A_1150 = tpu.memref_slice %arg6[%mul3A_163] : memref<33024xf32, #tpu.memory_space<vmem>> -> memref<16512xf32, #tpu.memory_space<vmem>>
          %get3A_1151 = arith.index_cast %add3A_1149 : i32 to index
          %get3A_1152 = tpu.vector_load %get3A_1150[%get3A_1151] {strides = array<i32>} : memref<16512xf32, #tpu.memory_space<vmem>>, vector<16xf32>,
          %add3A_1153 = arith.constant 112 : i32
          %add3A_1154 = arith.addi %mul3A_1117, %add3A_1153 : i32
          %get3A_1155 = tpu.memref_slice %arg6[%mul3A_163] : memref<33024xf32, #tpu.memory_space<vmem>> -> memref<16512xf32, #tpu.memory_space<vmem>>
          %get3A_1156 = arith.index_cast %add3A_1154 : i32 to index
          %get3A_1157 = tpu.vector_load %get3A_1155[%get3A_1156] {strides = array<i32>} : memref<16512xf32, #tpu.memory_space<vmem>>, vector<16xf32>,
          %max3A_1158 = arith.maximumf %get3A_1122, %get3A_1127 : vector<16xf32>
          %max3A_1159 = arith.maximumf %get3A_1132, %get3A_1137 : vector<16xf32>
          %max3A_1160 = arith.maximumf %get3A_1142, %get3A_1147 : vector<16xf32>
          %max3A_1161 = arith.maximumf %get3A_1152, %get3A_1157 : vector<16xf32>
          %max3A_1162 = arith.maximumf %max3A_1158, %max3A_1159 : vector<16xf32>
          %max3A_1163 = arith.maximumf %max3A_1160, %max3A_1161 : vector<16xf32>
          %max3A_1164 = arith.maximumf %max3A_1162, %max3A_1163 : vector<16xf32>
          %max3A_1165 = arith.maximumf %while3A_1112, %max3A_1164 : vector<16xf32>
          scf.yield %max3A_1165 : vector<16xf32>
        }
        %sub3A_1059 = arith.constant 8 : i32
        %sub3A_1060 = arith.subi %shift_right_logical3A_812, %sub3A_1059 : i32
        %mul3A_1061 = arith.constant 16 : i32
        %mul3A_1062 = arith.muli %sub3A_1060, %mul3A_1061 : i32
        %add3A_1063 = arith.constant 0 : i32
        %add3A_1064 = arith.addi %mul3A_1062, %add3A_1063 : i32
        %get3A_1065 = tpu.memref_slice %arg6[%mul3A_163] : memref<33024xf32, #tpu.memory_space<vmem>> -> memref<16512xf32, #tpu.memory_space<vmem>>
        %get3A_1066 = arith.index_cast %add3A_1064 : i32 to index
        %get3A_1067 = tpu.vector_load %get3A_1065[%get3A_1066] {strides = array<i32>} : memref<16512xf32, #tpu.memory_space<vmem>>, vector<16xf32>,
        %add3A_1068 = arith.constant 16 : i32
        %add3A_1069 = arith.addi %mul3A_1062, %add3A_1068 : i32
        %get3A_1070 = tpu.memref_slice %arg6[%mul3A_163] : memref<33024xf32, #tpu.memory_space<vmem>> -> memref<16512xf32, #tpu.memory_space<vmem>>
        %get3A_1071 = arith.index_cast %add3A_1069 : i32 to index
        %get3A_1072 = tpu.vector_load %get3A_1070[%get3A_1071] {strides = array<i32>} : memref<16512xf32, #tpu.memory_space<vmem>>, vector<16xf32>,
        %add3A_1073 = arith.constant 32 : i32
        %add3A_1074 = arith.addi %mul3A_1062, %add3A_1073 : i32
        %get3A_1075 = tpu.memref_slice %arg6[%mul3A_163] : memref<33024xf32, #tpu.memory_space<vmem>> -> memref<16512xf32, #tpu.memory_space<vmem>>
        %get3A_1076 = arith.index_cast %add3A_1074 : i32 to index
        %get3A_1077 = tpu.vector_load %get3A_1075[%get3A_1076] {strides = array<i32>} : memref<16512xf32, #tpu.memory_space<vmem>>, vector<16xf32>,
        %add3A_1078 = arith.constant 48 : i32
        %add3A_1079 = arith.addi %mul3A_1062, %add3A_1078 : i32
        %get3A_1080 = tpu.memref_slice %arg6[%mul3A_163] : memref<33024xf32, #tpu.memory_space<vmem>> -> memref<16512xf32, #tpu.memory_space<vmem>>
        %get3A_1081 = arith.index_cast %add3A_1079 : i32 to index
        %get3A_1082 = tpu.vector_load %get3A_1080[%get3A_1081] {strides = array<i32>} : memref<16512xf32, #tpu.memory_space<vmem>>, vector<16xf32>,
        %add3A_1083 = arith.constant 64 : i32
        %add3A_1084 = arith.addi %mul3A_1062, %add3A_1083 : i32
        %get3A_1085 = tpu.memref_slice %arg6[%mul3A_163] : memref<33024xf32, #tpu.memory_space<vmem>> -> memref<16512xf32, #tpu.memory_space<vmem>>
        %get3A_1086 = arith.index_cast %add3A_1084 : i32 to index
        %get3A_1087 = tpu.vector_load %get3A_1085[%get3A_1086] {strides = array<i32>} : memref<16512xf32, #tpu.memory_space<vmem>>, vector<16xf32>,
        %add3A_1088 = arith.constant 80 : i32
        %add3A_1089 = arith.addi %mul3A_1062, %add3A_1088 : i32
        %get3A_1090 = tpu.memref_slice %arg6[%mul3A_163] : memref<33024xf32, #tpu.memory_space<vmem>> -> memref<16512xf32, #tpu.memory_space<vmem>>
        %get3A_1091 = arith.index_cast %add3A_1089 : i32 to index
        %get3A_1092 = tpu.vector_load %get3A_1090[%get3A_1091] {strides = array<i32>} : memref<16512xf32, #tpu.memory_space<vmem>>, vector<16xf32>,
        %add3A_1093 = arith.constant 96 : i32
        %add3A_1094 = arith.addi %mul3A_1062, %add3A_1093 : i32
        %get3A_1095 = tpu.memref_slice %arg6[%mul3A_163] : memref<33024xf32, #tpu.memory_space<vmem>> -> memref<16512xf32, #tpu.memory_space<vmem>>
        %get3A_1096 = arith.index_cast %add3A_1094 : i32 to index
        %get3A_1097 = tpu.vector_load %get3A_1095[%get3A_1096] {strides = array<i32>} : memref<16512xf32, #tpu.memory_space<vmem>>, vector<16xf32>,
        %add3A_1098 = arith.constant 112 : i32
        %add3A_1099 = arith.addi %mul3A_1062, %add3A_1098 : i32
        %get3A_1100 = tpu.memref_slice %arg6[%mul3A_163] : memref<33024xf32, #tpu.memory_space<vmem>> -> memref<16512xf32, #tpu.memory_space<vmem>>
        %get3A_1101 = arith.index_cast %add3A_1099 : i32 to index
        %get3A_1102 = tpu.vector_load %get3A_1100[%get3A_1101] {strides = array<i32>} : memref<16512xf32, #tpu.memory_space<vmem>>, vector<16xf32>,
        %max3A_1103 = arith.maximumf %get3A_1067, %get3A_1072 : vector<16xf32>
        %max3A_1104 = arith.maximumf %get3A_1077, %get3A_1082 : vector<16xf32>
        %max3A_1105 = arith.maximumf %get3A_1087, %get3A_1092 : vector<16xf32>
        %max3A_1106 = arith.maximumf %get3A_1097, %get3A_1102 : vector<16xf32>
        %max3A_1107 = arith.maximumf %max3A_1103, %max3A_1104 : vector<16xf32>
        %max3A_1108 = arith.maximumf %max3A_1105, %max3A_1106 : vector<16xf32>
        %max3A_1109 = arith.maximumf %max3A_1107, %max3A_1108 : vector<16xf32>
        %max3A_1110 = arith.maximumf %while3A_1058, %max3A_1109 : vector<16xf32>
        scf.yield %max3A_1110 : vector<16xf32>
      } else {
        %add3A_1024 = arith.constant 0 : i32
        %add3A_1025 = arith.addi %add3A_845, %add3A_1024 : i32
        %lt3A_1026 = arith.cmpi slt, %add3A_1025, %shift_right_logical3A_812 : i32
        %add3A_1027 = arith.constant 0 : i32
        %add3A_1028 = arith.addi %add3A_845, %add3A_1027 : i32
        %mul3A_1029 = arith.constant 16 : i32
        %mul3A_1030 = arith.muli %add3A_1028, %mul3A_1029 : i32
        %get3A_1031 = tpu.memref_slice %arg6[%mul3A_163] : memref<33024xf32, #tpu.memory_space<vmem>> -> memref<16512xf32, #tpu.memory_space<vmem>>
        %get3A_1032 = arith.index_cast %mul3A_1030 : i32 to index
        %get3A_1033 = tpu.vector_load %get3A_1031[%get3A_1032] {strides = array<i32>} : memref<16512xf32, #tpu.memory_space<vmem>>, vector<16xf32>,
        %select_n3A_1034 = arith.select %lt3A_1026, %get3A_1033, %broadcast_in_dim3A_3 : vector<16xf32>
        %add3A_1035 = arith.constant 1 : i32
        %add3A_1036 = arith.addi %add3A_845, %add3A_1035 : i32
        %lt3A_1037 = arith.cmpi slt, %add3A_1036, %shift_right_logical3A_812 : i32
        %add3A_1038 = arith.constant 1 : i32
        %add3A_1039 = arith.addi %add3A_845, %add3A_1038 : i32
        %mul3A_1040 = arith.constant 16 : i32
        %mul3A_1041 = arith.muli %add3A_1039, %mul3A_1040 : i32
        %get3A_1042 = tpu.memref_slice %arg6[%mul3A_163] : memref<33024xf32, #tpu.memory_space<vmem>> -> memref<16512xf32, #tpu.memory_space<vmem>>
        %get3A_1043 = arith.index_cast %mul3A_1041 : i32 to index
        %get3A_1044 = tpu.vector_load %get3A_1042[%get3A_1043] {strides = array<i32>} : memref<16512xf32, #tpu.memory_space<vmem>>, vector<16xf32>,
        %select_n3A_1045 = arith.select %lt3A_1037, %get3A_1044, %broadcast_in_dim3A_3 : vector<16xf32>
        %add3A_1046 = arith.constant 2 : i32
        %add3A_1047 = arith.addi %add3A_845, %add3A_1046 : i32
        %lt3A_1048 = arith.cmpi slt, %add3A_1047, %shift_right_logical3A_812 : i32
        %add3A_1049 = arith.constant 2 : i32
        %add3A_1050 = arith.addi %add3A_845, %add3A_1049 : i32
        %mul3A_1051 = arith.constant 16 : i32
        %mul3A_1052 = arith.muli %add3A_1050, %mul3A_1051 : i32
        %get3A_1053 = tpu.memref_slice %arg6[%mul3A_163] : memref<33024xf32, #tpu.memory_space<vmem>> -> memref<16512xf32, #tpu.memory_space<vmem>>
        %get3A_1054 = arith.index_cast %mul3A_1052 : i32 to index
        %get3A_1055 = tpu.vector_load %get3A_1053[%get3A_1054] {strides = array<i32>} : memref<16512xf32, #tpu.memory_space<vmem>>, vector<16xf32>,
        %select_n3A_1056 = arith.select %lt3A_1048, %get3A_1055, %broadcast_in_dim3A_3 : vector<16xf32>
        %add3A_1057 = arith.constant 3 : i32
        %add3A_1058 = arith.addi %add3A_845, %add3A_1057 : i32
        %lt3A_1059 = arith.cmpi slt, %add3A_1058, %shift_right_logical3A_812 : i32
        %add3A_1060 = arith.constant 3 : i32
        %add3A_1061 = arith.addi %add3A_845, %add3A_1060 : i32
        %mul3A_1062 = arith.constant 16 : i32
        %mul3A_1063 = arith.muli %add3A_1061, %mul3A_1062 : i32
        %get3A_1064 = tpu.memref_slice %arg6[%mul3A_163] : memref<33024xf32, #tpu.memory_space<vmem>> -> memref<16512xf32, #tpu.memory_space<vmem>>
        %get3A_1065 = arith.index_cast %mul3A_1063 : i32 to index
        %get3A_1066 = tpu.vector_load %get3A_1064[%get3A_1065] {strides = array<i32>} : memref<16512xf32, #tpu.memory_space<vmem>>, vector<16xf32>,
        %select_n3A_1067 = arith.select %lt3A_1059, %get3A_1066, %broadcast_in_dim3A_3 : vector<16xf32>
        %add3A_1068 = arith.constant 4 : i32
        %add3A_1069 = arith.addi %add3A_845, %add3A_1068 : i32
        %lt3A_1070 = arith.cmpi slt, %add3A_1069, %shift_right_logical3A_812 : i32
        %add3A_1071 = arith.constant 4 : i32
        %add3A_1072 = arith.addi %add3A_845, %add3A_1071 : i32
        %mul3A_1073 = arith.constant 16 : i32
        %mul3A_1074 = arith.muli %add3A_1072, %mul3A_1073 : i32
        %get3A_1075 = tpu.memref_slice %arg6[%mul3A_163] : memref<33024xf32, #tpu.memory_space<vmem>> -> memref<16512xf32, #tpu.memory_space<vmem>>
        %get3A_1076 = arith.index_cast %mul3A_1074 : i32 to index
        %get3A_1077 = tpu.vector_load %get3A_1075[%get3A_1076] {strides = array<i32>} : memref<16512xf32, #tpu.memory_space<vmem>>, vector<16xf32>,
        %select_n3A_1078 = arith.select %lt3A_1070, %get3A_1077, %broadcast_in_dim3A_3 : vector<16xf32>
        %add3A_1079 = arith.constant 5 : i32
        %add3A_1080 = arith.addi %add3A_845, %add3A_1079 : i32
        %lt3A_1081 = arith.cmpi slt, %add3A_1080, %shift_right_logical3A_812 : i32
        %add3A_1082 = arith.constant 5 : i32
        %add3A_1083 = arith.addi %add3A_845, %add3A_1082 : i32
        %mul3A_1084 = arith.constant 16 : i32
        %mul3A_1085 = arith.muli %add3A_1083, %mul3A_1084 : i32
        %get3A_1086 = tpu.memref_slice %arg6[%mul3A_163] : memref<33024xf32, #tpu.memory_space<vmem>> -> memref<16512xf32, #tpu.memory_space<vmem>>
        %get3A_1087 = arith.index_cast %mul3A_1085 : i32 to index
        %get3A_1088 = tpu.vector_load %get3A_1086[%get3A_1087] {strides = array<i32>} : memref<16512xf32, #tpu.memory_space<vmem>>, vector<16xf32>,
        %select_n3A_1089 = arith.select %lt3A_1081, %get3A_1088, %broadcast_in_dim3A_3 : vector<16xf32>
        %add3A_1090 = arith.constant 6 : i32
        %add3A_1091 = arith.addi %add3A_845, %add3A_1090 : i32
        %lt3A_1092 = arith.cmpi slt, %add3A_1091, %shift_right_logical3A_812 : i32
        %add3A_1093 = arith.constant 6 : i32
        %add3A_1094 = arith.addi %add3A_845, %add3A_1093 : i32
        %mul3A_1095 = arith.constant 16 : i32
        %mul3A_1096 = arith.muli %add3A_1094, %mul3A_1095 : i32
        %get3A_1097 = tpu.memref_slice %arg6[%mul3A_163] : memref<33024xf32, #tpu.memory_space<vmem>> -> memref<16512xf32, #tpu.memory_space<vmem>>
        %get3A_1098 = arith.index_cast %mul3A_1096 : i32 to index
        %get3A_1099 = tpu.vector_load %get3A_1097[%get3A_1098] {strides = array<i32>} : memref<16512xf32, #tpu.memory_space<vmem>>, vector<16xf32>,
        %select_n3A_1100 = arith.select %lt3A_1092, %get3A_1099, %broadcast_in_dim3A_3 : vector<16xf32>
        %add3A_1101 = arith.constant 7 : i32
        %add3A_1102 = arith.addi %add3A_845, %add3A_1101 : i32
        %lt3A_1103 = arith.cmpi slt, %add3A_1102, %shift_right_logical3A_812 : i32
        %add3A_1104 = arith.constant 7 : i32
        %add3A_1105 = arith.addi %add3A_845, %add3A_1104 : i32
        %mul3A_1106 = arith.constant 16 : i32
        %mul3A_1107 = arith.muli %add3A_1105, %mul3A_1106 : i32
        %get3A_1108 = tpu.memref_slice %arg6[%mul3A_163] : memref<33024xf32, #tpu.memory_space<vmem>> -> memref<16512xf32, #tpu.memory_space<vmem>>
        %get3A_1109 = arith.index_cast %mul3A_1107 : i32 to index
        %get3A_1110 = tpu.vector_load %get3A_1108[%get3A_1109] {strides = array<i32>} : memref<16512xf32, #tpu.memory_space<vmem>>, vector<16xf32>,
        %select_n3A_1111 = arith.select %lt3A_1103, %get3A_1110, %broadcast_in_dim3A_3 : vector<16xf32>
        %max3A_1112 = arith.maximumf %select_n3A_1034, %select_n3A_1045 : vector<16xf32>
        %max3A_1113 = arith.maximumf %select_n3A_1056, %select_n3A_1067 : vector<16xf32>
        %max3A_1114 = arith.maximumf %select_n3A_1078, %select_n3A_1089 : vector<16xf32>
        %max3A_1115 = arith.maximumf %select_n3A_1100, %select_n3A_1111 : vector<16xf32>
        %max3A_1116 = arith.maximumf %max3A_1112, %max3A_1113 : vector<16xf32>
        %max3A_1117 = arith.maximumf %max3A_1114, %max3A_1115 : vector<16xf32>
        %max3A_1118 = arith.maximumf %max3A_1116, %max3A_1117 : vector<16xf32>
        %max3A_1119 = arith.maximumf %max3A_843, %max3A_1118 : vector<16xf32>
        scf.yield %max3A_1119 : vector<16xf32>
      }
      %eq3A_853 = arith.constant 6 : i32
      %eq3A_854 = vector.broadcast %eq3A_853 : i32 to vector<16xi32>
      %eq3A_855 = arith.cmpi eq, %iota3A, %eq3A_854 : vector<16xi32>
      %xor3A_856 = arith.constant 8 : i32
      %xor3A_857 = vector.broadcast %xor3A_856 : i32 to vector<16xi32>
      %xor3A_858 = arith.xori %iota3A, %xor3A_857 : vector<16xi32>
      %lt3A_859 = arith.constant 0 : i32
      %lt3A_860 = vector.broadcast %lt3A_859 : i32 to vector<16xi32>
      %lt3A_861 = arith.cmpi slt, %xor3A_858, %lt3A_860 : vector<16xi32>
      %add3A_862 = arith.constant 16 : i32
      %add3A_863 = vector.broadcast %add3A_862 : i32 to vector<16xi32>
      %add3A_864 = arith.addi %xor3A_858, %add3A_863 : vector<16xi32>
      %select_n3A_865 = arith.select %lt3A_861, %add3A_864, %xor3A_858 : vector<16xi1>, vector<16xi32>
      %broadcast_in_dim3A_866 = vector.shape_cast %select_n3A_865 : vector<16xi32> to vector<16x1xi32>
      %gather3A_867 = vector.shape_cast %broadcast_in_dim3A_866 : vector<16x1xi32> to vector<16xi32>
      %gather3A_868 = tpu.dynamic_gather %cond3A_852[%gather3A_867] in [0] : vector<16xf32>, vector<16xi32> -> vector<16xf32>
      %max3A_869 = arith.maximumf %cond3A_852, %gather3A_868 : vector<16xf32>
      %xor3A_870 = arith.constant 4 : i32
      %xor3A_871 = vector.broadcast %xor3A_870 : i32 to vector<16xi32>
      %xor3A_872 = arith.xori %iota3A, %xor3A_871 : vector<16xi32>
      %lt3A_873 = arith.constant 0 : i32
      %lt3A_874 = vector.broadcast %lt3A_873 : i32 to vector<16xi32>
      %lt3A_875 = arith.cmpi slt, %xor3A_872, %lt3A_874 : vector<16xi32>
      %add3A_876 = arith.constant 16 : i32
      %add3A_877 = vector.broadcast %add3A_876 : i32 to vector<16xi32>
      %add3A_878 = arith.addi %xor3A_872, %add3A_877 : vector<16xi32>
      %select_n3A_879 = arith.select %lt3A_875, %add3A_878, %xor3A_872 : vector<16xi1>, vector<16xi32>
      %broadcast_in_dim3A_880 = vector.shape_cast %select_n3A_879 : vector<16xi32> to vector<16x1xi32>
      %gather3A_881 = vector.shape_cast %broadcast_in_dim3A_880 : vector<16x1xi32> to vector<16xi32>
      %gather3A_882 = tpu.dynamic_gather %max3A_869[%gather3A_881] in [0] : vector<16xf32>, vector<16xi32> -> vector<16xf32>
      %max3A_883 = arith.maximumf %max3A_869, %gather3A_882 : vector<16xf32>
      %xor3A_884 = arith.constant 2 : i32
      %xor3A_885 = vector.broadcast %xor3A_884 : i32 to vector<16xi32>
      %xor3A_886 = arith.xori %iota3A, %xor3A_885 : vector<16xi32>
      %lt3A_887 = arith.constant 0 : i32
      %lt3A_888 = vector.broadcast %lt3A_887 : i32 to vector<16xi32>
      %lt3A_889 = arith.cmpi slt, %xor3A_886, %lt3A_888 : vector<16xi32>
      %add3A_890 = arith.constant 16 : i32
      %add3A_891 = vector.broadcast %add3A_890 : i32 to vector<16xi32>
      %add3A_892 = arith.addi %xor3A_886, %add3A_891 : vector<16xi32>
      %select_n3A_893 = arith.select %lt3A_889, %add3A_892, %xor3A_886 : vector<16xi1>, vector<16xi32>
      %broadcast_in_dim3A_894 = vector.shape_cast %select_n3A_893 : vector<16xi32> to vector<16x1xi32>
      %gather3A_895 = vector.shape_cast %broadcast_in_dim3A_894 : vector<16x1xi32> to vector<16xi32>
      %gather3A_896 = tpu.dynamic_gather %max3A_883[%gather3A_895] in [0] : vector<16xf32>, vector<16xi32> -> vector<16xf32>
      %max3A_897 = arith.maximumf %max3A_883, %gather3A_896 : vector<16xf32>
      %xor3A_898 = arith.constant 1 : i32
      %xor3A_899 = vector.broadcast %xor3A_898 : i32 to vector<16xi32>
      %xor3A_900 = arith.xori %iota3A, %xor3A_899 : vector<16xi32>
      %lt3A_901 = arith.constant 0 : i32
      %lt3A_902 = vector.broadcast %lt3A_901 : i32 to vector<16xi32>
      %lt3A_903 = arith.cmpi slt, %xor3A_900, %lt3A_902 : vector<16xi32>
      %add3A_904 = arith.constant 16 : i32
      %add3A_905 = vector.broadcast %add3A_904 : i32 to vector<16xi32>
      %add3A_906 = arith.addi %xor3A_900, %add3A_905 : vector<16xi32>
      %select_n3A_907 = arith.select %lt3A_903, %add3A_906, %xor3A_900 : vector<16xi1>, vector<16xi32>
      %broadcast_in_dim3A_908 = vector.shape_cast %select_n3A_907 : vector<16xi32> to vector<16x1xi32>
      %gather3A_909 = vector.shape_cast %broadcast_in_dim3A_908 : vector<16x1xi32> to vector<16xi32>
      %gather3A_910 = tpu.dynamic_gather %max3A_897[%gather3A_909] in [0] : vector<16xf32>, vector<16xi32> -> vector<16xf32>
      %max3A_911 = arith.maximumf %max3A_897, %gather3A_910 : vector<16xf32>
      %select_n3A_912 = arith.select %eq3A_855, %max3A_911, %select_n3A_806 : vector<16xi1>, vector<16xf32>
      %shift_right_logical3A_913 = arith.constant 4 : i32
      %shift_right_logical3A_914 = arith.shrui %add3A_24, %shift_right_logical3A_913 : i32
      %sub3A_915 = arith.constant 1 : i32
      %sub3A_916 = arith.subi %add3A_27, %sub3A_915 : i32
      %shift_right_logical3A_917 = arith.constant 4 : i32
      %shift_right_logical3A_918 = arith.shrui %sub3A_916, %shift_right_logical3A_917 : i32
      %mul3A_919 = arith.constant 16 : i32
      %mul3A_920 = arith.muli %shift_right_logical3A_914, %mul3A_919 : i32
      %add3A_921 = vector.broadcast %mul3A_920 : i32 to vector<16xi32>
      %add3A_922 = arith.addi %add3A_921, %iota3A : vector<16xi32>
      %ge3A_923 = vector.broadcast %add3A_24 : i32 to vector<16xi32>
      %ge3A_924 = arith.cmpi sge, %add3A_922, %ge3A_923 : vector<16xi32>
      %lt3A_925 = vector.broadcast %add3A_27 : i32 to vector<16xi32>
      %lt3A_926 = arith.cmpi slt, %add3A_922, %lt3A_925 : vector<16xi32>
      %and3A_927 = arith.andi %ge3A_924, %lt3A_926 : vector<16xi1>
      %mul3A_928 = arith.constant 16 : i32
      %mul3A_929 = arith.muli %shift_right_logical3A_914, %mul3A_928 : i32
      %get3A_930 = tpu.memref_slice %arg6[%mul3A_163] : memref<33024xf32, #tpu.memory_space<vmem>> -> memref<16512xf32, #tpu.memory_space<vmem>>
      %get3A_931 = arith.index_cast %mul3A_929 : i32 to index
      %get3A_932 = tpu.vector_load %get3A_930[%get3A_931] {strides = array<i32>} : memref<16512xf32, #tpu.memory_space<vmem>>, vector<16xf32>,
      %select_n3A_933 = arith.select %and3A_927, %get3A_932, %broadcast_in_dim3A_3 : vector<16xi1>, vector<16xf32>
      %mul3A_934 = arith.constant 16 : i32
      %mul3A_935 = arith.muli %shift_right_logical3A_918, %mul3A_934 : i32
      %add3A_936 = vector.broadcast %mul3A_935 : i32 to vector<16xi32>
      %add3A_937 = arith.addi %add3A_936, %iota3A : vector<16xi32>
      %ge3A_938 = vector.broadcast %add3A_24 : i32 to vector<16xi32>
      %ge3A_939 = arith.cmpi sge, %add3A_937, %ge3A_938 : vector<16xi32>
      %lt3A_940 = vector.broadcast %add3A_27 : i32 to vector<16xi32>
      %lt3A_941 = arith.cmpi slt, %add3A_937, %lt3A_940 : vector<16xi32>
      %and3A_942 = arith.andi %ge3A_939, %lt3A_941 : vector<16xi1>
      %mul3A_943 = arith.constant 16 : i32
      %mul3A_944 = arith.muli %shift_right_logical3A_918, %mul3A_943 : i32
      %get3A_945 = tpu.memref_slice %arg6[%mul3A_163] : memref<33024xf32, #tpu.memory_space<vmem>> -> memref<16512xf32, #tpu.memory_space<vmem>>
      %get3A_946 = arith.index_cast %mul3A_944 : i32 to index
      %get3A_947 = tpu.vector_load %get3A_945[%get3A_946] {strides = array<i32>} : memref<16512xf32, #tpu.memory_space<vmem>>, vector<16xf32>,
      %select_n3A_948 = arith.select %and3A_942, %get3A_947, %broadcast_in_dim3A_3 : vector<16xi1>, vector<16xf32>
      %max3A_949 = arith.maximumf %select_n3A_933, %select_n3A_948 : vector<16xf32>
      %add3A_950 = arith.constant 1 : i32
      %add3A_951 = arith.addi %shift_right_logical3A_914, %add3A_950 : i32
      %sub3A_952 = arith.subi %shift_right_logical3A_918, %add3A_951 : i32
      %ge3A_953 = arith.constant 8 : i32
      %ge3A_954 = arith.cmpi sge, %sub3A_952, %ge3A_953 : i32
      %convert_element_type3A_955 = arith.extui %ge3A_954 : i1 to i32
      %cond3A_956 = arith.constant 0 : i32
      %cond3A_957 = arith.cmpi ne, %convert_element_type3A_955, %cond3A_956 : i32
      %cond3A_958 = scf.if %cond3A_957 -> (vector<16xf32>) {
        %jit3A_1024 = arith.constant 8 : i32
        %div3A_1025 = arith.divsi %sub3A_952, %jit3A_1024 : i32
        %sign3A_1026 = arith.constant 0 : i32
        %sign3A_1027 = arith.cmpi sgt, %sub3A_952, %sign3A_1026 : i32
        %sign3A_1028 = arith.extui %sign3A_1027 : i1 to i32
        %sign3A_1029 = arith.constant 0 : i32
        %sign3A_1030 = arith.cmpi slt, %sub3A_952, %sign3A_1029 : i32
        %sign3A_1031 = arith.extui %sign3A_1030 : i1 to i32
        %sign3A_1032 = arith.subi %sign3A_1028, %sign3A_1031 : i32
        %sign3A_1033 = arith.constant 0 : i32
        %sign3A_1034 = arith.cmpi sgt, %jit3A_1024, %sign3A_1033 : i32
        %sign3A_1035 = arith.extui %sign3A_1034 : i1 to i32
        %sign3A_1036 = arith.constant 0 : i32
        %sign3A_1037 = arith.cmpi slt, %jit3A_1024, %sign3A_1036 : i32
        %sign3A_1038 = arith.extui %sign3A_1037 : i1 to i32
        %sign3A_1039 = arith.subi %sign3A_1035, %sign3A_1038 : i32
        %ne3A_1040 = arith.cmpi ne, %sign3A_1032, %sign3A_1039 : i32
        %rem3A_1041 = arith.remsi %sub3A_952, %jit3A_1024 : i32
        %ne3A_1042 = arith.constant 0 : i32
        %ne3A_1043 = arith.cmpi ne, %rem3A_1041, %ne3A_1042 : i32
        %and3A_1044 = arith.andi %ne3A_1040, %ne3A_1043 : i1
        %sub3A_1045 = arith.constant 1 : i32
        %sub3A_1046 = arith.subi %div3A_1025, %sub3A_1045 : i32
        %select_n3A_1047 = arith.select %and3A_1044, %sub3A_1046, %div3A_1025 : i32
        %while3A_1048 = arith.constant 0 : i32
        %while3A_1049 = arith.subi %select_n3A_1047, %while3A_1048 : i32
        %while3A_1050 = arith.addi %while3A_1048, %while3A_1049 : i32
        %while3A_1051 = arith.constant 1 : i32
        %while3A_1052 = arith.divsi %while3A_1049, %while3A_1051 : i32
        %while3A_1053 = arith.muli %while3A_1052, %while3A_1051 : i32
        %while3A_1054 = arith.addi %while3A_1048, %while3A_1053 : i32
        %while3A_1055 = arith.constant 1 : i32
        %while3A_1056 = scf.for %while3A_1111 = %while3A_1048 to %while3A_1054 step %while3A_1055 iter_args(%while3A_1112 = %max3A_949) -> (vector<16xf32>)  : i32 {
          %mul3A_1113 = arith.constant 8 : i32
          %mul3A_1114 = arith.muli %while3A_1111, %mul3A_1113 : i32
          %add3A_1115 = arith.addi %add3A_951, %mul3A_1114 : i32
          %mul3A_1116 = arith.constant 16 : i32
          %mul3A_1117 = arith.muli %add3A_1115, %mul3A_1116 : i32
          %add3A_1118 = arith.constant 0 : i32
          %add3A_1119 = arith.addi %mul3A_1117, %add3A_1118 : i32
          %get3A_1120 = tpu.memref_slice %arg6[%mul3A_163] : memref<33024xf32, #tpu.memory_space<vmem>> -> memref<16512xf32, #tpu.memory_space<vmem>>
          %get3A_1121 = arith.index_cast %add3A_1119 : i32 to index
          %get3A_1122 = tpu.vector_load %get3A_1120[%get3A_1121] {strides = array<i32>} : memref<16512xf32, #tpu.memory_space<vmem>>, vector<16xf32>,
          %add3A_1123 = arith.constant 16 : i32
          %add3A_1124 = arith.addi %mul3A_1117, %add3A_1123 : i32
          %get3A_1125 = tpu.memref_slice %arg6[%mul3A_163] : memref<33024xf32, #tpu.memory_space<vmem>> -> memref<16512xf32, #tpu.memory_space<vmem>>
          %get3A_1126 = arith.index_cast %add3A_1124 : i32 to index
          %get3A_1127 = tpu.vector_load %get3A_1125[%get3A_1126] {strides = array<i32>} : memref<16512xf32, #tpu.memory_space<vmem>>, vector<16xf32>,
          %add3A_1128 = arith.constant 32 : i32
          %add3A_1129 = arith.addi %mul3A_1117, %add3A_1128 : i32
          %get3A_1130 = tpu.memref_slice %arg6[%mul3A_163] : memref<33024xf32, #tpu.memory_space<vmem>> -> memref<16512xf32, #tpu.memory_space<vmem>>
          %get3A_1131 = arith.index_cast %add3A_1129 : i32 to index
          %get3A_1132 = tpu.vector_load %get3A_1130[%get3A_1131] {strides = array<i32>} : memref<16512xf32, #tpu.memory_space<vmem>>, vector<16xf32>,
          %add3A_1133 = arith.constant 48 : i32
          %add3A_1134 = arith.addi %mul3A_1117, %add3A_1133 : i32
          %get3A_1135 = tpu.memref_slice %arg6[%mul3A_163] : memref<33024xf32, #tpu.memory_space<vmem>> -> memref<16512xf32, #tpu.memory_space<vmem>>
          %get3A_1136 = arith.index_cast %add3A_1134 : i32 to index
          %get3A_1137 = tpu.vector_load %get3A_1135[%get3A_1136] {strides = array<i32>} : memref<16512xf32, #tpu.memory_space<vmem>>, vector<16xf32>,
          %add3A_1138 = arith.constant 64 : i32
          %add3A_1139 = arith.addi %mul3A_1117, %add3A_1138 : i32
          %get3A_1140 = tpu.memref_slice %arg6[%mul3A_163] : memref<33024xf32, #tpu.memory_space<vmem>> -> memref<16512xf32, #tpu.memory_space<vmem>>
          %get3A_1141 = arith.index_cast %add3A_1139 : i32 to index
          %get3A_1142 = tpu.vector_load %get3A_1140[%get3A_1141] {strides = array<i32>} : memref<16512xf32, #tpu.memory_space<vmem>>, vector<16xf32>,
          %add3A_1143 = arith.constant 80 : i32
          %add3A_1144 = arith.addi %mul3A_1117, %add3A_1143 : i32
          %get3A_1145 = tpu.memref_slice %arg6[%mul3A_163] : memref<33024xf32, #tpu.memory_space<vmem>> -> memref<16512xf32, #tpu.memory_space<vmem>>
          %get3A_1146 = arith.index_cast %add3A_1144 : i32 to index
          %get3A_1147 = tpu.vector_load %get3A_1145[%get3A_1146] {strides = array<i32>} : memref<16512xf32, #tpu.memory_space<vmem>>, vector<16xf32>,
          %add3A_1148 = arith.constant 96 : i32
          %add3A_1149 = arith.addi %mul3A_1117, %add3A_1148 : i32
          %get3A_1150 = tpu.memref_slice %arg6[%mul3A_163] : memref<33024xf32, #tpu.memory_space<vmem>> -> memref<16512xf32, #tpu.memory_space<vmem>>
          %get3A_1151 = arith.index_cast %add3A_1149 : i32 to index
          %get3A_1152 = tpu.vector_load %get3A_1150[%get3A_1151] {strides = array<i32>} : memref<16512xf32, #tpu.memory_space<vmem>>, vector<16xf32>,
          %add3A_1153 = arith.constant 112 : i32
          %add3A_1154 = arith.addi %mul3A_1117, %add3A_1153 : i32
          %get3A_1155 = tpu.memref_slice %arg6[%mul3A_163] : memref<33024xf32, #tpu.memory_space<vmem>> -> memref<16512xf32, #tpu.memory_space<vmem>>
          %get3A_1156 = arith.index_cast %add3A_1154 : i32 to index
          %get3A_1157 = tpu.vector_load %get3A_1155[%get3A_1156] {strides = array<i32>} : memref<16512xf32, #tpu.memory_space<vmem>>, vector<16xf32>,
          %max3A_1158 = arith.maximumf %get3A_1122, %get3A_1127 : vector<16xf32>
          %max3A_1159 = arith.maximumf %get3A_1132, %get3A_1137 : vector<16xf32>
          %max3A_1160 = arith.maximumf %get3A_1142, %get3A_1147 : vector<16xf32>
          %max3A_1161 = arith.maximumf %get3A_1152, %get3A_1157 : vector<16xf32>
          %max3A_1162 = arith.maximumf %max3A_1158, %max3A_1159 : vector<16xf32>
          %max3A_1163 = arith.maximumf %max3A_1160, %max3A_1161 : vector<16xf32>
          %max3A_1164 = arith.maximumf %max3A_1162, %max3A_1163 : vector<16xf32>
          %max3A_1165 = arith.maximumf %while3A_1112, %max3A_1164 : vector<16xf32>
          scf.yield %max3A_1165 : vector<16xf32>
        }
        %while3A_1057 = arith.constant 1 : i32
        %while3A_1058 = scf.for %while3A_1111 = %while3A_1054 to %while3A_1050 step %while3A_1057 iter_args(%while3A_1112 = %while3A_1056) -> (vector<16xf32>)  : i32 {
          %mul3A_1113 = arith.constant 8 : i32
          %mul3A_1114 = arith.muli %while3A_1111, %mul3A_1113 : i32
          %add3A_1115 = arith.addi %add3A_951, %mul3A_1114 : i32
          %mul3A_1116 = arith.constant 16 : i32
          %mul3A_1117 = arith.muli %add3A_1115, %mul3A_1116 : i32
          %add3A_1118 = arith.constant 0 : i32
          %add3A_1119 = arith.addi %mul3A_1117, %add3A_1118 : i32
          %get3A_1120 = tpu.memref_slice %arg6[%mul3A_163] : memref<33024xf32, #tpu.memory_space<vmem>> -> memref<16512xf32, #tpu.memory_space<vmem>>
          %get3A_1121 = arith.index_cast %add3A_1119 : i32 to index
          %get3A_1122 = tpu.vector_load %get3A_1120[%get3A_1121] {strides = array<i32>} : memref<16512xf32, #tpu.memory_space<vmem>>, vector<16xf32>,
          %add3A_1123 = arith.constant 16 : i32
          %add3A_1124 = arith.addi %mul3A_1117, %add3A_1123 : i32
          %get3A_1125 = tpu.memref_slice %arg6[%mul3A_163] : memref<33024xf32, #tpu.memory_space<vmem>> -> memref<16512xf32, #tpu.memory_space<vmem>>
          %get3A_1126 = arith.index_cast %add3A_1124 : i32 to index
          %get3A_1127 = tpu.vector_load %get3A_1125[%get3A_1126] {strides = array<i32>} : memref<16512xf32, #tpu.memory_space<vmem>>, vector<16xf32>,
          %add3A_1128 = arith.constant 32 : i32
          %add3A_1129 = arith.addi %mul3A_1117, %add3A_1128 : i32
          %get3A_1130 = tpu.memref_slice %arg6[%mul3A_163] : memref<33024xf32, #tpu.memory_space<vmem>> -> memref<16512xf32, #tpu.memory_space<vmem>>
          %get3A_1131 = arith.index_cast %add3A_1129 : i32 to index
          %get3A_1132 = tpu.vector_load %get3A_1130[%get3A_1131] {strides = array<i32>} : memref<16512xf32, #tpu.memory_space<vmem>>, vector<16xf32>,
          %add3A_1133 = arith.constant 48 : i32
          %add3A_1134 = arith.addi %mul3A_1117, %add3A_1133 : i32
          %get3A_1135 = tpu.memref_slice %arg6[%mul3A_163] : memref<33024xf32, #tpu.memory_space<vmem>> -> memref<16512xf32, #tpu.memory_space<vmem>>
          %get3A_1136 = arith.index_cast %add3A_1134 : i32 to index
          %get3A_1137 = tpu.vector_load %get3A_1135[%get3A_1136] {strides = array<i32>} : memref<16512xf32, #tpu.memory_space<vmem>>, vector<16xf32>,
          %add3A_1138 = arith.constant 64 : i32
          %add3A_1139 = arith.addi %mul3A_1117, %add3A_1138 : i32
          %get3A_1140 = tpu.memref_slice %arg6[%mul3A_163] : memref<33024xf32, #tpu.memory_space<vmem>> -> memref<16512xf32, #tpu.memory_space<vmem>>
          %get3A_1141 = arith.index_cast %add3A_1139 : i32 to index
          %get3A_1142 = tpu.vector_load %get3A_1140[%get3A_1141] {strides = array<i32>} : memref<16512xf32, #tpu.memory_space<vmem>>, vector<16xf32>,
          %add3A_1143 = arith.constant 80 : i32
          %add3A_1144 = arith.addi %mul3A_1117, %add3A_1143 : i32
          %get3A_1145 = tpu.memref_slice %arg6[%mul3A_163] : memref<33024xf32, #tpu.memory_space<vmem>> -> memref<16512xf32, #tpu.memory_space<vmem>>
          %get3A_1146 = arith.index_cast %add3A_1144 : i32 to index
          %get3A_1147 = tpu.vector_load %get3A_1145[%get3A_1146] {strides = array<i32>} : memref<16512xf32, #tpu.memory_space<vmem>>, vector<16xf32>,
          %add3A_1148 = arith.constant 96 : i32
          %add3A_1149 = arith.addi %mul3A_1117, %add3A_1148 : i32
          %get3A_1150 = tpu.memref_slice %arg6[%mul3A_163] : memref<33024xf32, #tpu.memory_space<vmem>> -> memref<16512xf32, #tpu.memory_space<vmem>>
          %get3A_1151 = arith.index_cast %add3A_1149 : i32 to index
          %get3A_1152 = tpu.vector_load %get3A_1150[%get3A_1151] {strides = array<i32>} : memref<16512xf32, #tpu.memory_space<vmem>>, vector<16xf32>,
          %add3A_1153 = arith.constant 112 : i32
          %add3A_1154 = arith.addi %mul3A_1117, %add3A_1153 : i32
          %get3A_1155 = tpu.memref_slice %arg6[%mul3A_163] : memref<33024xf32, #tpu.memory_space<vmem>> -> memref<16512xf32, #tpu.memory_space<vmem>>
          %get3A_1156 = arith.index_cast %add3A_1154 : i32 to index
          %get3A_1157 = tpu.vector_load %get3A_1155[%get3A_1156] {strides = array<i32>} : memref<16512xf32, #tpu.memory_space<vmem>>, vector<16xf32>,
          %max3A_1158 = arith.maximumf %get3A_1122, %get3A_1127 : vector<16xf32>
          %max3A_1159 = arith.maximumf %get3A_1132, %get3A_1137 : vector<16xf32>
          %max3A_1160 = arith.maximumf %get3A_1142, %get3A_1147 : vector<16xf32>
          %max3A_1161 = arith.maximumf %get3A_1152, %get3A_1157 : vector<16xf32>
          %max3A_1162 = arith.maximumf %max3A_1158, %max3A_1159 : vector<16xf32>
          %max3A_1163 = arith.maximumf %max3A_1160, %max3A_1161 : vector<16xf32>
          %max3A_1164 = arith.maximumf %max3A_1162, %max3A_1163 : vector<16xf32>
          %max3A_1165 = arith.maximumf %while3A_1112, %max3A_1164 : vector<16xf32>
          scf.yield %max3A_1165 : vector<16xf32>
        }
        %sub3A_1059 = arith.constant 8 : i32
        %sub3A_1060 = arith.subi %shift_right_logical3A_918, %sub3A_1059 : i32
        %mul3A_1061 = arith.constant 16 : i32
        %mul3A_1062 = arith.muli %sub3A_1060, %mul3A_1061 : i32
        %add3A_1063 = arith.constant 0 : i32
        %add3A_1064 = arith.addi %mul3A_1062, %add3A_1063 : i32
        %get3A_1065 = tpu.memref_slice %arg6[%mul3A_163] : memref<33024xf32, #tpu.memory_space<vmem>> -> memref<16512xf32, #tpu.memory_space<vmem>>
        %get3A_1066 = arith.index_cast %add3A_1064 : i32 to index
        %get3A_1067 = tpu.vector_load %get3A_1065[%get3A_1066] {strides = array<i32>} : memref<16512xf32, #tpu.memory_space<vmem>>, vector<16xf32>,
        %add3A_1068 = arith.constant 16 : i32
        %add3A_1069 = arith.addi %mul3A_1062, %add3A_1068 : i32
        %get3A_1070 = tpu.memref_slice %arg6[%mul3A_163] : memref<33024xf32, #tpu.memory_space<vmem>> -> memref<16512xf32, #tpu.memory_space<vmem>>
        %get3A_1071 = arith.index_cast %add3A_1069 : i32 to index
        %get3A_1072 = tpu.vector_load %get3A_1070[%get3A_1071] {strides = array<i32>} : memref<16512xf32, #tpu.memory_space<vmem>>, vector<16xf32>,
        %add3A_1073 = arith.constant 32 : i32
        %add3A_1074 = arith.addi %mul3A_1062, %add3A_1073 : i32
        %get3A_1075 = tpu.memref_slice %arg6[%mul3A_163] : memref<33024xf32, #tpu.memory_space<vmem>> -> memref<16512xf32, #tpu.memory_space<vmem>>
        %get3A_1076 = arith.index_cast %add3A_1074 : i32 to index
        %get3A_1077 = tpu.vector_load %get3A_1075[%get3A_1076] {strides = array<i32>} : memref<16512xf32, #tpu.memory_space<vmem>>, vector<16xf32>,
        %add3A_1078 = arith.constant 48 : i32
        %add3A_1079 = arith.addi %mul3A_1062, %add3A_1078 : i32
        %get3A_1080 = tpu.memref_slice %arg6[%mul3A_163] : memref<33024xf32, #tpu.memory_space<vmem>> -> memref<16512xf32, #tpu.memory_space<vmem>>
        %get3A_1081 = arith.index_cast %add3A_1079 : i32 to index
        %get3A_1082 = tpu.vector_load %get3A_1080[%get3A_1081] {strides = array<i32>} : memref<16512xf32, #tpu.memory_space<vmem>>, vector<16xf32>,
        %add3A_1083 = arith.constant 64 : i32
        %add3A_1084 = arith.addi %mul3A_1062, %add3A_1083 : i32
        %get3A_1085 = tpu.memref_slice %arg6[%mul3A_163] : memref<33024xf32, #tpu.memory_space<vmem>> -> memref<16512xf32, #tpu.memory_space<vmem>>
        %get3A_1086 = arith.index_cast %add3A_1084 : i32 to index
        %get3A_1087 = tpu.vector_load %get3A_1085[%get3A_1086] {strides = array<i32>} : memref<16512xf32, #tpu.memory_space<vmem>>, vector<16xf32>,
        %add3A_1088 = arith.constant 80 : i32
        %add3A_1089 = arith.addi %mul3A_1062, %add3A_1088 : i32
        %get3A_1090 = tpu.memref_slice %arg6[%mul3A_163] : memref<33024xf32, #tpu.memory_space<vmem>> -> memref<16512xf32, #tpu.memory_space<vmem>>
        %get3A_1091 = arith.index_cast %add3A_1089 : i32 to index
        %get3A_1092 = tpu.vector_load %get3A_1090[%get3A_1091] {strides = array<i32>} : memref<16512xf32, #tpu.memory_space<vmem>>, vector<16xf32>,
        %add3A_1093 = arith.constant 96 : i32
        %add3A_1094 = arith.addi %mul3A_1062, %add3A_1093 : i32
        %get3A_1095 = tpu.memref_slice %arg6[%mul3A_163] : memref<33024xf32, #tpu.memory_space<vmem>> -> memref<16512xf32, #tpu.memory_space<vmem>>
        %get3A_1096 = arith.index_cast %add3A_1094 : i32 to index
        %get3A_1097 = tpu.vector_load %get3A_1095[%get3A_1096] {strides = array<i32>} : memref<16512xf32, #tpu.memory_space<vmem>>, vector<16xf32>,
        %add3A_1098 = arith.constant 112 : i32
        %add3A_1099 = arith.addi %mul3A_1062, %add3A_1098 : i32
        %get3A_1100 = tpu.memref_slice %arg6[%mul3A_163] : memref<33024xf32, #tpu.memory_space<vmem>> -> memref<16512xf32, #tpu.memory_space<vmem>>
        %get3A_1101 = arith.index_cast %add3A_1099 : i32 to index
        %get3A_1102 = tpu.vector_load %get3A_1100[%get3A_1101] {strides = array<i32>} : memref<16512xf32, #tpu.memory_space<vmem>>, vector<16xf32>,
        %max3A_1103 = arith.maximumf %get3A_1067, %get3A_1072 : vector<16xf32>
        %max3A_1104 = arith.maximumf %get3A_1077, %get3A_1082 : vector<16xf32>
        %max3A_1105 = arith.maximumf %get3A_1087, %get3A_1092 : vector<16xf32>
        %max3A_1106 = arith.maximumf %get3A_1097, %get3A_1102 : vector<16xf32>
        %max3A_1107 = arith.maximumf %max3A_1103, %max3A_1104 : vector<16xf32>
        %max3A_1108 = arith.maximumf %max3A_1105, %max3A_1106 : vector<16xf32>
        %max3A_1109 = arith.maximumf %max3A_1107, %max3A_1108 : vector<16xf32>
        %max3A_1110 = arith.maximumf %while3A_1058, %max3A_1109 : vector<16xf32>
        scf.yield %max3A_1110 : vector<16xf32>
      } else {
        %add3A_1024 = arith.constant 0 : i32
        %add3A_1025 = arith.addi %add3A_951, %add3A_1024 : i32
        %lt3A_1026 = arith.cmpi slt, %add3A_1025, %shift_right_logical3A_918 : i32
        %add3A_1027 = arith.constant 0 : i32
        %add3A_1028 = arith.addi %add3A_951, %add3A_1027 : i32
        %mul3A_1029 = arith.constant 16 : i32
        %mul3A_1030 = arith.muli %add3A_1028, %mul3A_1029 : i32
        %get3A_1031 = tpu.memref_slice %arg6[%mul3A_163] : memref<33024xf32, #tpu.memory_space<vmem>> -> memref<16512xf32, #tpu.memory_space<vmem>>
        %get3A_1032 = arith.index_cast %mul3A_1030 : i32 to index
        %get3A_1033 = tpu.vector_load %get3A_1031[%get3A_1032] {strides = array<i32>} : memref<16512xf32, #tpu.memory_space<vmem>>, vector<16xf32>,
        %select_n3A_1034 = arith.select %lt3A_1026, %get3A_1033, %broadcast_in_dim3A_3 : vector<16xf32>
        %add3A_1035 = arith.constant 1 : i32
        %add3A_1036 = arith.addi %add3A_951, %add3A_1035 : i32
        %lt3A_1037 = arith.cmpi slt, %add3A_1036, %shift_right_logical3A_918 : i32
        %add3A_1038 = arith.constant 1 : i32
        %add3A_1039 = arith.addi %add3A_951, %add3A_1038 : i32
        %mul3A_1040 = arith.constant 16 : i32
        %mul3A_1041 = arith.muli %add3A_1039, %mul3A_1040 : i32
        %get3A_1042 = tpu.memref_slice %arg6[%mul3A_163] : memref<33024xf32, #tpu.memory_space<vmem>> -> memref<16512xf32, #tpu.memory_space<vmem>>
        %get3A_1043 = arith.index_cast %mul3A_1041 : i32 to index
        %get3A_1044 = tpu.vector_load %get3A_1042[%get3A_1043] {strides = array<i32>} : memref<16512xf32, #tpu.memory_space<vmem>>, vector<16xf32>,
        %select_n3A_1045 = arith.select %lt3A_1037, %get3A_1044, %broadcast_in_dim3A_3 : vector<16xf32>
        %add3A_1046 = arith.constant 2 : i32
        %add3A_1047 = arith.addi %add3A_951, %add3A_1046 : i32
        %lt3A_1048 = arith.cmpi slt, %add3A_1047, %shift_right_logical3A_918 : i32
        %add3A_1049 = arith.constant 2 : i32
        %add3A_1050 = arith.addi %add3A_951, %add3A_1049 : i32
        %mul3A_1051 = arith.constant 16 : i32
        %mul3A_1052 = arith.muli %add3A_1050, %mul3A_1051 : i32
        %get3A_1053 = tpu.memref_slice %arg6[%mul3A_163] : memref<33024xf32, #tpu.memory_space<vmem>> -> memref<16512xf32, #tpu.memory_space<vmem>>
        %get3A_1054 = arith.index_cast %mul3A_1052 : i32 to index
        %get3A_1055 = tpu.vector_load %get3A_1053[%get3A_1054] {strides = array<i32>} : memref<16512xf32, #tpu.memory_space<vmem>>, vector<16xf32>,
        %select_n3A_1056 = arith.select %lt3A_1048, %get3A_1055, %broadcast_in_dim3A_3 : vector<16xf32>
        %add3A_1057 = arith.constant 3 : i32
        %add3A_1058 = arith.addi %add3A_951, %add3A_1057 : i32
        %lt3A_1059 = arith.cmpi slt, %add3A_1058, %shift_right_logical3A_918 : i32
        %add3A_1060 = arith.constant 3 : i32
        %add3A_1061 = arith.addi %add3A_951, %add3A_1060 : i32
        %mul3A_1062 = arith.constant 16 : i32
        %mul3A_1063 = arith.muli %add3A_1061, %mul3A_1062 : i32
        %get3A_1064 = tpu.memref_slice %arg6[%mul3A_163] : memref<33024xf32, #tpu.memory_space<vmem>> -> memref<16512xf32, #tpu.memory_space<vmem>>
        %get3A_1065 = arith.index_cast %mul3A_1063 : i32 to index
        %get3A_1066 = tpu.vector_load %get3A_1064[%get3A_1065] {strides = array<i32>} : memref<16512xf32, #tpu.memory_space<vmem>>, vector<16xf32>,
        %select_n3A_1067 = arith.select %lt3A_1059, %get3A_1066, %broadcast_in_dim3A_3 : vector<16xf32>
        %add3A_1068 = arith.constant 4 : i32
        %add3A_1069 = arith.addi %add3A_951, %add3A_1068 : i32
        %lt3A_1070 = arith.cmpi slt, %add3A_1069, %shift_right_logical3A_918 : i32
        %add3A_1071 = arith.constant 4 : i32
        %add3A_1072 = arith.addi %add3A_951, %add3A_1071 : i32
        %mul3A_1073 = arith.constant 16 : i32
        %mul3A_1074 = arith.muli %add3A_1072, %mul3A_1073 : i32
        %get3A_1075 = tpu.memref_slice %arg6[%mul3A_163] : memref<33024xf32, #tpu.memory_space<vmem>> -> memref<16512xf32, #tpu.memory_space<vmem>>
        %get3A_1076 = arith.index_cast %mul3A_1074 : i32 to index
        %get3A_1077 = tpu.vector_load %get3A_1075[%get3A_1076] {strides = array<i32>} : memref<16512xf32, #tpu.memory_space<vmem>>, vector<16xf32>,
        %select_n3A_1078 = arith.select %lt3A_1070, %get3A_1077, %broadcast_in_dim3A_3 : vector<16xf32>
        %add3A_1079 = arith.constant 5 : i32
        %add3A_1080 = arith.addi %add3A_951, %add3A_1079 : i32
        %lt3A_1081 = arith.cmpi slt, %add3A_1080, %shift_right_logical3A_918 : i32
        %add3A_1082 = arith.constant 5 : i32
        %add3A_1083 = arith.addi %add3A_951, %add3A_1082 : i32
        %mul3A_1084 = arith.constant 16 : i32
        %mul3A_1085 = arith.muli %add3A_1083, %mul3A_1084 : i32
        %get3A_1086 = tpu.memref_slice %arg6[%mul3A_163] : memref<33024xf32, #tpu.memory_space<vmem>> -> memref<16512xf32, #tpu.memory_space<vmem>>
        %get3A_1087 = arith.index_cast %mul3A_1085 : i32 to index
        %get3A_1088 = tpu.vector_load %get3A_1086[%get3A_1087] {strides = array<i32>} : memref<16512xf32, #tpu.memory_space<vmem>>, vector<16xf32>,
        %select_n3A_1089 = arith.select %lt3A_1081, %get3A_1088, %broadcast_in_dim3A_3 : vector<16xf32>
        %add3A_1090 = arith.constant 6 : i32
        %add3A_1091 = arith.addi %add3A_951, %add3A_1090 : i32
        %lt3A_1092 = arith.cmpi slt, %add3A_1091, %shift_right_logical3A_918 : i32
        %add3A_1093 = arith.constant 6 : i32
        %add3A_1094 = arith.addi %add3A_951, %add3A_1093 : i32
        %mul3A_1095 = arith.constant 16 : i32
        %mul3A_1096 = arith.muli %add3A_1094, %mul3A_1095 : i32
        %get3A_1097 = tpu.memref_slice %arg6[%mul3A_163] : memref<33024xf32, #tpu.memory_space<vmem>> -> memref<16512xf32, #tpu.memory_space<vmem>>
        %get3A_1098 = arith.index_cast %mul3A_1096 : i32 to index
        %get3A_1099 = tpu.vector_load %get3A_1097[%get3A_1098] {strides = array<i32>} : memref<16512xf32, #tpu.memory_space<vmem>>, vector<16xf32>,
        %select_n3A_1100 = arith.select %lt3A_1092, %get3A_1099, %broadcast_in_dim3A_3 : vector<16xf32>
        %add3A_1101 = arith.constant 7 : i32
        %add3A_1102 = arith.addi %add3A_951, %add3A_1101 : i32
        %lt3A_1103 = arith.cmpi slt, %add3A_1102, %shift_right_logical3A_918 : i32
        %add3A_1104 = arith.constant 7 : i32
        %add3A_1105 = arith.addi %add3A_951, %add3A_1104 : i32
        %mul3A_1106 = arith.constant 16 : i32
        %mul3A_1107 = arith.muli %add3A_1105, %mul3A_1106 : i32
        %get3A_1108 = tpu.memref_slice %arg6[%mul3A_163] : memref<33024xf32, #tpu.memory_space<vmem>> -> memref<16512xf32, #tpu.memory_space<vmem>>
        %get3A_1109 = arith.index_cast %mul3A_1107 : i32 to index
        %get3A_1110 = tpu.vector_load %get3A_1108[%get3A_1109] {strides = array<i32>} : memref<16512xf32, #tpu.memory_space<vmem>>, vector<16xf32>,
        %select_n3A_1111 = arith.select %lt3A_1103, %get3A_1110, %broadcast_in_dim3A_3 : vector<16xf32>
        %max3A_1112 = arith.maximumf %select_n3A_1034, %select_n3A_1045 : vector<16xf32>
        %max3A_1113 = arith.maximumf %select_n3A_1056, %select_n3A_1067 : vector<16xf32>
        %max3A_1114 = arith.maximumf %select_n3A_1078, %select_n3A_1089 : vector<16xf32>
        %max3A_1115 = arith.maximumf %select_n3A_1100, %select_n3A_1111 : vector<16xf32>
        %max3A_1116 = arith.maximumf %max3A_1112, %max3A_1113 : vector<16xf32>
        %max3A_1117 = arith.maximumf %max3A_1114, %max3A_1115 : vector<16xf32>
        %max3A_1118 = arith.maximumf %max3A_1116, %max3A_1117 : vector<16xf32>
        %max3A_1119 = arith.maximumf %max3A_949, %max3A_1118 : vector<16xf32>
        scf.yield %max3A_1119 : vector<16xf32>
      }
      %eq3A_959 = arith.constant 7 : i32
      %eq3A_960 = vector.broadcast %eq3A_959 : i32 to vector<16xi32>
      %eq3A_961 = arith.cmpi eq, %iota3A, %eq3A_960 : vector<16xi32>
      %xor3A_962 = arith.constant 8 : i32
      %xor3A_963 = vector.broadcast %xor3A_962 : i32 to vector<16xi32>
      %xor3A_964 = arith.xori %iota3A, %xor3A_963 : vector<16xi32>
      %lt3A_965 = arith.constant 0 : i32
      %lt3A_966 = vector.broadcast %lt3A_965 : i32 to vector<16xi32>
      %lt3A_967 = arith.cmpi slt, %xor3A_964, %lt3A_966 : vector<16xi32>
      %add3A_968 = arith.constant 16 : i32
      %add3A_969 = vector.broadcast %add3A_968 : i32 to vector<16xi32>
      %add3A_970 = arith.addi %xor3A_964, %add3A_969 : vector<16xi32>
      %select_n3A_971 = arith.select %lt3A_967, %add3A_970, %xor3A_964 : vector<16xi1>, vector<16xi32>
      %broadcast_in_dim3A_972 = vector.shape_cast %select_n3A_971 : vector<16xi32> to vector<16x1xi32>
      %gather3A_973 = vector.shape_cast %broadcast_in_dim3A_972 : vector<16x1xi32> to vector<16xi32>
      %gather3A_974 = tpu.dynamic_gather %cond3A_958[%gather3A_973] in [0] : vector<16xf32>, vector<16xi32> -> vector<16xf32>
      %max3A_975 = arith.maximumf %cond3A_958, %gather3A_974 : vector<16xf32>
      %xor3A_976 = arith.constant 4 : i32
      %xor3A_977 = vector.broadcast %xor3A_976 : i32 to vector<16xi32>
      %xor3A_978 = arith.xori %iota3A, %xor3A_977 : vector<16xi32>
      %lt3A_979 = arith.constant 0 : i32
      %lt3A_980 = vector.broadcast %lt3A_979 : i32 to vector<16xi32>
      %lt3A_981 = arith.cmpi slt, %xor3A_978, %lt3A_980 : vector<16xi32>
      %add3A_982 = arith.constant 16 : i32
      %add3A_983 = vector.broadcast %add3A_982 : i32 to vector<16xi32>
      %add3A_984 = arith.addi %xor3A_978, %add3A_983 : vector<16xi32>
      %select_n3A_985 = arith.select %lt3A_981, %add3A_984, %xor3A_978 : vector<16xi1>, vector<16xi32>
      %broadcast_in_dim3A_986 = vector.shape_cast %select_n3A_985 : vector<16xi32> to vector<16x1xi32>
      %gather3A_987 = vector.shape_cast %broadcast_in_dim3A_986 : vector<16x1xi32> to vector<16xi32>
      %gather3A_988 = tpu.dynamic_gather %max3A_975[%gather3A_987] in [0] : vector<16xf32>, vector<16xi32> -> vector<16xf32>
      %max3A_989 = arith.maximumf %max3A_975, %gather3A_988 : vector<16xf32>
      %xor3A_990 = arith.constant 2 : i32
      %xor3A_991 = vector.broadcast %xor3A_990 : i32 to vector<16xi32>
      %xor3A_992 = arith.xori %iota3A, %xor3A_991 : vector<16xi32>
      %lt3A_993 = arith.constant 0 : i32
      %lt3A_994 = vector.broadcast %lt3A_993 : i32 to vector<16xi32>
      %lt3A_995 = arith.cmpi slt, %xor3A_992, %lt3A_994 : vector<16xi32>
      %add3A_996 = arith.constant 16 : i32
      %add3A_997 = vector.broadcast %add3A_996 : i32 to vector<16xi32>
      %add3A_998 = arith.addi %xor3A_992, %add3A_997 : vector<16xi32>
      %select_n3A_999 = arith.select %lt3A_995, %add3A_998, %xor3A_992 : vector<16xi1>, vector<16xi32>
      %broadcast_in_dim3A_1000 = vector.shape_cast %select_n3A_999 : vector<16xi32> to vector<16x1xi32>
      %gather3A_1001 = vector.shape_cast %broadcast_in_dim3A_1000 : vector<16x1xi32> to vector<16xi32>
      %gather3A_1002 = tpu.dynamic_gather %max3A_989[%gather3A_1001] in [0] : vector<16xf32>, vector<16xi32> -> vector<16xf32>
      %max3A_1003 = arith.maximumf %max3A_989, %gather3A_1002 : vector<16xf32>
      %xor3A_1004 = arith.constant 1 : i32
      %xor3A_1005 = vector.broadcast %xor3A_1004 : i32 to vector<16xi32>
      %xor3A_1006 = arith.xori %iota3A, %xor3A_1005 : vector<16xi32>
      %lt3A_1007 = arith.constant 0 : i32
      %lt3A_1008 = vector.broadcast %lt3A_1007 : i32 to vector<16xi32>
      %lt3A_1009 = arith.cmpi slt, %xor3A_1006, %lt3A_1008 : vector<16xi32>
      %add3A_1010 = arith.constant 16 : i32
      %add3A_1011 = vector.broadcast %add3A_1010 : i32 to vector<16xi32>
      %add3A_1012 = arith.addi %xor3A_1006, %add3A_1011 : vector<16xi32>
      %select_n3A_1013 = arith.select %lt3A_1009, %add3A_1012, %xor3A_1006 : vector<16xi1>, vector<16xi32>
      %broadcast_in_dim3A_1014 = vector.shape_cast %select_n3A_1013 : vector<16xi32> to vector<16x1xi32>
      %gather3A_1015 = vector.shape_cast %broadcast_in_dim3A_1014 : vector<16x1xi32> to vector<16xi32>
      %gather3A_1016 = tpu.dynamic_gather %max3A_1003[%gather3A_1015] in [0] : vector<16xf32>, vector<16xi32> -> vector<16xf32>
      %max3A_1017 = arith.maximumf %max3A_1003, %gather3A_1016 : vector<16xf32>
      %select_n3A_1018 = arith.select %eq3A_961, %max3A_1017, %select_n3A_912 : vector<16xi1>, vector<16xf32>
      %mul3A_1019 = arith.constant 16 : i32
      %mul3A_1020 = arith.muli %scan3A_154, %mul3A_1019 : i32
      %swap3A_1021 = arith.index_cast %mul3A_1020 : i32 to index
      %swap3A_1022 = tpu.vector_load %arg7[%swap3A_1021] {strides = array<i32>} : memref<256xf32, #tpu.memory_space<vmem>>, vector<16xf32>,
      tpu.vector_store %arg7[%swap3A_1021], %select_n3A_1018 {strides = array<i32>} : memref<256xf32, #tpu.memory_space<vmem>>, vector<16xf32>,
      %scan3A_1023 = arith.constant 0 : i32
      scf.yield %scan3A_1023 : i32
    }
    %scan3A_67 = arith.constant 12 : i32
    %mul3A_68 = arith.constant 16 : i32
    %mul3A_69 = vector.broadcast %mul3A_68 : i32 to vector<16xi32>
    %mul3A_70 = arith.muli %iota3A, %mul3A_69 : vector<16xi32>
    %add3A_71 = arith.constant 0 : i32
    %add3A_72 = vector.broadcast %add3A_71 : i32 to vector<16xi32>
    %add3A_73 = arith.addi %mul3A_70, %add3A_72 : vector<16xi32>
    %gather3A = tpu.vector_load_idx %arg7[%add3A_73] : memref<256xf32, #tpu.memory_space<vmem>>[vector<16xi32>], vector<16xf32>,
    %swap3A = arith.constant 0 : i32
    %swap3A_74 = arith.index_cast %swap3A : i32 to index
    %swap3A_75 = arith.constant 0 : index
    %swap3A_76 = tpu.vector_load %arg8[%swap3A_74, %swap3A_75] {strides = array<i32>} : memref<8x16xf32, #tpu.memory_space<vmem>>, vector<16xf32>,
    tpu.vector_store %arg8[%swap3A_74, %swap3A_75], %gather3A {strides = array<i32>} : memref<8x16xf32, #tpu.memory_space<vmem>>, vector<16xf32>,
    %mul3A_77 = arith.constant 16 : i32
    %mul3A_78 = vector.broadcast %mul3A_77 : i32 to vector<16xi32>
    %mul3A_79 = arith.muli %iota3A, %mul3A_78 : vector<16xi32>
    %add3A_80 = arith.constant 1 : i32
    %add3A_81 = vector.broadcast %add3A_80 : i32 to vector<16xi32>
    %add3A_82 = arith.addi %mul3A_79, %add3A_81 : vector<16xi32>
    %gather3A_83 = tpu.vector_load_idx %arg7[%add3A_82] : memref<256xf32, #tpu.memory_space<vmem>>[vector<16xi32>], vector<16xf32>,
    %swap3A_84 = arith.constant 1 : i32
    %swap3A_85 = arith.index_cast %swap3A_84 : i32 to index
    %swap3A_86 = arith.constant 0 : index
    %swap3A_87 = tpu.vector_load %arg8[%swap3A_85, %swap3A_86] {strides = array<i32>} : memref<8x16xf32, #tpu.memory_space<vmem>>, vector<16xf32>,
    tpu.vector_store %arg8[%swap3A_85, %swap3A_86], %gather3A_83 {strides = array<i32>} : memref<8x16xf32, #tpu.memory_space<vmem>>, vector<16xf32>,
    %mul3A_88 = arith.constant 16 : i32
    %mul3A_89 = vector.broadcast %mul3A_88 : i32 to vector<16xi32>
    %mul3A_90 = arith.muli %iota3A, %mul3A_89 : vector<16xi32>
    %add3A_91 = arith.constant 2 : i32
    %add3A_92 = vector.broadcast %add3A_91 : i32 to vector<16xi32>
    %add3A_93 = arith.addi %mul3A_90, %add3A_92 : vector<16xi32>
    %gather3A_94 = tpu.vector_load_idx %arg7[%add3A_93] : memref<256xf32, #tpu.memory_space<vmem>>[vector<16xi32>], vector<16xf32>,
    %swap3A_95 = arith.constant 2 : i32
    %swap3A_96 = arith.index_cast %swap3A_95 : i32 to index
    %swap3A_97 = arith.constant 0 : index
    %swap3A_98 = tpu.vector_load %arg8[%swap3A_96, %swap3A_97] {strides = array<i32>} : memref<8x16xf32, #tpu.memory_space<vmem>>, vector<16xf32>,
    tpu.vector_store %arg8[%swap3A_96, %swap3A_97], %gather3A_94 {strides = array<i32>} : memref<8x16xf32, #tpu.memory_space<vmem>>, vector<16xf32>,
    %mul3A_99 = arith.constant 16 : i32
    %mul3A_100 = vector.broadcast %mul3A_99 : i32 to vector<16xi32>
    %mul3A_101 = arith.muli %iota3A, %mul3A_100 : vector<16xi32>
    %add3A_102 = arith.constant 3 : i32
    %add3A_103 = vector.broadcast %add3A_102 : i32 to vector<16xi32>
    %add3A_104 = arith.addi %mul3A_101, %add3A_103 : vector<16xi32>
    %gather3A_105 = tpu.vector_load_idx %arg7[%add3A_104] : memref<256xf32, #tpu.memory_space<vmem>>[vector<16xi32>], vector<16xf32>,
    %swap3A_106 = arith.constant 3 : i32
    %swap3A_107 = arith.index_cast %swap3A_106 : i32 to index
    %swap3A_108 = arith.constant 0 : index
    %swap3A_109 = tpu.vector_load %arg8[%swap3A_107, %swap3A_108] {strides = array<i32>} : memref<8x16xf32, #tpu.memory_space<vmem>>, vector<16xf32>,
    tpu.vector_store %arg8[%swap3A_107, %swap3A_108], %gather3A_105 {strides = array<i32>} : memref<8x16xf32, #tpu.memory_space<vmem>>, vector<16xf32>,
    %mul3A_110 = arith.constant 16 : i32
    %mul3A_111 = vector.broadcast %mul3A_110 : i32 to vector<16xi32>
    %mul3A_112 = arith.muli %iota3A, %mul3A_111 : vector<16xi32>
    %add3A_113 = arith.constant 4 : i32
    %add3A_114 = vector.broadcast %add3A_113 : i32 to vector<16xi32>
    %add3A_115 = arith.addi %mul3A_112, %add3A_114 : vector<16xi32>
    %gather3A_116 = tpu.vector_load_idx %arg7[%add3A_115] : memref<256xf32, #tpu.memory_space<vmem>>[vector<16xi32>], vector<16xf32>,
    %swap3A_117 = arith.constant 4 : i32
    %swap3A_118 = arith.index_cast %swap3A_117 : i32 to index
    %swap3A_119 = arith.constant 0 : index
    %swap3A_120 = tpu.vector_load %arg8[%swap3A_118, %swap3A_119] {strides = array<i32>} : memref<8x16xf32, #tpu.memory_space<vmem>>, vector<16xf32>,
    tpu.vector_store %arg8[%swap3A_118, %swap3A_119], %gather3A_116 {strides = array<i32>} : memref<8x16xf32, #tpu.memory_space<vmem>>, vector<16xf32>,
    %mul3A_121 = arith.constant 16 : i32
    %mul3A_122 = vector.broadcast %mul3A_121 : i32 to vector<16xi32>
    %mul3A_123 = arith.muli %iota3A, %mul3A_122 : vector<16xi32>
    %add3A_124 = arith.constant 5 : i32
    %add3A_125 = vector.broadcast %add3A_124 : i32 to vector<16xi32>
    %add3A_126 = arith.addi %mul3A_123, %add3A_125 : vector<16xi32>
    %gather3A_127 = tpu.vector_load_idx %arg7[%add3A_126] : memref<256xf32, #tpu.memory_space<vmem>>[vector<16xi32>], vector<16xf32>,
    %swap3A_128 = arith.constant 5 : i32
    %swap3A_129 = arith.index_cast %swap3A_128 : i32 to index
    %swap3A_130 = arith.constant 0 : index
    %swap3A_131 = tpu.vector_load %arg8[%swap3A_129, %swap3A_130] {strides = array<i32>} : memref<8x16xf32, #tpu.memory_space<vmem>>, vector<16xf32>,
    tpu.vector_store %arg8[%swap3A_129, %swap3A_130], %gather3A_127 {strides = array<i32>} : memref<8x16xf32, #tpu.memory_space<vmem>>, vector<16xf32>,
    %mul3A_132 = arith.constant 16 : i32
    %mul3A_133 = vector.broadcast %mul3A_132 : i32 to vector<16xi32>
    %mul3A_134 = arith.muli %iota3A, %mul3A_133 : vector<16xi32>
    %add3A_135 = arith.constant 6 : i32
    %add3A_136 = vector.broadcast %add3A_135 : i32 to vector<16xi32>
    %add3A_137 = arith.addi %mul3A_134, %add3A_136 : vector<16xi32>
    %gather3A_138 = tpu.vector_load_idx %arg7[%add3A_137] : memref<256xf32, #tpu.memory_space<vmem>>[vector<16xi32>], vector<16xf32>,
    %swap3A_139 = arith.constant 6 : i32
    %swap3A_140 = arith.index_cast %swap3A_139 : i32 to index
    %swap3A_141 = arith.constant 0 : index
    %swap3A_142 = tpu.vector_load %arg8[%swap3A_140, %swap3A_141] {strides = array<i32>} : memref<8x16xf32, #tpu.memory_space<vmem>>, vector<16xf32>,
    tpu.vector_store %arg8[%swap3A_140, %swap3A_141], %gather3A_138 {strides = array<i32>} : memref<8x16xf32, #tpu.memory_space<vmem>>, vector<16xf32>,
    %mul3A_143 = arith.constant 16 : i32
    %mul3A_144 = vector.broadcast %mul3A_143 : i32 to vector<16xi32>
    %mul3A_145 = arith.muli %iota3A, %mul3A_144 : vector<16xi32>
    %add3A_146 = arith.constant 7 : i32
    %add3A_147 = vector.broadcast %add3A_146 : i32 to vector<16xi32>
    %add3A_148 = arith.addi %mul3A_145, %add3A_147 : vector<16xi32>
    %gather3A_149 = tpu.vector_load_idx %arg7[%add3A_148] : memref<256xf32, #tpu.memory_space<vmem>>[vector<16xi32>], vector<16xf32>,
    %swap3A_150 = arith.constant 7 : i32
    %swap3A_151 = arith.index_cast %swap3A_150 : i32 to index
    %swap3A_152 = arith.constant 0 : index
    %swap3A_153 = tpu.vector_load %arg8[%swap3A_151, %swap3A_152] {strides = array<i32>} : memref<8x16xf32, #tpu.memory_space<vmem>>, vector<16xf32>,
    tpu.vector_store %arg8[%swap3A_151, %swap3A_152], %gather3A_149 {strides = array<i32>} : memref<8x16xf32, #tpu.memory_space<vmem>>, vector<16xf32>,
    "tpu.region"() ({
      %run_scoped3A = tpu.sem_alloc : memref<!tpu.dma_semaphore, #tpu.memory_space<semaphore_mem>>
      %dma_start3A = arith.constant 0 : i32
      %dma_start3A_154 = arith.constant 0 : i32
      %dma_start3A_155 = tpu.memref_slice %arg4[%add3A, %dma_start3A, %dma_start3A_154] : memref<32x8x16xf32, #tpu.memory_space<hbm>> -> memref<1x8x16xf32, #tpu.memory_space<hbm>>
      %dma_start3A_156 = tpu.memref_squeeze %dma_start3A_155 : memref<1x8x16xf32, #tpu.memory_space<hbm>> -> memref<8x16xf32, #tpu.memory_space<hbm>>
      %dma_start3A_157 = arith.constant 0 : i32
      %dma_start3A_158 = arith.constant 0 : i32
      %dma_start3A_159 = tpu.memref_slice %arg4[%add3A, %dma_start3A_157, %dma_start3A_158] : memref<32x8x16xf32, #tpu.memory_space<hbm>> -> memref<1x8x16xf32, #tpu.memory_space<hbm>>
      %dma_start3A_160 = tpu.memref_squeeze %dma_start3A_159 : memref<1x8x16xf32, #tpu.memory_space<hbm>> -> memref<8x16xf32, #tpu.memory_space<hbm>>
      tpu.enqueue_dma source(%arg8 : memref<8x16xf32, #tpu.memory_space<vmem>>) target(%dma_start3A_160 : memref<8x16xf32, #tpu.memory_space<hbm>>) target_semaphore(%run_scoped3A : memref<!tpu.dma_semaphore, #tpu.memory_space<semaphore_mem>>)
      %dma_wait3A = arith.constant 0 : i32
      %dma_wait3A_161 = arith.constant 0 : i32
      %dma_wait3A_162 = tpu.memref_slice %arg4[%add3A, %dma_wait3A, %dma_wait3A_161] : memref<32x8x16xf32, #tpu.memory_space<hbm>> -> memref<1x8x16xf32, #tpu.memory_space<hbm>>
      %dma_wait3A_163 = tpu.memref_squeeze %dma_wait3A_162 : memref<1x8x16xf32, #tpu.memory_space<hbm>> -> memref<8x16xf32, #tpu.memory_space<hbm>>
      %dma_wait3A_164 = arith.constant 0 : i32
      %dma_wait3A_165 = arith.constant 0 : i32
      %dma_wait3A_166 = tpu.memref_slice %arg4[%add3A, %dma_wait3A_164, %dma_wait3A_165] : memref<32x8x16xf32, #tpu.memory_space<hbm>> -> memref<1x8x16xf32, #tpu.memory_space<hbm>>
      %dma_wait3A_167 = tpu.memref_squeeze %dma_wait3A_166 : memref<1x8x16xf32, #tpu.memory_space<hbm>> -> memref<8x16xf32, #tpu.memory_space<hbm>>
      tpu.wait_dma2 semaphore(%run_scoped3A : memref<!tpu.dma_semaphore, #tpu.memory_space<semaphore_mem>>) src(%arg8 : memref<8x16xf32, #tpu.memory_space<vmem>>) dst(%dma_wait3A_167 : memref<8x16xf32, #tpu.memory_space<hbm>>)
      tpu.yield
    }) : () -> ()
    return
  }
}

module attributes {stable_mosaic.version = 14 : i64} {
  func.func @_tc_body(%arg0: i32, %arg1: memref<1x8xi32, #tpu.memory_space<smem>>, %arg2: memref<128x16384xf32, #tpu.memory_space<vmem>>, %arg3: memref<8x128xf32, #tpu.memory_space<vmem>>) attributes {dimension_semantics = [#tpu.dimension_semantics<arbitrary>], iteration_bounds = array<i64: 5>, scalar_prefetch = 0 : i64, scratch_operands = 0 : i64, tpu.core_type = #tpu.core_type<tc>, window_params = [{transform_indices = @transform_0, window_bounds = array<i64: 1, 8>}, {transform_indices = @transform_1, window_bounds = array<i64: 128, 16384>}, {transform_indices = @transform_2, window_bounds = array<i64: 8, 128>}]} {
    %get3A = arith.constant 0 : index
    %get3A_0 = arith.constant 0 : index
    %get3A_1 = memref.load %arg1[%get3A, %get3A_0] : memref<1x8xi32, #tpu.memory_space<smem>>
    %add3A = arith.constant 0 : i32
    %add3A_2 = arith.addi %add3A, %get3A_1 : i32
    %get3A_3 = arith.constant 0 : index
    %get3A_4 = arith.constant 1 : index
    %get3A_5 = memref.load %arg1[%get3A_3, %get3A_4] : memref<1x8xi32, #tpu.memory_space<smem>>
    %add3A_6 = arith.addi %add3A_2, %get3A_5 : i32
    %get3A_7 = arith.constant 0 : index
    %get3A_8 = arith.constant 2 : index
    %get3A_9 = memref.load %arg1[%get3A_7, %get3A_8] : memref<1x8xi32, #tpu.memory_space<smem>>
    %add3A_10 = arith.addi %add3A_6, %get3A_9 : i32
    %get3A_11 = arith.constant 0 : index
    %get3A_12 = arith.constant 3 : index
    %get3A_13 = memref.load %arg1[%get3A_11, %get3A_12] : memref<1x8xi32, #tpu.memory_space<smem>>
    %add3A_14 = arith.addi %add3A_10, %get3A_13 : i32
    %get3A_15 = arith.constant 0 : index
    %get3A_16 = arith.constant 4 : index
    %get3A_17 = memref.load %arg1[%get3A_15, %get3A_16] : memref<1x8xi32, #tpu.memory_space<smem>>
    %add3A_18 = arith.addi %add3A_14, %get3A_17 : i32
    %get3A_19 = arith.constant 0 : index
    %get3A_20 = arith.constant 5 : index
    %get3A_21 = memref.load %arg1[%get3A_19, %get3A_20] : memref<1x8xi32, #tpu.memory_space<smem>>
    %add3A_22 = arith.addi %add3A_18, %get3A_21 : i32
    %get3A_23 = arith.constant 0 : index
    %get3A_24 = arith.constant 6 : index
    %get3A_25 = memref.load %arg1[%get3A_23, %get3A_24] : memref<1x8xi32, #tpu.memory_space<smem>>
    %add3A_26 = arith.addi %add3A_22, %get3A_25 : i32
    %get3A_27 = arith.constant 0 : index
    %get3A_28 = arith.constant 7 : index
    %get3A_29 = memref.load %arg1[%get3A_27, %get3A_28] : memref<1x8xi32, #tpu.memory_space<smem>>
    %add3A_30 = arith.addi %add3A_26, %get3A_29 : i32
    %get3A_31 = arith.constant 0 : index
    %get3A_32 = arith.constant 0 : index
    %get3A_33 = vector.load %arg2[%get3A_31, %get3A_32] : memref<128x16384xf32, #tpu.memory_space<vmem>>, vector<128x16384xf32>
    %reshape3A = vector.shape_cast %get3A_33 : vector<128x16384xf32> to vector<128x32x512xf32>
    %reduce_max3A = arith.constant dense<0xFF800000> : vector<128x32xf32>
    %reduce_max3A_34 = vector.multi_reduction <maximumf>, %reshape3A, %reduce_max3A [2] : vector<128x32x512xf32> to vector<128x32xf32>
    %iota3A = tpu.iota {dimensions = array<i32: 1>} : vector<1x32xi32>
    %iota3A_35 = tpu.iota {dimensions = array<i32: 1>} : vector<1x512xi32>
    %mul3A = arith.constant 512 : i32
    %mul3A_36 = vector.broadcast %mul3A : i32 to vector<1x32xi32>
    %mul3A_37 = arith.muli %iota3A, %mul3A_36 : vector<1x32xi32>
    %ge3A = arith.constant 0 : i32
    %ge3A_38 = vector.broadcast %ge3A : i32 to vector<1x32xi32>
    %ge3A_39 = arith.cmpi sge, %mul3A_37, %ge3A_38 : vector<1x32xi32>
    %add3A_40 = arith.constant 1 : i32
    %add3A_41 = vector.broadcast %add3A_40 : i32 to vector<1x32xi32>
    %add3A_42 = arith.addi %iota3A, %add3A_41 : vector<1x32xi32>
    %mul3A_43 = arith.constant 512 : i32
    %mul3A_44 = vector.broadcast %mul3A_43 : i32 to vector<1x32xi32>
    %mul3A_45 = arith.muli %add3A_42, %mul3A_44 : vector<1x32xi32>
    %le3A = vector.broadcast %add3A_2 : i32 to vector<1x32xi32>
    %le3A_46 = arith.cmpi sle, %mul3A_45, %le3A : vector<1x32xi32>
    %and3A = arith.andi %ge3A_39, %le3A_46 : vector<1x32xi1>
    %jit3A = arith.constant 0xFF800000 : f32
    %broadcast_in_dim3A = vector.shape_cast %and3A : vector<1x32xi1> to vector<1x32xi1>
    %broadcast_in_dim3A_47 = vector.broadcast %broadcast_in_dim3A : vector<1x32xi1> to vector<128x32xi1>
    %broadcast_in_dim3A_48 = vector.broadcast %jit3A : f32 to vector<128x32xf32>
    %select_n3A = arith.select %broadcast_in_dim3A_47, %reduce_max3A_34, %broadcast_in_dim3A_48 : vector<128x32xi1>, vector<128x32xf32>
    %reduce_max3A_49 = arith.constant dense<0xFF800000> : vector<128xf32>
    %reduce_max3A_50 = vector.multi_reduction <maximumf>, %select_n3A, %reduce_max3A_49 [1] : vector<128x32xf32> to vector<128xf32>
    %jit3A_51 = arith.constant 0 : i32
    %jit3A_52 = arith.constant 512 : i32
    %div3A = arith.divsi %jit3A_51, %jit3A_52 : i32
    %sign3A = arith.constant 0 : i32
    %sign3A_53 = arith.cmpi sgt, %jit3A_51, %sign3A : i32
    %sign3A_54 = arith.extui %sign3A_53 : i1 to i32
    %sign3A_55 = arith.constant 0 : i32
    %sign3A_56 = arith.cmpi slt, %jit3A_51, %sign3A_55 : i32
    %sign3A_57 = arith.extui %sign3A_56 : i1 to i32
    %sign3A_58 = arith.subi %sign3A_54, %sign3A_57 : i32
    %sign3A_59 = arith.constant 0 : i32
    %sign3A_60 = arith.cmpi sgt, %jit3A_52, %sign3A_59 : i32
    %sign3A_61 = arith.extui %sign3A_60 : i1 to i32
    %sign3A_62 = arith.constant 0 : i32
    %sign3A_63 = arith.cmpi slt, %jit3A_52, %sign3A_62 : i32
    %sign3A_64 = arith.extui %sign3A_63 : i1 to i32
    %sign3A_65 = arith.subi %sign3A_61, %sign3A_64 : i32
    %ne3A = arith.cmpi ne, %sign3A_58, %sign3A_65 : i32
    %rem3A = arith.remsi %jit3A_51, %jit3A_52 : i32
    %ne3A_66 = arith.constant 0 : i32
    %ne3A_67 = arith.cmpi ne, %rem3A, %ne3A_66 : i32
    %and3A_68 = arith.andi %ne3A, %ne3A_67 : i1
    %sub3A = arith.constant 1 : i32
    %sub3A_69 = arith.subi %div3A, %sub3A : i32
    %select_n3A_70 = arith.select %and3A_68, %sub3A_69, %div3A : i32
    %sub3A_71 = arith.constant 1 : i32
    %sub3A_72 = arith.subi %add3A_2, %sub3A_71 : i32
    %jit3A_73 = arith.constant 512 : i32
    %div3A_74 = arith.divsi %sub3A_72, %jit3A_73 : i32
    %sign3A_75 = arith.constant 0 : i32
    %sign3A_76 = arith.cmpi sgt, %sub3A_72, %sign3A_75 : i32
    %sign3A_77 = arith.extui %sign3A_76 : i1 to i32
    %sign3A_78 = arith.constant 0 : i32
    %sign3A_79 = arith.cmpi slt, %sub3A_72, %sign3A_78 : i32
    %sign3A_80 = arith.extui %sign3A_79 : i1 to i32
    %sign3A_81 = arith.subi %sign3A_77, %sign3A_80 : i32
    %sign3A_82 = arith.constant 0 : i32
    %sign3A_83 = arith.cmpi sgt, %jit3A_73, %sign3A_82 : i32
    %sign3A_84 = arith.extui %sign3A_83 : i1 to i32
    %sign3A_85 = arith.constant 0 : i32
    %sign3A_86 = arith.cmpi slt, %jit3A_73, %sign3A_85 : i32
    %sign3A_87 = arith.extui %sign3A_86 : i1 to i32
    %sign3A_88 = arith.subi %sign3A_84, %sign3A_87 : i32
    %ne3A_89 = arith.cmpi ne, %sign3A_81, %sign3A_88 : i32
    %rem3A_90 = arith.remsi %sub3A_72, %jit3A_73 : i32
    %ne3A_91 = arith.constant 0 : i32
    %ne3A_92 = arith.cmpi ne, %rem3A_90, %ne3A_91 : i32
    %and3A_93 = arith.andi %ne3A_89, %ne3A_92 : i1
    %sub3A_94 = arith.constant 1 : i32
    %sub3A_95 = arith.subi %div3A_74, %sub3A_94 : i32
    %select_n3A_96 = arith.select %and3A_93, %sub3A_95, %div3A_74 : i32
    %mul3A_97 = arith.constant 512 : i32
    %mul3A_98 = arith.muli %select_n3A_70, %mul3A_97 : i32
    %add3A_99 = vector.broadcast %mul3A_98 : i32 to vector<1x512xi32>
    %add3A_100 = arith.addi %add3A_99, %iota3A_35 : vector<1x512xi32>
    %ge3A_101 = arith.constant 0 : i32
    %ge3A_102 = vector.broadcast %ge3A_101 : i32 to vector<1x512xi32>
    %ge3A_103 = arith.cmpi sge, %add3A_100, %ge3A_102 : vector<1x512xi32>
    %lt3A = vector.broadcast %add3A_2 : i32 to vector<1x512xi32>
    %lt3A_104 = arith.cmpi slt, %add3A_100, %lt3A : vector<1x512xi32>
    %and3A_105 = arith.andi %ge3A_103, %lt3A_104 : vector<1x512xi1>
    %mul3A_106 = arith.constant 512 : i32
    %mul3A_107 = arith.muli %select_n3A_70, %mul3A_106 : i32
    %multiple_of3A = tpu.assume_multiple %mul3A_107, 512 : i32
    %get3A_108 = arith.constant 0 : index
    %get3A_109 = arith.index_cast %multiple_of3A : i32 to index
    %get3A_110 = vector.load %arg2[%get3A_108, %get3A_109] : memref<128x16384xf32, #tpu.memory_space<vmem>>, vector<128x512xf32>
    %jit3A_111 = arith.constant 0xFF800000 : f32
    %broadcast_in_dim3A_112 = vector.shape_cast %and3A_105 : vector<1x512xi1> to vector<1x512xi1>
    %broadcast_in_dim3A_113 = vector.broadcast %broadcast_in_dim3A_112 : vector<1x512xi1> to vector<128x512xi1>
    %broadcast_in_dim3A_114 = vector.broadcast %jit3A_111 : f32 to vector<128x512xf32>
    %select_n3A_115 = arith.select %broadcast_in_dim3A_113, %get3A_110, %broadcast_in_dim3A_114 : vector<128x512xi1>, vector<128x512xf32>
    %reduce_max3A_116 = arith.constant dense<0xFF800000> : vector<128xf32>
    %reduce_max3A_117 = vector.multi_reduction <maximumf>, %select_n3A_115, %reduce_max3A_116 [1] : vector<128x512xf32> to vector<128xf32>
    %max3A = arith.maximumf %reduce_max3A_50, %reduce_max3A_117 : vector<128xf32>
    %mul3A_118 = arith.constant 512 : i32
    %mul3A_119 = arith.muli %select_n3A_96, %mul3A_118 : i32
    %add3A_120 = vector.broadcast %mul3A_119 : i32 to vector<1x512xi32>
    %add3A_121 = arith.addi %add3A_120, %iota3A_35 : vector<1x512xi32>
    %ge3A_122 = arith.constant 0 : i32
    %ge3A_123 = vector.broadcast %ge3A_122 : i32 to vector<1x512xi32>
    %ge3A_124 = arith.cmpi sge, %add3A_121, %ge3A_123 : vector<1x512xi32>
    %lt3A_125 = vector.broadcast %add3A_2 : i32 to vector<1x512xi32>
    %lt3A_126 = arith.cmpi slt, %add3A_121, %lt3A_125 : vector<1x512xi32>
    %and3A_127 = arith.andi %ge3A_124, %lt3A_126 : vector<1x512xi1>
    %mul3A_128 = arith.constant 512 : i32
    %mul3A_129 = arith.muli %select_n3A_96, %mul3A_128 : i32
    %multiple_of3A_130 = tpu.assume_multiple %mul3A_129, 512 : i32
    %get3A_131 = arith.constant 0 : index
    %get3A_132 = arith.index_cast %multiple_of3A_130 : i32 to index
    %get3A_133 = vector.load %arg2[%get3A_131, %get3A_132] : memref<128x16384xf32, #tpu.memory_space<vmem>>, vector<128x512xf32>
    %jit3A_134 = arith.constant 0xFF800000 : f32
    %broadcast_in_dim3A_135 = vector.shape_cast %and3A_127 : vector<1x512xi1> to vector<1x512xi1>
    %broadcast_in_dim3A_136 = vector.broadcast %broadcast_in_dim3A_135 : vector<1x512xi1> to vector<128x512xi1>
    %broadcast_in_dim3A_137 = vector.broadcast %jit3A_134 : f32 to vector<128x512xf32>
    %select_n3A_138 = arith.select %broadcast_in_dim3A_136, %get3A_133, %broadcast_in_dim3A_137 : vector<128x512xi1>, vector<128x512xf32>
    %reduce_max3A_139 = arith.constant dense<0xFF800000> : vector<128xf32>
    %reduce_max3A_140 = vector.multi_reduction <maximumf>, %select_n3A_138, %reduce_max3A_139 [1] : vector<128x512xf32> to vector<128xf32>
    %max3A_141 = arith.maximumf %max3A, %reduce_max3A_140 : vector<128xf32>
    %swap3A = arith.constant 0 : index
    %swap3A_142 = arith.constant 0 : index
    %swap3A_143 = vector.load %arg3[%swap3A, %swap3A_142] : memref<8x128xf32, #tpu.memory_space<vmem>>, vector<1x128xf32>
    %swap3A_144 = vector.shape_cast %swap3A_143 : vector<1x128xf32> to vector<128xf32>
    %swap3A_145 = vector.shape_cast %max3A_141 : vector<128xf32> to vector<1x128xf32>
    tpu.vector_store %arg3[%swap3A, %swap3A_142], %swap3A_145 {strides = array<i32>} : memref<8x128xf32, #tpu.memory_space<vmem>>, vector<1x128xf32>,
    %mul3A_146 = arith.constant 512 : i32
    %mul3A_147 = vector.broadcast %mul3A_146 : i32 to vector<1x32xi32>
    %mul3A_148 = arith.muli %iota3A, %mul3A_147 : vector<1x32xi32>
    %ge3A_149 = vector.broadcast %add3A_2 : i32 to vector<1x32xi32>
    %ge3A_150 = arith.cmpi sge, %mul3A_148, %ge3A_149 : vector<1x32xi32>
    %add3A_151 = arith.constant 1 : i32
    %add3A_152 = vector.broadcast %add3A_151 : i32 to vector<1x32xi32>
    %add3A_153 = arith.addi %iota3A, %add3A_152 : vector<1x32xi32>
    %mul3A_154 = arith.constant 512 : i32
    %mul3A_155 = vector.broadcast %mul3A_154 : i32 to vector<1x32xi32>
    %mul3A_156 = arith.muli %add3A_153, %mul3A_155 : vector<1x32xi32>
    %le3A_157 = vector.broadcast %add3A_6 : i32 to vector<1x32xi32>
    %le3A_158 = arith.cmpi sle, %mul3A_156, %le3A_157 : vector<1x32xi32>
    %and3A_159 = arith.andi %ge3A_150, %le3A_158 : vector<1x32xi1>
    %jit3A_160 = arith.constant 0xFF800000 : f32
    %broadcast_in_dim3A_161 = vector.shape_cast %and3A_159 : vector<1x32xi1> to vector<1x32xi1>
    %broadcast_in_dim3A_162 = vector.broadcast %broadcast_in_dim3A_161 : vector<1x32xi1> to vector<128x32xi1>
    %broadcast_in_dim3A_163 = vector.broadcast %jit3A_160 : f32 to vector<128x32xf32>
    %select_n3A_164 = arith.select %broadcast_in_dim3A_162, %reduce_max3A_34, %broadcast_in_dim3A_163 : vector<128x32xi1>, vector<128x32xf32>
    %reduce_max3A_165 = arith.constant dense<0xFF800000> : vector<128xf32>
    %reduce_max3A_166 = vector.multi_reduction <maximumf>, %select_n3A_164, %reduce_max3A_165 [1] : vector<128x32xf32> to vector<128xf32>
    %jit3A_167 = arith.constant 512 : i32
    %div3A_168 = arith.divsi %add3A_2, %jit3A_167 : i32
    %sign3A_169 = arith.constant 0 : i32
    %sign3A_170 = arith.cmpi sgt, %add3A_2, %sign3A_169 : i32
    %sign3A_171 = arith.extui %sign3A_170 : i1 to i32
    %sign3A_172 = arith.constant 0 : i32
    %sign3A_173 = arith.cmpi slt, %add3A_2, %sign3A_172 : i32
    %sign3A_174 = arith.extui %sign3A_173 : i1 to i32
    %sign3A_175 = arith.subi %sign3A_171, %sign3A_174 : i32
    %sign3A_176 = arith.constant 0 : i32
    %sign3A_177 = arith.cmpi sgt, %jit3A_167, %sign3A_176 : i32
    %sign3A_178 = arith.extui %sign3A_177 : i1 to i32
    %sign3A_179 = arith.constant 0 : i32
    %sign3A_180 = arith.cmpi slt, %jit3A_167, %sign3A_179 : i32
    %sign3A_181 = arith.extui %sign3A_180 : i1 to i32
    %sign3A_182 = arith.subi %sign3A_178, %sign3A_181 : i32
    %ne3A_183 = arith.cmpi ne, %sign3A_175, %sign3A_182 : i32
    %rem3A_184 = arith.remsi %add3A_2, %jit3A_167 : i32
    %ne3A_185 = arith.constant 0 : i32
    %ne3A_186 = arith.cmpi ne, %rem3A_184, %ne3A_185 : i32
    %and3A_187 = arith.andi %ne3A_183, %ne3A_186 : i1
    %sub3A_188 = arith.constant 1 : i32
    %sub3A_189 = arith.subi %div3A_168, %sub3A_188 : i32
    %select_n3A_190 = arith.select %and3A_187, %sub3A_189, %div3A_168 : i32
    %sub3A_191 = arith.constant 1 : i32
    %sub3A_192 = arith.subi %add3A_6, %sub3A_191 : i32
    %jit3A_193 = arith.constant 512 : i32
    %div3A_194 = arith.divsi %sub3A_192, %jit3A_193 : i32
    %sign3A_195 = arith.constant 0 : i32
    %sign3A_196 = arith.cmpi sgt, %sub3A_192, %sign3A_195 : i32
    %sign3A_197 = arith.extui %sign3A_196 : i1 to i32
    %sign3A_198 = arith.constant 0 : i32
    %sign3A_199 = arith.cmpi slt, %sub3A_192, %sign3A_198 : i32
    %sign3A_200 = arith.extui %sign3A_199 : i1 to i32
    %sign3A_201 = arith.subi %sign3A_197, %sign3A_200 : i32
    %sign3A_202 = arith.constant 0 : i32
    %sign3A_203 = arith.cmpi sgt, %jit3A_193, %sign3A_202 : i32
    %sign3A_204 = arith.extui %sign3A_203 : i1 to i32
    %sign3A_205 = arith.constant 0 : i32
    %sign3A_206 = arith.cmpi slt, %jit3A_193, %sign3A_205 : i32
    %sign3A_207 = arith.extui %sign3A_206 : i1 to i32
    %sign3A_208 = arith.subi %sign3A_204, %sign3A_207 : i32
    %ne3A_209 = arith.cmpi ne, %sign3A_201, %sign3A_208 : i32
    %rem3A_210 = arith.remsi %sub3A_192, %jit3A_193 : i32
    %ne3A_211 = arith.constant 0 : i32
    %ne3A_212 = arith.cmpi ne, %rem3A_210, %ne3A_211 : i32
    %and3A_213 = arith.andi %ne3A_209, %ne3A_212 : i1
    %sub3A_214 = arith.constant 1 : i32
    %sub3A_215 = arith.subi %div3A_194, %sub3A_214 : i32
    %select_n3A_216 = arith.select %and3A_213, %sub3A_215, %div3A_194 : i32
    %mul3A_217 = arith.constant 512 : i32
    %mul3A_218 = arith.muli %select_n3A_190, %mul3A_217 : i32
    %add3A_219 = vector.broadcast %mul3A_218 : i32 to vector<1x512xi32>
    %add3A_220 = arith.addi %add3A_219, %iota3A_35 : vector<1x512xi32>
    %ge3A_221 = vector.broadcast %add3A_2 : i32 to vector<1x512xi32>
    %ge3A_222 = arith.cmpi sge, %add3A_220, %ge3A_221 : vector<1x512xi32>
    %lt3A_223 = vector.broadcast %add3A_6 : i32 to vector<1x512xi32>
    %lt3A_224 = arith.cmpi slt, %add3A_220, %lt3A_223 : vector<1x512xi32>
    %and3A_225 = arith.andi %ge3A_222, %lt3A_224 : vector<1x512xi1>
    %mul3A_226 = arith.constant 512 : i32
    %mul3A_227 = arith.muli %select_n3A_190, %mul3A_226 : i32
    %multiple_of3A_228 = tpu.assume_multiple %mul3A_227, 512 : i32
    %get3A_229 = arith.constant 0 : index
    %get3A_230 = arith.index_cast %multiple_of3A_228 : i32 to index
    %get3A_231 = vector.load %arg2[%get3A_229, %get3A_230] : memref<128x16384xf32, #tpu.memory_space<vmem>>, vector<128x512xf32>
    %jit3A_232 = arith.constant 0xFF800000 : f32
    %broadcast_in_dim3A_233 = vector.shape_cast %and3A_225 : vector<1x512xi1> to vector<1x512xi1>
    %broadcast_in_dim3A_234 = vector.broadcast %broadcast_in_dim3A_233 : vector<1x512xi1> to vector<128x512xi1>
    %broadcast_in_dim3A_235 = vector.broadcast %jit3A_232 : f32 to vector<128x512xf32>
    %select_n3A_236 = arith.select %broadcast_in_dim3A_234, %get3A_231, %broadcast_in_dim3A_235 : vector<128x512xi1>, vector<128x512xf32>
    %reduce_max3A_237 = arith.constant dense<0xFF800000> : vector<128xf32>
    %reduce_max3A_238 = vector.multi_reduction <maximumf>, %select_n3A_236, %reduce_max3A_237 [1] : vector<128x512xf32> to vector<128xf32>
    %max3A_239 = arith.maximumf %reduce_max3A_166, %reduce_max3A_238 : vector<128xf32>
    %mul3A_240 = arith.constant 512 : i32
    %mul3A_241 = arith.muli %select_n3A_216, %mul3A_240 : i32
    %add3A_242 = vector.broadcast %mul3A_241 : i32 to vector<1x512xi32>
    %add3A_243 = arith.addi %add3A_242, %iota3A_35 : vector<1x512xi32>
    %ge3A_244 = vector.broadcast %add3A_2 : i32 to vector<1x512xi32>
    %ge3A_245 = arith.cmpi sge, %add3A_243, %ge3A_244 : vector<1x512xi32>
    %lt3A_246 = vector.broadcast %add3A_6 : i32 to vector<1x512xi32>
    %lt3A_247 = arith.cmpi slt, %add3A_243, %lt3A_246 : vector<1x512xi32>
    %and3A_248 = arith.andi %ge3A_245, %lt3A_247 : vector<1x512xi1>
    %mul3A_249 = arith.constant 512 : i32
    %mul3A_250 = arith.muli %select_n3A_216, %mul3A_249 : i32
    %multiple_of3A_251 = tpu.assume_multiple %mul3A_250, 512 : i32
    %get3A_252 = arith.constant 0 : index
    %get3A_253 = arith.index_cast %multiple_of3A_251 : i32 to index
    %get3A_254 = vector.load %arg2[%get3A_252, %get3A_253] : memref<128x16384xf32, #tpu.memory_space<vmem>>, vector<128x512xf32>
    %jit3A_255 = arith.constant 0xFF800000 : f32
    %broadcast_in_dim3A_256 = vector.shape_cast %and3A_248 : vector<1x512xi1> to vector<1x512xi1>
    %broadcast_in_dim3A_257 = vector.broadcast %broadcast_in_dim3A_256 : vector<1x512xi1> to vector<128x512xi1>
    %broadcast_in_dim3A_258 = vector.broadcast %jit3A_255 : f32 to vector<128x512xf32>
    %select_n3A_259 = arith.select %broadcast_in_dim3A_257, %get3A_254, %broadcast_in_dim3A_258 : vector<128x512xi1>, vector<128x512xf32>
    %reduce_max3A_260 = arith.constant dense<0xFF800000> : vector<128xf32>
    %reduce_max3A_261 = vector.multi_reduction <maximumf>, %select_n3A_259, %reduce_max3A_260 [1] : vector<128x512xf32> to vector<128xf32>
    %max3A_262 = arith.maximumf %max3A_239, %reduce_max3A_261 : vector<128xf32>
    %swap3A_263 = arith.constant 1 : index
    %swap3A_264 = arith.constant 0 : index
    %swap3A_265 = vector.load %arg3[%swap3A_263, %swap3A_264] : memref<8x128xf32, #tpu.memory_space<vmem>>, vector<1x128xf32>
    %swap3A_266 = vector.shape_cast %swap3A_265 : vector<1x128xf32> to vector<128xf32>
    %swap3A_267 = vector.shape_cast %max3A_262 : vector<128xf32> to vector<1x128xf32>
    tpu.vector_store %arg3[%swap3A_263, %swap3A_264], %swap3A_267 {strides = array<i32>} : memref<8x128xf32, #tpu.memory_space<vmem>>, vector<1x128xf32>,
    %mul3A_268 = arith.constant 512 : i32
    %mul3A_269 = vector.broadcast %mul3A_268 : i32 to vector<1x32xi32>
    %mul3A_270 = arith.muli %iota3A, %mul3A_269 : vector<1x32xi32>
    %ge3A_271 = vector.broadcast %add3A_6 : i32 to vector<1x32xi32>
    %ge3A_272 = arith.cmpi sge, %mul3A_270, %ge3A_271 : vector<1x32xi32>
    %add3A_273 = arith.constant 1 : i32
    %add3A_274 = vector.broadcast %add3A_273 : i32 to vector<1x32xi32>
    %add3A_275 = arith.addi %iota3A, %add3A_274 : vector<1x32xi32>
    %mul3A_276 = arith.constant 512 : i32
    %mul3A_277 = vector.broadcast %mul3A_276 : i32 to vector<1x32xi32>
    %mul3A_278 = arith.muli %add3A_275, %mul3A_277 : vector<1x32xi32>
    %le3A_279 = vector.broadcast %add3A_10 : i32 to vector<1x32xi32>
    %le3A_280 = arith.cmpi sle, %mul3A_278, %le3A_279 : vector<1x32xi32>
    %and3A_281 = arith.andi %ge3A_272, %le3A_280 : vector<1x32xi1>
    %jit3A_282 = arith.constant 0xFF800000 : f32
    %broadcast_in_dim3A_283 = vector.shape_cast %and3A_281 : vector<1x32xi1> to vector<1x32xi1>
    %broadcast_in_dim3A_284 = vector.broadcast %broadcast_in_dim3A_283 : vector<1x32xi1> to vector<128x32xi1>
    %broadcast_in_dim3A_285 = vector.broadcast %jit3A_282 : f32 to vector<128x32xf32>
    %select_n3A_286 = arith.select %broadcast_in_dim3A_284, %reduce_max3A_34, %broadcast_in_dim3A_285 : vector<128x32xi1>, vector<128x32xf32>
    %reduce_max3A_287 = arith.constant dense<0xFF800000> : vector<128xf32>
    %reduce_max3A_288 = vector.multi_reduction <maximumf>, %select_n3A_286, %reduce_max3A_287 [1] : vector<128x32xf32> to vector<128xf32>
    %jit3A_289 = arith.constant 512 : i32
    %div3A_290 = arith.divsi %add3A_6, %jit3A_289 : i32
    %sign3A_291 = arith.constant 0 : i32
    %sign3A_292 = arith.cmpi sgt, %add3A_6, %sign3A_291 : i32
    %sign3A_293 = arith.extui %sign3A_292 : i1 to i32
    %sign3A_294 = arith.constant 0 : i32
    %sign3A_295 = arith.cmpi slt, %add3A_6, %sign3A_294 : i32
    %sign3A_296 = arith.extui %sign3A_295 : i1 to i32
    %sign3A_297 = arith.subi %sign3A_293, %sign3A_296 : i32
    %sign3A_298 = arith.constant 0 : i32
    %sign3A_299 = arith.cmpi sgt, %jit3A_289, %sign3A_298 : i32
    %sign3A_300 = arith.extui %sign3A_299 : i1 to i32
    %sign3A_301 = arith.constant 0 : i32
    %sign3A_302 = arith.cmpi slt, %jit3A_289, %sign3A_301 : i32
    %sign3A_303 = arith.extui %sign3A_302 : i1 to i32
    %sign3A_304 = arith.subi %sign3A_300, %sign3A_303 : i32
    %ne3A_305 = arith.cmpi ne, %sign3A_297, %sign3A_304 : i32
    %rem3A_306 = arith.remsi %add3A_6, %jit3A_289 : i32
    %ne3A_307 = arith.constant 0 : i32
    %ne3A_308 = arith.cmpi ne, %rem3A_306, %ne3A_307 : i32
    %and3A_309 = arith.andi %ne3A_305, %ne3A_308 : i1
    %sub3A_310 = arith.constant 1 : i32
    %sub3A_311 = arith.subi %div3A_290, %sub3A_310 : i32
    %select_n3A_312 = arith.select %and3A_309, %sub3A_311, %div3A_290 : i32
    %sub3A_313 = arith.constant 1 : i32
    %sub3A_314 = arith.subi %add3A_10, %sub3A_313 : i32
    %jit3A_315 = arith.constant 512 : i32
    %div3A_316 = arith.divsi %sub3A_314, %jit3A_315 : i32
    %sign3A_317 = arith.constant 0 : i32
    %sign3A_318 = arith.cmpi sgt, %sub3A_314, %sign3A_317 : i32
    %sign3A_319 = arith.extui %sign3A_318 : i1 to i32
    %sign3A_320 = arith.constant 0 : i32
    %sign3A_321 = arith.cmpi slt, %sub3A_314, %sign3A_320 : i32
    %sign3A_322 = arith.extui %sign3A_321 : i1 to i32
    %sign3A_323 = arith.subi %sign3A_319, %sign3A_322 : i32
    %sign3A_324 = arith.constant 0 : i32
    %sign3A_325 = arith.cmpi sgt, %jit3A_315, %sign3A_324 : i32
    %sign3A_326 = arith.extui %sign3A_325 : i1 to i32
    %sign3A_327 = arith.constant 0 : i32
    %sign3A_328 = arith.cmpi slt, %jit3A_315, %sign3A_327 : i32
    %sign3A_329 = arith.extui %sign3A_328 : i1 to i32
    %sign3A_330 = arith.subi %sign3A_326, %sign3A_329 : i32
    %ne3A_331 = arith.cmpi ne, %sign3A_323, %sign3A_330 : i32
    %rem3A_332 = arith.remsi %sub3A_314, %jit3A_315 : i32
    %ne3A_333 = arith.constant 0 : i32
    %ne3A_334 = arith.cmpi ne, %rem3A_332, %ne3A_333 : i32
    %and3A_335 = arith.andi %ne3A_331, %ne3A_334 : i1
    %sub3A_336 = arith.constant 1 : i32
    %sub3A_337 = arith.subi %div3A_316, %sub3A_336 : i32
    %select_n3A_338 = arith.select %and3A_335, %sub3A_337, %div3A_316 : i32
    %mul3A_339 = arith.constant 512 : i32
    %mul3A_340 = arith.muli %select_n3A_312, %mul3A_339 : i32
    %add3A_341 = vector.broadcast %mul3A_340 : i32 to vector<1x512xi32>
    %add3A_342 = arith.addi %add3A_341, %iota3A_35 : vector<1x512xi32>
    %ge3A_343 = vector.broadcast %add3A_6 : i32 to vector<1x512xi32>
    %ge3A_344 = arith.cmpi sge, %add3A_342, %ge3A_343 : vector<1x512xi32>
    %lt3A_345 = vector.broadcast %add3A_10 : i32 to vector<1x512xi32>
    %lt3A_346 = arith.cmpi slt, %add3A_342, %lt3A_345 : vector<1x512xi32>
    %and3A_347 = arith.andi %ge3A_344, %lt3A_346 : vector<1x512xi1>
    %mul3A_348 = arith.constant 512 : i32
    %mul3A_349 = arith.muli %select_n3A_312, %mul3A_348 : i32
    %multiple_of3A_350 = tpu.assume_multiple %mul3A_349, 512 : i32
    %get3A_351 = arith.constant 0 : index
    %get3A_352 = arith.index_cast %multiple_of3A_350 : i32 to index
    %get3A_353 = vector.load %arg2[%get3A_351, %get3A_352] : memref<128x16384xf32, #tpu.memory_space<vmem>>, vector<128x512xf32>
    %jit3A_354 = arith.constant 0xFF800000 : f32
    %broadcast_in_dim3A_355 = vector.shape_cast %and3A_347 : vector<1x512xi1> to vector<1x512xi1>
    %broadcast_in_dim3A_356 = vector.broadcast %broadcast_in_dim3A_355 : vector<1x512xi1> to vector<128x512xi1>
    %broadcast_in_dim3A_357 = vector.broadcast %jit3A_354 : f32 to vector<128x512xf32>
    %select_n3A_358 = arith.select %broadcast_in_dim3A_356, %get3A_353, %broadcast_in_dim3A_357 : vector<128x512xi1>, vector<128x512xf32>
    %reduce_max3A_359 = arith.constant dense<0xFF800000> : vector<128xf32>
    %reduce_max3A_360 = vector.multi_reduction <maximumf>, %select_n3A_358, %reduce_max3A_359 [1] : vector<128x512xf32> to vector<128xf32>
    %max3A_361 = arith.maximumf %reduce_max3A_288, %reduce_max3A_360 : vector<128xf32>
    %mul3A_362 = arith.constant 512 : i32
    %mul3A_363 = arith.muli %select_n3A_338, %mul3A_362 : i32
    %add3A_364 = vector.broadcast %mul3A_363 : i32 to vector<1x512xi32>
    %add3A_365 = arith.addi %add3A_364, %iota3A_35 : vector<1x512xi32>
    %ge3A_366 = vector.broadcast %add3A_6 : i32 to vector<1x512xi32>
    %ge3A_367 = arith.cmpi sge, %add3A_365, %ge3A_366 : vector<1x512xi32>
    %lt3A_368 = vector.broadcast %add3A_10 : i32 to vector<1x512xi32>
    %lt3A_369 = arith.cmpi slt, %add3A_365, %lt3A_368 : vector<1x512xi32>
    %and3A_370 = arith.andi %ge3A_367, %lt3A_369 : vector<1x512xi1>
    %mul3A_371 = arith.constant 512 : i32
    %mul3A_372 = arith.muli %select_n3A_338, %mul3A_371 : i32
    %multiple_of3A_373 = tpu.assume_multiple %mul3A_372, 512 : i32
    %get3A_374 = arith.constant 0 : index
    %get3A_375 = arith.index_cast %multiple_of3A_373 : i32 to index
    %get3A_376 = vector.load %arg2[%get3A_374, %get3A_375] : memref<128x16384xf32, #tpu.memory_space<vmem>>, vector<128x512xf32>
    %jit3A_377 = arith.constant 0xFF800000 : f32
    %broadcast_in_dim3A_378 = vector.shape_cast %and3A_370 : vector<1x512xi1> to vector<1x512xi1>
    %broadcast_in_dim3A_379 = vector.broadcast %broadcast_in_dim3A_378 : vector<1x512xi1> to vector<128x512xi1>
    %broadcast_in_dim3A_380 = vector.broadcast %jit3A_377 : f32 to vector<128x512xf32>
    %select_n3A_381 = arith.select %broadcast_in_dim3A_379, %get3A_376, %broadcast_in_dim3A_380 : vector<128x512xi1>, vector<128x512xf32>
    %reduce_max3A_382 = arith.constant dense<0xFF800000> : vector<128xf32>
    %reduce_max3A_383 = vector.multi_reduction <maximumf>, %select_n3A_381, %reduce_max3A_382 [1] : vector<128x512xf32> to vector<128xf32>
    %max3A_384 = arith.maximumf %max3A_361, %reduce_max3A_383 : vector<128xf32>
    %swap3A_385 = arith.constant 2 : index
    %swap3A_386 = arith.constant 0 : index
    %swap3A_387 = vector.load %arg3[%swap3A_385, %swap3A_386] : memref<8x128xf32, #tpu.memory_space<vmem>>, vector<1x128xf32>
    %swap3A_388 = vector.shape_cast %swap3A_387 : vector<1x128xf32> to vector<128xf32>
    %swap3A_389 = vector.shape_cast %max3A_384 : vector<128xf32> to vector<1x128xf32>
    tpu.vector_store %arg3[%swap3A_385, %swap3A_386], %swap3A_389 {strides = array<i32>} : memref<8x128xf32, #tpu.memory_space<vmem>>, vector<1x128xf32>,
    %mul3A_390 = arith.constant 512 : i32
    %mul3A_391 = vector.broadcast %mul3A_390 : i32 to vector<1x32xi32>
    %mul3A_392 = arith.muli %iota3A, %mul3A_391 : vector<1x32xi32>
    %ge3A_393 = vector.broadcast %add3A_10 : i32 to vector<1x32xi32>
    %ge3A_394 = arith.cmpi sge, %mul3A_392, %ge3A_393 : vector<1x32xi32>
    %add3A_395 = arith.constant 1 : i32
    %add3A_396 = vector.broadcast %add3A_395 : i32 to vector<1x32xi32>
    %add3A_397 = arith.addi %iota3A, %add3A_396 : vector<1x32xi32>
    %mul3A_398 = arith.constant 512 : i32
    %mul3A_399 = vector.broadcast %mul3A_398 : i32 to vector<1x32xi32>
    %mul3A_400 = arith.muli %add3A_397, %mul3A_399 : vector<1x32xi32>
    %le3A_401 = vector.broadcast %add3A_14 : i32 to vector<1x32xi32>
    %le3A_402 = arith.cmpi sle, %mul3A_400, %le3A_401 : vector<1x32xi32>
    %and3A_403 = arith.andi %ge3A_394, %le3A_402 : vector<1x32xi1>
    %jit3A_404 = arith.constant 0xFF800000 : f32
    %broadcast_in_dim3A_405 = vector.shape_cast %and3A_403 : vector<1x32xi1> to vector<1x32xi1>
    %broadcast_in_dim3A_406 = vector.broadcast %broadcast_in_dim3A_405 : vector<1x32xi1> to vector<128x32xi1>
    %broadcast_in_dim3A_407 = vector.broadcast %jit3A_404 : f32 to vector<128x32xf32>
    %select_n3A_408 = arith.select %broadcast_in_dim3A_406, %reduce_max3A_34, %broadcast_in_dim3A_407 : vector<128x32xi1>, vector<128x32xf32>
    %reduce_max3A_409 = arith.constant dense<0xFF800000> : vector<128xf32>
    %reduce_max3A_410 = vector.multi_reduction <maximumf>, %select_n3A_408, %reduce_max3A_409 [1] : vector<128x32xf32> to vector<128xf32>
    %jit3A_411 = arith.constant 512 : i32
    %div3A_412 = arith.divsi %add3A_10, %jit3A_411 : i32
    %sign3A_413 = arith.constant 0 : i32
    %sign3A_414 = arith.cmpi sgt, %add3A_10, %sign3A_413 : i32
    %sign3A_415 = arith.extui %sign3A_414 : i1 to i32
    %sign3A_416 = arith.constant 0 : i32
    %sign3A_417 = arith.cmpi slt, %add3A_10, %sign3A_416 : i32
    %sign3A_418 = arith.extui %sign3A_417 : i1 to i32
    %sign3A_419 = arith.subi %sign3A_415, %sign3A_418 : i32
    %sign3A_420 = arith.constant 0 : i32
    %sign3A_421 = arith.cmpi sgt, %jit3A_411, %sign3A_420 : i32
    %sign3A_422 = arith.extui %sign3A_421 : i1 to i32
    %sign3A_423 = arith.constant 0 : i32
    %sign3A_424 = arith.cmpi slt, %jit3A_411, %sign3A_423 : i32
    %sign3A_425 = arith.extui %sign3A_424 : i1 to i32
    %sign3A_426 = arith.subi %sign3A_422, %sign3A_425 : i32
    %ne3A_427 = arith.cmpi ne, %sign3A_419, %sign3A_426 : i32
    %rem3A_428 = arith.remsi %add3A_10, %jit3A_411 : i32
    %ne3A_429 = arith.constant 0 : i32
    %ne3A_430 = arith.cmpi ne, %rem3A_428, %ne3A_429 : i32
    %and3A_431 = arith.andi %ne3A_427, %ne3A_430 : i1
    %sub3A_432 = arith.constant 1 : i32
    %sub3A_433 = arith.subi %div3A_412, %sub3A_432 : i32
    %select_n3A_434 = arith.select %and3A_431, %sub3A_433, %div3A_412 : i32
    %sub3A_435 = arith.constant 1 : i32
    %sub3A_436 = arith.subi %add3A_14, %sub3A_435 : i32
    %jit3A_437 = arith.constant 512 : i32
    %div3A_438 = arith.divsi %sub3A_436, %jit3A_437 : i32
    %sign3A_439 = arith.constant 0 : i32
    %sign3A_440 = arith.cmpi sgt, %sub3A_436, %sign3A_439 : i32
    %sign3A_441 = arith.extui %sign3A_440 : i1 to i32
    %sign3A_442 = arith.constant 0 : i32
    %sign3A_443 = arith.cmpi slt, %sub3A_436, %sign3A_442 : i32
    %sign3A_444 = arith.extui %sign3A_443 : i1 to i32
    %sign3A_445 = arith.subi %sign3A_441, %sign3A_444 : i32
    %sign3A_446 = arith.constant 0 : i32
    %sign3A_447 = arith.cmpi sgt, %jit3A_437, %sign3A_446 : i32
    %sign3A_448 = arith.extui %sign3A_447 : i1 to i32
    %sign3A_449 = arith.constant 0 : i32
    %sign3A_450 = arith.cmpi slt, %jit3A_437, %sign3A_449 : i32
    %sign3A_451 = arith.extui %sign3A_450 : i1 to i32
    %sign3A_452 = arith.subi %sign3A_448, %sign3A_451 : i32
    %ne3A_453 = arith.cmpi ne, %sign3A_445, %sign3A_452 : i32
    %rem3A_454 = arith.remsi %sub3A_436, %jit3A_437 : i32
    %ne3A_455 = arith.constant 0 : i32
    %ne3A_456 = arith.cmpi ne, %rem3A_454, %ne3A_455 : i32
    %and3A_457 = arith.andi %ne3A_453, %ne3A_456 : i1
    %sub3A_458 = arith.constant 1 : i32
    %sub3A_459 = arith.subi %div3A_438, %sub3A_458 : i32
    %select_n3A_460 = arith.select %and3A_457, %sub3A_459, %div3A_438 : i32
    %mul3A_461 = arith.constant 512 : i32
    %mul3A_462 = arith.muli %select_n3A_434, %mul3A_461 : i32
    %add3A_463 = vector.broadcast %mul3A_462 : i32 to vector<1x512xi32>
    %add3A_464 = arith.addi %add3A_463, %iota3A_35 : vector<1x512xi32>
    %ge3A_465 = vector.broadcast %add3A_10 : i32 to vector<1x512xi32>
    %ge3A_466 = arith.cmpi sge, %add3A_464, %ge3A_465 : vector<1x512xi32>
    %lt3A_467 = vector.broadcast %add3A_14 : i32 to vector<1x512xi32>
    %lt3A_468 = arith.cmpi slt, %add3A_464, %lt3A_467 : vector<1x512xi32>
    %and3A_469 = arith.andi %ge3A_466, %lt3A_468 : vector<1x512xi1>
    %mul3A_470 = arith.constant 512 : i32
    %mul3A_471 = arith.muli %select_n3A_434, %mul3A_470 : i32
    %multiple_of3A_472 = tpu.assume_multiple %mul3A_471, 512 : i32
    %get3A_473 = arith.constant 0 : index
    %get3A_474 = arith.index_cast %multiple_of3A_472 : i32 to index
    %get3A_475 = vector.load %arg2[%get3A_473, %get3A_474] : memref<128x16384xf32, #tpu.memory_space<vmem>>, vector<128x512xf32>
    %jit3A_476 = arith.constant 0xFF800000 : f32
    %broadcast_in_dim3A_477 = vector.shape_cast %and3A_469 : vector<1x512xi1> to vector<1x512xi1>
    %broadcast_in_dim3A_478 = vector.broadcast %broadcast_in_dim3A_477 : vector<1x512xi1> to vector<128x512xi1>
    %broadcast_in_dim3A_479 = vector.broadcast %jit3A_476 : f32 to vector<128x512xf32>
    %select_n3A_480 = arith.select %broadcast_in_dim3A_478, %get3A_475, %broadcast_in_dim3A_479 : vector<128x512xi1>, vector<128x512xf32>
    %reduce_max3A_481 = arith.constant dense<0xFF800000> : vector<128xf32>
    %reduce_max3A_482 = vector.multi_reduction <maximumf>, %select_n3A_480, %reduce_max3A_481 [1] : vector<128x512xf32> to vector<128xf32>
    %max3A_483 = arith.maximumf %reduce_max3A_410, %reduce_max3A_482 : vector<128xf32>
    %mul3A_484 = arith.constant 512 : i32
    %mul3A_485 = arith.muli %select_n3A_460, %mul3A_484 : i32
    %add3A_486 = vector.broadcast %mul3A_485 : i32 to vector<1x512xi32>
    %add3A_487 = arith.addi %add3A_486, %iota3A_35 : vector<1x512xi32>
    %ge3A_488 = vector.broadcast %add3A_10 : i32 to vector<1x512xi32>
    %ge3A_489 = arith.cmpi sge, %add3A_487, %ge3A_488 : vector<1x512xi32>
    %lt3A_490 = vector.broadcast %add3A_14 : i32 to vector<1x512xi32>
    %lt3A_491 = arith.cmpi slt, %add3A_487, %lt3A_490 : vector<1x512xi32>
    %and3A_492 = arith.andi %ge3A_489, %lt3A_491 : vector<1x512xi1>
    %mul3A_493 = arith.constant 512 : i32
    %mul3A_494 = arith.muli %select_n3A_460, %mul3A_493 : i32
    %multiple_of3A_495 = tpu.assume_multiple %mul3A_494, 512 : i32
    %get3A_496 = arith.constant 0 : index
    %get3A_497 = arith.index_cast %multiple_of3A_495 : i32 to index
    %get3A_498 = vector.load %arg2[%get3A_496, %get3A_497] : memref<128x16384xf32, #tpu.memory_space<vmem>>, vector<128x512xf32>
    %jit3A_499 = arith.constant 0xFF800000 : f32
    %broadcast_in_dim3A_500 = vector.shape_cast %and3A_492 : vector<1x512xi1> to vector<1x512xi1>
    %broadcast_in_dim3A_501 = vector.broadcast %broadcast_in_dim3A_500 : vector<1x512xi1> to vector<128x512xi1>
    %broadcast_in_dim3A_502 = vector.broadcast %jit3A_499 : f32 to vector<128x512xf32>
    %select_n3A_503 = arith.select %broadcast_in_dim3A_501, %get3A_498, %broadcast_in_dim3A_502 : vector<128x512xi1>, vector<128x512xf32>
    %reduce_max3A_504 = arith.constant dense<0xFF800000> : vector<128xf32>
    %reduce_max3A_505 = vector.multi_reduction <maximumf>, %select_n3A_503, %reduce_max3A_504 [1] : vector<128x512xf32> to vector<128xf32>
    %max3A_506 = arith.maximumf %max3A_483, %reduce_max3A_505 : vector<128xf32>
    %swap3A_507 = arith.constant 3 : index
    %swap3A_508 = arith.constant 0 : index
    %swap3A_509 = vector.load %arg3[%swap3A_507, %swap3A_508] : memref<8x128xf32, #tpu.memory_space<vmem>>, vector<1x128xf32>
    %swap3A_510 = vector.shape_cast %swap3A_509 : vector<1x128xf32> to vector<128xf32>
    %swap3A_511 = vector.shape_cast %max3A_506 : vector<128xf32> to vector<1x128xf32>
    tpu.vector_store %arg3[%swap3A_507, %swap3A_508], %swap3A_511 {strides = array<i32>} : memref<8x128xf32, #tpu.memory_space<vmem>>, vector<1x128xf32>,
    %mul3A_512 = arith.constant 512 : i32
    %mul3A_513 = vector.broadcast %mul3A_512 : i32 to vector<1x32xi32>
    %mul3A_514 = arith.muli %iota3A, %mul3A_513 : vector<1x32xi32>
    %ge3A_515 = vector.broadcast %add3A_14 : i32 to vector<1x32xi32>
    %ge3A_516 = arith.cmpi sge, %mul3A_514, %ge3A_515 : vector<1x32xi32>
    %add3A_517 = arith.constant 1 : i32
    %add3A_518 = vector.broadcast %add3A_517 : i32 to vector<1x32xi32>
    %add3A_519 = arith.addi %iota3A, %add3A_518 : vector<1x32xi32>
    %mul3A_520 = arith.constant 512 : i32
    %mul3A_521 = vector.broadcast %mul3A_520 : i32 to vector<1x32xi32>
    %mul3A_522 = arith.muli %add3A_519, %mul3A_521 : vector<1x32xi32>
    %le3A_523 = vector.broadcast %add3A_18 : i32 to vector<1x32xi32>
    %le3A_524 = arith.cmpi sle, %mul3A_522, %le3A_523 : vector<1x32xi32>
    %and3A_525 = arith.andi %ge3A_516, %le3A_524 : vector<1x32xi1>
    %jit3A_526 = arith.constant 0xFF800000 : f32
    %broadcast_in_dim3A_527 = vector.shape_cast %and3A_525 : vector<1x32xi1> to vector<1x32xi1>
    %broadcast_in_dim3A_528 = vector.broadcast %broadcast_in_dim3A_527 : vector<1x32xi1> to vector<128x32xi1>
    %broadcast_in_dim3A_529 = vector.broadcast %jit3A_526 : f32 to vector<128x32xf32>
    %select_n3A_530 = arith.select %broadcast_in_dim3A_528, %reduce_max3A_34, %broadcast_in_dim3A_529 : vector<128x32xi1>, vector<128x32xf32>
    %reduce_max3A_531 = arith.constant dense<0xFF800000> : vector<128xf32>
    %reduce_max3A_532 = vector.multi_reduction <maximumf>, %select_n3A_530, %reduce_max3A_531 [1] : vector<128x32xf32> to vector<128xf32>
    %jit3A_533 = arith.constant 512 : i32
    %div3A_534 = arith.divsi %add3A_14, %jit3A_533 : i32
    %sign3A_535 = arith.constant 0 : i32
    %sign3A_536 = arith.cmpi sgt, %add3A_14, %sign3A_535 : i32
    %sign3A_537 = arith.extui %sign3A_536 : i1 to i32
    %sign3A_538 = arith.constant 0 : i32
    %sign3A_539 = arith.cmpi slt, %add3A_14, %sign3A_538 : i32
    %sign3A_540 = arith.extui %sign3A_539 : i1 to i32
    %sign3A_541 = arith.subi %sign3A_537, %sign3A_540 : i32
    %sign3A_542 = arith.constant 0 : i32
    %sign3A_543 = arith.cmpi sgt, %jit3A_533, %sign3A_542 : i32
    %sign3A_544 = arith.extui %sign3A_543 : i1 to i32
    %sign3A_545 = arith.constant 0 : i32
    %sign3A_546 = arith.cmpi slt, %jit3A_533, %sign3A_545 : i32
    %sign3A_547 = arith.extui %sign3A_546 : i1 to i32
    %sign3A_548 = arith.subi %sign3A_544, %sign3A_547 : i32
    %ne3A_549 = arith.cmpi ne, %sign3A_541, %sign3A_548 : i32
    %rem3A_550 = arith.remsi %add3A_14, %jit3A_533 : i32
    %ne3A_551 = arith.constant 0 : i32
    %ne3A_552 = arith.cmpi ne, %rem3A_550, %ne3A_551 : i32
    %and3A_553 = arith.andi %ne3A_549, %ne3A_552 : i1
    %sub3A_554 = arith.constant 1 : i32
    %sub3A_555 = arith.subi %div3A_534, %sub3A_554 : i32
    %select_n3A_556 = arith.select %and3A_553, %sub3A_555, %div3A_534 : i32
    %sub3A_557 = arith.constant 1 : i32
    %sub3A_558 = arith.subi %add3A_18, %sub3A_557 : i32
    %jit3A_559 = arith.constant 512 : i32
    %div3A_560 = arith.divsi %sub3A_558, %jit3A_559 : i32
    %sign3A_561 = arith.constant 0 : i32
    %sign3A_562 = arith.cmpi sgt, %sub3A_558, %sign3A_561 : i32
    %sign3A_563 = arith.extui %sign3A_562 : i1 to i32
    %sign3A_564 = arith.constant 0 : i32
    %sign3A_565 = arith.cmpi slt, %sub3A_558, %sign3A_564 : i32
    %sign3A_566 = arith.extui %sign3A_565 : i1 to i32
    %sign3A_567 = arith.subi %sign3A_563, %sign3A_566 : i32
    %sign3A_568 = arith.constant 0 : i32
    %sign3A_569 = arith.cmpi sgt, %jit3A_559, %sign3A_568 : i32
    %sign3A_570 = arith.extui %sign3A_569 : i1 to i32
    %sign3A_571 = arith.constant 0 : i32
    %sign3A_572 = arith.cmpi slt, %jit3A_559, %sign3A_571 : i32
    %sign3A_573 = arith.extui %sign3A_572 : i1 to i32
    %sign3A_574 = arith.subi %sign3A_570, %sign3A_573 : i32
    %ne3A_575 = arith.cmpi ne, %sign3A_567, %sign3A_574 : i32
    %rem3A_576 = arith.remsi %sub3A_558, %jit3A_559 : i32
    %ne3A_577 = arith.constant 0 : i32
    %ne3A_578 = arith.cmpi ne, %rem3A_576, %ne3A_577 : i32
    %and3A_579 = arith.andi %ne3A_575, %ne3A_578 : i1
    %sub3A_580 = arith.constant 1 : i32
    %sub3A_581 = arith.subi %div3A_560, %sub3A_580 : i32
    %select_n3A_582 = arith.select %and3A_579, %sub3A_581, %div3A_560 : i32
    %mul3A_583 = arith.constant 512 : i32
    %mul3A_584 = arith.muli %select_n3A_556, %mul3A_583 : i32
    %add3A_585 = vector.broadcast %mul3A_584 : i32 to vector<1x512xi32>
    %add3A_586 = arith.addi %add3A_585, %iota3A_35 : vector<1x512xi32>
    %ge3A_587 = vector.broadcast %add3A_14 : i32 to vector<1x512xi32>
    %ge3A_588 = arith.cmpi sge, %add3A_586, %ge3A_587 : vector<1x512xi32>
    %lt3A_589 = vector.broadcast %add3A_18 : i32 to vector<1x512xi32>
    %lt3A_590 = arith.cmpi slt, %add3A_586, %lt3A_589 : vector<1x512xi32>
    %and3A_591 = arith.andi %ge3A_588, %lt3A_590 : vector<1x512xi1>
    %mul3A_592 = arith.constant 512 : i32
    %mul3A_593 = arith.muli %select_n3A_556, %mul3A_592 : i32
    %multiple_of3A_594 = tpu.assume_multiple %mul3A_593, 512 : i32
    %get3A_595 = arith.constant 0 : index
    %get3A_596 = arith.index_cast %multiple_of3A_594 : i32 to index
    %get3A_597 = vector.load %arg2[%get3A_595, %get3A_596] : memref<128x16384xf32, #tpu.memory_space<vmem>>, vector<128x512xf32>
    %jit3A_598 = arith.constant 0xFF800000 : f32
    %broadcast_in_dim3A_599 = vector.shape_cast %and3A_591 : vector<1x512xi1> to vector<1x512xi1>
    %broadcast_in_dim3A_600 = vector.broadcast %broadcast_in_dim3A_599 : vector<1x512xi1> to vector<128x512xi1>
    %broadcast_in_dim3A_601 = vector.broadcast %jit3A_598 : f32 to vector<128x512xf32>
    %select_n3A_602 = arith.select %broadcast_in_dim3A_600, %get3A_597, %broadcast_in_dim3A_601 : vector<128x512xi1>, vector<128x512xf32>
    %reduce_max3A_603 = arith.constant dense<0xFF800000> : vector<128xf32>
    %reduce_max3A_604 = vector.multi_reduction <maximumf>, %select_n3A_602, %reduce_max3A_603 [1] : vector<128x512xf32> to vector<128xf32>
    %max3A_605 = arith.maximumf %reduce_max3A_532, %reduce_max3A_604 : vector<128xf32>
    %mul3A_606 = arith.constant 512 : i32
    %mul3A_607 = arith.muli %select_n3A_582, %mul3A_606 : i32
    %add3A_608 = vector.broadcast %mul3A_607 : i32 to vector<1x512xi32>
    %add3A_609 = arith.addi %add3A_608, %iota3A_35 : vector<1x512xi32>
    %ge3A_610 = vector.broadcast %add3A_14 : i32 to vector<1x512xi32>
    %ge3A_611 = arith.cmpi sge, %add3A_609, %ge3A_610 : vector<1x512xi32>
    %lt3A_612 = vector.broadcast %add3A_18 : i32 to vector<1x512xi32>
    %lt3A_613 = arith.cmpi slt, %add3A_609, %lt3A_612 : vector<1x512xi32>
    %and3A_614 = arith.andi %ge3A_611, %lt3A_613 : vector<1x512xi1>
    %mul3A_615 = arith.constant 512 : i32
    %mul3A_616 = arith.muli %select_n3A_582, %mul3A_615 : i32
    %multiple_of3A_617 = tpu.assume_multiple %mul3A_616, 512 : i32
    %get3A_618 = arith.constant 0 : index
    %get3A_619 = arith.index_cast %multiple_of3A_617 : i32 to index
    %get3A_620 = vector.load %arg2[%get3A_618, %get3A_619] : memref<128x16384xf32, #tpu.memory_space<vmem>>, vector<128x512xf32>
    %jit3A_621 = arith.constant 0xFF800000 : f32
    %broadcast_in_dim3A_622 = vector.shape_cast %and3A_614 : vector<1x512xi1> to vector<1x512xi1>
    %broadcast_in_dim3A_623 = vector.broadcast %broadcast_in_dim3A_622 : vector<1x512xi1> to vector<128x512xi1>
    %broadcast_in_dim3A_624 = vector.broadcast %jit3A_621 : f32 to vector<128x512xf32>
    %select_n3A_625 = arith.select %broadcast_in_dim3A_623, %get3A_620, %broadcast_in_dim3A_624 : vector<128x512xi1>, vector<128x512xf32>
    %reduce_max3A_626 = arith.constant dense<0xFF800000> : vector<128xf32>
    %reduce_max3A_627 = vector.multi_reduction <maximumf>, %select_n3A_625, %reduce_max3A_626 [1] : vector<128x512xf32> to vector<128xf32>
    %max3A_628 = arith.maximumf %max3A_605, %reduce_max3A_627 : vector<128xf32>
    %swap3A_629 = arith.constant 4 : index
    %swap3A_630 = arith.constant 0 : index
    %swap3A_631 = vector.load %arg3[%swap3A_629, %swap3A_630] : memref<8x128xf32, #tpu.memory_space<vmem>>, vector<1x128xf32>
    %swap3A_632 = vector.shape_cast %swap3A_631 : vector<1x128xf32> to vector<128xf32>
    %swap3A_633 = vector.shape_cast %max3A_628 : vector<128xf32> to vector<1x128xf32>
    tpu.vector_store %arg3[%swap3A_629, %swap3A_630], %swap3A_633 {strides = array<i32>} : memref<8x128xf32, #tpu.memory_space<vmem>>, vector<1x128xf32>,
    %mul3A_634 = arith.constant 512 : i32
    %mul3A_635 = vector.broadcast %mul3A_634 : i32 to vector<1x32xi32>
    %mul3A_636 = arith.muli %iota3A, %mul3A_635 : vector<1x32xi32>
    %ge3A_637 = vector.broadcast %add3A_18 : i32 to vector<1x32xi32>
    %ge3A_638 = arith.cmpi sge, %mul3A_636, %ge3A_637 : vector<1x32xi32>
    %add3A_639 = arith.constant 1 : i32
    %add3A_640 = vector.broadcast %add3A_639 : i32 to vector<1x32xi32>
    %add3A_641 = arith.addi %iota3A, %add3A_640 : vector<1x32xi32>
    %mul3A_642 = arith.constant 512 : i32
    %mul3A_643 = vector.broadcast %mul3A_642 : i32 to vector<1x32xi32>
    %mul3A_644 = arith.muli %add3A_641, %mul3A_643 : vector<1x32xi32>
    %le3A_645 = vector.broadcast %add3A_22 : i32 to vector<1x32xi32>
    %le3A_646 = arith.cmpi sle, %mul3A_644, %le3A_645 : vector<1x32xi32>
    %and3A_647 = arith.andi %ge3A_638, %le3A_646 : vector<1x32xi1>
    %jit3A_648 = arith.constant 0xFF800000 : f32
    %broadcast_in_dim3A_649 = vector.shape_cast %and3A_647 : vector<1x32xi1> to vector<1x32xi1>
    %broadcast_in_dim3A_650 = vector.broadcast %broadcast_in_dim3A_649 : vector<1x32xi1> to vector<128x32xi1>
    %broadcast_in_dim3A_651 = vector.broadcast %jit3A_648 : f32 to vector<128x32xf32>
    %select_n3A_652 = arith.select %broadcast_in_dim3A_650, %reduce_max3A_34, %broadcast_in_dim3A_651 : vector<128x32xi1>, vector<128x32xf32>
    %reduce_max3A_653 = arith.constant dense<0xFF800000> : vector<128xf32>
    %reduce_max3A_654 = vector.multi_reduction <maximumf>, %select_n3A_652, %reduce_max3A_653 [1] : vector<128x32xf32> to vector<128xf32>
    %jit3A_655 = arith.constant 512 : i32
    %div3A_656 = arith.divsi %add3A_18, %jit3A_655 : i32
    %sign3A_657 = arith.constant 0 : i32
    %sign3A_658 = arith.cmpi sgt, %add3A_18, %sign3A_657 : i32
    %sign3A_659 = arith.extui %sign3A_658 : i1 to i32
    %sign3A_660 = arith.constant 0 : i32
    %sign3A_661 = arith.cmpi slt, %add3A_18, %sign3A_660 : i32
    %sign3A_662 = arith.extui %sign3A_661 : i1 to i32
    %sign3A_663 = arith.subi %sign3A_659, %sign3A_662 : i32
    %sign3A_664 = arith.constant 0 : i32
    %sign3A_665 = arith.cmpi sgt, %jit3A_655, %sign3A_664 : i32
    %sign3A_666 = arith.extui %sign3A_665 : i1 to i32
    %sign3A_667 = arith.constant 0 : i32
    %sign3A_668 = arith.cmpi slt, %jit3A_655, %sign3A_667 : i32
    %sign3A_669 = arith.extui %sign3A_668 : i1 to i32
    %sign3A_670 = arith.subi %sign3A_666, %sign3A_669 : i32
    %ne3A_671 = arith.cmpi ne, %sign3A_663, %sign3A_670 : i32
    %rem3A_672 = arith.remsi %add3A_18, %jit3A_655 : i32
    %ne3A_673 = arith.constant 0 : i32
    %ne3A_674 = arith.cmpi ne, %rem3A_672, %ne3A_673 : i32
    %and3A_675 = arith.andi %ne3A_671, %ne3A_674 : i1
    %sub3A_676 = arith.constant 1 : i32
    %sub3A_677 = arith.subi %div3A_656, %sub3A_676 : i32
    %select_n3A_678 = arith.select %and3A_675, %sub3A_677, %div3A_656 : i32
    %sub3A_679 = arith.constant 1 : i32
    %sub3A_680 = arith.subi %add3A_22, %sub3A_679 : i32
    %jit3A_681 = arith.constant 512 : i32
    %div3A_682 = arith.divsi %sub3A_680, %jit3A_681 : i32
    %sign3A_683 = arith.constant 0 : i32
    %sign3A_684 = arith.cmpi sgt, %sub3A_680, %sign3A_683 : i32
    %sign3A_685 = arith.extui %sign3A_684 : i1 to i32
    %sign3A_686 = arith.constant 0 : i32
    %sign3A_687 = arith.cmpi slt, %sub3A_680, %sign3A_686 : i32
    %sign3A_688 = arith.extui %sign3A_687 : i1 to i32
    %sign3A_689 = arith.subi %sign3A_685, %sign3A_688 : i32
    %sign3A_690 = arith.constant 0 : i32
    %sign3A_691 = arith.cmpi sgt, %jit3A_681, %sign3A_690 : i32
    %sign3A_692 = arith.extui %sign3A_691 : i1 to i32
    %sign3A_693 = arith.constant 0 : i32
    %sign3A_694 = arith.cmpi slt, %jit3A_681, %sign3A_693 : i32
    %sign3A_695 = arith.extui %sign3A_694 : i1 to i32
    %sign3A_696 = arith.subi %sign3A_692, %sign3A_695 : i32
    %ne3A_697 = arith.cmpi ne, %sign3A_689, %sign3A_696 : i32
    %rem3A_698 = arith.remsi %sub3A_680, %jit3A_681 : i32
    %ne3A_699 = arith.constant 0 : i32
    %ne3A_700 = arith.cmpi ne, %rem3A_698, %ne3A_699 : i32
    %and3A_701 = arith.andi %ne3A_697, %ne3A_700 : i1
    %sub3A_702 = arith.constant 1 : i32
    %sub3A_703 = arith.subi %div3A_682, %sub3A_702 : i32
    %select_n3A_704 = arith.select %and3A_701, %sub3A_703, %div3A_682 : i32
    %mul3A_705 = arith.constant 512 : i32
    %mul3A_706 = arith.muli %select_n3A_678, %mul3A_705 : i32
    %add3A_707 = vector.broadcast %mul3A_706 : i32 to vector<1x512xi32>
    %add3A_708 = arith.addi %add3A_707, %iota3A_35 : vector<1x512xi32>
    %ge3A_709 = vector.broadcast %add3A_18 : i32 to vector<1x512xi32>
    %ge3A_710 = arith.cmpi sge, %add3A_708, %ge3A_709 : vector<1x512xi32>
    %lt3A_711 = vector.broadcast %add3A_22 : i32 to vector<1x512xi32>
    %lt3A_712 = arith.cmpi slt, %add3A_708, %lt3A_711 : vector<1x512xi32>
    %and3A_713 = arith.andi %ge3A_710, %lt3A_712 : vector<1x512xi1>
    %mul3A_714 = arith.constant 512 : i32
    %mul3A_715 = arith.muli %select_n3A_678, %mul3A_714 : i32
    %multiple_of3A_716 = tpu.assume_multiple %mul3A_715, 512 : i32
    %get3A_717 = arith.constant 0 : index
    %get3A_718 = arith.index_cast %multiple_of3A_716 : i32 to index
    %get3A_719 = vector.load %arg2[%get3A_717, %get3A_718] : memref<128x16384xf32, #tpu.memory_space<vmem>>, vector<128x512xf32>
    %jit3A_720 = arith.constant 0xFF800000 : f32
    %broadcast_in_dim3A_721 = vector.shape_cast %and3A_713 : vector<1x512xi1> to vector<1x512xi1>
    %broadcast_in_dim3A_722 = vector.broadcast %broadcast_in_dim3A_721 : vector<1x512xi1> to vector<128x512xi1>
    %broadcast_in_dim3A_723 = vector.broadcast %jit3A_720 : f32 to vector<128x512xf32>
    %select_n3A_724 = arith.select %broadcast_in_dim3A_722, %get3A_719, %broadcast_in_dim3A_723 : vector<128x512xi1>, vector<128x512xf32>
    %reduce_max3A_725 = arith.constant dense<0xFF800000> : vector<128xf32>
    %reduce_max3A_726 = vector.multi_reduction <maximumf>, %select_n3A_724, %reduce_max3A_725 [1] : vector<128x512xf32> to vector<128xf32>
    %max3A_727 = arith.maximumf %reduce_max3A_654, %reduce_max3A_726 : vector<128xf32>
    %mul3A_728 = arith.constant 512 : i32
    %mul3A_729 = arith.muli %select_n3A_704, %mul3A_728 : i32
    %add3A_730 = vector.broadcast %mul3A_729 : i32 to vector<1x512xi32>
    %add3A_731 = arith.addi %add3A_730, %iota3A_35 : vector<1x512xi32>
    %ge3A_732 = vector.broadcast %add3A_18 : i32 to vector<1x512xi32>
    %ge3A_733 = arith.cmpi sge, %add3A_731, %ge3A_732 : vector<1x512xi32>
    %lt3A_734 = vector.broadcast %add3A_22 : i32 to vector<1x512xi32>
    %lt3A_735 = arith.cmpi slt, %add3A_731, %lt3A_734 : vector<1x512xi32>
    %and3A_736 = arith.andi %ge3A_733, %lt3A_735 : vector<1x512xi1>
    %mul3A_737 = arith.constant 512 : i32
    %mul3A_738 = arith.muli %select_n3A_704, %mul3A_737 : i32
    %multiple_of3A_739 = tpu.assume_multiple %mul3A_738, 512 : i32
    %get3A_740 = arith.constant 0 : index
    %get3A_741 = arith.index_cast %multiple_of3A_739 : i32 to index
    %get3A_742 = vector.load %arg2[%get3A_740, %get3A_741] : memref<128x16384xf32, #tpu.memory_space<vmem>>, vector<128x512xf32>
    %jit3A_743 = arith.constant 0xFF800000 : f32
    %broadcast_in_dim3A_744 = vector.shape_cast %and3A_736 : vector<1x512xi1> to vector<1x512xi1>
    %broadcast_in_dim3A_745 = vector.broadcast %broadcast_in_dim3A_744 : vector<1x512xi1> to vector<128x512xi1>
    %broadcast_in_dim3A_746 = vector.broadcast %jit3A_743 : f32 to vector<128x512xf32>
    %select_n3A_747 = arith.select %broadcast_in_dim3A_745, %get3A_742, %broadcast_in_dim3A_746 : vector<128x512xi1>, vector<128x512xf32>
    %reduce_max3A_748 = arith.constant dense<0xFF800000> : vector<128xf32>
    %reduce_max3A_749 = vector.multi_reduction <maximumf>, %select_n3A_747, %reduce_max3A_748 [1] : vector<128x512xf32> to vector<128xf32>
    %max3A_750 = arith.maximumf %max3A_727, %reduce_max3A_749 : vector<128xf32>
    %swap3A_751 = arith.constant 5 : index
    %swap3A_752 = arith.constant 0 : index
    %swap3A_753 = vector.load %arg3[%swap3A_751, %swap3A_752] : memref<8x128xf32, #tpu.memory_space<vmem>>, vector<1x128xf32>
    %swap3A_754 = vector.shape_cast %swap3A_753 : vector<1x128xf32> to vector<128xf32>
    %swap3A_755 = vector.shape_cast %max3A_750 : vector<128xf32> to vector<1x128xf32>
    tpu.vector_store %arg3[%swap3A_751, %swap3A_752], %swap3A_755 {strides = array<i32>} : memref<8x128xf32, #tpu.memory_space<vmem>>, vector<1x128xf32>,
    %mul3A_756 = arith.constant 512 : i32
    %mul3A_757 = vector.broadcast %mul3A_756 : i32 to vector<1x32xi32>
    %mul3A_758 = arith.muli %iota3A, %mul3A_757 : vector<1x32xi32>
    %ge3A_759 = vector.broadcast %add3A_22 : i32 to vector<1x32xi32>
    %ge3A_760 = arith.cmpi sge, %mul3A_758, %ge3A_759 : vector<1x32xi32>
    %add3A_761 = arith.constant 1 : i32
    %add3A_762 = vector.broadcast %add3A_761 : i32 to vector<1x32xi32>
    %add3A_763 = arith.addi %iota3A, %add3A_762 : vector<1x32xi32>
    %mul3A_764 = arith.constant 512 : i32
    %mul3A_765 = vector.broadcast %mul3A_764 : i32 to vector<1x32xi32>
    %mul3A_766 = arith.muli %add3A_763, %mul3A_765 : vector<1x32xi32>
    %le3A_767 = vector.broadcast %add3A_26 : i32 to vector<1x32xi32>
    %le3A_768 = arith.cmpi sle, %mul3A_766, %le3A_767 : vector<1x32xi32>
    %and3A_769 = arith.andi %ge3A_760, %le3A_768 : vector<1x32xi1>
    %jit3A_770 = arith.constant 0xFF800000 : f32
    %broadcast_in_dim3A_771 = vector.shape_cast %and3A_769 : vector<1x32xi1> to vector<1x32xi1>
    %broadcast_in_dim3A_772 = vector.broadcast %broadcast_in_dim3A_771 : vector<1x32xi1> to vector<128x32xi1>
    %broadcast_in_dim3A_773 = vector.broadcast %jit3A_770 : f32 to vector<128x32xf32>
    %select_n3A_774 = arith.select %broadcast_in_dim3A_772, %reduce_max3A_34, %broadcast_in_dim3A_773 : vector<128x32xi1>, vector<128x32xf32>
    %reduce_max3A_775 = arith.constant dense<0xFF800000> : vector<128xf32>
    %reduce_max3A_776 = vector.multi_reduction <maximumf>, %select_n3A_774, %reduce_max3A_775 [1] : vector<128x32xf32> to vector<128xf32>
    %jit3A_777 = arith.constant 512 : i32
    %div3A_778 = arith.divsi %add3A_22, %jit3A_777 : i32
    %sign3A_779 = arith.constant 0 : i32
    %sign3A_780 = arith.cmpi sgt, %add3A_22, %sign3A_779 : i32
    %sign3A_781 = arith.extui %sign3A_780 : i1 to i32
    %sign3A_782 = arith.constant 0 : i32
    %sign3A_783 = arith.cmpi slt, %add3A_22, %sign3A_782 : i32
    %sign3A_784 = arith.extui %sign3A_783 : i1 to i32
    %sign3A_785 = arith.subi %sign3A_781, %sign3A_784 : i32
    %sign3A_786 = arith.constant 0 : i32
    %sign3A_787 = arith.cmpi sgt, %jit3A_777, %sign3A_786 : i32
    %sign3A_788 = arith.extui %sign3A_787 : i1 to i32
    %sign3A_789 = arith.constant 0 : i32
    %sign3A_790 = arith.cmpi slt, %jit3A_777, %sign3A_789 : i32
    %sign3A_791 = arith.extui %sign3A_790 : i1 to i32
    %sign3A_792 = arith.subi %sign3A_788, %sign3A_791 : i32
    %ne3A_793 = arith.cmpi ne, %sign3A_785, %sign3A_792 : i32
    %rem3A_794 = arith.remsi %add3A_22, %jit3A_777 : i32
    %ne3A_795 = arith.constant 0 : i32
    %ne3A_796 = arith.cmpi ne, %rem3A_794, %ne3A_795 : i32
    %and3A_797 = arith.andi %ne3A_793, %ne3A_796 : i1
    %sub3A_798 = arith.constant 1 : i32
    %sub3A_799 = arith.subi %div3A_778, %sub3A_798 : i32
    %select_n3A_800 = arith.select %and3A_797, %sub3A_799, %div3A_778 : i32
    %sub3A_801 = arith.constant 1 : i32
    %sub3A_802 = arith.subi %add3A_26, %sub3A_801 : i32
    %jit3A_803 = arith.constant 512 : i32
    %div3A_804 = arith.divsi %sub3A_802, %jit3A_803 : i32
    %sign3A_805 = arith.constant 0 : i32
    %sign3A_806 = arith.cmpi sgt, %sub3A_802, %sign3A_805 : i32
    %sign3A_807 = arith.extui %sign3A_806 : i1 to i32
    %sign3A_808 = arith.constant 0 : i32
    %sign3A_809 = arith.cmpi slt, %sub3A_802, %sign3A_808 : i32
    %sign3A_810 = arith.extui %sign3A_809 : i1 to i32
    %sign3A_811 = arith.subi %sign3A_807, %sign3A_810 : i32
    %sign3A_812 = arith.constant 0 : i32
    %sign3A_813 = arith.cmpi sgt, %jit3A_803, %sign3A_812 : i32
    %sign3A_814 = arith.extui %sign3A_813 : i1 to i32
    %sign3A_815 = arith.constant 0 : i32
    %sign3A_816 = arith.cmpi slt, %jit3A_803, %sign3A_815 : i32
    %sign3A_817 = arith.extui %sign3A_816 : i1 to i32
    %sign3A_818 = arith.subi %sign3A_814, %sign3A_817 : i32
    %ne3A_819 = arith.cmpi ne, %sign3A_811, %sign3A_818 : i32
    %rem3A_820 = arith.remsi %sub3A_802, %jit3A_803 : i32
    %ne3A_821 = arith.constant 0 : i32
    %ne3A_822 = arith.cmpi ne, %rem3A_820, %ne3A_821 : i32
    %and3A_823 = arith.andi %ne3A_819, %ne3A_822 : i1
    %sub3A_824 = arith.constant 1 : i32
    %sub3A_825 = arith.subi %div3A_804, %sub3A_824 : i32
    %select_n3A_826 = arith.select %and3A_823, %sub3A_825, %div3A_804 : i32
    %mul3A_827 = arith.constant 512 : i32
    %mul3A_828 = arith.muli %select_n3A_800, %mul3A_827 : i32
    %add3A_829 = vector.broadcast %mul3A_828 : i32 to vector<1x512xi32>
    %add3A_830 = arith.addi %add3A_829, %iota3A_35 : vector<1x512xi32>
    %ge3A_831 = vector.broadcast %add3A_22 : i32 to vector<1x512xi32>
    %ge3A_832 = arith.cmpi sge, %add3A_830, %ge3A_831 : vector<1x512xi32>
    %lt3A_833 = vector.broadcast %add3A_26 : i32 to vector<1x512xi32>
    %lt3A_834 = arith.cmpi slt, %add3A_830, %lt3A_833 : vector<1x512xi32>
    %and3A_835 = arith.andi %ge3A_832, %lt3A_834 : vector<1x512xi1>
    %mul3A_836 = arith.constant 512 : i32
    %mul3A_837 = arith.muli %select_n3A_800, %mul3A_836 : i32
    %multiple_of3A_838 = tpu.assume_multiple %mul3A_837, 512 : i32
    %get3A_839 = arith.constant 0 : index
    %get3A_840 = arith.index_cast %multiple_of3A_838 : i32 to index
    %get3A_841 = vector.load %arg2[%get3A_839, %get3A_840] : memref<128x16384xf32, #tpu.memory_space<vmem>>, vector<128x512xf32>
    %jit3A_842 = arith.constant 0xFF800000 : f32
    %broadcast_in_dim3A_843 = vector.shape_cast %and3A_835 : vector<1x512xi1> to vector<1x512xi1>
    %broadcast_in_dim3A_844 = vector.broadcast %broadcast_in_dim3A_843 : vector<1x512xi1> to vector<128x512xi1>
    %broadcast_in_dim3A_845 = vector.broadcast %jit3A_842 : f32 to vector<128x512xf32>
    %select_n3A_846 = arith.select %broadcast_in_dim3A_844, %get3A_841, %broadcast_in_dim3A_845 : vector<128x512xi1>, vector<128x512xf32>
    %reduce_max3A_847 = arith.constant dense<0xFF800000> : vector<128xf32>
    %reduce_max3A_848 = vector.multi_reduction <maximumf>, %select_n3A_846, %reduce_max3A_847 [1] : vector<128x512xf32> to vector<128xf32>
    %max3A_849 = arith.maximumf %reduce_max3A_776, %reduce_max3A_848 : vector<128xf32>
    %mul3A_850 = arith.constant 512 : i32
    %mul3A_851 = arith.muli %select_n3A_826, %mul3A_850 : i32
    %add3A_852 = vector.broadcast %mul3A_851 : i32 to vector<1x512xi32>
    %add3A_853 = arith.addi %add3A_852, %iota3A_35 : vector<1x512xi32>
    %ge3A_854 = vector.broadcast %add3A_22 : i32 to vector<1x512xi32>
    %ge3A_855 = arith.cmpi sge, %add3A_853, %ge3A_854 : vector<1x512xi32>
    %lt3A_856 = vector.broadcast %add3A_26 : i32 to vector<1x512xi32>
    %lt3A_857 = arith.cmpi slt, %add3A_853, %lt3A_856 : vector<1x512xi32>
    %and3A_858 = arith.andi %ge3A_855, %lt3A_857 : vector<1x512xi1>
    %mul3A_859 = arith.constant 512 : i32
    %mul3A_860 = arith.muli %select_n3A_826, %mul3A_859 : i32
    %multiple_of3A_861 = tpu.assume_multiple %mul3A_860, 512 : i32
    %get3A_862 = arith.constant 0 : index
    %get3A_863 = arith.index_cast %multiple_of3A_861 : i32 to index
    %get3A_864 = vector.load %arg2[%get3A_862, %get3A_863] : memref<128x16384xf32, #tpu.memory_space<vmem>>, vector<128x512xf32>
    %jit3A_865 = arith.constant 0xFF800000 : f32
    %broadcast_in_dim3A_866 = vector.shape_cast %and3A_858 : vector<1x512xi1> to vector<1x512xi1>
    %broadcast_in_dim3A_867 = vector.broadcast %broadcast_in_dim3A_866 : vector<1x512xi1> to vector<128x512xi1>
    %broadcast_in_dim3A_868 = vector.broadcast %jit3A_865 : f32 to vector<128x512xf32>
    %select_n3A_869 = arith.select %broadcast_in_dim3A_867, %get3A_864, %broadcast_in_dim3A_868 : vector<128x512xi1>, vector<128x512xf32>
    %reduce_max3A_870 = arith.constant dense<0xFF800000> : vector<128xf32>
    %reduce_max3A_871 = vector.multi_reduction <maximumf>, %select_n3A_869, %reduce_max3A_870 [1] : vector<128x512xf32> to vector<128xf32>
    %max3A_872 = arith.maximumf %max3A_849, %reduce_max3A_871 : vector<128xf32>
    %swap3A_873 = arith.constant 6 : index
    %swap3A_874 = arith.constant 0 : index
    %swap3A_875 = vector.load %arg3[%swap3A_873, %swap3A_874] : memref<8x128xf32, #tpu.memory_space<vmem>>, vector<1x128xf32>
    %swap3A_876 = vector.shape_cast %swap3A_875 : vector<1x128xf32> to vector<128xf32>
    %swap3A_877 = vector.shape_cast %max3A_872 : vector<128xf32> to vector<1x128xf32>
    tpu.vector_store %arg3[%swap3A_873, %swap3A_874], %swap3A_877 {strides = array<i32>} : memref<8x128xf32, #tpu.memory_space<vmem>>, vector<1x128xf32>,
    %mul3A_878 = arith.constant 512 : i32
    %mul3A_879 = vector.broadcast %mul3A_878 : i32 to vector<1x32xi32>
    %mul3A_880 = arith.muli %iota3A, %mul3A_879 : vector<1x32xi32>
    %ge3A_881 = vector.broadcast %add3A_26 : i32 to vector<1x32xi32>
    %ge3A_882 = arith.cmpi sge, %mul3A_880, %ge3A_881 : vector<1x32xi32>
    %add3A_883 = arith.constant 1 : i32
    %add3A_884 = vector.broadcast %add3A_883 : i32 to vector<1x32xi32>
    %add3A_885 = arith.addi %iota3A, %add3A_884 : vector<1x32xi32>
    %mul3A_886 = arith.constant 512 : i32
    %mul3A_887 = vector.broadcast %mul3A_886 : i32 to vector<1x32xi32>
    %mul3A_888 = arith.muli %add3A_885, %mul3A_887 : vector<1x32xi32>
    %le3A_889 = vector.broadcast %add3A_30 : i32 to vector<1x32xi32>
    %le3A_890 = arith.cmpi sle, %mul3A_888, %le3A_889 : vector<1x32xi32>
    %and3A_891 = arith.andi %ge3A_882, %le3A_890 : vector<1x32xi1>
    %jit3A_892 = arith.constant 0xFF800000 : f32
    %broadcast_in_dim3A_893 = vector.shape_cast %and3A_891 : vector<1x32xi1> to vector<1x32xi1>
    %broadcast_in_dim3A_894 = vector.broadcast %broadcast_in_dim3A_893 : vector<1x32xi1> to vector<128x32xi1>
    %broadcast_in_dim3A_895 = vector.broadcast %jit3A_892 : f32 to vector<128x32xf32>
    %select_n3A_896 = arith.select %broadcast_in_dim3A_894, %reduce_max3A_34, %broadcast_in_dim3A_895 : vector<128x32xi1>, vector<128x32xf32>
    %reduce_max3A_897 = arith.constant dense<0xFF800000> : vector<128xf32>
    %reduce_max3A_898 = vector.multi_reduction <maximumf>, %select_n3A_896, %reduce_max3A_897 [1] : vector<128x32xf32> to vector<128xf32>
    %jit3A_899 = arith.constant 512 : i32
    %div3A_900 = arith.divsi %add3A_26, %jit3A_899 : i32
    %sign3A_901 = arith.constant 0 : i32
    %sign3A_902 = arith.cmpi sgt, %add3A_26, %sign3A_901 : i32
    %sign3A_903 = arith.extui %sign3A_902 : i1 to i32
    %sign3A_904 = arith.constant 0 : i32
    %sign3A_905 = arith.cmpi slt, %add3A_26, %sign3A_904 : i32
    %sign3A_906 = arith.extui %sign3A_905 : i1 to i32
    %sign3A_907 = arith.subi %sign3A_903, %sign3A_906 : i32
    %sign3A_908 = arith.constant 0 : i32
    %sign3A_909 = arith.cmpi sgt, %jit3A_899, %sign3A_908 : i32
    %sign3A_910 = arith.extui %sign3A_909 : i1 to i32
    %sign3A_911 = arith.constant 0 : i32
    %sign3A_912 = arith.cmpi slt, %jit3A_899, %sign3A_911 : i32
    %sign3A_913 = arith.extui %sign3A_912 : i1 to i32
    %sign3A_914 = arith.subi %sign3A_910, %sign3A_913 : i32
    %ne3A_915 = arith.cmpi ne, %sign3A_907, %sign3A_914 : i32
    %rem3A_916 = arith.remsi %add3A_26, %jit3A_899 : i32
    %ne3A_917 = arith.constant 0 : i32
    %ne3A_918 = arith.cmpi ne, %rem3A_916, %ne3A_917 : i32
    %and3A_919 = arith.andi %ne3A_915, %ne3A_918 : i1
    %sub3A_920 = arith.constant 1 : i32
    %sub3A_921 = arith.subi %div3A_900, %sub3A_920 : i32
    %select_n3A_922 = arith.select %and3A_919, %sub3A_921, %div3A_900 : i32
    %sub3A_923 = arith.constant 1 : i32
    %sub3A_924 = arith.subi %add3A_30, %sub3A_923 : i32
    %jit3A_925 = arith.constant 512 : i32
    %div3A_926 = arith.divsi %sub3A_924, %jit3A_925 : i32
    %sign3A_927 = arith.constant 0 : i32
    %sign3A_928 = arith.cmpi sgt, %sub3A_924, %sign3A_927 : i32
    %sign3A_929 = arith.extui %sign3A_928 : i1 to i32
    %sign3A_930 = arith.constant 0 : i32
    %sign3A_931 = arith.cmpi slt, %sub3A_924, %sign3A_930 : i32
    %sign3A_932 = arith.extui %sign3A_931 : i1 to i32
    %sign3A_933 = arith.subi %sign3A_929, %sign3A_932 : i32
    %sign3A_934 = arith.constant 0 : i32
    %sign3A_935 = arith.cmpi sgt, %jit3A_925, %sign3A_934 : i32
    %sign3A_936 = arith.extui %sign3A_935 : i1 to i32
    %sign3A_937 = arith.constant 0 : i32
    %sign3A_938 = arith.cmpi slt, %jit3A_925, %sign3A_937 : i32
    %sign3A_939 = arith.extui %sign3A_938 : i1 to i32
    %sign3A_940 = arith.subi %sign3A_936, %sign3A_939 : i32
    %ne3A_941 = arith.cmpi ne, %sign3A_933, %sign3A_940 : i32
    %rem3A_942 = arith.remsi %sub3A_924, %jit3A_925 : i32
    %ne3A_943 = arith.constant 0 : i32
    %ne3A_944 = arith.cmpi ne, %rem3A_942, %ne3A_943 : i32
    %and3A_945 = arith.andi %ne3A_941, %ne3A_944 : i1
    %sub3A_946 = arith.constant 1 : i32
    %sub3A_947 = arith.subi %div3A_926, %sub3A_946 : i32
    %select_n3A_948 = arith.select %and3A_945, %sub3A_947, %div3A_926 : i32
    %mul3A_949 = arith.constant 512 : i32
    %mul3A_950 = arith.muli %select_n3A_922, %mul3A_949 : i32
    %add3A_951 = vector.broadcast %mul3A_950 : i32 to vector<1x512xi32>
    %add3A_952 = arith.addi %add3A_951, %iota3A_35 : vector<1x512xi32>
    %ge3A_953 = vector.broadcast %add3A_26 : i32 to vector<1x512xi32>
    %ge3A_954 = arith.cmpi sge, %add3A_952, %ge3A_953 : vector<1x512xi32>
    %lt3A_955 = vector.broadcast %add3A_30 : i32 to vector<1x512xi32>
    %lt3A_956 = arith.cmpi slt, %add3A_952, %lt3A_955 : vector<1x512xi32>
    %and3A_957 = arith.andi %ge3A_954, %lt3A_956 : vector<1x512xi1>
    %mul3A_958 = arith.constant 512 : i32
    %mul3A_959 = arith.muli %select_n3A_922, %mul3A_958 : i32
    %multiple_of3A_960 = tpu.assume_multiple %mul3A_959, 512 : i32
    %get3A_961 = arith.constant 0 : index
    %get3A_962 = arith.index_cast %multiple_of3A_960 : i32 to index
    %get3A_963 = vector.load %arg2[%get3A_961, %get3A_962] : memref<128x16384xf32, #tpu.memory_space<vmem>>, vector<128x512xf32>
    %jit3A_964 = arith.constant 0xFF800000 : f32
    %broadcast_in_dim3A_965 = vector.shape_cast %and3A_957 : vector<1x512xi1> to vector<1x512xi1>
    %broadcast_in_dim3A_966 = vector.broadcast %broadcast_in_dim3A_965 : vector<1x512xi1> to vector<128x512xi1>
    %broadcast_in_dim3A_967 = vector.broadcast %jit3A_964 : f32 to vector<128x512xf32>
    %select_n3A_968 = arith.select %broadcast_in_dim3A_966, %get3A_963, %broadcast_in_dim3A_967 : vector<128x512xi1>, vector<128x512xf32>
    %reduce_max3A_969 = arith.constant dense<0xFF800000> : vector<128xf32>
    %reduce_max3A_970 = vector.multi_reduction <maximumf>, %select_n3A_968, %reduce_max3A_969 [1] : vector<128x512xf32> to vector<128xf32>
    %max3A_971 = arith.maximumf %reduce_max3A_898, %reduce_max3A_970 : vector<128xf32>
    %mul3A_972 = arith.constant 512 : i32
    %mul3A_973 = arith.muli %select_n3A_948, %mul3A_972 : i32
    %add3A_974 = vector.broadcast %mul3A_973 : i32 to vector<1x512xi32>
    %add3A_975 = arith.addi %add3A_974, %iota3A_35 : vector<1x512xi32>
    %ge3A_976 = vector.broadcast %add3A_26 : i32 to vector<1x512xi32>
    %ge3A_977 = arith.cmpi sge, %add3A_975, %ge3A_976 : vector<1x512xi32>
    %lt3A_978 = vector.broadcast %add3A_30 : i32 to vector<1x512xi32>
    %lt3A_979 = arith.cmpi slt, %add3A_975, %lt3A_978 : vector<1x512xi32>
    %and3A_980 = arith.andi %ge3A_977, %lt3A_979 : vector<1x512xi1>
    %mul3A_981 = arith.constant 512 : i32
    %mul3A_982 = arith.muli %select_n3A_948, %mul3A_981 : i32
    %multiple_of3A_983 = tpu.assume_multiple %mul3A_982, 512 : i32
    %get3A_984 = arith.constant 0 : index
    %get3A_985 = arith.index_cast %multiple_of3A_983 : i32 to index
    %get3A_986 = vector.load %arg2[%get3A_984, %get3A_985] : memref<128x16384xf32, #tpu.memory_space<vmem>>, vector<128x512xf32>
    %jit3A_987 = arith.constant 0xFF800000 : f32
    %broadcast_in_dim3A_988 = vector.shape_cast %and3A_980 : vector<1x512xi1> to vector<1x512xi1>
    %broadcast_in_dim3A_989 = vector.broadcast %broadcast_in_dim3A_988 : vector<1x512xi1> to vector<128x512xi1>
    %broadcast_in_dim3A_990 = vector.broadcast %jit3A_987 : f32 to vector<128x512xf32>
    %select_n3A_991 = arith.select %broadcast_in_dim3A_989, %get3A_986, %broadcast_in_dim3A_990 : vector<128x512xi1>, vector<128x512xf32>
    %reduce_max3A_992 = arith.constant dense<0xFF800000> : vector<128xf32>
    %reduce_max3A_993 = vector.multi_reduction <maximumf>, %select_n3A_991, %reduce_max3A_992 [1] : vector<128x512xf32> to vector<128xf32>
    %max3A_994 = arith.maximumf %max3A_971, %reduce_max3A_993 : vector<128xf32>
    %swap3A_995 = arith.constant 7 : index
    %swap3A_996 = arith.constant 0 : index
    %swap3A_997 = vector.load %arg3[%swap3A_995, %swap3A_996] : memref<8x128xf32, #tpu.memory_space<vmem>>, vector<1x128xf32>
    %swap3A_998 = vector.shape_cast %swap3A_997 : vector<1x128xf32> to vector<128xf32>
    %swap3A_999 = vector.shape_cast %max3A_994 : vector<128xf32> to vector<1x128xf32>
    tpu.vector_store %arg3[%swap3A_995, %swap3A_996], %swap3A_999 {strides = array<i32>} : memref<8x128xf32, #tpu.memory_space<vmem>>, vector<1x128xf32>,
    return
  }
  func.func @transform_0(%arg0: i32) -> (i32, i32) {
    %c0_i32 = arith.constant 0 : i32
    %c0_i32_0 = arith.constant 0 : i32
    %c0_i32_1 = arith.constant 0 : i32
    return %c0_i32, %c0_i32_0 : i32, i32
  }
  func.func @transform_1(%arg0: i32) -> (i32, i32) {
    %add3A = arith.constant 3 : i32
    %add3A_0 = arith.addi %add3A, %arg0 : i32
    %c0_i32 = arith.constant 0 : i32
    %c0_i32_1 = arith.constant 0 : i32
    return %add3A_0, %c0_i32 : i32, i32
  }
  func.func @transform_2(%arg0: i32) -> (i32, i32) {
    %c0_i32 = arith.constant 0 : i32
    %c0_i32_0 = arith.constant 0 : i32
    return %c0_i32, %arg0 : i32, i32
  }
}

</mosaic_0001>

<sc_bundles>
// kernel: _segmax.4.cloned.1.call-start
scs
__scs_entry_jumppad:
0x0: {  	(pc) =	sbr.rel $0x88, $3  }
0x1: {  	(tag) =	ssettag $0x0;
	lr =	simm.s32 $0x1  }
0x2: {  	[smem:$0x3F9F] =	sst lr;
	_ =	strace $0xD0000000  }
0x3: {  	_ = 	snop  }
0x4: {  	_ = 	snop  }
0x5: {  	_ = 	snop  }
0x6: {  	_ = 	snop  }
0x7: {  	_ = 	snop  }
__scs_overlays_trampoline_lowered:
0x8: {  	[smem:$0x3FAE] =	sst s0  }
0x9: {  	[smem:$0x3FAF] =	sst s1  }
0xa: {  	[smem:$0x3FB0] =	sst s2  }
0xb: {  	[smem:$0x3FB1] =	sst s3  }
0xc: {  	[smem:$0x3FB2] =	sst s4  }
0xd: {  	[smem:$0x3FB3] =	sst s5  }
0xe: {  	[smem:$0x3FB4] =	sst s6  }
0xf: {  	[smem:$0x3FB5] =	sst s7  }
0x10: {  	[smem:$0x3FB6] =	sst s8  }
0x11: {  	[smem:$0x3FB7] =	sst s9;
	s0 =	simm.s32 @!p0 $0x0  }
0x12: {  	s1 =	sld [smem:$0x3F9D];
	s0 =	simm.s32 @p0 $0x1  }
0x13: {  	[smem:$0x3FB8] =	sst s0;
	s0 =	simm.s32 @!p1 $0x0  }
0x14: {  	s2 =	sld [smem:$0x3F9C];
	s0 =	simm.s32 @p1 $0x1  }
0x15: {  	[smem:$0x3FB9] =	sst s0;
	s0 =	simm.s32 @!p2 $0x0  }
0x16: {  	s3 =	sld [smem:$0x3FDB];
	s0 =	simm.s32 @p2 $0x1  }
0x17: {  	s4 =	simm.s32 $0x1BF5;
	[smem:$0x3FBB] =	sst s0  }
0x18: {  	s0 =	sld [smem:$0x3F9E];
	_ =	swait.ge [sflag:s4], $0x0  }
0x19: {  	s7 =	sld [smem:$0x3F9F]  }
0x1a: {  	s8 =	sadd.s32 $0xFFFFE003, lr  }
0x1b: {  	s9 =	sadd.s32 $0xFFFFFEF7, lr;
	s5 =	simm.s32 $0xFFFFFFFF;
	p2 =	slt.u32 s8, $0xFFFFF086  }
0x1c: {  	p1 =	slt.u32 s9, $0xF7A;
	s5 =	simm.s32 @!p2 $0x0  }
0x1d: {  	s5 =	simm.s32 @p1 $0x1;
	p0 =	seq.s32 s7, s2  }
0x1e: {  	s7 =	smul.u32 @!p0 $0xF7A, s2;
	p2 =	seq.s32 @!p0 s5, $0x0  }
0x1f: {  	s9 =	smul.u32 $0xF7A, s1;
	s8 =	simm.s32 @!p0 $0x1BF5;
	p2 =	por !p2, p0  }
0x20: {  	[sflag:s8] =	ssyncset.s32 @!p0 $0xFFFFF086;
	s6 =	sadd.s32 @!p0 s3, s7;
	s7 =	simm.s32 @!p0 $0x108  }
0x21: {  	s3 =	sadd.s32 s3, s9;
	s6 =	sadd.s32 @!p0 $0x88, s6;
	s7 =	simm.s32 @p2 $0x1082  }
0x22: {  	[simem:s7], [sflag:s8] =	dma.local @!p0 [hbm:s6], $0xF7A  }
0x23: {  	s9 =	sor.u32 $0xD0000000, s2;
	s6 =	simm.s32 $0x108;
	_ =	swait.ge @!p0 [sflag:s8], $0x0  }
0x24: {  	s3 =	sadd.s32 $0x88, s3;
	s6 =	simm.s32 @!p1 $0x1082;
	[sflag:s4] =	ssyncset.s32 $0xFFFFF086  }
0x25: {  	[simem:s6], [sflag:s4] =	dma.local [hbm:s3], $0xF7A  }
0x26: {  	[smem:$0x3F9F] =	sst s1;
	(tag) =	ssettag s2;
	_ =	strace s9  }
0x27: {  	s1 =	sld [smem:$0x3FAF]  }
0x28: {  	s2 =	sld [smem:$0x3FB0]  }
0x29: {  	s4 =	sld [smem:$0x3FB2]  }
0x2a: {  	p0 =	seq.s32 s5, $0x0;
	s5 =	sld [smem:$0x3FB3]  }
0x2b: {  	s6 =	sld [smem:$0x3FB4]  }
0x2c: {  	s7 =	sld [smem:$0x3FB5]  }
0x2d: {  	s3 =	simm.s32 $0x108;
	s8 =	sld [smem:$0x3FB6]  }
0x2e: {  	s3 =	simm.s32 @!p0 $0x1082;
	s9 =	sld [smem:$0x3FB7]  }
0x2f: {  	lr =	sadd.s32 s0, s3;
	s0 =	sld [smem:$0x3FAE]  }
0x30: {  	s3 =	sld [smem:$0x3FB1]  }
0x31: {  	[smem:$0x3FBA] =	sst s10  }
0x32: {  	s10 =	sld [smem:$0x3FB8];
	_ =	sdelay $0x3  }
0x33: {  	p0 =	seq.s32 s10, $0x1;
	s10 =	sld [smem:$0x3FBA];
	_ =	sdelay $0x3  }
0x34: {  	[smem:$0x3FBA] =	sst s10  }
0x35: {  	s10 =	sld [smem:$0x3FB9];
	_ =	sdelay $0x3  }
0x36: {  	p1 =	seq.s32 s10, $0x1;
	s10 =	sld [smem:$0x3FBA];
	_ =	sdelay $0x3  }
0x37: {  	[smem:$0x3FBA] =	sst s10  }
0x38: {  	s10 =	sld [smem:$0x3FBB]  }
0x39: {  	_ = 	snop;
	(pc) =	sbr.ind lr, $3  }
0x3a: {  	_ = 	snop  }
0x3b: {  	_ = 	snop  }
0x3c: {  	p2 =	seq.s32 s10, $0x1;
	s10 =	sld [smem:$0x3FBA]  }
0x3d: {  	_ =	shalt  }
0x3e: {  	_ =	shalt  }
0x3f: {  	_ =	shalt  }
0x40: {  	_ =	shalt  }
0x41: {  	_ =	shalt  }
0x42: {  	_ =	shalt  }
0x43: {  	_ =	shalt  }
0x44: {  	_ =	shalt  }
0x45: {  	_ =	shalt  }
0x46: {  	_ =	shalt  }
0x47: {  	_ =	shalt  }
0x48: {  	_ =	shalt  }
0x49: {  	_ =	shalt  }
0x4a: {  	_ =	shalt  }
0x4b: {  	_ =	shalt  }
0x4c: {  	_ =	shalt  }
0x4d: {  	_ =	shalt  }
0x4e: {  	_ =	shalt  }
0x4f: {  	_ =	shalt  }
0x50: {  	_ =	shalt  }
0x51: {  	_ =	shalt  }
0x52: {  	_ =	shalt  }
0x53: {  	_ =	shalt  }
0x54: {  	_ =	shalt  }
0x55: {  	_ =	shalt  }
0x56: {  	_ =	shalt  }
0x57: {  	_ =	shalt  }
0x58: {  	_ =	shalt  }
0x59: {  	_ =	shalt  }
0x5a: {  	_ =	shalt  }
0x5b: {  	_ =	shalt  }
0x5c: {  	_ =	shalt  }
0x5d: {  	_ =	shalt  }
0x5e: {  	_ =	shalt  }
0x5f: {  	_ =	shalt  }
0x60: {  	_ =	shalt  }
0x61: {  	_ =	shalt  }
0x62: {  	_ =	shalt  }
0x63: {  	_ =	shalt  }
0x64: {  	_ =	shalt  }
0x65: {  	_ =	shalt  }
0x66: {  	_ =	shalt  }
0x67: {  	_ =	shalt  }
0x68: {  	_ =	shalt  }
0x69: {  	_ =	shalt  }
0x6a: {  	_ =	shalt  }
0x6b: {  	_ =	shalt  }
0x6c: {  	_ =	shalt  }
0x6d: {  	_ =	shalt  }
0x6e: {  	_ =	shalt  }
0x6f: {  	_ =	shalt  }
0x70: {  	_ =	shalt  }
0x71: {  	_ =	shalt  }
0x72: {  	_ =	shalt  }
0x73: {  	_ =	shalt  }
0x74: {  	_ =	shalt  }
0x75: {  	_ =	shalt  }
0x76: {  	_ =	shalt  }
0x77: {  	_ =	shalt  }
0x78: {  	_ =	shalt  }
0x79: {  	_ =	shalt  }
0x7a: {  	_ =	shalt  }
0x7b: {  	_ =	shalt  }
0x7c: {  	_ =	shalt  }
0x7d: {  	_ =	shalt  }
0x7e: {  	_ =	shalt  }
0x7f: {  	_ =	shalt  }
0x80: {  	_ =	shalt  }
0x81: {  	_ =	shalt  }
0x82: {  	_ =	shalt  }
0x83: {  	_ =	shalt  }
0x84: {  	_ =	shalt  }
0x85: {  	_ =	shalt  }
0x86: {  	_ =	shalt  }
0x87: {  	_ =	shalt  }
.Lfunc_end0:
.L_simem_size_0:
called_computation_lowered:
.L_overlay_start_0:
0x88: {  	s2 =	sld [smem:$0x3FD9]  }
0x89: {  	s3 =	sld [smem:$0x3FFE];
	_ =	sdelay $0x1  }
0x8a: {  	s1 =	srdreg.scid  }
0x8b: {  	s0 =	sand.u32 $0x1, s1  }
0x8c: {  	s17 =	sshll.u32 s0, $0xA;
	s2 =	sadd.s32 s3, s2  }
0x8d: {  	s2 =	sadd.s32 s2, s17  }
0x8e: {  	[smem:$0x3FC6] =	sst s2  }
0x8f: {  	_ = 	snop  }
0x90: {  	s2 =	sld [smem:$0x3FC9]  }
0x91: {  	s18 =	sld [smem:$0x3FC8];
	(tm) =	ssettm $0x1  }
0x92: {  	s4 =	sld [smem:$0x3FFB];
	_ =	sdelay $0x3  }
0x93: {  	_ =	strace s4  }
0x94: {  	s4 =	sld [smem:$0x3FFC];
	_ =	sdelay $0x3  }
0x95: {  	_ =	strace s4  }
0x96: {  	s4 =	sld [smem:$0x3FFD];
	_ =	sdelay $0x3  }
0x97: {  	_ =	strace s4  }
0x98: {  	_ =	strace $0x8FFFFFFF  }
0x99: {  	s19 =	sld [smem:$0x3FDB];
	_ =	sdelay $0x1  }
0x9a: {  	s5 =	simm.s32 $_scs_section_size  }
0x9b: {  	s6 =	simm.s32 $_size__tile_overlayer_lowered;
	s7 =	simm.s32 $_tile_overlayer_lowered  }
0x9c: {  	s22 =	simm.s32 $0x1BFF;
	s21 =	sshll.u32 s7, $0x1;
	s4 =	sadd.s32 s5, s19  }
0x9d: {  	s8 =	simm.s32 $0x0;
	s20 =	sshll.u32 s6, $0x1;
	s6 =	sadd.s32 s21, s4  }
0x9e: {  	[timem:s8], [sflag:s22] =	dma.local [hbm:s6], s20  }
0x9f: {  	_ =	swait.ge [sflag:s22], s20  }
0xa0: {  	s5 =	ssub.s32 $0x0, s20;
	[sflag:s22] =	ssyncset.done $0x0  }
0xa1: {  	[sflag:s22] =	ssyncadd.s32 s5;
	_ =	sdelay $0x1  }
0xa2: {  	s23 =	simm.s32 $0x1B8B  }
0xa3: {  	_ =	swait.ge [sflag:s23], $0x1  }
0xa4: {  	[sflag:s23] =	ssyncset.done $0x0  }
0xa5: {  	s25 =	simm.s32 $0x1B8E;
	s24 =	sld [smem:$0x3FFE];
	[sflag:s23] =	ssyncadd.s32 $0xFFFFFFFF  }
0xa6: {  	s26 =	simm.s32 $execute0_lowered;
	[smem:$0x3FD2] =	sst s25  }
0xa7: {  	s6 =	sshll.u32 s26, $0x1;
	_ =	strace $0x80000046;
	[dreg:$0x1] =	wrdreg $0xFFFFFFFF  }
0xa8: {  	s28 =	simm.s32 $_size_execute0_lowered;
	s4 =	sadd.s32 s4, s6;
	[dreg:$0x0] =	wrdreg $0x0  }
0xa9: {  	s6 =	sshll.u32 s28, $0x1;
	[dreg:$0x2] =	wrdreg s4  }
0xaa: {  	[dreg:$0x3] =	wrdreg s6  }
0xab: {  	[dreg:$0x4] =	wrdreg $0xC0  }
0xac: {  	_ =	task [dreg:s8], $0x5FFFF  }
0xad: {  	[dreg:$0x1] =	wrdreg $0xFFFFFFFF  }
0xae: {  	[dreg:$0x0] =	wrdreg $0x60  }
0xaf: {  	[dreg:$0x2] =	wrdreg s2  }
0xb0: {  	[dreg:$0x3] =	wrdreg s18  }
0xb1: {  	[dreg:$0x4] =	wrdreg s24  }
0xb2: {  	[dreg:$0x5] =	wrdreg $0x9  }
0xb3: {  	_ =	task.clear_ibuf [dreg:s8], $0x6FFFF;
	_ =	strace $0x90000046  }
0xb4: {  	s29 =	simm.s32 $0x9;
	_ =	strace $0x80000048  }
0xb5: {  	_ =	swait.ge [sflag:s29], $0x1  }
0xb6: {  	[sflag:s29] =	ssyncadd.s32 $0xFFFFFFFF  }
0xb7: {  	_ =	strace $0x90000048  }
0xb8: {  	_ =	sfence  }
0xb9: {  	s30 =	sld [smem:$0x0];
	_ =	sdelay $0x2  }
0xba: {  	s31 =	sshll.u32 s1, $0xD;
	s1 =	sshrl.u32 s1, $0x2  }
0xbb: {  	s3 =	sand.u32 $0x4000, s31;
	s1 =	sadd.s32 s1, s30  }
0xbc: {  	s0 =	sor.u32 s3, s0;
	s1 =	sshll.u32 s1, $0x11  }
0xbd: {  	s0 =	sor.u32 s1, s0  }
0xbe: {  	s0 =	sadd.s32 $0x8F2B, s0  }
0xbf: {  	[sflag:s0] =	ssyncadd.remote.s32 $0x1  }
0xc0: {  	_ =	sfence.sel $0xFFFF  }
0xc1: {  	[dreg:$0x0] =	wrdreg $0xFFFFFFFF;
	(pc) =	sbr.abs _section_cstart, $3  }
0xc2: {  	[dreg:$0x1] =	wrdreg $0xFFFFFFFF  }
0xc3: {  	_ =	task.clear_ibuf [dreg:s8], $0x2FFFF;
	_ =	strace $0x9FFFFFFF  }
0xc4: {  	(tm) =	ssettm $0x7FFFFFFF  }
0xc5: {  	_ =	shalt  }
tec
execute0_lowered:
.L_overlay_start_1:
0x0: {  	(tag) =	ssettag $0x1  }
0x1: {  	s1 =	rddreg [dreg:$0x0]  }
0x2: {  	v0 =	vimm.s32 $0xFEDCBA98;
	s0 =	rddreg [dreg:$0x2];
	v1 =	vimm.s32 $0x76543210;
	s8 =	simm.s32 $0x0;
	s2 =	srdreg.scid  }
0x3: {  	v2 =	vimm.s32 $0xBA98FEDC;
	s9 =	stileid.u32;
	v3 =	vimm.s32 $0x32107654;
	s11 =	simm.s32 $0x80;
	[smem:$0x7FF] =	sst s8  }
0x4: {  	v4 =	vimm.s32 $0xDCFE98BA;
	v5 =	vimm.s32 $0x54761032;
	s2 =	sand.u32 $0x1, s2;
	s4 =	sshll.u32 s9, $0x7;
	s6 =	smul.u32 $0x30000, s9  }
0x5: {  	v6 =	vimm.s32 $0xEFCDAB89;
	v7 =	vimm.s32 $0x67452301;
	s7 =	smul.u32 $0xC, s9;
	s25 =	sshll.u32 s9, $0x9;
	s29 =	sshll.u32 s9, $0x2  }
0x6: {  	vm0 =	vmmov $0x1;
	v0 =	vunpack.c.l.s4.s8 v0;
	v1 =	vunpack.c.l.s4.s8 v1;
	_ =	strace $0x80000047;
	s3 =	smul.u32 $0x300000, s2;
	s5 =	sshll.u32 s2, $0xB  }
0x7: {  	v2 =	vunpack.c.l.s4.s8 v2;
	v3 =	vunpack.c.l.s4.s8 v3;
	v4 =	vunpack.c.l.s4.s8 v4;
	s23 =	ssub.s32 $0x2, s2;
	s2 =	smul.u32 $0xC0, s2;
	s31 =	sor.u32 $0x1, s29  }
0x8: {  	v5 =	vunpack.c.l.s4.s8 v5;
	v6 =	vunpack.c.l.s4.s8 v6;
	v7 =	vunpack.c.l.s4.s8 v7;
	s4 =	sor.u32 s4, s5;
	s24 =	sshrl.u32 s23, $0x1;
	[dreg:$0x8] =	wrdreg s31  }
0x9: {  	v0 =	vunpack.c.0.s8.s32 v0;
	v1 =	vunpack.c.0.s8.s32 v1;
	v2 =	vunpack.c.0.s8.s32 v2;
	s0 =	sadd.s32 s4, s0;
	s4 =	ssub.s32 s23, s24;
	s28 =	sadd.s32 s6, s3  }
.Ltmp0:
0xa: {  	v3 =	vunpack.c.0.s8.s32 v3;
	v4 =	vunpack.c.0.s8.s32 v4;
	v5 =	vunpack.c.0.s8.s32 v5;
	s2 =	sadd.s32 s7, s2;
	s0 =	sadd.s32 $0x600, s0;
	(pc) =	sbr.rel .LBB2_1-.Ltmp0, $4  }
0xb: {  	v6 =	vunpack.c.0.s8.s32 v6;
	v7 =	vunpack.c.0.s8.s32 v7;
	v0 =	vand.u32 $0xF, v0;
	s26 =	smax.u32 s4, $0x1;
	s2 =	sshll.u32 s2, $0xE;
	[dreg:$0x4] =	wrdreg s0  }
0xc: {  	v0 =	vcombine.low v0, v1;
	[dreg:$0x5] =	wrdreg s26;
	v1 =	vcombine.low v3, v2;
	s0 =	sor.u32 s25, s28;
	s30 =	sor.u32 $0x4000, s2;
	v3 =	vimm.s32 $0x0  }
0xd: {  	s12 =	simm.s32 $0x400;
	s0 =	sand.u32 $0x7E0200, s0;
	[dreg:$0x7] =	wrdreg s30;
	v3 =	vsel vm0, $0xFFFFFFFF, v3  }
0xe: {  	v16 =	vlaneseq.u32;
	s3 =	simm.s32 $0x0;
	v2 =	vcombine.low v5, v4;
	v4 =	vcombine.low v7, v6;
	s2 =	simm.s32 $0x3;
	[dreg:$0x6] =	wrdreg s0;
	[tilespmem:$0x1FFF0] =	vst v3  }
.LBB2_100:
0xf: {  	v16 =	vlaneseq.u32  }
0x10: {  	v3 =	vmul.u32 $0x10, v16;
	_ =	sdelay $0x4  }
0x11: {  	s0 =	simm.s32 $0x8180  }
0x12: {  	v5 =	vld.idx.msk [tilespmem:v3+s0+$0x0], $0xffff  }
0x13: {  	v6 =	vor.u32 $0x1, v3;
	_ =	sdelay $0x3  }
0x14: {  	[tilespmem:$0x8280] =	vst v5  }
0x15: {  	v5 =	vld.idx.msk [tilespmem:v6+s0+$0x0], $0xffff  }
0x16: {  	v6 =	vor.u32 $0x2, v3;
	_ =	sdelay $0x3  }
0x17: {  	[tilespmem:$0x8300] =	vst v5  }
0x18: {  	v5 =	vld.idx.msk [tilespmem:v6+s0+$0x0], $0xffff  }
0x19: {  	v6 =	vor.u32 $0x3, v3;
	_ =	sdelay $0x3  }
0x1a: {  	[tilespmem:$0x8380] =	vst v5  }
0x1b: {  	v5 =	vld.idx.msk [tilespmem:v6+s0+$0x0], $0xffff  }
0x1c: {  	v6 =	vor.u32 $0x4, v3;
	_ =	sdelay $0x3  }
0x1d: {  	[tilespmem:$0x8400] =	vst v5  }
0x1e: {  	v5 =	vld.idx.msk [tilespmem:v6+s0+$0x0], $0xffff  }
0x1f: {  	v6 =	vor.u32 $0x5, v3;
	_ =	sdelay $0x3  }
0x20: {  	[tilespmem:$0x8480] =	vst v5  }
0x21: {  	v5 =	vld.idx.msk [tilespmem:v6+s0+$0x0], $0xffff  }
0x22: {  	v6 =	vor.u32 $0x6, v3;
	_ =	sdelay $0x3  }
0x23: {  	[tilespmem:$0x8500] =	vst v5  }
0x24: {  	v5 =	vld.idx.msk [tilespmem:v6+s0+$0x0], $0xffff  }
0x25: {  	v3 =	vor.u32 $0x7, v3;
	_ =	sdelay $0x3  }
0x26: {  	[tilespmem:$0x8580] =	vst v5  }
0x27: {  	v3 =	vld.idx.msk [tilespmem:v3+s0+$0x0], $0xffff;
	_ =	sdelay $0x4  }
0x28: {  	s8 =	simm.s32 $0x0;
	s30 =	rddreg [dreg:$0x4];
	s2 =	simm.s32 $0x8280;
	[tilespmem:$0x8600] =	vst v3  }
0x29: {  	[hbm4b:s30+s8] =	stream.linear.scatter [tilespmem:s2], [sflag:$0x3], $0x400, $0x38;
	[tilespmem:$0x8680] =	vst v63  }
0x2a: {  	s2 =	simm.s32 $0x3  }
0x2b: {  	_ =	swait.ge [sflag:s2], $0x400  }
0x2c: {  	s3 =	rddreg [dreg:$0x9]  }
0x2d: {  	s31 =	rddreg [dreg:$0x5];
	s3 =	sadd.s32 $0x1, s3  }
0x2e: {  	p0 =	sne.s32 s3, s31  }
.Ltmp1:
0x2f: {  	_ = 	snop;
	(pc) =	sbr.rel @!p0 .LBB2_101-.Ltmp1, $3  }
0x30: {  	_ =	sdelay $0x1  }
0x31: {  	[sflag:s2] =	ssyncset.done $0x0  }
0x32: {  	[sflag:s2] =	ssyncadd.s32 $0xFFFFFC00  }
.LBB2_1:
0x33: {  	[dreg:$0x9] =	wrdreg s3  }
0x34: {  	s0 =	rddreg [dreg:$0x1]  }
0x35: {  	[tilespmem:s8], [sflag:$0x3] =	stream.linear.gather [hbm4b:s0+s8], $0x8, $0x38;
	[tilespmem:$0x8680] =	vst v63  }
0x36: {  	_ =	swait.ge [sflag:s2], $0x8  }
0x37: {  	[sflag:s2] =	ssyncset.done $0x0  }
0x38: {  	[sflag:s2] =	ssyncadd.s32 $0xFFFFFFF8  }
0x39: {  	v9 =	vld [tilespmem:$0x0];
	_ =	sdelay $0x4  }
0x3a: {  	(v2sf) =	vpush v9, $0x0  }
0x3b: {  	(v2sf) =	vpush v9, $0x1  }
0x3c: {  	(v2sf) =	vpush v9, $0x2  }
0x3d: {  	(v2sf) =	vpush v9, $0x3  }
0x3e: {  	(v2sf) =	vpush v9, $0x4  }
0x3f: {  	(v2sf) =	vpush v9, $0x5  }
0x40: {  	(v2sf) =	vpush v9, $0x6  }
0x41: {  	(v2sf) =	vpush v9, $0x7;
	_ =	sdelay $0x7  }
0x42: {  	s0 =	spop (v2sf)  }
0x43: {  	s19 =	spop (v2sf)  }
0x44: {  	s20 =	spop (v2sf);
	s31 =	sadd.s32 s19, s0  }
0x45: {  	s21 =	spop (v2sf);
	s28 =	sadd.s32 s20, s31  }
0x46: {  	s22 =	spop (v2sf);
	s23 =	sadd.s32 s21, s28  }
0x47: {  	s24 =	spop (v2sf);
	s14 =	sadd.s32 s22, s23  }
0x48: {  	s25 =	spop (v2sf);
	s13 =	sadd.s32 s24, s14  }
0x49: {  	s9 =	sadd.s32 s25, s13;
	s26 =	spop (v2sf)  }
0x4a: {  	s7 =	sadd.s32 s26, s9  }
0x4b: {  	s2 =	sadd.s32 $0x3FF, s7  }
0x4c: {  	s29 =	sand.u32 $0x3FF, s2  }
0x4d: {  	s30 =	sshra.s32 s2, $0x1F;
	p1 =	slt.s32 s2, $0x1;
	p0 =	sne.s32 s29, $0x0  }
0x4e: {  	s3 =	sshrl.u32 s30, $0x16;
	p0 =	por !p1, !p0  }
0x4f: {  	s2 =	sadd.s32 s3, s2;
	s3 =	simm.s32 $0x1;
	p0 =	por !p0, !p0  }
0x50: {  	s2 =	sshra.s32 s2, $0xA;
	s3 =	simm.s32 @!p0 $0x0  }
0x51: {  	s6 =	ssub.s32 s2, s3  }
0x52: {  	p0 =	sgt.s32 s6, $0x0  }
.Ltmp2:
0x53: {  	_ = 	snop;
	(pc) =	sbr.rel @!p0 .LBB2_2-.Ltmp2, $4  }
0x54: {  	_ = 	snop  }
0x55: {  	s2 =	simm.s32 @!p0 $0x0  }
0x56: {  	s2 =	simm.s32 @p0 $0x1  }
0x57: {  	[smem:$0x7FD] =	sst s2  }
0x58: {  	p0 =	seq.s32 s6, $0x1  }
.Ltmp3:
0x59: {  	s3 =	rddreg [dreg:$0x6];
	(pc) =	sbr.rel @p0 .LBB2_2-.Ltmp3, $4  }
0x5a: {  	s2 =	sshrl.u32 s3, $0x3  }
0x5b: {  	s2 =	sadd.s32 s1, s2  }
0x5c: {  	[tilespmem:s11], [sflag:$0x1] =	stream.strided.gather [hbm4b:s2+s11], $0x400, s12, s11, $0x38;
	[tilespmem:$0x8680] =	vst v63  }
0x5d: {  	s4 =	simm.s32 $0x80;
	s3 =	sadd.s32 $0x2000, s3;
	s2 =	sadd.s32 $0xFFFFFFFF, s6  }
.LBB2_7:
0x5e: {  	s5 =	sshrl.u32 s3, $0x3;
	p0 =	seq.s32 s2, $0x1;
	s2 =	sadd.s32 $0xFFFFFFFF, s2  }
.Ltmp4:
0x5f: {  	s4 =	sadd.s32 $0x400, s4;
	s5 =	sadd.s32 s1, s5;
	(pc) =	sbr.rel @!p0 .LBB2_7-.Ltmp4, $3  }
0x60: {  	[tilespmem:s4], [sflag:$0x1] =	stream.strided.gather [hbm4b:s5+s11], $0x400, s12, s11, $0x38;
	[tilespmem:$0x8680] =	vst v63  }
0x61: {  	_ =	sdelay $0x1  }
0x62: {  	s3 =	sadd.s32 $0x2000, s3  }
.LBB2_2:
0x63: {  	s17 =	sadd.s32 $0xFFFFFFFF, s0;
	s15 =	sadd.s32 $0xFFFFFF7F, s0;
	s18 =	sshrl.u32 s0, $0x4  }
0x64: {  	s3 =	sadd.s32 $0xFFFFFFFF, s31;
	s19 =	sand.u32 $0xFFFFFFF0, s0;
	[smem:$0x7B1] =	sst s6  }
0x65: {  	s25 =	sadd.s32 $0xFFFFFFFF, s28;
	s4 =	sadd.s32 $0xFFFFFF7F, s31;
	[smem:$0x7AD] =	sst s7  }
0x66: {  	s8 =	sadd.s32 $0xFFFFFF7F, s28;
	s16 =	sadd.s32 $0x1, s18;
	[smem:$0x7A1] =	sst s19  }
0x67: {  	s29 =	sshrl.u32 s23, $0x4;
	s21 =	sand.u32 $0xFFFFFFF0, s3;
	[dreg:$0xc] =	wrdreg s16  }
0x68: {  	s2 =	sshrl.u32 s17, $0x4;
	s4 =	sand.u32 $0xFFFFFF80, s4;
	[smem:$0x7A2] =	sst s21  }
0x69: {  	s20 =	sshrl.u32 s3, $0x4;
	s3 =	sand.u32 $0x70, s3;
	[dreg:$0xd] =	wrdreg s4  }
0x6a: {  	s19 =	sshrl.u32 s31, $0x4;
	s10 =	sand.u32 $0xFFFFFF80, s8;
	[smem:$0x7B4] =	sst s3  }
0x6b: {  	s2 =	sadd.s32 $0xFFFFFFFF, s2;
	s5 =	sadd.s32 $0x1, s19;
	[dreg:$0xf] =	wrdreg s10  }
0x6c: {  	s22 =	ssub.s32 s20, s16;
	s16 =	sand.u32 $0xFFFFFFF0, s25;
	[dreg:$0x10] =	wrdreg s5  }
0x6d: {  	s24 =	sshrl.u32 s25, $0x4;
	s2 =	sshrl.u32 s2, $0x3;
	[smem:$0x7F3] =	sst s16  }
0x6e: {  	s26 =	ssub.s32 s24, s5;
	[dreg:$0x15] =	wrdreg s2;
	s2 =	sand.u32 $0xFFFFFF80, s15  }
0x6f: {  	p0 =	slt.s32 s22, $0x8;
	s5 =	sshrl.u32 s26, $0x3;
	[dreg:$0xa] =	wrdreg s2  }
0x70: {  	s0 =	simm.s32 @!p0 $0x0;
	s2 =	sshrl.u32 s22, $0x3;
	[dreg:$0xe] =	wrdreg s5  }
0x71: {  	s0 =	simm.s32 @p0 $0x1;
	s22 =	sshrl.u32 s28, $0x4;
	[dreg:$0xb] =	wrdreg s2  }
0x72: {  	p0 =	slt.s32 s26, $0x8;
	s26 =	sadd.s32 $0x1, s29;
	[smem:$0x78B] =	sst s0  }
0x73: {  	s5 =	sadd.s32 $0xFFFFFFFF, s14;
	s15 =	sadd.s32 $0x1, s22;
	[dreg:$0x12] =	wrdreg s26  }
0x74: {  	s0 =	simm.s32 @!p0 $0x0;
	s2 =	sand.u32 $0x70, s25;
	[dreg:$0x11] =	wrdreg s15  }
0x75: {  	s4 =	sshrl.u32 s5, $0x4;
	s0 =	simm.s32 @p0 $0x1;
	[smem:$0x7B9] =	sst s2  }
0x76: {  	s6 =	ssub.s32 s4, s26;
	s26 =	sand.u32 $0x70, s5;
	[smem:$0x78C] =	sst s0  }
0x77: {  	s0 =	sadd.s32 $0xFFFFFFFF, s23;
	s10 =	sshrl.u32 s6, $0x3;
	[smem:$0x7C6] =	sst s26  }
0x78: {  	s8 =	sand.u32 $0xFFFFFFF0, s0;
	[dreg:$0x16] =	wrdreg s10  }
0x79: {  	s30 =	sshrl.u32 s0, $0x4;
	s0 =	sand.u32 $0x70, s0;
	[smem:$0x7F4] =	sst s8  }
0x7a: {  	s21 =	ssub.s32 s30, s15;
	[smem:$0x7BF] =	sst s0;
	s15 =	sshrl.u32 s14, $0x4  }
0x7b: {  	s16 =	sadd.s32 $0xFFFFFF7F, s14;
	s2 =	sshrl.u32 s21, $0x3;
	[smem:$0x7C5] =	sst s15  }
0x7c: {  	p0 =	slt.s32 s21, $0x8;
	s21 =	sand.u32 $0xFFFFFFF0, s5;
	[dreg:$0x13] =	wrdreg s2  }
0x7d: {  	s3 =	simm.s32 @!p0 $0x0;
	s2 =	sand.u32 $0xFFFFFF80, s16;
	[smem:$0x7F5] =	sst s21  }
0x7e: {  	s25 =	sadd.s32 $0xFFFFFF7F, s23;
	s3 =	simm.s32 @p0 $0x1;
	[dreg:$0x18] =	wrdreg s2  }
0x7f: {  	p0 =	slt.s32 s6, $0x8;
	s6 =	sshrl.u32 s13, $0x4;
	[smem:$0x78D] =	sst s3  }
0x80: {  	s3 =	sand.u32 $0xFFFFFF80, s25;
	s0 =	simm.s32 @!p0 $0x0;
	[smem:$0x7DF] =	sst s6  }
0x81: {  	s10 =	sadd.s32 $0xFFFFFFFF, s9;
	[dreg:$0x14] =	wrdreg s3;
	s0 =	simm.s32 @p0 $0x1  }
0x82: {  	s3 =	sadd.s32 $0x1, s15;
	s15 =	sadd.s32 $0x2, s6;
	[smem:$0x78E] =	sst s0  }
0x83: {  	s0 =	sadd.s32 $0xFFFFFFFF, s13;
	[dreg:$0x17] =	wrdreg s3;
	s21 =	sshll.u32 s15, $0x6  }
0x84: {  	s26 =	sadd.s32 $0x4, s6;
	s16 =	sand.u32 $0xFFFFFFF0, s0;
	[smem:$0x7D0] =	sst s21  }
0x85: {  	s8 =	sshrl.u32 s0, $0x4;
	s0 =	sand.u32 $0x70, s0;
	[smem:$0x7F8] =	sst s16  }
0x86: {  	s21 =	sadd.s32 $0x6, s6;
	s25 =	ssub.s32 s8, s3;
	[smem:$0x7CE] =	sst s0  }
0x87: {  	s16 =	sadd.s32 $0x5, s6;
	p0 =	slt.s32 s25, $0x8;
	s2 =	sshrl.u32 s25, $0x3  }
0x88: {  	s3 =	simm.s32 @!p0 $0x0;
	[dreg:$0x19] =	wrdreg s2;
	s2 =	sshrl.u32 s10, $0x4  }
0x89: {  	s3 =	simm.s32 @p0 $0x1;
	p0 =	slt.u32 s15, s2;
	[dreg:$0x1b] =	wrdreg s2  }
0x8a: {  	s15 =	sshll.u32 s26, $0x6;
	[smem:$0x78F] =	sst s3;
	s3 =	sadd.s32 $0xFFFFFF7F, s13  }
0x8b: {  	s0 =	simm.s32 @!p0 $0x0;
	[smem:$0x7D2] =	sst s15;
	s5 =	sand.u32 $0xFFFFFF80, s3  }
0x8c: {  	s25 =	sadd.s32 $0x3, s6;
	s0 =	simm.s32 @p0 $0x1;
	[dreg:$0x1a] =	wrdreg s5  }
0x8d: {  	p0 =	slt.u32 s25, s2;
	[smem:$0x790] =	sst s0;
	s0 =	sshll.u32 s25, $0x6  }
0x8e: {  	s3 =	simm.s32 @!p0 $0x0;
	s25 =	sshll.u32 s21, $0x6;
	[smem:$0x7D1] =	sst s0  }
0x8f: {  	s15 =	sadd.s32 $0x7, s6;
	s3 =	simm.s32 @p0 $0x1;
	[smem:$0x7D5] =	sst s25  }
0x90: {  	p0 =	slt.u32 s26, s2;
	s26 =	sadd.s32 $0x1, s6;
	[smem:$0x791] =	sst s3  }
0x91: {  	s25 =	sand.u32 $0xFFFFFFF0, s10;
	s0 =	simm.s32 @!p0 $0x0;
	[dreg:$0x1c] =	wrdreg s26  }
0x92: {  	[smem:$0x7F9] =	sst s25;
	s0 =	simm.s32 @p0 $0x1;
	p0 =	slt.u32 s16, s2  }
0x93: {  	[smem:$0x792] =	sst s0;
	s3 =	simm.s32 @!p0 $0x0;
	s0 =	sshll.u32 s16, $0x6  }
0x94: {  	s16 =	ssub.s32 s2, s26;
	s26 =	sand.u32 $0x70, s10;
	[smem:$0x7D3] =	sst s0  }
0x95: {  	s3 =	simm.s32 @p0 $0x1;
	p0 =	slt.u32 s21, s2;
	[smem:$0x7D7] =	sst s26  }
0x96: {  	s21 =	sadd.s32 $0xFFFFFF7F, s9;
	[smem:$0x793] =	sst s3;
	s0 =	simm.s32 @!p0 $0x0  }
0x97: {  	s3 =	sshrl.u32 s9, $0x4;
	s0 =	simm.s32 @p0 $0x1;
	p0 =	slt.u32 s15, s2  }
0x98: {  	[smem:$0x7E0] =	sst s3;
	s10 =	sadd.s32 $0x6, s3;
	s25 =	sadd.s32 $0x4, s3  }
0x99: {  	[smem:$0x794] =	sst s0;
	s5 =	simm.s32 @!p0 $0x0;
	s0 =	sshll.u32 s15, $0x6  }
0x9a: {  	s26 =	sadd.s32 $0x5, s3;
	s5 =	simm.s32 @p0 $0x1;
	[smem:$0x7D6] =	sst s0  }
0x9b: {  	s6 =	sadd.s32 $0x1, s3;
	s0 =	sshrl.u32 s16, $0x3;
	[smem:$0x795] =	sst s5  }
0x9c: {  	s15 =	sadd.s32 $0x3, s3;
	[dreg:$0x1d] =	wrdreg s0;
	s0 =	sand.u32 $0xFFFFFF80, s21  }
0x9d: {  	p0 =	slt.s32 s16, $0x8;
	[dreg:$0x1e] =	wrdreg s0;
	s0 =	sadd.s32 $0xFFFFFFFF, s7  }
0x9e: {  	s21 =	sadd.s32 $0x7, s3;
	s3 =	sadd.s32 $0x2, s3;
	s5 =	sshrl.u32 s0, $0x4  }
0x9f: {  	s16 =	smov.u32 s7;
	s7 =	sshll.u32 s3, $0x6;
	p1 =	slt.u32 s21, s5  }
0xa0: {  	[smem:$0x7D9] =	sst s7;
	s7 =	sshll.u32 s10, $0x6;
	s2 =	simm.s32 @!p1 $0x0  }
0xa1: {  	[smem:$0x7DD] =	sst s7;
	s2 =	simm.s32 @p1 $0x1  }
0xa2: {  	p1 =	slt.u32 s10, s5;
	s10 =	sshll.u32 s21, $0x6;
	[smem:$0x796] =	sst s2  }
0xa3: {  	s21 =	sshll.u32 s6, $0x6;
	[smem:$0x7DE] =	sst s10  }
0xa4: {  	s2 =	simm.s32 @!p1 $0x0;
	[smem:$0x7D8] =	sst s21;
	s10 =	sadd.s32 $0x3, s19  }
0xa5: {  	s2 =	simm.s32 @p1 $0x1;
	[smem:$0x7B2] =	sst s10  }
0xa6: {  	p1 =	slt.u32 s26, s5;
	s10 =	sadd.s32 $0x5, s22;
	[smem:$0x797] =	sst s2  }
0xa7: {  	s2 =	simm.s32 @!p1 $0x0;
	[smem:$0x7BA] =	sst s10;
	s10 =	sadd.s32 $0x3, s29  }
0xa8: {  	s2 =	simm.s32 @p1 $0x1;
	[smem:$0x7BD] =	sst s10  }
0xa9: {  	p1 =	slt.u32 s25, s5;
	s25 =	sshll.u32 s25, $0x6;
	[smem:$0x798] =	sst s2  }
0xaa: {  	s10 =	sshll.u32 s29, $0x6;
	[smem:$0x7DB] =	sst s25  }
0xab: {  	s2 =	simm.s32 @!p1 $0x0;
	s25 =	sshll.u32 s6, $0x4;
	[smem:$0x7CF] =	sst s10  }
0xac: {  	s2 =	simm.s32 @p1 $0x1;
	[smem:$0x7E4] =	sst s25  }
0xad: {  	p1 =	slt.u32 s15, s5;
	s15 =	sshll.u32 s15, $0x6;
	[smem:$0x799] =	sst s2  }
0xae: {  	s16 =	sadd.s32 $0xFFFFFF7F, s16;
	s25 =	sadd.s32 $0x5, s19;
	[smem:$0x7DA] =	sst s15  }
0xaf: {  	s2 =	simm.s32 @!p1 $0x0;
	[smem:$0x7B5] =	sst s25;
	s25 =	sadd.s32 $0x2, s22  }
0xb0: {  	s7 =	sshll.u32 s18, $0x6;
	s2 =	simm.s32 @p1 $0x1;
	[smem:$0x7A7] =	sst s25  }
0xb1: {  	p1 =	slt.u32 s3, s5;
	s3 =	sshll.u32 s26, $0x6;
	[smem:$0x79A] =	sst s2  }
0xb2: {  	s26 =	sand.u32 $0xFFFFFF80, s16;
	s16 =	sand.u32 $0xFFFFFFF0, s0;
	[smem:$0x7DC] =	sst s3  }
0xb3: {  	s0 =	sand.u32 $0x70, s0;
	s2 =	simm.s32 @!p1 $0x0;
	[smem:$0x79D] =	sst s26  }
0xb4: {  	[smem:$0x7E1] =	sst s0;
	s0 =	sshra.s32 s7, $0x2;
	s7 =	sadd.s32 $0x4, s22  }
0xb5: {  	s2 =	simm.s32 @p1 $0x1;
	p1 =	sgt.u32 s5, s6;
	[smem:$0x7B8] =	sst s7  }
0xb6: {  	s5 =	ssub.s32 s5, s6;
	s6 =	sadd.s32 $0x7, s18;
	[smem:$0x79B] =	sst s2  }
0xb7: {  	s0 =	sadd.s32 $0xC0, s0;
	[smem:$0x7B0] =	sst s6  }
0xb8: {  	s15 =	sshrl.u32 s5, $0x3;
	[smem:$0x79E] =	sst s0  }
0xb9: {  	p6 =	slt.s32 s5, $0x8;
	s5 =	sadd.s32 $0x6, s18;
	[dreg:$0x1f] =	wrdreg s15  }
0xba: {  	s2 =	simm.s32 @!p1 $0x0;
	s6 =	sadd.s32 $0x7, s19;
	[smem:$0x7AF] =	sst s5  }
0xbb: {  	s21 =	sadd.s32 $0x3, s18;
	s2 =	simm.s32 @p1 $0x1;
	[smem:$0x7B7] =	sst s6  }
0xbc: {  	s3 =	sadd.s32 $0x2, s18;
	s5 =	sadd.s32 $0x6, s19;
	[smem:$0x79C] =	sst s2  }
0xbd: {  	s26 =	sadd.s32 $0x4, s18;
	s2 =	sadd.s32 $0x5, s18;
	[smem:$0x7B6] =	sst s5  }
0xbe: {  	s15 =	sadd.s32 $0x2, s19;
	s18 =	sadd.s32 $0x4, s19;
	[smem:$0x7AE] =	sst s2  }
0xbf: {  	s5 =	sshll.u32 s19, $0x6;
	s19 =	sadd.s32 $0x7, s22;
	[smem:$0x7B3] =	sst s18  }
0xc0: {  	s18 =	sadd.s32 $0x6, s22;
	[smem:$0x7BC] =	sst s19  }
0xc1: {  	s5 =	sshra.s32 s5, $0x2;
	s19 =	sadd.s32 $0x5, s29;
	[smem:$0x7BB] =	sst s18  }
0xc2: {  	s2 =	sadd.s32 $0x3, s22;
	s0 =	sadd.s32 $0xC0, s5;
	[smem:$0x7C0] =	sst s19  }
0xc3: {  	s22 =	sshll.u32 s22, $0x6;
	s18 =	sadd.s32 $0x4, s29;
	[smem:$0x79F] =	sst s0  }
0xc4: {  	s6 =	sshra.s32 s22, $0x2;
	s22 =	sadd.s32 $0x6, s29;
	[smem:$0x7BE] =	sst s18  }
0xc5: {  	[smem:$0x7C3] =	sst s22  }
0xc6: {  	s7 =	sadd.s32 $0xC0, s6;
	s18 =	rddreg [dreg:$0x17]  }
0xc7: {  	[smem:$0x7A0] =	sst s7  }
0xc8: {  	s6 =	sadd.s32 $0x7, s29;
	s7 =	sadd.s32 $0x2, s29;
	s29 =	sld [smem:$0x7C5]  }
0xc9: {  	s22 =	sld [smem:$0x7F3];
	s0 =	sshll.u32 s18, $0x6  }
0xca: {  	[smem:$0x7C4] =	sst s6;
	s0 =	sshra.s32 s0, $0x2  }
0xcb: {  	s19 =	sand.u32 $0xFFFFFFF0, s31;
	[smem:$0x7C8] =	sst s0;
	s6 =	sadd.s32 $0x2, s29  }
0xcc: {  	v5 =	vor.u32 s22, v16;
	[smem:$0x7A3] =	sst s6;
	s22 =	sshll.u32 s6, $0x6;
	s6 =	sadd.s32 $0x3, s29  }
0xcd: {  	v3 =	vor.u32 s19, v16;
	s0 =	sshra.s32 s22, $0x2;
	[smem:$0x7A4] =	sst s6  }
0xce: {  	v6 =	vimm.s32 $0x0;
	vm0 =	vge.s32 v3, s31;
	[smem:$0x7C9] =	sst s0  }
0xcf: {  	v6 =	vsel vm0, $0xFFFFFFFF, v6;
	s6 =	sshll.u32 s6, $0x6;
	s0 =	sld [smem:$0x7F4]  }
0xd0: {  	[smem:$0x7AA] =	sst s3;
	[tilespmem:$0x1FF20] =	vst v6;
	v6 =	vimm.s32 $0x0;
	vm0 =	vge.s32 v5, s31;
	s6 =	sshra.s32 s6, $0x2  }
0xd1: {  	s10 =	smov.u32 s29;
	v6 =	vsel vm0, $0xFFFFFFFF, v6;
	s22 =	sand.u32 $0xFFFFFFF0, s28;
	[smem:$0x7CC] =	sst s6  }
0xd2: {  	vm11 =	vlt.s32 v3, s28;
	[tilespmem:$0x1FF30] =	vst v6;
	v3 =	vor.u32 s22, v16;
	v6 =	vor.u32 s0, v16;
	s0 =	sadd.s32 $0x4, s10;
	s10 =	rddreg [dreg:$0x12]  }
0xd3: {  	vm12 =	vlt.s32 v5, s28;
	v5 =	vimm.s32 $0x0;
	s29 =	sand.u32 $0xFFFFFFF0, s23;
	vm0 =	vge.s32 v3, s28;
	[smem:$0x7A6] =	sst s0  }
0xd4: {  	vm13 =	vlt.s32 v3, s23;
	v3 =	vor.u32 s29, v16;
	v5 =	vsel vm0, $0xFFFFFFFF, v5;
	s6 =	sshll.u32 s10, $0x6;
	s10 =	sshll.u32 s0, $0x6;
	s0 =	sld [smem:$0x7F5]  }
0xd5: {  	s5 =	sld [smem:$0x7A1];
	[tilespmem:$0x1FF40] =	vst v5;
	v5 =	vimm.s32 $0x0;
	vm0 =	vge.s32 v6, s28;
	vm14 =	vlt.s32 v6, s23  }
0xd6: {  	[smem:$0x7A5] =	sst s7;
	s7 =	sshll.u32 s7, $0x6;
	v6 =	vimm.s32 $0x0;
	v5 =	vsel vm0, $0xFFFFFFFF, v5;
	s10 =	sshra.s32 s10, $0x2;
	vm0 =	vge.s32 v3, s23  }
0xd7: {  	[tilespmem:$0x1FF50] =	vst v5;
	[smem:$0x7CD] =	sst s10;
	s10 =	sshra.s32 s7, $0x2;
	v6 =	vsel vm0, $0xFFFFFFFF, v6;
	v5 =	vor.u32 s0, v16  }
0xd8: {  	[smem:$0x7C2] =	sst s10;
	[tilespmem:$0x1FF60] =	vst v6;
	v6 =	vimm.s32 $0x0;
	vm0 =	vge.s32 v5, s23  }
0xd9: {  	s10 =	sand.u32 $0xFFFFFFF0, s14;
	s23 =	sshll.u32 s25, $0x6;
	s25 =	sld [smem:$0x7F8];
	v6 =	vsel vm0, $0xFFFFFFFF, v6;
	vm0 =	vlt.s32 v5, s14;
	v5 =	vimm.s32 $0x0  }
0xda: {  	s18 =	sld [smem:$0x7A2];
	vm15 =	vlt.s32 v3, s14;
	s6 =	sshra.s32 s6, $0x2;
	v3 =	vor.u32 s10, v16;
	v5 =	vsel vm0, $0xFFFFFFFF, v5  }
0xdb: {  	[smem:$0x7C1] =	sst s6;
	vm0 =	vge.s32 v3, s14;
	[tilespmem:$0x1FF80] =	vst v5;
	v5 =	vimm.s32 $0x0  }
0xdc: {  	s6 =	rddreg [dreg:$0x11];
	[tilespmem:$0x1FF70] =	vst v6;
	v6 =	vor.u32 s25, v16;
	v5 =	vsel vm0, $0xFFFFFFFF, v5  }
0xdd: {  	s3 =	sshll.u32 s3, $0x6;
	s7 =	sshll.u32 s6, $0x6;
	s6 =	rddreg [dreg:$0x10];
	vm0 =	vge.s32 v6, s14;
	[tilespmem:$0x1FF90] =	vst v5;
	v5 =	vimm.s32 $0x0  }
0xde: {  	v11 =	vor.u32 s5, v16;
	v12 =	vor.u32 s18, v16;
	s28 =	sshra.s32 s23, $0x2;
	s23 =	sand.u32 $0xFFFFFFF0, s13;
	s14 =	sld [smem:$0x7F9];
	v5 =	vsel vm0, $0xFFFFFFFF, v5  }
0xdf: {  	[smem:$0x7A9] =	sst s2;
	vm9 =	vlt.s32 v11, s31;
	vm10 =	vlt.s32 v12, s31;
	s31 =	sshra.s32 s7, $0x2;
	s7 =	sshll.u32 s6, $0x6;
	[tilespmem:$0x1FFA0] =	vst v5;
	v5 =	vor.u32 s23, v16  }
0xe0: {  	s2 =	sshll.u32 s2, $0x6;
	s6 =	sshra.s32 s7, $0x2;
	vm2 =	vlt.s32 v3, s13;
	v3 =	vimm.s32 $0x0;
	s25 =	sshll.u32 s15, $0x6;
	vm0 =	vge.s32 v5, s13  }
0xe1: {  	s7 =	sshra.s32 s25, $0x2;
	s25 =	rddreg [dreg:$0xc];
	v7 =	vor.u32 s14, v16;
	s14 =	sshra.s32 s2, $0x2;
	v3 =	vsel vm0, $0xFFFFFFFF, v3  }
0xe2: {  	s2 =	sshll.u32 s25, $0x6;
	s25 =	sshra.s32 s3, $0x2;
	s3 =	sld [smem:$0x7AD];
	vm0 =	vge.s32 v7, s13;
	[tilespmem:$0x1FFB0] =	vst v3;
	v3 =	vimm.s32 $0x0  }
0xe3: {  	[smem:$0x7AB] =	sst s21;
	vm3 =	vlt.s32 v6, s13;
	s13 =	sand.u32 $0xFFFFFFF0, s9;
	v3 =	vsel vm0, $0xFFFFFFFF, v3  }
0xe4: {  	[smem:$0x7FA] =	sst s16;
	v6 =	vor.u32 s16, v16;
	s16 =	sshll.u32 s21, $0x6;
	s21 =	sand.u32 $0x70, s17;
	[tilespmem:$0x1FFC0] =	vst v3;
	v3 =	vor.u32 s13, v16  }
0xe5: {  	vm0 =	vge.s32 v3, s9;
	vm6 =	vlt.s32 v3, s3;
	v3 =	vmov s21;
	s21 =	sld [smem:$0x7AE]  }
0xe6: {  	[smem:$0x7AC] =	sst s26;
	vm4 =	vlt.s32 v5, s9  }
0xe7: {  	s26 =	sshll.u32 s26, $0x6;
	[smem:$0x7A8] =	sst s15;
	s15 =	sshra.s32 s2, $0x2;
	vm5 =	vlt.s32 v7, s9;
	v5 =	vimm.s32 $0x0;
	vm7 =	vlt.s32 v6, s3  }
0xe8: {  	s3 =	sld [smem:$0x7AF];
	v5 =	vsel vm0, $0xFFFFFFFF, v5;
	vm0 =	vge.s32 v6, s9;
	[tilespmem:$0x1FCE0] =	vst v3;
	s9 =	sshra.s32 s26, $0x2;
	v3 =	vmov s15;
	s26 =	sshll.u32 s21, $0x6  }
0xe9: {  	s2 =	sshra.s32 s16, $0x2;
	[tilespmem:$0x1FCF0] =	vst v3;
	v3 =	vmov s25;
	s21 =	sshra.s32 s26, $0x2;
	s26 =	sld [smem:$0x7B0]  }
0xea: {  	[tilespmem:$0x1FD00] =	vst v3;
	v3 =	vmov s2  }
0xeb: {  	s0 =	sshll.u32 s3, $0x6;
	[tilespmem:$0x1FD10] =	vst v3;
	v3 =	vmov s9  }
0xec: {  	v6 =	vmov s5;
	s0 =	sshra.s32 s0, $0x2;
	[tilespmem:$0x1FD20] =	vst v3;
	v3 =	vmov s21;
	s5 =	sshll.u32 s26, $0x6;
	s26 =	sld [smem:$0x7B3]  }
0xed: {  	s9 =	sld [smem:$0x7B2];
	[tilespmem:$0x1FD30] =	vst v3;
	v3 =	vmov s0;
	s21 =	sshra.s32 s5, $0x2  }
0xee: {  	[tilespmem:$0x1FD40] =	vst v3;
	v3 =	vmov s21;
	s21 =	sld [smem:$0x7B4]  }
0xef: {  	s5 =	sshll.u32 s26, $0x6;
	s26 =	sld [smem:$0x7B5]  }
0xf0: {  	[tilespmem:$0x1FFD0] =	vst v5  }
0xf1: {  	v15 =	vmov s19;
	s19 =	sld [smem:$0x7B6];
	s15 =	sshll.u32 s9, $0x6;
	[tilespmem:$0x1FD50] =	vst v3;
	v3 =	vmov s21  }
0xf2: {  	s2 =	sshra.s32 s5, $0x2;
	[tilespmem:$0x1FD60] =	vst v3;
	s5 =	sshll.u32 s26, $0x6;
	v3 =	vmov s6;
	s26 =	sld [smem:$0x7B7]  }
0xf3: {  	v42 =	vmov s10;
	s10 =	sld [smem:$0x7C9];
	s0 =	sshra.s32 s15, $0x2;
	[tilespmem:$0x1FD70] =	vst v3;
	v3 =	vmov s7  }
0xf4: {  	v51 =	vmov s23;
	s23 =	sld [smem:$0x7D2];
	s21 =	sshll.u32 s19, $0x6;
	[tilespmem:$0x1FD80] =	vst v3;
	v3 =	vmov s0  }
0xf5: {  	s9 =	sshra.s32 s5, $0x2;
	s7 =	sld [smem:$0x7BA];
	s3 =	sshll.u32 s26, $0x6;
	[tilespmem:$0x1FD90] =	vst v3;
	v3 =	vmov s2  }
0xf6: {  	[tilespmem:$0x1FDA0] =	vst v3;
	v3 =	vmov s9;
	s9 =	sshra.s32 s21, $0x2;
	s19 =	sshra.s32 s3, $0x2;
	s3 =	sld [smem:$0x7B9]  }
0xf7: {  	s21 =	sld [smem:$0x7B8];
	[tilespmem:$0x1FDB0] =	vst v3;
	v3 =	vmov s9  }
0xf8: {  	s9 =	sld [smem:$0x7BB];
	[tilespmem:$0x1FDC0] =	vst v3;
	v3 =	vmov s19  }
0xf9: {  	v13 =	vbroadcast v9, $0x0;
	s16 =	sld [smem:$0x7B1];
	[tilespmem:$0x1FDD0] =	vst v3;
	v3 =	vmov s3  }
0xfa: {  	v33 =	vmov s29;
	s29 =	sand.u32 $0xFFFFFFF0, s17;
	s2 =	sshll.u32 s7, $0x6;
	s7 =	sld [smem:$0x7BE];
	[tilespmem:$0x1FDE0] =	vst v3;
	v3 =	vmov s31  }
0xfb: {  	vm1 =	vge.s32 v11, v13;
	v24 =	vmov s22;
	s26 =	sshll.u32 s21, $0x6;
	s21 =	sld [smem:$0x7BC];
	s19 =	sshll.u32 s9, $0x6;
	[tilespmem:$0x1FDF0] =	vst v3;
	v3 =	vmov s28  }
0xfc: {  	v10 =	vmov s29;
	v14 =	vor.u32 s29, v16;
	s6 =	sshra.s32 s26, $0x2;
	s5 =	sshra.s32 s19, $0x2;
	s19 =	sld [smem:$0x7C0];
	[tilespmem:$0x1FE00] =	vst v3;
	v3 =	vmov s14  }
0xfd: {  	vm8 =	vgt.s32 v10, $0xFFFFFFFF;
	v5 =	vimm.s32 $0x0;
	s2 =	sshra.s32 s2, $0x2;
	s14 =	sld [smem:$0x7BF];
	[tilespmem:$0x1FE10] =	vst v3;
	v3 =	vmov s6  }
0xfe: {  	v5 =	vsel vm0, $0xFFFFFFFF, v5;
	vm0 =	vlt.s32 v14, v13;
	s22 =	sshll.u32 s21, $0x6;
	s6 =	sld [smem:$0x7BD];
	[tilespmem:$0x1FE20] =	vst v3;
	v3 =	vmov s2  }
0xff: {  	v11 =	vimm.s32 $0x0;
	vm0 =	vmand vm8, vm0;
	s26 =	sshra.s32 s22, $0x2;
	s22 =	sld [smem:$0x7C1];
	[tilespmem:$0x1FE30] =	vst v3;
	v3 =	vmov s5  }
0x100: {  	v11 =	vsel vm0, $0xFFFFFFFF, v11;
	[tilespmem:$0x1FE40] =	vst v3;
	v3 =	vmov s26;
	s26 =	sld [smem:$0x7C2]  }
0x101: {  	[tilespmem:$0x1FF10] =	vst v11;
	s9 =	sshll.u32 s7, $0x6;
	s2 =	sshll.u32 s6, $0x6;
	s6 =	sld [smem:$0x7C3]  }
0x102: {  	[tilespmem:$0x1FE50] =	vst v3;
	v3 =	vmov s14;
	s0 =	sshra.s32 s2, $0x2;
	s2 =	sshra.s32 s9, $0x2;
	s9 =	sld [smem:$0x7C4]  }
0x103: {  	s25 =	rddreg [dreg:$0x15];
	[tilespmem:$0x1FE60] =	vst v3;
	v3 =	vmov s22  }
0x104: {  	v11 =	vld [tilespmem:$0x1FF20];
	s21 =	sshll.u32 s19, $0x6;
	[tilespmem:$0x1FE70] =	vst v3;
	v3 =	vmov s26;
	s26 =	sld [smem:$0x7C6]  }
0x105: {  	s7 =	sshll.u32 s6, $0x6;
	[tilespmem:$0x1FE80] =	vst v3;
	s14 =	sshll.u32 s9, $0x6;
	v3 =	vmov s0;
	s9 =	sld [smem:$0x7C5]  }
0x106: {  	s5 =	sshra.s32 s21, $0x2;
	s19 =	sshra.s32 s7, $0x2;
	s7 =	sld [smem:$0x7C8];
	[tilespmem:$0x1FE90] =	vst v3;
	v3 =	vmov s2  }
0x107: {  	[tilespmem:$0x1FEA0] =	vst v3;
	v3 =	vmov s5;
	s5 =	sld [smem:$0x7DA]  }
0x108: {  	vm0 =	vge.s32 v12, v13;
	[tilespmem:$0x1FEB0] =	vst v3;
	s22 =	sadd.s32 $0x5, s9;
	v3 =	vmov s19;
	s19 =	sld [smem:$0x7CC]  }
0x109: {  	vm10 =	vmand vm0, vm10;
	vm0 =	vnez.u8 v11;
	v11 =	vld [tilespmem:$0x1FF30];
	s3 =	sadd.s32 $0x6, s9;
	[smem:$0x7C7] =	sst s22  }
0x10a: {  	s6 =	sadd.s32 $0x7, s9;
	[smem:$0x7CA] =	sst s3  }
0x10b: {  	s21 =	sshra.s32 s14, $0x2;
	[smem:$0x7CB] =	sst s6  }
0x10c: {  	[tilespmem:$0x1FEC0] =	vst v3;
	v3 =	vmov s21;
	s21 =	sld [smem:$0x7CD]  }
0x10d: {  	s14 =	sshll.u32 s6, $0x6;
	s6 =	sld [smem:$0x7CE];
	[tilespmem:$0x1FED0] =	vst v3;
	v3 =	vmov s26  }
0x10e: {  	vm11 =	vmand vm0, vm11;
	vm0 =	vnez.u8 v11;
	v11 =	vld [tilespmem:$0x1FF40];
	s2 =	sshll.u32 s22, $0x6;
	[tilespmem:$0x1FEE0] =	vst v3;
	v3 =	vmov s7;
	s7 =	rddreg [dreg:$0x1c]  }
0x10f: {  	s0 =	sshra.s32 s2, $0x2;
	s26 =	sshra.s32 s14, $0x2;
	v45 =	vmov s19;
	s19 =	sld [smem:$0x7D0]  }
0x110: {  	s2 =	sshll.u32 s3, $0x6;
	v49 =	vmov s26;
	s26 =	sshra.s32 s23, $0x2;
	s23 =	sld [smem:$0x7D8]  }
0x111: {  	s22 =	sshra.s32 s2, $0x2;
	[tilespmem:$0x1FEF0] =	vst v3;
	v3 =	vmov s10;
	s10 =	sld [smem:$0x7CF]  }
0x112: {  	v48 =	vmov s22;
	s22 =	sld [smem:$0x7D1]  }
0x113: {  	vm12 =	vmand vm0, vm12;
	vm0 =	vnez.u8 v11;
	v11 =	vld [tilespmem:$0x1FF50];
	s3 =	sshll.u32 s7, $0x6;
	v50 =	vmov s6;
	s6 =	sld [smem:$0x7D3]  }
0x114: {  	v55 =	vmov s26;
	s26 =	sld [smem:$0x7D9];
	s14 =	sshra.s32 s3, $0x2  }
0x115: {  	v52 =	vmov s14;
	s14 =	sld [smem:$0x7D5]  }
0x116: {  	v46 =	vmov s21;
	s21 =	sshra.s32 s19, $0x2;
	s19 =	sld [smem:$0x7D6]  }
0x117: {  	v53 =	vmov s21;
	s21 =	sld [smem:$0x7D7]  }
0x118: {  	vm13 =	vmand vm0, vm13;
	vm0 =	vnez.u8 v11;
	v11 =	vld [tilespmem:$0x1FF60];
	v47 =	vmov s0;
	s0 =	sshra.s32 s10, $0x2;
	s10 =	sshra.s32 s6, $0x2;
	s6 =	sld [smem:$0x7DB]  }
0x119: {  	s3 =	sshra.s32 s26, $0x2;
	s26 =	sld [smem:$0x7E1]  }
0x11a: {  	v56 =	vmov s10;
	s0 =	sadd.s32 $0xC0, s0;
	s10 =	sld [smem:$0x7DC]  }
0x11b: {  	[smem:$0x7D4] =	sst s0  }
0x11c: {  	s2 =	sshra.s32 s22, $0x2;
	s0 =	sshra.s32 s14, $0x2;
	s14 =	sld [smem:$0x7DD]  }
0x11d: {  	vm14 =	vmand vm0, vm14;
	vm0 =	vnez.u8 v11;
	v11 =	vld [tilespmem:$0x1FF70];
	s22 =	sshll.u32 s9, $0x6;
	v54 =	vmov s2;
	s2 =	sshra.s32 s19, $0x2;
	s19 =	sld [smem:$0x7DE]  }
0x11e: {  	v57 =	vmov s0;
	s0 =	sshra.s32 s22, $0x2;
	s22 =	sld [smem:$0x7DF]  }
0x11f: {  	v58 =	vmov s2;
	s2 =	sshra.s32 s23, $0x2;
	s23 =	sld [smem:$0x7E0]  }
0x120: {  	s9 =	sshra.s32 s6, $0x2;
	s6 =	rddreg [dreg:$0xb]  }
0x121: {  	v9 =	vmov s26;
	s26 =	rddreg [dreg:$0x11]  }
0x122: {  	vm15 =	vmand vm0, vm15;
	vm0 =	vnez.u8 v11;
	v11 =	vld [tilespmem:$0x1FF80];
	[tilespmem:$0x1FF00] =	vst v3;
	v3 =	vmov s9;
	s9 =	rddreg [dreg:$0xe]  }
0x123: {  	v60 =	vmov s13;
	s13 =	sshra.s32 s10, $0x2;
	s0 =	sadd.s32 $0xC0, s0;
	s10 =	rddreg [dreg:$0x13]  }
0x124: {  	[smem:$0x7E2] =	sst s0  }
0x125: {  	[tilespmem:$0x1FFE0] =	vst v5;
	v61 =	vmov s2;
	s2 =	sshra.s32 s5, $0x2;
	v5 =	vmov s13;
	s13 =	rddreg [dreg:$0x16]  }
0x126: {  	v63 =	vmov s2;
	s2 =	sshra.s32 s14, $0x2;
	s14 =	rddreg [dreg:$0x19]  }
0x127: {  	vm9 =	vmand vm1, vm9;
	vm1 =	vnez.u8 v11;
	v11 =	vld [tilespmem:$0x1FF90];
	v59 =	vmov s21;
	s21 =	sshra.s32 s19, $0x2;
	s19 =	rddreg [dreg:$0x1d]  }
0x128: {  	v8 =	vmov s21;
	s21 =	rddreg [dreg:$0x1f]  }
0x129: {  	v7 =	vmov s2;
	s2 =	sshll.u32 s22, $0x6;
	s22 =	rddreg [dreg:$0xc]  }
0x12a: {  	v62 =	vmov s3;
	s3 =	sshll.u32 s23, $0x6;
	s23 =	rddreg [dreg:$0x10]  }
0x12b: {  	s2 =	sshra.s32 s2, $0x2;
	s5 =	sshra.s32 s3, $0x2;
	s3 =	rddreg [dreg:$0x12]  }
0x12c: {  	vm1 =	vmand vm0, vm1;
	vm0 =	vnez.u8 v11;
	v11 =	vld [tilespmem:$0x1FFA0];
	s0 =	sadd.s32 $0xC0, s2;
	s2 =	sadd.s32 $0xC0, s5;
	s5 =	rddreg [dreg:$0x17]  }
0x12d: {  	p2 =	slt.s32 s16, $0x1;
	[smem:$0x7E3] =	sst s0  }
0x12e: {  	p3 =	seq.s32 s25, $0x0;
	s23 =	sshll.u32 s23, $0x4;
	s0 =	sld [smem:$0x7E4]  }
0x12f: {  	s25 =	sand.u32 $0x70, s23;
	[smem:$0x7E5] =	sst s2;
	s2 =	simm.s32 @!p2 $0x0  }
0x130: {  	[smem:$0x7F1] =	sst s25;
	s2 =	simm.s32 @p2 $0x1  }
0x131: {  	vm2 =	vmand vm0, vm2;
	vm0 =	vnez.u8 v11;
	v11 =	vld [tilespmem:$0x1FFB0];
	[smem:$0x7E6] =	sst s2;
	s2 =	simm.s32 @!p3 $0x0  }
0x132: {  	s2 =	simm.s32 @p3 $0x1;
	p3 =	seq.s32 s6, $0x0;
	s6 =	sld [smem:$0x7F3]  }
0x133: {  	s0 =	sand.u32 $0x70, s0;
	[smem:$0x7E7] =	sst s2  }
0x134: {  	s2 =	simm.s32 @!p3 $0x0;
	[smem:$0x7FC] =	sst s0  }
0x135: {  	s2 =	simm.s32 @p3 $0x1;
	p3 =	seq.s32 s9, $0x0;
	s9 =	sld [smem:$0x7F4]  }
0x136: {  	s28 =	sshll.u32 s26, $0x4;
	vm3 =	vmand vm0, vm3;
	[smem:$0x7E8] =	sst s2;
	s2 =	simm.s32 @!p3 $0x0;
	vm0 =	vnez.u8 v11;
	v11 =	vld [tilespmem:$0x1FFC0]  }
0x137: {  	v12 =	vmov s6;
	s6 =	rddreg [dreg:$0x7];
	s2 =	simm.s32 @p3 $0x1;
	p3 =	seq.s32 s10, $0x0  }
0x138: {  	s26 =	sshll.u32 s3, $0x4;
	[smem:$0x7E9] =	sst s2;
	s2 =	simm.s32 @!p3 $0x0  }
0x139: {  	s10 =	sld [smem:$0x7F5];
	s2 =	simm.s32 @p3 $0x1;
	p3 =	seq.s32 s13, $0x0  }
0x13a: {  	s13 =	sand.u32 $0x70, s26;
	[smem:$0x7EA] =	sst s2;
	s2 =	simm.s32 @!p3 $0x0  }
0x13b: {  	s25 =	sshll.u32 s5, $0x4;
	vm4 =	vmand vm0, vm4;
	[smem:$0x7F6] =	sst s13;
	s2 =	simm.s32 @p3 $0x1;
	vm0 =	vnez.u8 v11;
	v11 =	vld [tilespmem:$0x1FFD0]  }
0x13c: {  	p3 =	seq.s32 s14, $0x0;
	s14 =	sand.u32 $0x70, s25;
	[smem:$0x7EB] =	sst s2  }
0x13d: {  	s2 =	simm.s32 @!p3 $0x0;
	[smem:$0x7F7] =	sst s14  }
0x13e: {  	s14 =	rddreg [dreg:$0x8];
	s2 =	simm.s32 @p3 $0x1;
	p3 =	seq.s32 s19, $0x0  }
0x13f: {  	[smem:$0x7EC] =	sst s2;
	s2 =	simm.s32 @!p3 $0x0  }
0x140: {  	vm5 =	vmand vm0, vm5;
	s19 =	sld [smem:$0x7F9];
	s2 =	simm.s32 @p3 $0x1;
	p3 =	seq.s32 s21, $0x0;
	vm0 =	vnez.u8 v11;
	v11 =	vld [tilespmem:$0x1FFE0]  }
0x141: {  	[smem:$0x7ED] =	sst s2;
	s2 =	simm.s32 @!p3 $0x0  }
0x142: {  	s21 =	sld [smem:$0x7FA];
	s2 =	simm.s32 @p3 $0x1  }
0x143: {  	p1 =	por $0x1, $0x1;
	[smem:$0x7EE] =	sst s2;
	s2 =	sshll.u32 s22, $0x4  }
.Ltmp5:
0x144: {  	s31 =	sshll.u32 s7, $0x4;
	[smem:$0x7EF] =	sst s2;
	(pc) =	sbr.rel .LBB2_3-.Ltmp5, $4  }
0x145: {  	s15 =	smov.u32 s18;
	vm6 =	vmand vm0, vm6;
	s22 =	sand.u32 $0x70, s31;
	vm0 =	vnez.u8 v11;
	v11 =	vmov s18;
	s18 =	sld [smem:$0x7F8]  }
0x146: {  	p2 =	slt.u32 s17, $0x90;
	v14 =	vmov s10;
	s2 =	sand.u32 $0x70, s2;
	[smem:$0x7FB] =	sst s22  }
0x147: {  	s13 =	simm.s32 $0x0;
	v17 =	vmov s19;
	v18 =	vmov s21;
	[smem:$0x7F0] =	sst s2;
	s2 =	sand.u32 $0x70, s28;
	vm7 =	vmand vm0, vm7  }
0x148: {  	[smem:$0x7F2] =	sst s2;
	vm0 =	vgt.s32 v13, v16;
	v13 =	vmov s9;
	s9 =	smov.u32 s19;
	v16 =	vmov s18;
	s18 =	smov.u32 s21  }
.LBB2_98:
0x149: {  	_ =	sdelay $0x3  }
0x14a: {  	v27 =	vld.idx.msk [tilespmem:v61+s7+$0x0 ss:$0x1], $0xffff  }
0x14b: {  	v28 =	vld.idx.msk [tilespmem:v62+s7+$0x0 ss:$0x1], $0xffff  }
0x14c: {  	v29 =	vld.idx.msk [tilespmem:v3+s7+$0x0 ss:$0x1], $0xffff  }
0x14d: {  	v31 =	vld.idx.msk [tilespmem:v7+s7+$0x0 ss:$0x1], $0xffff  }
0x14e: {  	v32 =	vld.idx.msk [tilespmem:v5+s7+$0x0 ss:$0x1], $0xffff;
	s0 =	sld [smem:$0x797]  }
0x14f: {  	v34 =	vld.idx.msk [tilespmem:v63+s7+$0x0 ss:$0x1], $0xffff;
	s5 =	sld [smem:$0x79B]  }
0x150: {  	v35 =	vld.idx.msk [tilespmem:v8+s7+$0x0 ss:$0x1], $0xffff;
	s7 =	sld [smem:$0x799]  }
0x151: {  	s10 =	sld [smem:$0x798]  }
0x152: {  	s19 =	sld [smem:$0x79C]  }
0x153: {  	s21 =	sld [smem:$0x79A];
	p3 =	seq.s32 s0, $0x1  }
0x154: {  	s22 =	sld [smem:$0x796];
	p4 =	seq.s32 s5, $0x1;
	p5 =	seq.s32 s7, $0x1;
	v31 =	vpsel !p3, $0xFF800000, v31  }
0x155: {  	v28 =	vpsel !p4, $0xFF800000, v28;
	v29 =	vpsel !p5, $0xFF800000, v29;
	p4 =	seq.s32 s10, $0x1;
	v32 =	vmax.f32 v32, v31  }
0x156: {  	p5 =	seq.s32 s19, $0x1;
	v27 =	vmax.f32 v27, v28;
	v34 =	vmax.f32 v34, v29;
	v31 =	vpsel p4, v32, v31;
	p4 =	seq.s32 s21, $0x1  }
0x157: {  	v27 =	vpsel p5, v27, v28;
	p5 =	seq.s32 s22, $0x1;
	v28 =	vpsel p4, v34, v29;
	v29 =	vmax.f32 v31, v35  }
0x158: {  	v27 =	vmax.f32 v27, v28;
	v28 =	vpsel p5, v29, v31  }
0x159: {  	v27 =	vmax.f32 v27, v28  }
0x15a: {  	v27 =	vmax.f32 v30, v27  }
.LBB2_99:
0x15b: {  	v28 =	vperm.xlane v19, v0  }
0x15c: {  	v29 =	vperm.xlane v20, v0  }
0x15d: {  	v37 =	vperm.xlane v21, v0;
	v38 =	vperm.xlane v22, v0;
	v19 =	vmax.f32 v19, v28  }
0x15e: {  	v35 =	vperm.xlane v23, v0;
	v20 =	vmax.f32 v20, v29;
	v28 =	vperm.xlane v19, v1  }
0x15f: {  	v36 =	vperm.xlane v25, v0;
	v21 =	vmax.f32 v21, v37;
	v30 =	vperm.xlane v20, v1  }
0x160: {  	v44 =	vld [tilespmem:$0x1FFF0];
	v22 =	vmax.f32 v22, v38;
	v29 =	vperm.xlane v21, v1;
	v19 =	vmax.f32 v19, v28  }
0x161: {  	v37 =	vmax.f32 v23, v35;
	v20 =	vmax.f32 v20, v30;
	v28 =	vperm.xlane v19, v2  }
0x162: {  	v38 =	vperm.xlane v26, v0;
	v21 =	vmax.f32 v21, v29;
	v30 =	vperm.xlane v20, v2  }
0x163: {  	v43 =	vperm.xlane v22, v1;
	v40 =	vperm.xlane v21, v2;
	v19 =	vmax.f32 v19, v28  }
0x164: {  	v23 =	vmax.f32 v26, v38;
	v20 =	vmax.f32 v20, v30;
	v39 =	vperm.xlane v19, v4  }
0x165: {  	vm8 =	vnez.u8 v44;
	v21 =	vmax.f32 v21, v40;
	v41 =	vperm.xlane v20, v4  }
0x166: {  	v28 =	vperm.xlane v37, v1;
	v34 =	vperm.xlane v21, v4;
	v19 =	vmax.f32 v19, v39  }
0x167: {  	v20 =	vmax.f32 v20, v41;
	v19 =	vnsel vm8, $0xFF800000, v19;
	vm8 =	vcmask $0x320  }
0x168: {  	v40 =	vperm.xlane v23, v1;
	v19 =	vsel vm8, v19, v20;
	v20 =	vmax.f32 v22, v43  }
0x169: {  	v21 =	vmax.f32 v21, v34;
	vm8 =	vcmask $0x720;
	v22 =	vperm.xlane v20, v2  }
0x16a: {  	v19 =	vsel vm8, v19, v21;
	v21 =	vmax.f32 v25, v36;
	v25 =	vperm.xlane v27, v0  }
0x16b: {  	v23 =	vmax.f32 v23, v40;
	v26 =	vperm.xlane v21, v1  }
0x16c: {  	v20 =	vmax.f32 v20, v22;
	v22 =	vmax.f32 v37, v28;
	v25 =	vmax.f32 v27, v25  }
0x16d: {  	v39 =	vperm.xlane v20, v4;
	v27 =	vperm.xlane v22, v2;
	v21 =	vmax.f32 v21, v26  }
0x16e: {  	vm8 =	vcmask $0xB20;
	v26 =	vperm.xlane v25, v1;
	v41 =	vperm.xlane v21, v2  }
0x16f: {  	v20 =	vmax.f32 v20, v39;
	v22 =	vmax.f32 v22, v27;
	v27 =	vperm.xlane v23, v2  }
0x170: {  	v25 =	vmax.f32 v25, v26;
	v26 =	vperm.xlane v22, v4;
	v21 =	vmax.f32 v21, v41  }
0x171: {  	v43 =	vperm.xlane v25, v2;
	v19 =	vsel vm8, v19, v20;
	vm8 =	vcmask $0xF20  }
0x172: {  	v20 =	vperm.xlane v21, v4;
	v23 =	vmax.f32 v23, v27;
	v22 =	vmax.f32 v22, v26  }
0x173: {  	p3 =	sne.s32 s3, $0xC;
	v26 =	vperm.xlane v23, v4;
	v25 =	vmax.f32 v25, v43;
	v19 =	vsel vm8, v19, v22  }
.Ltmp6:
0x174: {  	v20 =	vmax.f32 v21, v20;
	v44 =	vperm.xlane v25, v4;
	vm8 =	vcmask $0x1320;
	(pc) =	sbr.rel @!p3 .LBB2_100-.Ltmp6, $4  }
0x175: {  	v19 =	vsel vm8, v19, v20;
	v20 =	vmax.f32 v23, v26;
	vm8 =	vcmask $0x1720  }
0x176: {  	s0 =	sshll.u32 s13, $0x4;
	v19 =	vsel vm8, v19, v20;
	v20 =	vmax.f32 v25, v44;
	vm8 =	vcmask $0x1B20  }
0x177: {  	s6 =	sadd.s32 $0x4000, s6;
	s0 =	sand.u32 $0x3FFFFFF0, s0;
	v19 =	vsel vm8, v19, v20  }
0x178: {  	s14 =	sadd.s32 $0x1, s14;
	p1 =	por !p1, !p1;
	s13 =	smov.u32 s3;
	[tilespmem:s0+$0x8180] =	vst v19  }
.LBB2_3:
0x179: {  	p3 =	seq.s32 s13, $0xB  }
.Ltmp7:
0x17a: {  	_ = 	snop;
	(pc) =	sbr.rel @!p3 .LBB2_4-.Ltmp7, $2  }
0x17b: {  	_ =	sdelay $0x2  }
0x17c: {  	s3 =	sadd.s32 $0x1, s13  }
0x17d: {  	s2 =	sld [smem:$0x7E6];
	_ =	sdelay $0x2  }
0x17e: {  	p3 =	seq.s32 s2, $0x1  }
.Ltmp8:
0x17f: {  	_ = 	snop;
	(pc) =	sbr.rel @!p3 .LBB2_12-.Ltmp8, $4  }
.Ltmp9:
0x180: {  	_ = 	snop;
	(pc) =	sbr.rel @p3 .LBB2_15-.Ltmp9, $4  }
0x181: {  	_ = 	snop  }
0x182: {  	_ = 	snop  }
0x183: {  	s0 =	simm.s32 $0x1  }
0x184: {  	_ = 	snop  }
.LBB2_4:
0x185: {  	s0 =	sld [smem:$0x7FD];
	_ =	sdelay $0x2  }
0x186: {  	p3 =	seq.s32 s0, $0x1  }
.Ltmp10:
0x187: {  	_ = 	snop;
	(pc) =	sbr.rel @!p3 .LBB2_5-.Ltmp10, $1  }
0x188: {  	_ =	sdelay $0x3  }
0x189: {  	s0 =	simm.s32 $0x1  }
0x18a: {  	s5 =	sand.u32 $0x7, s14;
	s7 =	sand.u32 $0xFFFE0000, s6;
	s0 =	simm.s32 @!p1 $0x0  }
0x18b: {  	p3 =	sne.s32 s16, $0x1;
	s5 =	sshll.u32 s5, $0x7;
	s0 =	smul.u32 $0x10200, s0  }
.Ltmp11:
0x18c: {  	s10 =	sor.u32 s5, s7;
	(pc) =	sbr.rel @!p3 .LBB2_10-.Ltmp11, $4  }
0x18d: {  	s22 =	sand.u32 $0x1, s3;
	s7 =	sshrl.u32 s10, $0x3;
	s0 =	sshrl.u32 s0, $0x2  }
0x18e: {  	s5 =	sadd.s32 $0x1, s22;
	s7 =	sadd.s32 s1, s7;
	s0 =	sadd.s32 $0x80, s0  }
0x18f: {  	[tilespmem:s0], [sflag:s5] =	stream.strided.gather [hbm4b:s7+s11], $0x400, s12, s11, $0x38;
	[tilespmem:$0x8680] =	vst v63  }
0x190: {  	s19 =	smov.u32 s15;
	s10 =	sadd.s32 $0x2000, s10;
	s7 =	sadd.s32 $0xFFFFFFFF, s16  }
.LBB2_9:
0x191: {  	s15 =	sshrl.u32 s10, $0x3;
	p3 =	sne.s32 s7, $0x1;
	s7 =	sadd.s32 $0xFFFFFFFF, s7  }
.Ltmp12:
0x192: {  	s0 =	sadd.s32 $0x400, s0;
	s15 =	sadd.s32 s1, s15;
	(pc) =	sbr.rel @p3 .LBB2_9-.Ltmp12, $3  }
0x193: {  	[tilespmem:s0], [sflag:s5] =	stream.strided.gather [hbm4b:s15+s11], $0x400, s12, s11, $0x38;
	[tilespmem:$0x8680] =	vst v63  }
0x194: {  	_ =	sdelay $0x1  }
0x195: {  	s10 =	sadd.s32 $0x2000, s10  }
.LBB2_10:
0x196: {  	s0 =	sand.u32 $0x1, s13;
	s15 =	smov.u32 s19  }
.LBB2_12:
0x197: {  	p3 =	sne.s32 s16, $0x1  }
.Ltmp13:
0x198: {  	_ = 	snop;
	(pc) =	sbr.rel @!p3 .LBB2_14-.Ltmp13, $4  }
0x199: {  	_ = 	snop  }
0x19a: {  	s5 =	sadd.s32 $0x1, s0  }
0x19b: {  	_ =	swait.ge [sflag:s5], $0x400  }
0x19c: {  	s7 =	sadd.s32 $0xFFFFFFFF, s16;
	[sflag:s5] =	ssyncset.done $0x0  }
.LBB2_13:
0x19d: {  	p3 =	sne.s32 s7, $0x1;
	s7 =	sadd.s32 $0xFFFFFFFF, s7;
	[sflag:s5] =	ssyncadd.s32 $0xFFFFFC00  }
.Ltmp14:
0x19e: {  	(pc) =	sbr.rel @p3 .LBB2_13-.Ltmp14, $3  }
0x19f: {  	_ =	sdelay $0x1  }
0x1a0: {  	_ =	swait.ge [sflag:s5], $0x400  }
0x1a1: {  	[sflag:s5] =	ssyncset.done $0x0  }
.LBB2_14:
.Ltmp15:
0x1a2: {  	(pc) =	sbr.rel .LBB2_15-.Ltmp15, $2  }
0x1a3: {  	_ =	sdelay $0x2  }
0x1a4: {  	[sflag:s5] =	ssyncadd.s32 $0xFFFFFC00  }
.LBB2_5:
0x1a5: {  	s0 =	sand.u32 $0x1, s13  }
.LBB2_15:
0x1a6: {  	s0 =	smul.u32 $0x10200, s0;
	_ =	sdelay $0x1  }
0x1a7: {  	s21 =	sshrl.u32 s0, $0x2  }
0x1a8: {  	v21 =	vld [tilespmem:$0x1FF10];
	s7 =	sadd.s32 $0x80, s21  }
0x1a9: {  	v19 =	vld.idx.msk [tilespmem:v10+s7+$0x0 ss:$0x1], $0xffff  }
0x1aa: {  	v20 =	vld [tilespmem:s21+$0x80];
	_ =	sdelay $0x1  }
.Ltmp16:
0x1ab: {  	_ = 	snop;
	(pc) =	sbr.rel @p2 .LBB2_21-.Ltmp16, $4  }
0x1ac: {  	vm8 =	vnez.u8 v21  }
0x1ad: {  	v19 =	vnsel vm8, $0xFF800000, v19  }
0x1ae: {  	v20 =	vmax.f32 v20, v19  }
0x1af: {  	s0 =	sadd.s32 s29, s7;
	v19 =	vsel vm0, v20, v19  }
0x1b0: {  	s2 =	sld [smem:$0x7E7];
	_ =	sdelay $0x2  }
0x1b1: {  	p3 =	seq.s32 s2, $0x1  }
.Ltmp17:
0x1b2: {  	_ = 	snop;
	(pc) =	sbr.rel @p3 .LBB2_20-.Ltmp17, $1  }
0x1b3: {  	_ =	sdelay $0x3  }
0x1b4: {  	s5 =	sadd.s32 $0xC0, s21  }
0x1b5: {  	v23 =	vld [tilespmem:s5+$0xFFFFFFD0]  }
0x1b6: {  	s10 =	rddreg [dreg:$0x15];
	v26 =	vld [tilespmem:s5+$0xFFFFFFE0]  }
0x1b7: {  	v28 =	vld [tilespmem:s5+$0xFFFFFFF0];
	p3 =	sne.s32 s10, $0x1  }
.Ltmp18:
0x1b8: {  	v22 =	vld [tilespmem:s5+$0x0];
	(pc) =	sbr.rel @!p3 .LBB2_19-.Ltmp18, $4  }
0x1b9: {  	v20 =	vld [tilespmem:s5+$0x10]  }
0x1ba: {  	v21 =	vld [tilespmem:s5+$0x20]  }
0x1bb: {  	v25 =	vld [tilespmem:s5+$0x30]  }
0x1bc: {  	v27 =	vld [tilespmem:s5+$0x40];
	s5 =	sadd.s32 $0x80, s5;
	s10 =	sadd.s32 $0xFFFFFFFF, s10  }
.LBB2_18:
0x1bd: {  	v29 =	vld [tilespmem:s5+$0xFFFFFFD0];
	p3 =	sne.s32 s10, $0x1;
	v30 =	vmov v22  }
0x1be: {  	v31 =	vld [tilespmem:s5+$0xFFFFFFE0]  }
0x1bf: {  	v32 =	vld [tilespmem:s5+$0xFFFFFFF0]  }
.Ltmp19:
0x1c0: {  	v34 =	vmax.f32 v23, v26;
	v22 =	vld [tilespmem:s5+$0x0];
	(pc) =	sbr.rel @p3 .LBB2_18-.Ltmp19, $4  }
0x1c1: {  	v35 =	vmax.f32 v28, v30;
	v28 =	vmax.f32 v20, v21;
	v20 =	vld [tilespmem:s5+$0x10];
	v25 =	vmax.f32 v25, v27  }
0x1c2: {  	v30 =	vmax.f32 v34, v35;
	v21 =	vld [tilespmem:s5+$0x20];
	v27 =	vmax.f32 v28, v25;
	v23 =	vmov v29  }
0x1c3: {  	v25 =	vld [tilespmem:s5+$0x30];
	v29 =	vmax.f32 v30, v27;
	v26 =	vmov v31  }
0x1c4: {  	s10 =	sadd.s32 $0xFFFFFFFF, s10;
	v27 =	vld [tilespmem:s5+$0x40];
	s5 =	sadd.s32 $0x80, s5;
	v19 =	vmax.f32 v19, v29;
	v28 =	vmov v32  }
.LBB2_19:
0x1c5: {  	_ =	sdelay $0x2  }
0x1c6: {  	v23 =	vmax.f32 v23, v26  }
0x1c7: {  	v22 =	vmax.f32 v28, v22;
	v20 =	vmax.f32 v20, v21;
	v44 =	vmax.f32 v25, v27  }
0x1c8: {  	v22 =	vmax.f32 v23, v22;
	v20 =	vmax.f32 v20, v44  }
0x1c9: {  	v20 =	vmax.f32 v22, v20  }
0x1ca: {  	v19 =	vmax.f32 v19, v20  }
.LBB2_20:
0x1cb: {  	v20 =	vld [tilespmem:$0x1FCE0]  }
0x1cc: {  	v21 =	vld [tilespmem:s0+$0xFFFFFF90]  }
0x1cd: {  	v22 =	vld [tilespmem:s0+$0xFFFFFFA0]  }
0x1ce: {  	v23 =	vld [tilespmem:s0+$0xFFFFFFB0]  }
0x1cf: {  	v25 =	vld [tilespmem:s0+$0xFFFFFFC0]  }
0x1d0: {  	v26 =	vld [tilespmem:s0+$0xFFFFFFD0]  }
0x1d1: {  	s5 =	rddreg [dreg:$0xa];
	v27 =	vld [tilespmem:s0+$0xFFFFFFE0]  }
0x1d2: {  	v28 =	vld [tilespmem:s0+$0xFFFFFFF0];
	s5 =	sadd.s32 s5, s7  }
0x1d3: {  	v20 =	vld.idx.msk [tilespmem:v20+s5+$0x0 ss:$0x1], $0xffff;
	_ =	sdelay $0x3  }
.Ltmp20:
0x1d4: {  	v40 =	vmax.f32 v22, v23;
	(pc) =	sbr.rel .LBB2_22-.Ltmp20, $4  }
0x1d5: {  	v41 =	vmax.f32 v25, v26;
	v43 =	vmax.f32 v27, v28;
	v20 =	vmax.f32 v20, v21  }
0x1d6: {  	v44 =	vmax.f32 v41, v43;
	v20 =	vmax.f32 v20, v40  }
0x1d7: {  	v20 =	vmax.f32 v20, v44  }
0x1d8: {  	v19 =	vmax.f32 v19, v20  }
.LBB2_21:
0x1d9: {  	v20 =	vld [tilespmem:s21+$0x90]  }
0x1da: {  	v21 =	vld [tilespmem:s21+$0xA0]  }
0x1db: {  	v22 =	vld [tilespmem:s21+$0xB0]  }
0x1dc: {  	v23 =	vld [tilespmem:s21+$0xC0]  }
0x1dd: {  	v25 =	vld [tilespmem:s21+$0xD0]  }
0x1de: {  	v26 =	vld [tilespmem:s21+$0xE0];
	_ =	sdelay $0x1  }
0x1df: {  	v27 =	vld [tilespmem:s21+$0xF0];
	_ =	sdelay $0x2  }
0x1e0: {  	p3 =	sgt.u32 s17, $0x6F;
	p4 =	sgt.u32 s17, $0x4F;
	p5 =	sgt.u32 s17, $0x2F;
	v21 =	vmax.f32 v20, v21;
	v23 =	vmax.f32 v22, v23;
	v26 =	vmax.f32 v25, v26  }
0x1e1: {  	v20 =	vpsel p5, v21, v20;
	v40 =	vpsel p4, v23, v22;
	v41 =	vpsel p3, v26, v25  }
0x1e2: {  	p3 =	sgt.u32 s17, $0x7F;
	p5 =	sgt.u32 s17, $0x3F;
	v21 =	vmax.f32 v20, v40;
	v43 =	vmax.f32 v41, v27  }
0x1e3: {  	v20 =	vpsel p5, v21, v20;
	v44 =	vpsel p3, v43, v41  }
0x1e4: {  	p4 =	sgt.u32 s17, $0x5F;
	v21 =	vmax.f32 v20, v44  }
0x1e5: {  	v20 =	vpsel p4, v21, v20  }
0x1e6: {  	p5 =	sgt.u32 s17, $0x1F;
	v20 =	vmax.f32 v19, v20  }
0x1e7: {  	v19 =	vpsel p5, v20, v19  }
.LBB2_22:
0x1e8: {  	_ =	sdelay $0x2  }
0x1e9: {  	s0 =	sld [smem:$0x78B]  }
0x1ea: {  	v20 =	vld.idx.msk [tilespmem:v11+s7+$0x0 ss:$0x1], $0xffff  }
0x1eb: {  	v21 =	vld.idx.msk [tilespmem:v6+s7+$0x0 ss:$0x1], $0xffff  }
0x1ec: {  	p3 =	seq.s32 s0, $0x1  }
.Ltmp21:
0x1ed: {  	_ = 	snop;
	(pc) =	sbr.rel @p3 .LBB2_32-.Ltmp21, $4  }
0x1ee: {  	_ = 	snop  }
0x1ef: {  	v20 =	vnsel vm10, $0xFF800000, v20  }
0x1f0: {  	v21 =	vmax.f32 v21, v20  }
0x1f1: {  	s19 =	sadd.s32 s15, s7;
	v20 =	vsel vm9, v21, v20  }
0x1f2: {  	s0 =	sld [smem:$0x7E8];
	_ =	sdelay $0x2  }
0x1f3: {  	p3 =	seq.s32 s0, $0x1  }
.Ltmp22:
0x1f4: {  	_ = 	snop;
	(pc) =	sbr.rel @p3 .LBB2_31-.Ltmp22, $1  }
0x1f5: {  	_ =	sdelay $0x3  }
0x1f6: {  	s0 =	sld [smem:$0x79E]  }
0x1f7: {  	s5 =	sld [smem:$0x7F0];
	_ =	sdelay $0x1  }
0x1f8: {  	s10 =	rddreg [dreg:$0xb];
	s0 =	sadd.s32 s21, s0  }
0x1f9: {  	s2 =	smov.u32 s31;
	p4 =	sne.s32 s10, $0x1;
	s5 =	sadd.s32 s5, s7;
	v32 =	vld [tilespmem:s0+$0xFFFFFFE0]  }
.Ltmp23:
0x1fa: {  	s31 =	smov.u32 s25;
	s25 =	smov.u32 s26;
	v30 =	vld [tilespmem:s0+$0xFFFFFFF0];
	v21 =	vmov s5;
	(pc) =	sbr.rel @!p4 .LBB2_25-.Ltmp23, $4  }
0x1fb: {  	s26 =	smov.u32 s28;
	s28 =	smov.u32 s23;
	s23 =	sld [smem:$0x7EF];
	v34 =	vld [tilespmem:s0+$0x0]  }
0x1fc: {  	v31 =	vld [tilespmem:s0+$0x10]  }
0x1fd: {  	v36 =	vld [tilespmem:s0+$0x20]  }
0x1fe: {  	p3 =	por $0x0, $0x0;
	s22 =	sadd.s32 $0xFFFFFFFF, s10;
	s5 =	sand.u32 $0xFFFFFF80, s23;
	v22 =	vld [tilespmem:s0+$0x30]  }
0x1ff: {  	_ =	sdelay $0x1  }
0x200: {  	v23 =	vld [tilespmem:s0+$0x40];
	_ =	sdelay $0x1  }
0x201: {  	v35 =	vld.idx.msk [tilespmem:v21+s5+$0x0 ss:$0x1], $0xffff;
	s0 =	sadd.s32 $0x80, s0  }
0x202: {  	p4 =	sne.s32 s22, $0x1;
	v26 =	vld [tilespmem:s0+$0xFFFFFFE0]  }
.Ltmp24:
0x203: {  	v29 =	vld [tilespmem:s0+$0xFFFFFFF0];
	(pc) =	sbr.rel @!p4 .LBB2_27-.Ltmp24, $4  }
0x204: {  	v28 =	vld [tilespmem:s0+$0x0];
	v23 =	vmax.f32 v22, v23  }
0x205: {  	v27 =	vld [tilespmem:s0+$0x10]  }
0x206: {  	s10 =	sadd.s32 $0x80, s23;
	v30 =	vmax.f32 v30, v34;
	v25 =	vld [tilespmem:s0+$0x20];
	v31 =	vmax.f32 v31, v36;
	v32 =	vmax.f32 v35, v32  }
0x207: {  	s22 =	sadd.s32 $0xFFFFFFFF, s22;
	p3 =	por $0x1, $0x1;
	s5 =	sand.u32 $0xFFFFFF80, s10;
	v22 =	vld [tilespmem:s0+$0x30];
	v35 =	vmax.f32 v32, v30;
	v37 =	vmax.f32 v31, v23;
	v23 =	vmov v20  }
.LBB2_28:
0x208: {  	p4 =	sne.s32 s22, $0x1;
	v30 =	vld.idx.msk [tilespmem:v21+s5+$0x0 ss:$0x1], $0xffff;
	v37 =	vmax.f32 v35, v37;
	v32 =	vmov v29  }
0x209: {  	v34 =	vld [tilespmem:s0+$0x40];
	s0 =	sadd.s32 $0x80, s0;
	v23 =	vmax.f32 v23, v37;
	v31 =	vmov v28  }
0x20a: {  	v36 =	vld [tilespmem:s0+$0xFFFFFFE0];
	v35 =	vmov v27  }
.Ltmp25:
0x20b: {  	v29 =	vld [tilespmem:s0+$0xFFFFFFF0];
	(pc) =	sbr.rel @p4 .LBB2_28-.Ltmp25, $4  }
0x20c: {  	v28 =	vld [tilespmem:s0+$0x0]  }
0x20d: {  	v31 =	vmax.f32 v32, v31;
	v27 =	vld [tilespmem:s0+$0x10]  }
0x20e: {  	s10 =	sadd.s32 $0x80, s10;
	v38 =	vmax.f32 v30, v26;
	v30 =	vmax.f32 v35, v25;
	v25 =	vld [tilespmem:s0+$0x20];
	v32 =	vmax.f32 v22, v34  }
0x20f: {  	s22 =	sadd.s32 $0xFFFFFFFF, s22;
	s5 =	sand.u32 $0xFFFFFF80, s10;
	v35 =	vmax.f32 v38, v31;
	v22 =	vld [tilespmem:s0+$0x30];
	v37 =	vmax.f32 v30, v32;
	v26 =	vmov v36  }
0x210: {  	_ =	sdelay $0x2  }
0x211: {  	v30 =	vmovc v29;
	v32 =	vmovc v26;
	s23 =	smov.u32 s28;
	v34 =	vmov v28;
	v31 =	vmov v27;
	v36 =	vmov v25  }
.LBB2_30:
0x212: {  	_ =	sdelay $0x3  }
0x213: {  	v21 =	vld.idx.msk [tilespmem:v21+s5+$0x0 ss:$0x1], $0xffff  }
0x214: {  	v25 =	vld [tilespmem:s0+$0x40];
	_ =	sdelay $0x3  }
0x215: {  	v26 =	vmax.f32 @p3 v35, v37;
	v27 =	vmax.f32 v30, v34  }
0x216: {  	v28 =	vmax.f32 v31, v36;
	v21 =	vmax.f32 v21, v32;
	v22 =	vmax.f32 v22, v25  }
0x217: {  	v23 =	vmax.f32 @p3 v23, v26;
	v21 =	vmax.f32 v21, v27;
	v22 =	vmax.f32 v28, v22  }
0x218: {  	s28 =	smov.u32 s26;
	v20 =	vpsel p3, v23, v20;
	v21 =	vmax.f32 v21, v22  }
0x219: {  	s26 =	smov.u32 s25;
	s25 =	smov.u32 s31;
	s31 =	smov.u32 s2;
	v20 =	vmax.f32 v20, v21  }
.LBB2_31:
0x21a: {  	v21 =	vld [tilespmem:$0x1FD60];
	_ =	sdelay $0x1  }
0x21b: {  	v22 =	vld [tilespmem:s19+$0xFFFFFF90]  }
0x21c: {  	v23 =	vld [tilespmem:s19+$0xFFFFFFA0]  }
0x21d: {  	v25 =	vld [tilespmem:s19+$0xFFFFFFB0]  }
0x21e: {  	v26 =	vld [tilespmem:s19+$0xFFFFFFC0]  }
0x21f: {  	s0 =	rddreg [dreg:$0xd];
	v27 =	vld [tilespmem:s19+$0xFFFFFFD0]  }
0x220: {  	v28 =	vld [tilespmem:s19+$0xFFFFFFE0];
	s0 =	sadd.s32 s0, s7  }
0x221: {  	v21 =	vld.idx.msk [tilespmem:v21+s0+$0x0 ss:$0x1], $0xffff  }
0x222: {  	v29 =	vld [tilespmem:s19+$0xFFFFFFF0];
	_ =	sdelay $0x3  }
.Ltmp26:
0x223: {  	v21 =	vmax.f32 v21, v22;
	(pc) =	sbr.rel .LBB2_33-.Ltmp26, $4  }
0x224: {  	v22 =	vmax.f32 v23, v25;
	v23 =	vmax.f32 v26, v27;
	v25 =	vmax.f32 v28, v29  }
0x225: {  	v21 =	vmax.f32 v21, v22;
	v22 =	vmax.f32 v23, v25  }
0x226: {  	v21 =	vmax.f32 v21, v22  }
0x227: {  	v20 =	vmax.f32 v20, v21  }
.LBB2_32:
0x228: {  	v21 =	vld [tilespmem:$0x1FCF0]  }
0x229: {  	v22 =	vld [tilespmem:$0x1FD00]  }
0x22a: {  	v23 =	vld [tilespmem:$0x1FD20]  }
0x22b: {  	v25 =	vld [tilespmem:$0x1FD40]  }
0x22c: {  	v26 =	vld [tilespmem:$0x1FD30]  }
0x22d: {  	v27 =	vld [tilespmem:$0x1FD10]  }
0x22e: {  	v28 =	vld [tilespmem:$0x1FD50];
	_ =	sdelay $0x1  }
0x22f: {  	v21 =	vld.idx.msk [tilespmem:v21+s7+$0x0 ss:$0x1], $0xffff  }
0x230: {  	v22 =	vld.idx.msk [tilespmem:v22+s7+$0x0 ss:$0x1], $0xffff  }
0x231: {  	v23 =	vld.idx.msk [tilespmem:v23+s7+$0x0 ss:$0x1], $0xffff  }
0x232: {  	s0 =	sld [smem:$0x7AF];
	v25 =	vld.idx.msk [tilespmem:v25+s7+$0x0 ss:$0x1], $0xffff  }
0x233: {  	s22 =	sld [smem:$0x7AC];
	v26 =	vld.idx.msk [tilespmem:v26+s7+$0x0 ss:$0x1], $0xffff  }
0x234: {  	s2 =	sld [smem:$0x7AA];
	v27 =	vld.idx.msk [tilespmem:v27+s7+$0x0 ss:$0x1], $0xffff  }
0x235: {  	s5 =	sld [smem:$0x7AE];
	v28 =	vld.idx.msk [tilespmem:v28+s7+$0x0 ss:$0x1], $0xffff  }
0x236: {  	s10 =	sld [smem:$0x7AB];
	p3 =	slt.u32 s0, s20  }
0x237: {  	p4 =	slt.u32 s22, s20;
	p5 =	slt.u32 s2, s20;
	s22 =	sld [smem:$0x7B0];
	v25 =	vpsel !p3, $0xFF800000, v25  }
0x238: {  	s19 =	rddreg [dreg:$0xc];
	p3 =	slt.u32 s5, s20;
	v22 =	vpsel !p5, $0xFF800000, v22;
	v23 =	vpsel !p4, $0xFF800000, v23;
	v26 =	vmax.f32 v26, v25  }
0x239: {  	p4 =	slt.u32 s10, s20;
	p5 =	sgt.u32 s20, s19;
	v21 =	vmax.f32 v21, v22;
	v27 =	vmax.f32 v27, v23;
	v25 =	vpsel p3, v26, v25  }
0x23a: {  	p3 =	slt.u32 s22, s20;
	v21 =	vpsel p5, v21, v22;
	v22 =	vpsel p4, v27, v23;
	v23 =	vmax.f32 v25, v28  }
0x23b: {  	v21 =	vmax.f32 v21, v22;
	v22 =	vpsel p3, v23, v25  }
0x23c: {  	v21 =	vmax.f32 v21, v22  }
0x23d: {  	v20 =	vmax.f32 v20, v21  }
.LBB2_33:
0x23e: {  	_ =	sdelay $0x2  }
0x23f: {  	s22 =	sld [smem:$0x78C]  }
0x240: {  	v21 =	vld.idx.msk [tilespmem:v12+s7+$0x0 ss:$0x1], $0xffff  }
0x241: {  	v22 =	vld.idx.msk [tilespmem:v15+s7+$0x0 ss:$0x1], $0xffff  }
0x242: {  	p3 =	seq.s32 s22, $0x1  }
.Ltmp27:
0x243: {  	_ = 	snop;
	(pc) =	sbr.rel @p3 .LBB2_43-.Ltmp27, $4  }
0x244: {  	s0 =	sld [smem:$0x7F3]  }
0x245: {  	v21 =	vnsel vm12, $0xFF800000, v21  }
0x246: {  	v22 =	vmax.f32 v22, v21  }
0x247: {  	s19 =	sadd.s32 s0, s7;
	v21 =	vsel vm11, v22, v21  }
0x248: {  	s0 =	sld [smem:$0x7E9];
	_ =	sdelay $0x2  }
0x249: {  	p3 =	seq.s32 s0, $0x1  }
.Ltmp28:
0x24a: {  	_ = 	snop;
	(pc) =	sbr.rel @p3 .LBB2_42-.Ltmp28, $1  }
0x24b: {  	_ =	sdelay $0x3  }
0x24c: {  	s0 =	sld [smem:$0x79F]  }
0x24d: {  	s5 =	sld [smem:$0x7F1];
	_ =	sdelay $0x1  }
0x24e: {  	s10 =	rddreg [dreg:$0xe];
	s0 =	sadd.s32 s21, s0  }
0x24f: {  	p4 =	sne.s32 s10, $0x1;
	s5 =	sadd.s32 s5, s7;
	v34 =	vld [tilespmem:s0+$0xFFFFFFE0]  }
.Ltmp29:
0x250: {  	v31 =	vld [tilespmem:s0+$0xFFFFFFF0];
	v22 =	vmov s5;
	(pc) =	sbr.rel @!p4 .LBB2_36-.Ltmp29, $4  }
0x251: {  	v35 =	vld [tilespmem:s0+$0x0]  }
0x252: {  	v32 =	vld [tilespmem:s0+$0x10]  }
0x253: {  	v37 =	vld [tilespmem:s0+$0x20]  }
0x254: {  	p3 =	por $0x0, $0x0;
	s22 =	sadd.s32 $0xFFFFFFFF, s10;
	s5 =	sand.u32 $0xFFFFFF80, s23;
	v23 =	vld [tilespmem:s0+$0x30]  }
0x255: {  	_ =	sdelay $0x1  }
0x256: {  	v25 =	vld [tilespmem:s0+$0x40];
	_ =	sdelay $0x1  }
0x257: {  	v36 =	vld.idx.msk [tilespmem:v22+s5+$0x0 ss:$0x1], $0xffff;
	s0 =	sadd.s32 $0x80, s0  }
0x258: {  	p4 =	sne.s32 s22, $0x1;
	v27 =	vld [tilespmem:s0+$0xFFFFFFE0]  }
.Ltmp30:
0x259: {  	v30 =	vld [tilespmem:s0+$0xFFFFFFF0];
	(pc) =	sbr.rel @!p4 .LBB2_38-.Ltmp30, $4  }
0x25a: {  	v29 =	vld [tilespmem:s0+$0x0];
	v25 =	vmax.f32 v23, v25  }
0x25b: {  	v28 =	vld [tilespmem:s0+$0x10]  }
0x25c: {  	s10 =	sadd.s32 $0x80, s23;
	v31 =	vmax.f32 v31, v35;
	v26 =	vld [tilespmem:s0+$0x20];
	v32 =	vmax.f32 v32, v37;
	v34 =	vmax.f32 v36, v34  }
0x25d: {  	s22 =	sadd.s32 $0xFFFFFFFF, s22;
	p3 =	por $0x1, $0x1;
	s5 =	sand.u32 $0xFFFFFF80, s10;
	v23 =	vld [tilespmem:s0+$0x30];
	v36 =	vmax.f32 v34, v31;
	v38 =	vmax.f32 v32, v25;
	v25 =	vmov v21  }
.LBB2_39:
0x25e: {  	p4 =	sne.s32 s22, $0x1;
	v31 =	vld.idx.msk [tilespmem:v22+s5+$0x0 ss:$0x1], $0xffff;
	v38 =	vmax.f32 v36, v38;
	v34 =	vmov v30  }
0x25f: {  	v35 =	vld [tilespmem:s0+$0x40];
	s0 =	sadd.s32 $0x80, s0;
	v25 =	vmax.f32 v25, v38;
	v32 =	vmov v29  }
0x260: {  	v37 =	vld [tilespmem:s0+$0xFFFFFFE0];
	v36 =	vmov v28  }
.Ltmp31:
0x261: {  	v30 =	vld [tilespmem:s0+$0xFFFFFFF0];
	(pc) =	sbr.rel @p4 .LBB2_39-.Ltmp31, $4  }
0x262: {  	v29 =	vld [tilespmem:s0+$0x0]  }
0x263: {  	v32 =	vmax.f32 v34, v32;
	v28 =	vld [tilespmem:s0+$0x10]  }
0x264: {  	s10 =	sadd.s32 $0x80, s10;
	v39 =	vmax.f32 v31, v27;
	v31 =	vmax.f32 v36, v26;
	v26 =	vld [tilespmem:s0+$0x20];
	v34 =	vmax.f32 v23, v35  }
0x265: {  	s22 =	sadd.s32 $0xFFFFFFFF, s22;
	s5 =	sand.u32 $0xFFFFFF80, s10;
	v36 =	vmax.f32 v39, v32;
	v23 =	vld [tilespmem:s0+$0x30];
	v38 =	vmax.f32 v31, v34;
	v27 =	vmov v37  }
0x266: {  	_ =	sdelay $0x2  }
0x267: {  	v31 =	vmovc v30;
	v34 =	vmovc v27;
	v35 =	vmov v29;
	v32 =	vmov v28;
	v37 =	vmov v26  }
.LBB2_41:
0x268: {  	_ =	sdelay $0x3  }
0x269: {  	v22 =	vld.idx.msk [tilespmem:v22+s5+$0x0 ss:$0x1], $0xffff  }
0x26a: {  	v26 =	vld [tilespmem:s0+$0x40];
	_ =	sdelay $0x3  }
0x26b: {  	v27 =	vmax.f32 @p3 v36, v38;
	v28 =	vmax.f32 v31, v35  }
0x26c: {  	v29 =	vmax.f32 v32, v37;
	v22 =	vmax.f32 v22, v34;
	v23 =	vmax.f32 v23, v26  }
0x26d: {  	v25 =	vmax.f32 @p3 v25, v27;
	v22 =	vmax.f32 v22, v28;
	v23 =	vmax.f32 v29, v23  }
0x26e: {  	v21 =	vpsel p3, v25, v21;
	v22 =	vmax.f32 v22, v23  }
0x26f: {  	v21 =	vmax.f32 v21, v22  }
.LBB2_42:
0x270: {  	v22 =	vld [tilespmem:$0x1FDE0];
	_ =	sdelay $0x1  }
0x271: {  	v23 =	vld [tilespmem:s19+$0xFFFFFF90]  }
0x272: {  	v25 =	vld [tilespmem:s19+$0xFFFFFFA0]  }
0x273: {  	v26 =	vld [tilespmem:s19+$0xFFFFFFB0]  }
0x274: {  	v27 =	vld [tilespmem:s19+$0xFFFFFFC0]  }
0x275: {  	s0 =	rddreg [dreg:$0xf];
	v28 =	vld [tilespmem:s19+$0xFFFFFFD0]  }
0x276: {  	v29 =	vld [tilespmem:s19+$0xFFFFFFE0];
	s0 =	sadd.s32 s0, s7  }
0x277: {  	v22 =	vld.idx.msk [tilespmem:v22+s0+$0x0 ss:$0x1], $0xffff  }
0x278: {  	v30 =	vld [tilespmem:s19+$0xFFFFFFF0];
	_ =	sdelay $0x3  }
.Ltmp32:
0x279: {  	v22 =	vmax.f32 v22, v23;
	(pc) =	sbr.rel .LBB2_44-.Ltmp32, $4  }
0x27a: {  	v23 =	vmax.f32 v25, v26;
	v25 =	vmax.f32 v27, v28;
	v26 =	vmax.f32 v29, v30  }
0x27b: {  	v22 =	vmax.f32 v22, v23;
	v23 =	vmax.f32 v25, v26  }
0x27c: {  	v22 =	vmax.f32 v22, v23  }
0x27d: {  	v21 =	vmax.f32 v21, v22  }
.LBB2_43:
0x27e: {  	v22 =	vld [tilespmem:$0x1FD70]  }
0x27f: {  	v23 =	vld [tilespmem:$0x1FD80]  }
0x280: {  	v25 =	vld [tilespmem:$0x1FDA0]  }
0x281: {  	v26 =	vld [tilespmem:$0x1FDC0]  }
0x282: {  	v27 =	vld [tilespmem:$0x1FDB0]  }
0x283: {  	v28 =	vld [tilespmem:$0x1FD90]  }
0x284: {  	v29 =	vld [tilespmem:$0x1FDD0];
	_ =	sdelay $0x1  }
0x285: {  	v22 =	vld.idx.msk [tilespmem:v22+s7+$0x0 ss:$0x1], $0xffff  }
0x286: {  	v23 =	vld.idx.msk [tilespmem:v23+s7+$0x0 ss:$0x1], $0xffff  }
0x287: {  	v25 =	vld.idx.msk [tilespmem:v25+s7+$0x0 ss:$0x1], $0xffff  }
0x288: {  	s0 =	sld [smem:$0x7B6];
	v26 =	vld.idx.msk [tilespmem:v26+s7+$0x0 ss:$0x1], $0xffff  }
0x289: {  	s22 =	sld [smem:$0x7B3];
	v27 =	vld.idx.msk [tilespmem:v27+s7+$0x0 ss:$0x1], $0xffff  }
0x28a: {  	s2 =	sld [smem:$0x7A8];
	v28 =	vld.idx.msk [tilespmem:v28+s7+$0x0 ss:$0x1], $0xffff  }
0x28b: {  	s5 =	sld [smem:$0x7B5];
	v29 =	vld.idx.msk [tilespmem:v29+s7+$0x0 ss:$0x1], $0xffff  }
0x28c: {  	s10 =	sld [smem:$0x7B2];
	p3 =	slt.u32 s0, s24  }
0x28d: {  	p4 =	slt.u32 s22, s24;
	p5 =	slt.u32 s2, s24;
	s22 =	sld [smem:$0x7B7];
	v26 =	vpsel !p3, $0xFF800000, v26  }
0x28e: {  	s19 =	rddreg [dreg:$0x10];
	p3 =	slt.u32 s5, s24;
	v23 =	vpsel !p5, $0xFF800000, v23;
	v25 =	vpsel !p4, $0xFF800000, v25;
	v27 =	vmax.f32 v27, v26  }
0x28f: {  	p4 =	slt.u32 s10, s24;
	p5 =	sgt.u32 s24, s19;
	v22 =	vmax.f32 v22, v23;
	v28 =	vmax.f32 v28, v25;
	v26 =	vpsel p3, v27, v26  }
0x290: {  	p3 =	slt.u32 s22, s24;
	v22 =	vpsel p5, v22, v23;
	v23 =	vpsel p4, v28, v25;
	v25 =	vmax.f32 v26, v29  }
0x291: {  	v22 =	vmax.f32 v22, v23;
	v23 =	vpsel p3, v25, v26  }
0x292: {  	v22 =	vmax.f32 v22, v23  }
0x293: {  	v21 =	vmax.f32 v21, v22  }
.LBB2_44:
0x294: {  	_ =	sdelay $0x2  }
0x295: {  	s22 =	sld [smem:$0x78D]  }
0x296: {  	v22 =	vld.idx.msk [tilespmem:v13+s7+$0x0 ss:$0x1], $0xffff  }
0x297: {  	v23 =	vld.idx.msk [tilespmem:v24+s7+$0x0 ss:$0x1], $0xffff  }
0x298: {  	p3 =	seq.s32 s22, $0x1  }
.Ltmp33:
0x299: {  	_ = 	snop;
	(pc) =	sbr.rel @p3 .LBB2_54-.Ltmp33, $4  }
0x29a: {  	s0 =	sld [smem:$0x7F4]  }
0x29b: {  	v22 =	vnsel vm14, $0xFF800000, v22  }
0x29c: {  	v23 =	vmax.f32 v23, v22  }
0x29d: {  	s19 =	sadd.s32 s0, s7;
	v22 =	vsel vm13, v23, v22  }
0x29e: {  	s0 =	sld [smem:$0x7EA];
	_ =	sdelay $0x2  }
0x29f: {  	p3 =	seq.s32 s0, $0x1  }
.Ltmp34:
0x2a0: {  	_ = 	snop;
	(pc) =	sbr.rel @p3 .LBB2_53-.Ltmp34, $1  }
0x2a1: {  	_ =	sdelay $0x3  }
0x2a2: {  	s0 =	sld [smem:$0x7A0]  }
0x2a3: {  	s5 =	sld [smem:$0x7F2];
	_ =	sdelay $0x1  }
0x2a4: {  	s10 =	rddreg [dreg:$0x13];
	s0 =	sadd.s32 s21, s0  }
0x2a5: {  	p4 =	sne.s32 s10, $0x1;
	s5 =	sadd.s32 s5, s7;
	v35 =	vld [tilespmem:s0+$0xFFFFFFE0]  }
.Ltmp35:
0x2a6: {  	v32 =	vld [tilespmem:s0+$0xFFFFFFF0];
	v23 =	vmov s5;
	(pc) =	sbr.rel @!p4 .LBB2_47-.Ltmp35, $4  }
0x2a7: {  	v36 =	vld [tilespmem:s0+$0x0]  }
0x2a8: {  	v34 =	vld [tilespmem:s0+$0x10]  }
0x2a9: {  	v38 =	vld [tilespmem:s0+$0x20]  }
0x2aa: {  	p3 =	por $0x0, $0x0;
	s22 =	sadd.s32 $0xFFFFFFFF, s10;
	s5 =	sand.u32 $0xFFFFFF80, s28;
	v25 =	vld [tilespmem:s0+$0x30]  }
0x2ab: {  	_ =	sdelay $0x1  }
0x2ac: {  	v26 =	vld [tilespmem:s0+$0x40];
	_ =	sdelay $0x1  }
0x2ad: {  	v37 =	vld.idx.msk [tilespmem:v23+s5+$0x0 ss:$0x1], $0xffff;
	s0 =	sadd.s32 $0x80, s0  }
0x2ae: {  	p4 =	sne.s32 s22, $0x1;
	v28 =	vld [tilespmem:s0+$0xFFFFFFE0]  }
.Ltmp36:
0x2af: {  	v31 =	vld [tilespmem:s0+$0xFFFFFFF0];
	(pc) =	sbr.rel @!p4 .LBB2_49-.Ltmp36, $4  }
0x2b0: {  	v30 =	vld [tilespmem:s0+$0x0];
	v26 =	vmax.f32 v25, v26  }
0x2b1: {  	v29 =	vld [tilespmem:s0+$0x10]  }
0x2b2: {  	s10 =	sadd.s32 $0x80, s28;
	v32 =	vmax.f32 v32, v36;
	v27 =	vld [tilespmem:s0+$0x20];
	v34 =	vmax.f32 v34, v38;
	v35 =	vmax.f32 v37, v35  }
0x2b3: {  	s22 =	sadd.s32 $0xFFFFFFFF, s22;
	p3 =	por $0x1, $0x1;
	s5 =	sand.u32 $0xFFFFFF80, s10;
	v25 =	vld [tilespmem:s0+$0x30];
	v37 =	vmax.f32 v35, v32;
	v39 =	vmax.f32 v34, v26;
	v26 =	vmov v22  }
.LBB2_50:
0x2b4: {  	p4 =	sne.s32 s22, $0x1;
	v32 =	vld.idx.msk [tilespmem:v23+s5+$0x0 ss:$0x1], $0xffff;
	v39 =	vmax.f32 v37, v39;
	v35 =	vmov v31  }
0x2b5: {  	v36 =	vld [tilespmem:s0+$0x40];
	s0 =	sadd.s32 $0x80, s0;
	v26 =	vmax.f32 v26, v39;
	v34 =	vmov v30  }
0x2b6: {  	v38 =	vld [tilespmem:s0+$0xFFFFFFE0];
	v37 =	vmov v29  }
.Ltmp37:
0x2b7: {  	v31 =	vld [tilespmem:s0+$0xFFFFFFF0];
	(pc) =	sbr.rel @p4 .LBB2_50-.Ltmp37, $4  }
0x2b8: {  	v30 =	vld [tilespmem:s0+$0x0]  }
0x2b9: {  	v34 =	vmax.f32 v35, v34;
	v29 =	vld [tilespmem:s0+$0x10]  }
0x2ba: {  	s10 =	sadd.s32 $0x80, s10;
	v40 =	vmax.f32 v32, v28;
	v32 =	vmax.f32 v37, v27;
	v27 =	vld [tilespmem:s0+$0x20];
	v35 =	vmax.f32 v25, v36  }
0x2bb: {  	s22 =	sadd.s32 $0xFFFFFFFF, s22;
	s5 =	sand.u32 $0xFFFFFF80, s10;
	v37 =	vmax.f32 v40, v34;
	v25 =	vld [tilespmem:s0+$0x30];
	v39 =	vmax.f32 v32, v35;
	v28 =	vmov v38  }
0x2bc: {  	_ =	sdelay $0x2  }
0x2bd: {  	v32 =	vmovc v31;
	v35 =	vmovc v28;
	v36 =	vmov v30;
	v34 =	vmov v29;
	v38 =	vmov v27  }
.LBB2_52:
0x2be: {  	_ =	sdelay $0x3  }
0x2bf: {  	v23 =	vld.idx.msk [tilespmem:v23+s5+$0x0 ss:$0x1], $0xffff  }
0x2c0: {  	v27 =	vld [tilespmem:s0+$0x40];
	_ =	sdelay $0x3  }
0x2c1: {  	v28 =	vmax.f32 @p3 v37, v39;
	v29 =	vmax.f32 v32, v36  }
0x2c2: {  	v30 =	vmax.f32 v34, v38;
	v23 =	vmax.f32 v23, v35;
	v25 =	vmax.f32 v25, v27  }
0x2c3: {  	v26 =	vmax.f32 @p3 v26, v28;
	v23 =	vmax.f32 v23, v29;
	v25 =	vmax.f32 v30, v25  }
0x2c4: {  	v22 =	vpsel p3, v26, v22;
	v23 =	vmax.f32 v23, v25  }
0x2c5: {  	v22 =	vmax.f32 v22, v23  }
.LBB2_53:
0x2c6: {  	v23 =	vld [tilespmem:$0x1FE60];
	_ =	sdelay $0x1  }
0x2c7: {  	v25 =	vld [tilespmem:s19+$0xFFFFFF90]  }
0x2c8: {  	v26 =	vld [tilespmem:s19+$0xFFFFFFA0]  }
0x2c9: {  	v27 =	vld [tilespmem:s19+$0xFFFFFFB0]  }
0x2ca: {  	v28 =	vld [tilespmem:s19+$0xFFFFFFC0]  }
0x2cb: {  	s0 =	rddreg [dreg:$0x14];
	v29 =	vld [tilespmem:s19+$0xFFFFFFD0]  }
0x2cc: {  	v30 =	vld [tilespmem:s19+$0xFFFFFFE0];
	s0 =	sadd.s32 s0, s7  }
0x2cd: {  	v23 =	vld.idx.msk [tilespmem:v23+s0+$0x0 ss:$0x1], $0xffff  }
0x2ce: {  	v31 =	vld [tilespmem:s19+$0xFFFFFFF0];
	_ =	sdelay $0x3  }
.Ltmp38:
0x2cf: {  	v23 =	vmax.f32 v23, v25;
	(pc) =	sbr.rel .LBB2_55-.Ltmp38, $4  }
0x2d0: {  	v25 =	vmax.f32 v26, v27;
	v26 =	vmax.f32 v28, v29;
	v27 =	vmax.f32 v30, v31  }
0x2d1: {  	v23 =	vmax.f32 v23, v25;
	v25 =	vmax.f32 v26, v27  }
0x2d2: {  	v23 =	vmax.f32 v23, v25  }
0x2d3: {  	v22 =	vmax.f32 v22, v23  }
.LBB2_54:
0x2d4: {  	v23 =	vld [tilespmem:$0x1FDF0]  }
0x2d5: {  	v25 =	vld [tilespmem:$0x1FE00]  }
0x2d6: {  	v26 =	vld [tilespmem:$0x1FE20]  }
0x2d7: {  	v27 =	vld [tilespmem:$0x1FE40]  }
0x2d8: {  	v28 =	vld [tilespmem:$0x1FE30]  }
0x2d9: {  	v29 =	vld [tilespmem:$0x1FE10]  }
0x2da: {  	v30 =	vld [tilespmem:$0x1FE50];
	_ =	sdelay $0x1  }
0x2db: {  	v23 =	vld.idx.msk [tilespmem:v23+s7+$0x0 ss:$0x1], $0xffff  }
0x2dc: {  	v25 =	vld.idx.msk [tilespmem:v25+s7+$0x0 ss:$0x1], $0xffff  }
0x2dd: {  	v26 =	vld.idx.msk [tilespmem:v26+s7+$0x0 ss:$0x1], $0xffff  }
0x2de: {  	s0 =	sld [smem:$0x7BB];
	v27 =	vld.idx.msk [tilespmem:v27+s7+$0x0 ss:$0x1], $0xffff  }
0x2df: {  	s22 =	sld [smem:$0x7B8];
	v28 =	vld.idx.msk [tilespmem:v28+s7+$0x0 ss:$0x1], $0xffff  }
0x2e0: {  	s2 =	sld [smem:$0x7A7];
	v29 =	vld.idx.msk [tilespmem:v29+s7+$0x0 ss:$0x1], $0xffff  }
0x2e1: {  	s5 =	sld [smem:$0x7BA];
	v30 =	vld.idx.msk [tilespmem:v30+s7+$0x0 ss:$0x1], $0xffff  }
0x2e2: {  	s10 =	sld [smem:$0x7A9];
	p3 =	slt.u32 s0, s30  }
0x2e3: {  	p4 =	slt.u32 s22, s30;
	p5 =	slt.u32 s2, s30;
	s22 =	sld [smem:$0x7BC];
	v27 =	vpsel !p3, $0xFF800000, v27  }
0x2e4: {  	s19 =	rddreg [dreg:$0x11];
	p3 =	slt.u32 s5, s30;
	v25 =	vpsel !p5, $0xFF800000, v25;
	v26 =	vpsel !p4, $0xFF800000, v26;
	v28 =	vmax.f32 v28, v27  }
0x2e5: {  	p4 =	slt.u32 s10, s30;
	p5 =	sgt.u32 s30, s19;
	v23 =	vmax.f32 v23, v25;
	v29 =	vmax.f32 v29, v26;
	v27 =	vpsel p3, v28, v27  }
0x2e6: {  	p3 =	slt.u32 s22, s30;
	v23 =	vpsel p5, v23, v25;
	v25 =	vpsel p4, v29, v26;
	v26 =	vmax.f32 v27, v30  }
0x2e7: {  	v23 =	vmax.f32 v23, v25;
	v25 =	vpsel p3, v26, v27  }
0x2e8: {  	v23 =	vmax.f32 v23, v25  }
0x2e9: {  	v22 =	vmax.f32 v22, v23  }
.LBB2_55:
0x2ea: {  	_ =	sdelay $0x2  }
0x2eb: {  	s22 =	sld [smem:$0x78E]  }
0x2ec: {  	v23 =	vld.idx.msk [tilespmem:v14+s7+$0x0 ss:$0x1], $0xffff  }
0x2ed: {  	v25 =	vld.idx.msk [tilespmem:v33+s7+$0x0 ss:$0x1], $0xffff  }
0x2ee: {  	p3 =	seq.s32 s22, $0x1  }
.Ltmp39:
0x2ef: {  	_ = 	snop;
	(pc) =	sbr.rel @p3 .LBB2_65-.Ltmp39, $4  }
0x2f0: {  	s0 =	sld [smem:$0x7F5]  }
0x2f1: {  	v23 =	vnsel vm1, $0xFF800000, v23  }
0x2f2: {  	v25 =	vmax.f32 v25, v23  }
0x2f3: {  	s19 =	sadd.s32 s0, s7;
	v23 =	vsel vm15, v25, v23  }
0x2f4: {  	s0 =	sld [smem:$0x7EB];
	_ =	sdelay $0x2  }
0x2f5: {  	p3 =	seq.s32 s0, $0x1  }
.Ltmp40:
0x2f6: {  	_ = 	snop;
	(pc) =	sbr.rel @p3 .LBB2_64-.Ltmp40, $1  }
0x2f7: {  	_ =	sdelay $0x3  }
0x2f8: {  	s0 =	sld [smem:$0x7D4]  }
0x2f9: {  	s5 =	sld [smem:$0x7F6];
	_ =	sdelay $0x1  }
0x2fa: {  	s10 =	rddreg [dreg:$0x16];
	s0 =	sadd.s32 s21, s0  }
0x2fb: {  	p4 =	sne.s32 s10, $0x1;
	s5 =	sadd.s32 s5, s7;
	v36 =	vld [tilespmem:s0+$0xFFFFFFE0]  }
.Ltmp41:
0x2fc: {  	v34 =	vld [tilespmem:s0+$0xFFFFFFF0];
	v25 =	vmov s5;
	(pc) =	sbr.rel @!p4 .LBB2_58-.Ltmp41, $4  }
0x2fd: {  	v37 =	vld [tilespmem:s0+$0x0]  }
0x2fe: {  	v35 =	vld [tilespmem:s0+$0x10]  }
0x2ff: {  	v39 =	vld [tilespmem:s0+$0x20]  }
0x300: {  	p3 =	por $0x0, $0x0;
	s22 =	sadd.s32 $0xFFFFFFFF, s10;
	s5 =	sand.u32 $0xFFFFFF80, s26;
	v26 =	vld [tilespmem:s0+$0x30]  }
0x301: {  	_ =	sdelay $0x1  }
0x302: {  	v27 =	vld [tilespmem:s0+$0x40];
	_ =	sdelay $0x1  }
0x303: {  	v38 =	vld.idx.msk [tilespmem:v25+s5+$0x0 ss:$0x1], $0xffff;
	s0 =	sadd.s32 $0x80, s0  }
0x304: {  	p4 =	sne.s32 s22, $0x1;
	v29 =	vld [tilespmem:s0+$0xFFFFFFE0]  }
.Ltmp42:
0x305: {  	v32 =	vld [tilespmem:s0+$0xFFFFFFF0];
	(pc) =	sbr.rel @!p4 .LBB2_60-.Ltmp42, $4  }
0x306: {  	v31 =	vld [tilespmem:s0+$0x0];
	v27 =	vmax.f32 v26, v27  }
0x307: {  	v30 =	vld [tilespmem:s0+$0x10]  }
0x308: {  	s10 =	sadd.s32 $0x80, s26;
	v34 =	vmax.f32 v34, v37;
	v28 =	vld [tilespmem:s0+$0x20];
	v35 =	vmax.f32 v35, v39;
	v36 =	vmax.f32 v38, v36  }
0x309: {  	s22 =	sadd.s32 $0xFFFFFFFF, s22;
	p3 =	por $0x1, $0x1;
	s5 =	sand.u32 $0xFFFFFF80, s10;
	v26 =	vld [tilespmem:s0+$0x30];
	v38 =	vmax.f32 v36, v34;
	v40 =	vmax.f32 v35, v27;
	v27 =	vmov v23  }
.LBB2_61:
0x30a: {  	p4 =	sne.s32 s22, $0x1;
	v34 =	vld.idx.msk [tilespmem:v25+s5+$0x0 ss:$0x1], $0xffff;
	v40 =	vmax.f32 v38, v40;
	v36 =	vmov v32  }
0x30b: {  	v37 =	vld [tilespmem:s0+$0x40];
	s0 =	sadd.s32 $0x80, s0;
	v27 =	vmax.f32 v27, v40;
	v35 =	vmov v31  }
0x30c: {  	v39 =	vld [tilespmem:s0+$0xFFFFFFE0];
	v38 =	vmov v30  }
.Ltmp43:
0x30d: {  	v32 =	vld [tilespmem:s0+$0xFFFFFFF0];
	(pc) =	sbr.rel @p4 .LBB2_61-.Ltmp43, $4  }
0x30e: {  	v31 =	vld [tilespmem:s0+$0x0]  }
0x30f: {  	v35 =	vmax.f32 v36, v35;
	v30 =	vld [tilespmem:s0+$0x10]  }
0x310: {  	s10 =	sadd.s32 $0x80, s10;
	v41 =	vmax.f32 v34, v29;
	v34 =	vmax.f32 v38, v28;
	v28 =	vld [tilespmem:s0+$0x20];
	v36 =	vmax.f32 v26, v37  }
0x311: {  	s22 =	sadd.s32 $0xFFFFFFFF, s22;
	s5 =	sand.u32 $0xFFFFFF80, s10;
	v38 =	vmax.f32 v41, v35;
	v26 =	vld [tilespmem:s0+$0x30];
	v40 =	vmax.f32 v34, v36;
	v29 =	vmov v39  }
0x312: {  	_ =	sdelay $0x2  }
0x313: {  	v34 =	vmovc v32;
	v36 =	vmovc v29;
	v37 =	vmov v31;
	v35 =	vmov v30;
	v39 =	vmov v28  }
.LBB2_63:
0x314: {  	_ =	sdelay $0x3  }
0x315: {  	v25 =	vld.idx.msk [tilespmem:v25+s5+$0x0 ss:$0x1], $0xffff  }
0x316: {  	v28 =	vld [tilespmem:s0+$0x40];
	_ =	sdelay $0x3  }
0x317: {  	v29 =	vmax.f32 @p3 v38, v40;
	v30 =	vmax.f32 v34, v37  }
0x318: {  	v31 =	vmax.f32 v35, v39;
	v25 =	vmax.f32 v25, v36;
	v26 =	vmax.f32 v26, v28  }
0x319: {  	v27 =	vmax.f32 @p3 v27, v29;
	v25 =	vmax.f32 v25, v30;
	v26 =	vmax.f32 v31, v26  }
0x31a: {  	v23 =	vpsel p3, v27, v23;
	v25 =	vmax.f32 v25, v26  }
0x31b: {  	v23 =	vmax.f32 v23, v25  }
.LBB2_64:
0x31c: {  	v25 =	vld [tilespmem:$0x1FEE0]  }
0x31d: {  	v26 =	vld [tilespmem:s19+$0xFFFFFF90]  }
0x31e: {  	v27 =	vld [tilespmem:s19+$0xFFFFFFA0]  }
0x31f: {  	v28 =	vld [tilespmem:s19+$0xFFFFFFB0]  }
0x320: {  	v29 =	vld [tilespmem:s19+$0xFFFFFFC0]  }
0x321: {  	v30 =	vld [tilespmem:s19+$0xFFFFFFD0]  }
0x322: {  	s0 =	rddreg [dreg:$0x18];
	v31 =	vld [tilespmem:s19+$0xFFFFFFE0]  }
0x323: {  	v32 =	vld [tilespmem:s19+$0xFFFFFFF0];
	s0 =	sadd.s32 s0, s7  }
0x324: {  	v25 =	vld.idx.msk [tilespmem:v25+s0+$0x0 ss:$0x1], $0xffff;
	_ =	sdelay $0x3  }
.Ltmp44:
0x325: {  	v44 =	vmax.f32 v31, v32;
	(pc) =	sbr.rel .LBB2_66-.Ltmp44, $4  }
0x326: {  	v25 =	vmax.f32 v25, v26;
	v26 =	vmax.f32 v27, v28;
	v27 =	vmax.f32 v29, v30  }
0x327: {  	v25 =	vmax.f32 v25, v26;
	v26 =	vmax.f32 v27, v44  }
0x328: {  	v25 =	vmax.f32 v25, v26  }
0x329: {  	v23 =	vmax.f32 v23, v25  }
.LBB2_65:
0x32a: {  	v25 =	vld [tilespmem:$0x1FE70]  }
0x32b: {  	v26 =	vld [tilespmem:$0x1FE80]  }
0x32c: {  	v27 =	vld [tilespmem:$0x1FEA0]  }
0x32d: {  	v28 =	vld [tilespmem:$0x1FEC0]  }
0x32e: {  	v29 =	vld [tilespmem:$0x1FEB0]  }
0x32f: {  	v30 =	vld [tilespmem:$0x1FE90]  }
0x330: {  	v31 =	vld [tilespmem:$0x1FED0];
	_ =	sdelay $0x1  }
0x331: {  	v25 =	vld.idx.msk [tilespmem:v25+s7+$0x0 ss:$0x1], $0xffff  }
0x332: {  	v26 =	vld.idx.msk [tilespmem:v26+s7+$0x0 ss:$0x1], $0xffff  }
0x333: {  	v27 =	vld.idx.msk [tilespmem:v27+s7+$0x0 ss:$0x1], $0xffff  }
0x334: {  	s0 =	sld [smem:$0x7C3];
	v28 =	vld.idx.msk [tilespmem:v28+s7+$0x0 ss:$0x1], $0xffff  }
0x335: {  	s22 =	sld [smem:$0x7BE];
	v29 =	vld.idx.msk [tilespmem:v29+s7+$0x0 ss:$0x1], $0xffff  }
0x336: {  	s2 =	sld [smem:$0x7A5];
	v30 =	vld.idx.msk [tilespmem:v30+s7+$0x0 ss:$0x1], $0xffff  }
0x337: {  	s5 =	sld [smem:$0x7C0];
	v31 =	vld.idx.msk [tilespmem:v31+s7+$0x0 ss:$0x1], $0xffff  }
0x338: {  	s10 =	sld [smem:$0x7BD];
	p3 =	slt.u32 s0, s4  }
0x339: {  	p4 =	slt.u32 s22, s4;
	p5 =	slt.u32 s2, s4;
	s22 =	sld [smem:$0x7C4];
	v28 =	vpsel !p3, $0xFF800000, v28  }
0x33a: {  	s19 =	rddreg [dreg:$0x12];
	p3 =	slt.u32 s5, s4;
	v26 =	vpsel !p5, $0xFF800000, v26;
	v27 =	vpsel !p4, $0xFF800000, v27;
	v29 =	vmax.f32 v29, v28  }
0x33b: {  	p4 =	slt.u32 s10, s4;
	p5 =	sgt.u32 s4, s19;
	v25 =	vmax.f32 v25, v26;
	v30 =	vmax.f32 v30, v27;
	v28 =	vpsel p3, v29, v28  }
0x33c: {  	p3 =	slt.u32 s22, s4;
	v25 =	vpsel p5, v25, v26;
	v26 =	vpsel p4, v30, v27;
	v27 =	vmax.f32 v28, v31  }
0x33d: {  	v25 =	vmax.f32 v25, v26;
	v26 =	vpsel p3, v27, v28  }
0x33e: {  	v25 =	vmax.f32 v25, v26  }
0x33f: {  	v23 =	vmax.f32 v23, v25  }
.LBB2_66:
0x340: {  	_ =	sdelay $0x2  }
0x341: {  	s22 =	sld [smem:$0x78F]  }
0x342: {  	v25 =	vld.idx.msk [tilespmem:v16+s7+$0x0 ss:$0x1], $0xffff  }
0x343: {  	v26 =	vld.idx.msk [tilespmem:v42+s7+$0x0 ss:$0x1], $0xffff  }
0x344: {  	p3 =	seq.s32 s22, $0x1  }
.Ltmp45:
0x345: {  	_ = 	snop;
	(pc) =	sbr.rel @p3 .LBB2_76-.Ltmp45, $4  }
0x346: {  	s0 =	sld [smem:$0x7F8]  }
0x347: {  	v25 =	vnsel vm3, $0xFF800000, v25  }
0x348: {  	v26 =	vmax.f32 v26, v25  }
0x349: {  	s19 =	sadd.s32 s0, s7;
	v25 =	vsel vm2, v26, v25  }
0x34a: {  	s0 =	sld [smem:$0x7EC];
	_ =	sdelay $0x2  }
0x34b: {  	p3 =	seq.s32 s0, $0x1  }
.Ltmp46:
0x34c: {  	_ = 	snop;
	(pc) =	sbr.rel @p3 .LBB2_75-.Ltmp46, $1  }
0x34d: {  	_ =	sdelay $0x3  }
0x34e: {  	s0 =	sld [smem:$0x7E2]  }
0x34f: {  	s5 =	sld [smem:$0x7F7];
	_ =	sdelay $0x1  }
0x350: {  	s10 =	rddreg [dreg:$0x19];
	s0 =	sadd.s32 s21, s0  }
0x351: {  	p4 =	sne.s32 s10, $0x1;
	s5 =	sadd.s32 s5, s7;
	v37 =	vld [tilespmem:s0+$0xFFFFFFE0]  }
.Ltmp47:
0x352: {  	v35 =	vld [tilespmem:s0+$0xFFFFFFF0];
	v26 =	vmov s5;
	(pc) =	sbr.rel @!p4 .LBB2_69-.Ltmp47, $4  }
0x353: {  	v38 =	vld [tilespmem:s0+$0x0]  }
0x354: {  	v36 =	vld [tilespmem:s0+$0x10]  }
0x355: {  	v40 =	vld [tilespmem:s0+$0x20]  }
0x356: {  	p3 =	por $0x0, $0x0;
	s22 =	sadd.s32 $0xFFFFFFFF, s10;
	s5 =	sand.u32 $0xFFFFFF80, s25;
	v27 =	vld [tilespmem:s0+$0x30]  }
0x357: {  	_ =	sdelay $0x1  }
0x358: {  	v28 =	vld [tilespmem:s0+$0x40];
	_ =	sdelay $0x1  }
0x359: {  	v39 =	vld.idx.msk [tilespmem:v26+s5+$0x0 ss:$0x1], $0xffff;
	s0 =	sadd.s32 $0x80, s0  }
0x35a: {  	p4 =	sne.s32 s22, $0x1;
	v30 =	vld [tilespmem:s0+$0xFFFFFFE0]  }
.Ltmp48:
0x35b: {  	v34 =	vld [tilespmem:s0+$0xFFFFFFF0];
	(pc) =	sbr.rel @!p4 .LBB2_71-.Ltmp48, $4  }
0x35c: {  	v32 =	vld [tilespmem:s0+$0x0];
	v28 =	vmax.f32 v27, v28  }
0x35d: {  	v31 =	vld [tilespmem:s0+$0x10]  }
0x35e: {  	s10 =	sadd.s32 $0x80, s25;
	v35 =	vmax.f32 v35, v38;
	v29 =	vld [tilespmem:s0+$0x20];
	v36 =	vmax.f32 v36, v40;
	v37 =	vmax.f32 v39, v37  }
0x35f: {  	s22 =	sadd.s32 $0xFFFFFFFF, s22;
	p3 =	por $0x1, $0x1;
	s5 =	sand.u32 $0xFFFFFF80, s10;
	v27 =	vld [tilespmem:s0+$0x30];
	v39 =	vmax.f32 v37, v35;
	v41 =	vmax.f32 v36, v28;
	v28 =	vmov v25  }
.LBB2_72:
0x360: {  	p4 =	sne.s32 s22, $0x1;
	v35 =	vld.idx.msk [tilespmem:v26+s5+$0x0 ss:$0x1], $0xffff;
	v41 =	vmax.f32 v39, v41;
	v37 =	vmov v34  }
0x361: {  	v38 =	vld [tilespmem:s0+$0x40];
	s0 =	sadd.s32 $0x80, s0;
	v28 =	vmax.f32 v28, v41;
	v36 =	vmov v32  }
0x362: {  	v40 =	vld [tilespmem:s0+$0xFFFFFFE0];
	v39 =	vmov v31  }
.Ltmp49:
0x363: {  	v34 =	vld [tilespmem:s0+$0xFFFFFFF0];
	(pc) =	sbr.rel @p4 .LBB2_72-.Ltmp49, $4  }
0x364: {  	v32 =	vld [tilespmem:s0+$0x0]  }
0x365: {  	v36 =	vmax.f32 v37, v36;
	v31 =	vld [tilespmem:s0+$0x10]  }
0x366: {  	s10 =	sadd.s32 $0x80, s10;
	v43 =	vmax.f32 v35, v30;
	v35 =	vmax.f32 v39, v29;
	v29 =	vld [tilespmem:s0+$0x20];
	v37 =	vmax.f32 v27, v38  }
0x367: {  	s22 =	sadd.s32 $0xFFFFFFFF, s22;
	s5 =	sand.u32 $0xFFFFFF80, s10;
	v39 =	vmax.f32 v43, v36;
	v27 =	vld [tilespmem:s0+$0x30];
	v41 =	vmax.f32 v35, v37;
	v30 =	vmov v40  }
0x368: {  	_ =	sdelay $0x2  }
0x369: {  	v35 =	vmovc v34;
	v37 =	vmovc v30;
	v38 =	vmov v32;
	v36 =	vmov v31;
	v40 =	vmov v29  }
.LBB2_74:
0x36a: {  	_ =	sdelay $0x3  }
0x36b: {  	v26 =	vld.idx.msk [tilespmem:v26+s5+$0x0 ss:$0x1], $0xffff  }
0x36c: {  	v29 =	vld [tilespmem:s0+$0x40];
	_ =	sdelay $0x3  }
0x36d: {  	v30 =	vmax.f32 @p3 v39, v41;
	v31 =	vmax.f32 v35, v38  }
0x36e: {  	v32 =	vmax.f32 v36, v40;
	v26 =	vmax.f32 v26, v37;
	v27 =	vmax.f32 v27, v29  }
0x36f: {  	v28 =	vmax.f32 @p3 v28, v30;
	v26 =	vmax.f32 v26, v31;
	v27 =	vmax.f32 v32, v27  }
0x370: {  	v25 =	vpsel p3, v28, v25;
	v26 =	vmax.f32 v26, v27  }
0x371: {  	v25 =	vmax.f32 v25, v26  }
.LBB2_75:
0x372: {  	v27 =	vld [tilespmem:s19+$0xFFFFFF90]  }
0x373: {  	v28 =	vld [tilespmem:s19+$0xFFFFFFA0]  }
0x374: {  	v29 =	vld [tilespmem:s19+$0xFFFFFFB0]  }
0x375: {  	v30 =	vld [tilespmem:s19+$0xFFFFFFC0]  }
0x376: {  	v31 =	vld [tilespmem:s19+$0xFFFFFFD0]  }
0x377: {  	s0 =	rddreg [dreg:$0x1a];
	v32 =	vld [tilespmem:s19+$0xFFFFFFE0]  }
0x378: {  	v34 =	vld [tilespmem:s19+$0xFFFFFFF0];
	s0 =	sadd.s32 s0, s7  }
0x379: {  	v26 =	vld.idx.msk [tilespmem:v50+s0+$0x0 ss:$0x1], $0xffff;
	_ =	sdelay $0x3  }
.Ltmp50:
0x37a: {  	v43 =	vmax.f32 v30, v31;
	(pc) =	sbr.rel .LBB2_77-.Ltmp50, $4  }
0x37b: {  	v44 =	vmax.f32 v32, v34;
	v26 =	vmax.f32 v26, v27;
	v27 =	vmax.f32 v28, v29  }
0x37c: {  	v26 =	vmax.f32 v26, v27;
	v27 =	vmax.f32 v43, v44  }
0x37d: {  	v26 =	vmax.f32 v26, v27  }
0x37e: {  	v25 =	vmax.f32 v25, v26  }
.LBB2_76:
0x37f: {  	v27 =	vld [tilespmem:$0x1FF00]  }
0x380: {  	v26 =	vld [tilespmem:$0x1FEF0];
	_ =	sdelay $0x2  }
0x381: {  	v28 =	vld.idx.msk [tilespmem:v46+s7+$0x0 ss:$0x1], $0xffff  }
0x382: {  	v29 =	vld.idx.msk [tilespmem:v48+s7+$0x0 ss:$0x1], $0xffff  }
0x383: {  	v30 =	vld.idx.msk [tilespmem:v47+s7+$0x0 ss:$0x1], $0xffff  }
0x384: {  	v31 =	vld.idx.msk [tilespmem:v45+s7+$0x0 ss:$0x1], $0xffff;
	s0 =	sld [smem:$0x7CA]  }
0x385: {  	s22 =	sld [smem:$0x7A6];
	v27 =	vld.idx.msk [tilespmem:v27+s7+$0x0 ss:$0x1], $0xffff  }
0x386: {  	s2 =	sld [smem:$0x7A3];
	v26 =	vld.idx.msk [tilespmem:v26+s7+$0x0 ss:$0x1], $0xffff  }
0x387: {  	v32 =	vld.idx.msk [tilespmem:v49+s7+$0x0 ss:$0x1], $0xffff;
	s5 =	sld [smem:$0x7C7]  }
0x388: {  	s10 =	sld [smem:$0x7A4];
	p3 =	slt.u32 s0, s8  }
0x389: {  	p4 =	slt.u32 s22, s8;
	p5 =	slt.u32 s2, s8;
	s22 =	sld [smem:$0x7CB];
	v29 =	vpsel !p3, $0xFF800000, v29  }
0x38a: {  	s19 =	rddreg [dreg:$0x17];
	p3 =	slt.u32 s5, s8;
	v28 =	vpsel !p4, $0xFF800000, v28;
	v30 =	vmax.f32 v30, v29;
	v27 =	vpsel !p5, $0xFF800000, v27  }
0x38b: {  	p4 =	slt.u32 s10, s8;
	v31 =	vmax.f32 v31, v28;
	v29 =	vpsel p3, v30, v29;
	p5 =	sgt.u32 s8, s19;
	v26 =	vmax.f32 v26, v27  }
0x38c: {  	p3 =	slt.u32 s22, s8;
	v44 =	vmax.f32 v29, v32;
	v26 =	vpsel p5, v26, v27;
	v27 =	vpsel p4, v31, v28  }
0x38d: {  	v26 =	vmax.f32 v26, v27;
	v27 =	vpsel p3, v44, v29  }
0x38e: {  	v26 =	vmax.f32 v26, v27  }
0x38f: {  	v25 =	vmax.f32 v25, v26  }
.LBB2_77:
0x390: {  	_ =	sdelay $0x3  }
0x391: {  	v26 =	vld.idx.msk [tilespmem:v17+s7+$0x0 ss:$0x1], $0xffff  }
0x392: {  	v27 =	vld.idx.msk [tilespmem:v51+s7+$0x0 ss:$0x1], $0xffff;
	_ =	sdelay $0x1  }
.Ltmp51:
0x393: {  	_ = 	snop;
	(pc) =	sbr.rel @p0 .LBB2_87-.Ltmp51, $4  }
0x394: {  	_ = 	snop  }
0x395: {  	v26 =	vnsel vm5, $0xFF800000, v26  }
0x396: {  	v27 =	vmax.f32 v27, v26  }
0x397: {  	s19 =	sadd.s32 s9, s7;
	v26 =	vsel vm4, v27, v26  }
0x398: {  	s0 =	sld [smem:$0x7ED];
	_ =	sdelay $0x2  }
0x399: {  	p3 =	seq.s32 s0, $0x1  }
.Ltmp52:
0x39a: {  	_ = 	snop;
	(pc) =	sbr.rel @p3 .LBB2_86-.Ltmp52, $1  }
0x39b: {  	_ =	sdelay $0x3  }
0x39c: {  	s0 =	sld [smem:$0x7E3]  }
0x39d: {  	s2 =	sld [smem:$0x7FB];
	_ =	sdelay $0x1  }
0x39e: {  	s10 =	rddreg [dreg:$0x1d];
	s0 =	sadd.s32 s21, s0  }
0x39f: {  	p4 =	sne.s32 s10, $0x1;
	s5 =	sadd.s32 s2, s7;
	v38 =	vld [tilespmem:s0+$0xFFFFFFE0]  }
.Ltmp53:
0x3a0: {  	v36 =	vld [tilespmem:s0+$0xFFFFFFF0];
	v27 =	vmov s5;
	(pc) =	sbr.rel @!p4 .LBB2_80-.Ltmp53, $4  }
0x3a1: {  	v39 =	vld [tilespmem:s0+$0x0]  }
0x3a2: {  	v37 =	vld [tilespmem:s0+$0x10]  }
0x3a3: {  	v41 =	vld [tilespmem:s0+$0x20]  }
0x3a4: {  	p3 =	por $0x0, $0x0;
	s22 =	sadd.s32 $0xFFFFFFFF, s10;
	s5 =	sand.u32 $0xFFFFFF80, s31;
	v28 =	vld [tilespmem:s0+$0x30]  }
0x3a5: {  	_ =	sdelay $0x1  }
0x3a6: {  	v29 =	vld [tilespmem:s0+$0x40];
	_ =	sdelay $0x1  }
0x3a7: {  	v40 =	vld.idx.msk [tilespmem:v27+s5+$0x0 ss:$0x1], $0xffff;
	s0 =	sadd.s32 $0x80, s0  }
0x3a8: {  	p4 =	sne.s32 s22, $0x1;
	v31 =	vld [tilespmem:s0+$0xFFFFFFE0]  }
.Ltmp54:
0x3a9: {  	v35 =	vld [tilespmem:s0+$0xFFFFFFF0];
	(pc) =	sbr.rel @!p4 .LBB2_82-.Ltmp54, $4  }
0x3aa: {  	v34 =	vld [tilespmem:s0+$0x0];
	v29 =	vmax.f32 v28, v29  }
0x3ab: {  	v32 =	vld [tilespmem:s0+$0x10]  }
0x3ac: {  	s10 =	sadd.s32 $0x80, s31;
	v36 =	vmax.f32 v36, v39;
	v30 =	vld [tilespmem:s0+$0x20];
	v37 =	vmax.f32 v37, v41;
	v38 =	vmax.f32 v40, v38  }
0x3ad: {  	s22 =	sadd.s32 $0xFFFFFFFF, s22;
	p3 =	por $0x1, $0x1;
	s5 =	sand.u32 $0xFFFFFF80, s10;
	v28 =	vld [tilespmem:s0+$0x30];
	v40 =	vmax.f32 v38, v36;
	v43 =	vmax.f32 v37, v29;
	v29 =	vmov v26  }
.LBB2_83:
0x3ae: {  	p4 =	sne.s32 s22, $0x1;
	v36 =	vld.idx.msk [tilespmem:v27+s5+$0x0 ss:$0x1], $0xffff;
	v43 =	vmax.f32 v40, v43;
	v38 =	vmov v35  }
0x3af: {  	v39 =	vld [tilespmem:s0+$0x40];
	s0 =	sadd.s32 $0x80, s0;
	v29 =	vmax.f32 v29, v43;
	v37 =	vmov v34  }
0x3b0: {  	v41 =	vld [tilespmem:s0+$0xFFFFFFE0];
	v40 =	vmov v32  }
.Ltmp55:
0x3b1: {  	v35 =	vld [tilespmem:s0+$0xFFFFFFF0];
	(pc) =	sbr.rel @p4 .LBB2_83-.Ltmp55, $4  }
0x3b2: {  	v34 =	vld [tilespmem:s0+$0x0]  }
0x3b3: {  	v37 =	vmax.f32 v38, v37;
	v32 =	vld [tilespmem:s0+$0x10]  }
0x3b4: {  	s10 =	sadd.s32 $0x80, s10;
	v44 =	vmax.f32 v36, v31;
	v36 =	vmax.f32 v40, v30;
	v30 =	vld [tilespmem:s0+$0x20];
	v38 =	vmax.f32 v28, v39  }
0x3b5: {  	s22 =	sadd.s32 $0xFFFFFFFF, s22;
	s5 =	sand.u32 $0xFFFFFF80, s10;
	v40 =	vmax.f32 v44, v37;
	v28 =	vld [tilespmem:s0+$0x30];
	v43 =	vmax.f32 v36, v38;
	v31 =	vmov v41  }
0x3b6: {  	_ =	sdelay $0x2  }
0x3b7: {  	v36 =	vmovc v35;
	v38 =	vmovc v31;
	v39 =	vmov v34;
	v37 =	vmov v32;
	v41 =	vmov v30  }
.LBB2_85:
0x3b8: {  	_ =	sdelay $0x3  }
0x3b9: {  	v27 =	vld.idx.msk [tilespmem:v27+s5+$0x0 ss:$0x1], $0xffff  }
0x3ba: {  	v30 =	vld [tilespmem:s0+$0x40];
	_ =	sdelay $0x3  }
0x3bb: {  	v31 =	vmax.f32 @p3 v40, v43;
	v32 =	vmax.f32 v36, v39  }
0x3bc: {  	v34 =	vmax.f32 v37, v41;
	v27 =	vmax.f32 v27, v38;
	v28 =	vmax.f32 v28, v30  }
0x3bd: {  	v29 =	vmax.f32 @p3 v29, v31;
	v27 =	vmax.f32 v27, v32;
	v28 =	vmax.f32 v34, v28  }
0x3be: {  	v26 =	vpsel p3, v29, v26;
	v27 =	vmax.f32 v27, v28  }
0x3bf: {  	v26 =	vmax.f32 v26, v27  }
.LBB2_86:
0x3c0: {  	v28 =	vld [tilespmem:s19+$0xFFFFFF90]  }
0x3c1: {  	v29 =	vld [tilespmem:s19+$0xFFFFFFA0]  }
0x3c2: {  	v30 =	vld [tilespmem:s19+$0xFFFFFFB0]  }
0x3c3: {  	v31 =	vld [tilespmem:s19+$0xFFFFFFC0]  }
0x3c4: {  	v32 =	vld [tilespmem:s19+$0xFFFFFFD0]  }
0x3c5: {  	s0 =	rddreg [dreg:$0x1e];
	v34 =	vld [tilespmem:s19+$0xFFFFFFE0]  }
0x3c6: {  	v35 =	vld [tilespmem:s19+$0xFFFFFFF0];
	s0 =	sadd.s32 s0, s7  }
0x3c7: {  	v27 =	vld.idx.msk [tilespmem:v59+s0+$0x0 ss:$0x1], $0xffff;
	_ =	sdelay $0x3  }
.Ltmp56:
0x3c8: {  	v40 =	vmax.f32 v29, v30;
	(pc) =	sbr.rel .LBB2_88-.Ltmp56, $4  }
0x3c9: {  	v41 =	vmax.f32 v31, v32;
	v43 =	vmax.f32 v34, v35;
	v27 =	vmax.f32 v27, v28  }
0x3ca: {  	v44 =	vmax.f32 v41, v43;
	v27 =	vmax.f32 v27, v40  }
0x3cb: {  	v27 =	vmax.f32 v27, v44  }
0x3cc: {  	v26 =	vmax.f32 v26, v27  }
.LBB2_87:
0x3cd: {  	_ =	sdelay $0x3  }
0x3ce: {  	v27 =	vld.idx.msk [tilespmem:v52+s7+$0x0 ss:$0x1], $0xffff  }
0x3cf: {  	v28 =	vld.idx.msk [tilespmem:v53+s7+$0x0 ss:$0x1], $0xffff  }
0x3d0: {  	v29 =	vld.idx.msk [tilespmem:v55+s7+$0x0 ss:$0x1], $0xffff;
	s0 =	sld [smem:$0x794]  }
0x3d1: {  	v30 =	vld.idx.msk [tilespmem:v57+s7+$0x0 ss:$0x1], $0xffff;
	s19 =	sld [smem:$0x790]  }
0x3d2: {  	v31 =	vld.idx.msk [tilespmem:v56+s7+$0x0 ss:$0x1], $0xffff;
	s22 =	sld [smem:$0x792]  }
0x3d3: {  	v32 =	vld.idx.msk [tilespmem:v54+s7+$0x0 ss:$0x1], $0xffff;
	s2 =	rddreg [dreg:$0x1b]  }
0x3d4: {  	v34 =	vld.idx.msk [tilespmem:v58+s7+$0x0 ss:$0x1], $0xffff;
	s10 =	sld [smem:$0x793]  }
0x3d5: {  	p3 =	seq.s32 s0, $0x1;
	p5 =	seq.s32 s19, $0x1;
	s19 =	sld [smem:$0x791]  }
0x3d6: {  	p4 =	seq.s32 s22, $0x1;
	s22 =	sld [smem:$0x795];
	v30 =	vpsel !p3, $0xFF800000, v30  }
0x3d7: {  	s5 =	rddreg [dreg:$0x1c];
	v28 =	vpsel !p5, $0xFF800000, v28;
	v29 =	vpsel !p4, $0xFF800000, v29;
	p4 =	seq.s32 s10, $0x1;
	v31 =	vmax.f32 v31, v30  }
0x3d8: {  	p5 =	sgt.u32 s2, s5;
	v27 =	vmax.f32 v27, v28;
	v32 =	vmax.f32 v32, v29;
	v30 =	vpsel p4, v31, v30;
	p4 =	seq.s32 s19, $0x1  }
0x3d9: {  	v27 =	vpsel p5, v27, v28;
	p5 =	seq.s32 s22, $0x1;
	v41 =	vpsel p4, v32, v29;
	v43 =	vmax.f32 v30, v34  }
0x3da: {  	v27 =	vmax.f32 v27, v41;
	v44 =	vpsel p5, v43, v30  }
0x3db: {  	v27 =	vmax.f32 v27, v44  }
0x3dc: {  	v26 =	vmax.f32 v26, v27  }
.LBB2_88:
0x3dd: {  	_ =	sdelay $0x3  }
0x3de: {  	v27 =	vld.idx.msk [tilespmem:v18+s7+$0x0 ss:$0x1], $0xffff  }
0x3df: {  	v28 =	vld.idx.msk [tilespmem:v60+s7+$0x0 ss:$0x1], $0xffff;
	_ =	sdelay $0x1  }
.Ltmp57:
0x3e0: {  	_ = 	snop;
	(pc) =	sbr.rel @p6 .LBB2_98-.Ltmp57, $4  }
0x3e1: {  	_ = 	snop  }
0x3e2: {  	v27 =	vnsel vm7, $0xFF800000, v27  }
0x3e3: {  	v28 =	vmax.f32 v28, v27  }
0x3e4: {  	s19 =	sadd.s32 s18, s7;
	v30 =	vsel vm6, v28, v27  }
0x3e5: {  	s0 =	sld [smem:$0x7EE];
	_ =	sdelay $0x2  }
0x3e6: {  	p3 =	seq.s32 s0, $0x1  }
.Ltmp58:
0x3e7: {  	_ = 	snop;
	(pc) =	sbr.rel @p3 .LBB2_97-.Ltmp58, $1  }
0x3e8: {  	_ =	sdelay $0x3  }
0x3e9: {  	s0 =	sld [smem:$0x7E5]  }
0x3ea: {  	s2 =	sld [smem:$0x7FC];
	_ =	sdelay $0x1  }
0x3eb: {  	s10 =	rddreg [dreg:$0x1f];
	s0 =	sadd.s32 s21, s0  }
0x3ec: {  	p4 =	sne.s32 s10, $0x1;
	s5 =	sadd.s32 s2, s7;
	v39 =	vld [tilespmem:s0+$0xFFFFFFE0]  }
.Ltmp59:
0x3ed: {  	v37 =	vld [tilespmem:s0+$0xFFFFFFF0];
	v28 =	vmov s5;
	(pc) =	sbr.rel @!p4 .LBB2_91-.Ltmp59, $4  }
0x3ee: {  	s22 =	sld [smem:$0x7E4];
	v40 =	vld [tilespmem:s0+$0x0]  }
0x3ef: {  	v38 =	vld [tilespmem:s0+$0x10]  }
0x3f0: {  	v43 =	vld [tilespmem:s0+$0x20]  }
0x3f1: {  	p3 =	por $0x0, $0x0;
	s21 =	sadd.s32 $0xFFFFFFFF, s10;
	s5 =	sand.u32 $0xFFFFFF80, s22;
	v29 =	vld [tilespmem:s0+$0x30]  }
0x3f2: {  	_ =	sdelay $0x1  }
0x3f3: {  	v27 =	vld [tilespmem:s0+$0x40];
	_ =	sdelay $0x1  }
0x3f4: {  	v41 =	vld.idx.msk [tilespmem:v28+s5+$0x0 ss:$0x1], $0xffff;
	s0 =	sadd.s32 $0x80, s0  }
0x3f5: {  	p4 =	sne.s32 s21, $0x1;
	v32 =	vld [tilespmem:s0+$0xFFFFFFE0]  }
.Ltmp60:
0x3f6: {  	v36 =	vld [tilespmem:s0+$0xFFFFFFF0];
	(pc) =	sbr.rel @!p4 .LBB2_93-.Ltmp60, $4  }
0x3f7: {  	v35 =	vld [tilespmem:s0+$0x0];
	v27 =	vmax.f32 v29, v27  }
0x3f8: {  	v34 =	vld [tilespmem:s0+$0x10]  }
0x3f9: {  	s10 =	sadd.s32 $0x80, s22;
	v37 =	vmax.f32 v37, v40;
	v31 =	vld [tilespmem:s0+$0x20];
	v38 =	vmax.f32 v38, v43;
	v39 =	vmax.f32 v41, v39  }
0x3fa: {  	s21 =	sadd.s32 $0xFFFFFFFF, s21;
	p3 =	por $0x1, $0x1;
	s5 =	sand.u32 $0xFFFFFF80, s10;
	v29 =	vld [tilespmem:s0+$0x30];
	v41 =	vmax.f32 v39, v37;
	v44 =	vmax.f32 v38, v27;
	v27 =	vmov v30  }
.LBB2_94:
0x3fb: {  	v37 =	vld.idx.msk [tilespmem:v28+s5+$0x0 ss:$0x1], $0xffff  }
0x3fc: {  	p4 =	sne.s32 s21, $0x1;
	v44 =	vmax.f32 v41, v44;
	v39 =	vmov v36  }
0x3fd: {  	v40 =	vld [tilespmem:s0+$0x40];
	s0 =	sadd.s32 $0x80, s0;
	v27 =	vmax.f32 v27, v44;
	v38 =	vmov v35  }
0x3fe: {  	v43 =	vld [tilespmem:s0+$0xFFFFFFE0];
	v41 =	vmov v34  }
.Ltmp61:
0x3ff: {  	v36 =	vld [tilespmem:s0+$0xFFFFFFF0];
	(pc) =	sbr.rel @p4 .LBB2_94-.Ltmp61, $4  }
0x400: {  	v35 =	vld [tilespmem:s0+$0x0];
	v32 =	vmax.f32 v37, v32  }
0x401: {  	v38 =	vmax.f32 v39, v38;
	v34 =	vld [tilespmem:s0+$0x10]  }
0x402: {  	s10 =	sadd.s32 $0x80, s10;
	v37 =	vmax.f32 v41, v31;
	v31 =	vld [tilespmem:s0+$0x20];
	v39 =	vmax.f32 v29, v40  }
0x403: {  	s21 =	sadd.s32 $0xFFFFFFFF, s21;
	s5 =	sand.u32 $0xFFFFFF80, s10;
	v41 =	vmax.f32 v32, v38;
	v29 =	vld [tilespmem:s0+$0x30];
	v44 =	vmax.f32 v37, v39;
	v32 =	vmov v43  }
0x404: {  	_ =	sdelay $0x2  }
0x405: {  	v37 =	vmovc v36;
	v39 =	vmovc v32;
	v40 =	vmov v35;
	v38 =	vmov v34;
	v43 =	vmov v31  }
.LBB2_96:
0x406: {  	_ =	sdelay $0x3  }
0x407: {  	v28 =	vld.idx.msk [tilespmem:v28+s5+$0x0 ss:$0x1], $0xffff  }
0x408: {  	v31 =	vld [tilespmem:s0+$0x40];
	_ =	sdelay $0x3  }
0x409: {  	v32 =	vmax.f32 @p3 v41, v44;
	v34 =	vmax.f32 v37, v40  }
0x40a: {  	v35 =	vmax.f32 v38, v43;
	v28 =	vmax.f32 v28, v39;
	v29 =	vmax.f32 v29, v31  }
0x40b: {  	v27 =	vmax.f32 @p3 v27, v32;
	v28 =	vmax.f32 v28, v34;
	v29 =	vmax.f32 v35, v29  }
0x40c: {  	v27 =	vpsel p3, v27, v30;
	v28 =	vmax.f32 v28, v29  }
0x40d: {  	v30 =	vmax.f32 v27, v28  }
.LBB2_97:
0x40e: {  	v28 =	vld [tilespmem:s19+$0xFFFFFF90]  }
0x40f: {  	v29 =	vld [tilespmem:s19+$0xFFFFFFA0]  }
0x410: {  	v31 =	vld [tilespmem:s19+$0xFFFFFFB0]  }
0x411: {  	s0 =	sld [smem:$0x79D];
	v32 =	vld [tilespmem:s19+$0xFFFFFFC0]  }
0x412: {  	v34 =	vld [tilespmem:s19+$0xFFFFFFD0]  }
0x413: {  	v35 =	vld [tilespmem:s19+$0xFFFFFFE0]  }
0x414: {  	v36 =	vld [tilespmem:s19+$0xFFFFFFF0];
	s0 =	sadd.s32 s0, s7  }
0x415: {  	v27 =	vld.idx.msk [tilespmem:v9+s0+$0x0 ss:$0x1], $0xffff;
	_ =	sdelay $0x3  }
.Ltmp62:
0x416: {  	v44 =	vmax.f32 v35, v36;
	(pc) =	sbr.rel .LBB2_99-.Ltmp62, $4  }
0x417: {  	v27 =	vmax.f32 v27, v28;
	v28 =	vmax.f32 v29, v31;
	v29 =	vmax.f32 v32, v34  }
0x418: {  	v27 =	vmax.f32 v27, v28;
	v28 =	vmax.f32 v29, v44  }
0x419: {  	v27 =	vmax.f32 v27, v28  }
0x41a: {  	v27 =	vmax.f32 v30, v27  }
.LBB2_25:
.Ltmp63:
0x41b: {  	(pc) =	sbr.rel .LBB2_30-.Ltmp63, $2  }
0x41c: {  	_ =	sdelay $0x2  }
0x41d: {  	v23 =	vmov v20;
	s23 =	smov.u32 s28  }
.LBB2_36:
.Ltmp64:
0x41e: {  	(pc) =	sbr.rel .LBB2_41-.Ltmp64, $2  }
0x41f: {  	_ =	sdelay $0x2  }
0x420: {  	v25 =	vmov v21  }
.LBB2_47:
.Ltmp65:
0x421: {  	(pc) =	sbr.rel .LBB2_52-.Ltmp65, $2  }
0x422: {  	_ =	sdelay $0x2  }
0x423: {  	v26 =	vmov v22  }
.LBB2_58:
.Ltmp66:
0x424: {  	(pc) =	sbr.rel .LBB2_63-.Ltmp66, $2  }
0x425: {  	_ =	sdelay $0x2  }
0x426: {  	v27 =	vmov v23  }
.LBB2_69:
.Ltmp67:
0x427: {  	(pc) =	sbr.rel .LBB2_74-.Ltmp67, $2  }
0x428: {  	_ =	sdelay $0x2  }
0x429: {  	v28 =	vmov v25  }
.LBB2_80:
.Ltmp68:
0x42a: {  	(pc) =	sbr.rel .LBB2_85-.Ltmp68, $2  }
0x42b: {  	_ =	sdelay $0x2  }
0x42c: {  	v29 =	vmov v26  }
.LBB2_91:
.Ltmp69:
0x42d: {  	(pc) =	sbr.rel .LBB2_96-.Ltmp69, $2  }
0x42e: {  	_ =	sdelay $0x2  }
0x42f: {  	v27 =	vmov v30  }
.LBB2_27:
.Ltmp70:
0x430: {  	(pc) =	sbr.rel .LBB2_30-.Ltmp70, $3  }
0x431: {  	_ =	sdelay $0x1  }
0x432: {  	v30 =	vmov v29  }
0x433: {  	v23 =	vmovc v20;
	v32 =	vmovc v26;
	s23 =	smov.u32 s28;
	v34 =	vmov v28;
	v31 =	vmov v27;
	v36 =	vmov v25  }
.LBB2_38:
.Ltmp71:
0x434: {  	(pc) =	sbr.rel .LBB2_41-.Ltmp71, $3  }
0x435: {  	_ =	sdelay $0x1  }
0x436: {  	v31 =	vmov v30  }
0x437: {  	v25 =	vmovc v21;
	v34 =	vmovc v27;
	v35 =	vmov v29;
	v32 =	vmov v28;
	v37 =	vmov v26  }
.LBB2_49:
.Ltmp72:
0x438: {  	(pc) =	sbr.rel .LBB2_52-.Ltmp72, $3  }
0x439: {  	_ =	sdelay $0x1  }
0x43a: {  	v32 =	vmov v31  }
0x43b: {  	v26 =	vmovc v22;
	v35 =	vmovc v28;
	v36 =	vmov v30;
	v34 =	vmov v29;
	v38 =	vmov v27  }
.LBB2_60:
.Ltmp73:
0x43c: {  	(pc) =	sbr.rel .LBB2_63-.Ltmp73, $3  }
0x43d: {  	_ =	sdelay $0x1  }
0x43e: {  	v34 =	vmov v32  }
0x43f: {  	v27 =	vmovc v23;
	v36 =	vmovc v29;
	v37 =	vmov v31;
	v35 =	vmov v30;
	v39 =	vmov v28  }
.LBB2_71:
.Ltmp74:
0x440: {  	(pc) =	sbr.rel .LBB2_74-.Ltmp74, $3  }
0x441: {  	_ =	sdelay $0x1  }
0x442: {  	v35 =	vmov v34  }
0x443: {  	v28 =	vmovc v25;
	v37 =	vmovc v30;
	v38 =	vmov v32;
	v36 =	vmov v31;
	v40 =	vmov v29  }
.LBB2_82:
.Ltmp75:
0x444: {  	(pc) =	sbr.rel .LBB2_85-.Ltmp75, $3  }
0x445: {  	_ =	sdelay $0x1  }
0x446: {  	v36 =	vmov v35  }
0x447: {  	v29 =	vmovc v26;
	v38 =	vmovc v31;
	v39 =	vmov v34;
	v37 =	vmov v32;
	v41 =	vmov v30  }
.LBB2_93:
.Ltmp76:
0x448: {  	(pc) =	sbr.rel .LBB2_96-.Ltmp76, $3  }
0x449: {  	_ =	sdelay $0x1  }
0x44a: {  	v37 =	vmov v36  }
0x44b: {  	v27 =	vmovc v30;
	v39 =	vmovc v32;
	v40 =	vmov v35;
	v38 =	vmov v34;
	v43 =	vmov v31  }
.LBB2_101:
0x44c: {  	_ =	sfence.sel $0x180000  }
0x44d: {  	[bflag:$0x0] =	sbarrier.arrive $0xFFFF  }
0x44e: {  	_ =	strace $0x90000047  }
0x44f: {  	s0 =	stileid.u32;
	[bflag:$0x2] =	sbarrier.arrive $0xFFFF  }
0x450: {  	p0 =	sne.s32 s0, $0x0;
	s0 =	rddreg [dreg:$0x3]  }
0x451: {  	s0 =	sadd.s32 @!p0 $0x100000, s0  }
0x452: {  	[sflag:s0] =	ssyncadd.tile.s32 @!p0 $0x1;
	_ =	shalt  }
.Lfunc_end2:
_tile_overlayer_lowered:
.L_overlay_start_2:
0x453: {  	(tag) =	ssettag $0x2  }
0x454: {  	s0 =	rddreg [dreg:$0x0];
	s2 =	stileid.u32  }
0x455: {  	s1 =	rddreg [dreg:$0x1];
	p0 =	sne.s32 s2, $0x0  }
0x456: {  	s3 =	rddreg [dreg:$0x2];
	[bflag:$0x3] =	sbarrier.arrive $0xFFFF;
	s2 =	simm.s32 @!p0 $0x1C03  }
0x457: {  	[timem:s3], [sflag:s2] =	dma.local @!p0 [hbm:s0], s1  }
0x458: {  	s0 =	simm.s32 @!p0 $0x3  }
0x459: {  	_ =	swait.ge @!p0 [sflag:s0], s1  }
0x45a: {  	s1 =	ssub.s32 @!p0 $0x0, s1;
	[sflag:s0] =	ssyncset.done @!p0 $0x0  }
0x45b: {  	[sflag:s0] =	ssyncadd.s32 @!p0 s1  }
0x45c: {  	[bflag:$0x3] =	sbarrier.arrive $0xFFFF  }
0x45d: {  	_ =	shalt  }

</sc_bundles>
